<compile_context>
chip_gen: v7x
topology: tpu7x:2x2x1
jax: 0.10.2.dev20260603
libtpu: 0.0.44.dev20260713+nightly
codegen_flags: <defaults>
</compile_context>

<pallas_src>
import functools

import jax
import jax.numpy as jnp
from jax import lax
from jax.experimental import pallas as pl
from jax.experimental.pallas import tpu as pltpu
from jax.experimental.pallas import tpu_sc as plsc

EPS = 1e-07
NE = 100000
NC = 100
D = 256
B = 16384
L = 16
NCORE = 2
NSUB = 16
HALF = NE // NCORE

_mesh = plsc.VectorSubcoreMesh(
    core_axis_name="c", subcore_axis_name="s", num_cores=NCORE)


def _lane_perm(x, perm):
  return lax.gather(
      x, perm[:, None],
      lax.GatherDimensionNumbers(
          offset_dims=(), collapsed_slice_dims=(0,), start_index_map=(0,)),
      (1,), mode=lax.GatherScatterMode.PROMISE_IN_BOUNDS)


def _lane_shift_up(x):
  perm = lax.min(lax.iota(jnp.int32, L) + 1, jnp.full((L,), L - 1, jnp.int32))
  return _lane_perm(x, perm)


@functools.partial(
    pl.kernel,
    out_type=jax.ShapeDtypeStruct((B,), jnp.float32),
    mesh=_mesh,
    scratch_types=[
        pltpu.VMEM((128,), jnp.int32),
        pltpu.VMEM((128,), jnp.float32),
    ],
)
def _ugather(idx_hbm, u_hbm, ub_hbm, idxc, uc):
  c = lax.axis_index("c")
  s = lax.axis_index("s")

  @pl.when(s > 0)
  def _():
    gw = (s - 1) * NCORE + c

    def chunk(t, carry):
      cid = gw * 5 + t

      @pl.when(cid < B // 128)
      def _():
        off = cid * 128
        pltpu.sync_copy(idx_hbm.at[pl.ds(off, 128)], idxc)
        pltpu.sync_copy(u_hbm.at[idxc], uc)
        pltpu.sync_copy(uc, ub_hbm.at[pl.ds(off, 128)])

      return carry

    lax.fori_loop(0, 5, chunk, 0)


_CR = 120
_NCH = -(-HALF // _CR)
_NCOPY = NSUB - 1
_CPW = -(-_NCH // _NCOPY)
_PB = B // NSUB
_KCH = _PB // 128 + 1


@functools.partial(
    pl.kernel,
    out_type=jax.ShapeDtypeStruct((NE, D), jnp.float32),
    mesh=_mesh,
    scratch_types=[
        pltpu.VMEM_SHARED((B,), jnp.int32),
        pltpu.VMEM_SHARED((NSUB, _KCH * 128), jnp.int32),
        pltpu.SemaphoreType.DMA((2,)),
        pltpu.SemaphoreType.DMA((2,)),
        pltpu.SemaphoreType.DMA((2,)),
        pltpu.SemaphoreType.DMA((2,)),
    ],
    compiler_params=pltpu.CompilerParams(needs_layout_passes=False),
)
def _scatter(prev_hbm, emb_hbm, idx_hbm, out_hbm, src_sh, ksp, rsem, wsem,
             gsem, ssem):
  c = lax.axis_index("c")
  s = lax.axis_index("s")
  lo = c * HALF
  iota = lax.iota(jnp.int32, L)

  @pl.when(s == 0)
  def _scan():
    def scan_fn(w_ref, idxb):
      pltpu.sync_copy(idx_hbm, idxb)

      def scan_step(k, carry):
        iv = idxb[pl.ds(k * L, L)]
        gi = k * L + iota
        comb = iv * B + gi
        cs = lax.sort(comb)
        ivs = lax.shift_right_arithmetic(cs, 14)
        gis = lax.bitwise_and(cs, jnp.full((L,), B - 1, jnp.int32))
        nxt = _lane_shift_up(ivs)
        own = (ivs >= lo) & (ivs < lo + HALF)
        m = ((ivs != nxt) | (iota == L - 1)) & own
        wi = jnp.clip(ivs - lo, 0, HALF - 1)
        plsc.store_scatter(w_ref, [wi], gis, mask=m)
        return carry

      lax.fori_loop(0, B // L, scan_step, 0)

      def src_step(k, carry):
        iv = idxb[pl.ds(k * L, L)]
        wi = jnp.clip(iv - lo, 0, HALF - 1)
        idxb[pl.ds(k * L, L)] = plsc.load_gather(w_ref, [wi])
        return carry

      lax.fori_loop(0, B // L, src_step, 0)
      pltpu.sync_copy(idxb, src_sh)

    pl.run_scoped(
        scan_fn,
        pltpu.VMEM((HALF,), jnp.int32),
        pltpu.VMEM((B,), jnp.int32),
    )

  @pl.when(s > 0)
  def _copy():
    def copy_fn(cb):
      def chunk_start(t):
        cid = (s - 1) + _NCOPY * t
        return pl.multiple_of(
            lo + lax.min(cid * _CR, HALF - _CR), 8)

      def start_read(t):
        b = lax.rem(t, 2)
        pltpu.make_async_copy(
            prev_hbm.at[pl.ds(chunk_start(t), _CR)], cb.at[b],
            rsem.at[b]).start()

      def wait_read(t):
        b = lax.rem(t, 2)
        pltpu.make_async_copy(
            prev_hbm.at[pl.ds(chunk_start(t), _CR)], cb.at[b],
            rsem.at[b]).wait()

      def start_write(t):
        b = lax.rem(t, 2)
        pltpu.make_async_copy(
            cb.at[b], out_hbm.at[pl.ds(chunk_start(t), _CR)],
            wsem.at[b]).start()

      def wait_write(t):
        b = lax.rem(t, 2)
        pltpu.make_async_copy(
            cb.at[b], out_hbm.at[pl.ds(chunk_start(t), _CR)],
            wsem.at[b]).wait()

      start_read(0)

      def copy_body(t, carry):
        @pl.when(t + 1 < _CPW)
        def _():
          start_read(t + 1)

        wait_read(t)
        start_write(t)
        wait_write(t)
        return carry

      lax.fori_loop(0, _CPW, copy_body, 0)

    pl.run_scoped(copy_fn, pltpu.VMEM((2, _CR, D), jnp.float32))

  plsc.subcore_barrier()

  def pb_fn(idx_sl, src_sl, kli, kls, k2i, rows):
    base = s * _PB
    pltpu.sync_copy(idx_hbm.at[pl.ds(base, _PB)], idx_sl)
    pltpu.sync_copy(src_sh.at[pl.ds(base, _PB)], src_sl)

    def compact(k, off):
      iv = idx_sl[pl.ds(k * L, L)]
      sv = src_sl[pl.ds(k * L, L)]
      m = (iv >= lo) & (iv < lo + HALF)
      plsc.store_compressed(kli.at[pl.ds(off, L)], iv, mask=m)
      plsc.store_compressed(kls.at[pl.ds(off, L)], sv, mask=m)
      return off + jnp.sum(m.astype(jnp.int32))

    n = lax.fori_loop(0, _PB // L, compact, 0)

    @pl.when(n > 0)
    def _():
      zperm = jnp.zeros((L,), jnp.int32)
      k0i = _lane_perm(kli[pl.ds(0, L)], zperm)
      k0s = _lane_perm(kls[pl.ds(0, L)], zperm)

      def pad(j, carry):
        pos = j * L + iota
        m = pos >= n
        cur_i = kli[pl.ds(j * L, L)]
        cur_s = kls[pl.ds(j * L, L)]
        kli[pl.ds(j * L, L)] = jnp.where(m, k0i, cur_i)
        kls[pl.ds(j * L, L)] = jnp.where(m, k0s, cur_s)
        return carry

      lax.fori_loop(0, _KCH * 8, pad, 0)

      pltpu.sync_copy(kli, ksp.at[s])
      for t in range(_KCH):
        pltpu.sync_copy(ksp.at[s, pl.ds(t * 128, 128)], k2i.at[t])

      for t in range(_KCH):
        @pl.when(t * 128 < n)
        def _(t=t):
          b = t % 2
          if t >= 2:
            pltpu.make_async_copy(
                rows.at[b], out_hbm.at[k2i.at[t - 2]], ssem.at[b]).wait()
          gat = pltpu.make_async_copy(
              emb_hbm.at[kls.at[pl.ds(t * 128, 128)]], rows.at[b], gsem.at[b])
          gat.start()
          gat.wait()
          pltpu.make_async_copy(
              rows.at[b], out_hbm.at[k2i.at[t]], ssem.at[b]).start()

      for t in range(_KCH):
        @pl.when((t * 128 < n) & ((t + 2) * 128 >= n))
        def _(t=t):
          b = t % 2
          pltpu.make_async_copy(
              rows.at[b], out_hbm.at[k2i.at[t]], ssem.at[b]).wait()

  pl.run_scoped(
      pb_fn,
      pltpu.VMEM((_PB,), jnp.int32),
      pltpu.VMEM((_PB,), jnp.int32),
      pltpu.VMEM((_KCH * 128,), jnp.int32),
      pltpu.VMEM((_KCH * 128,), jnp.int32),
      pltpu.VMEM((_KCH, 128), jnp.int32),
      pltpu.VMEM((2, 128, D), jnp.float32),
  )


_R = 512


def _loss_body(acc_ref, logits_ref, oh_ref, emb_ref, ub_ref, cent_ref,
               l1_ref, l2_ref, l3_ref):
  i = pl.program_id(0)

  zero = jnp.zeros((1, 1), jnp.float32)

  @pl.when(i == 0)
  def _():
    l1_ref[...] = zero
    l2_ref[...] = zero
    l3_ref[...] = zero

  acc = acc_ref[0, 0]
  logits = logits_ref[...]
  oh = oh_ref[...]
  emb = emb_ref[...]
  ub = ub_ref[...]

  bn = jnp.sqrt(jnp.sum(emb * emb, axis=1, keepdims=True))
  safe_bn = jnp.where(bn == 0.0, 1.0, bn)
  emb_n = emb / (safe_bn + EPS)
  cent = cent_ref[...]
  cn = jnp.sqrt(jnp.sum(cent * cent, axis=1, keepdims=True))
  safe_cn = jnp.where(cn == 0.0, 1.0, cn)
  cent_n = cent / (safe_cn + EPS)
  sims = lax.dot_general(emb_n, cent_n, (((1,), (1,)), ((), ())),
                         preferred_element_type=jnp.float32)
  smax = jnp.max(sims, axis=1, keepdims=True)
  sexp = jnp.exp(sims - smax)
  soft = sexp / jnp.sum(sexp, axis=1, keepdims=True)

  ml = logits + acc * ub * oh
  mmax = jnp.max(ml, axis=1, keepdims=True)
  msh = ml - mmax
  lse = jnp.log(jnp.sum(jnp.exp(msh), axis=1, keepdims=True))
  logp = msh - lse
  l1p = jnp.sum(-soft * logp)

  cio = lax.broadcasted_iota(jnp.int32, (_R, NC), 1)
  lmax = jnp.max(logits, axis=1, keepdims=True)
  is_max = logits == lmax
  fi = jnp.min(jnp.where(is_max, cio, NC), axis=1, keepdims=True)
  ph = (cio == fi).astype(jnp.float32)
  term = ph + ub * oh - oh
  l2p = jnp.sum(term * term)

  pexp = jnp.exp(logits - lmax)
  prob = pexp / jnp.sum(pexp, axis=1, keepdims=True)
  p_true = jnp.clip(jnp.sum(prob * oh, axis=1, keepdims=True), EPS, 1.0 - EPS)
  u3 = jnp.clip(ub, EPS, 1.0 - EPS)
  u_t = jnp.clip(jax.nn.sigmoid(-jnp.log(u3)), EPS, 1.0 - EPS)
  dkl = (p_true * (jnp.log(p_true) - jnp.log(u_t))
         + (1.0 - p_true) * (jnp.log1p(-p_true) - jnp.log1p(-u_t)))
  l3p = jnp.sum(dkl)

  l1_ref[...] += jnp.reshape(l1p, (1, 1))
  l2_ref[...] += jnp.reshape(l2p, (1, 1))
  l3_ref[...] += jnp.reshape(l3p, (1, 1))

  @pl.when(i == (B // _R) - 1)
  def _():
    l1_ref[...] = l1_ref[...] * (1.0 / B)
    l2_ref[...] = l2_ref[...] * (1.0 / (B * NC))
    l3_ref[...] = l3_ref[...] * ((1.0 - acc) / B)


_loss = pl.pallas_call(
    _loss_body,
    grid=(B // _R,),
    in_specs=[
        pl.BlockSpec(memory_space=pltpu.SMEM),
        pl.BlockSpec((_R, NC), lambda i: (i, 0)),
        pl.BlockSpec((_R, NC), lambda i: (i, 0)),
        pl.BlockSpec((_R, D), lambda i: (i, 0)),
        pl.BlockSpec((_R, 1), lambda i: (i, 0)),
        pl.BlockSpec((NC, D), lambda i: (0, 0)),
    ],
    out_specs=(
        pl.BlockSpec((1, 1), lambda i: (0, 0)),
        pl.BlockSpec((1, 1), lambda i: (0, 0)),
        pl.BlockSpec((1, 1), lambda i: (0, 0)),
    ),
    out_shape=(
        jax.ShapeDtypeStruct((1, 1), jnp.float32),
        jax.ShapeDtypeStruct((1, 1), jnp.float32),
        jax.ShapeDtypeStruct((1, 1), jnp.float32),
    ),
)


def kernel(batch_original_indices, gnn_logits_batch, true_labels_batch_one_hot,
           gnn_embeddings_batch, batch_iter_num, current_epoch,
           atrain_overall_accuracy, u, prev_gnn_embeddings, class_centroids):
  del batch_iter_num, current_epoch
  idx = batch_original_indices.astype(jnp.int32)
  u1 = jnp.reshape(u, (NE,))
  ub = _ugather(idx, u1)
  out = _scatter(prev_gnn_embeddings, gnn_embeddings_batch, idx)
  acc = jnp.reshape(atrain_overall_accuracy.astype(jnp.float32), (1, 1))
  l1, l2, l3 = _loss(acc, gnn_logits_batch, true_labels_batch_one_hot,
                     gnn_embeddings_batch, jnp.reshape(ub, (B, 1)),
                     class_centroids)
  return (jnp.reshape(l1, ()), jnp.reshape(l2, ()), jnp.reshape(l3, ()), out)

# --- scband reference (transcript-rebuilt; emitter-appended) ---
"""Pipeline reference for scband-gcod-loss-11416023073452 (READ-ONLY COPY).

The authoritative reference and input builder live on the scoring server;
editing this copy changes nothing except your own understanding.
"""

import jax, jax.numpy as jnp
import numpy as np

EPS = 1e-07
NUM_EXAMP = 100000
NUM_CLASSES = 100
EMB_DIM = 256
BATCH = 16384


def setup_inputs(seed: int = 0) -> dict:
    key = jax.random.key(seed)
    ks = jax.random.split(key, 8)
    batch_original_indices = jax.random.randint(ks[0], (BATCH,), 0, NUM_EXAMP)
    gnn_logits_batch = jax.random.normal(ks[1], (BATCH, NUM_CLASSES), dtype=jnp.float32)
    labels = jax.random.randint(ks[2], (BATCH,), 0, NUM_CLASSES)
    true_labels_batch_one_hot = jax.nn.one_hot(labels, NUM_CLASSES, dtype=jnp.float32)
    gnn_embeddings_batch = jax.random.normal(ks[3], (BATCH, EMB_DIM), dtype=jnp.float32)
    u = jnp.clip(jax.random.normal(ks[4], (NUM_EXAMP, 1), dtype=jnp.float32) * 0.001, EPS, 1.0 - EPS)
    prev_gnn_embeddings = jax.random.uniform(ks[5], (NUM_EXAMP, EMB_DIM), dtype=jnp.float32) * 0.01
    class_centroids = jax.random.uniform(ks[6], (NUM_CLASSES, EMB_DIM), dtype=jnp.float32) * 0.01
    return {
        "batch_original_indices": batch_original_indices,
        "gnn_logits_batch": gnn_logits_batch,
        "true_labels_batch_one_hot": true_labels_batch_one_hot,
        "gnn_embeddings_batch": gnn_embeddings_batch,
        "batch_iter_num": 1,
        "current_epoch": 1,
        "atrain_overall_accuracy": jnp.float32(0.75),
        "u": u,
        "prev_gnn_embeddings": prev_gnn_embeddings,
        "class_centroids": class_centroids,
    }


def reference(batch_original_indices, gnn_logits_batch, true_labels_batch_one_hot, gnn_embeddings_batch, batch_iter_num, current_epoch, atrain_overall_accuracy, u, prev_gnn_embeddings, class_centroids):
    num_classes = class_centroids.shape[0]
    idx = batch_original_indices
    # buffer update: prev_gnn_embeddings[idx] = embeddings.detach()
    emb_det = jax.lax.stop_gradient(gnn_embeddings_batch)
    prev_updated = prev_gnn_embeddings.at[idx].set(emb_det)
    # batch_iter_num != 0 -> centroid update is skipped (matches torch control flow)
    u_batch = u[idx]
    u_det = jax.lax.stop_gradient(u_batch)
    logit_modification = atrain_overall_accuracy * u_det * true_labels_batch_one_hot
    modified_logits = gnn_logits_batch + logit_modification
    # _get_soft_labels (all under no_grad)
    bn = jnp.linalg.norm(emb_det, ord=2, axis=1, keepdims=True)
    safe_bn = jnp.where(bn == 0, jnp.ones_like(bn), bn)
    emb_n = emb_det / (safe_bn + EPS)
    cn = jnp.linalg.norm(class_centroids, ord=2, axis=1, keepdims=True)
    safe_cn = jnp.where(cn == 0, jnp.ones_like(cn), cn)
    cent_n = class_centroids / (safe_cn + EPS)
    sims = emb_n @ cent_n.T
    soft_labels = jax.lax.stop_gradient(jax.nn.softmax(sims, axis=1))
    # L1
    log_probs_l1 = jax.nn.log_softmax(modified_logits, axis=1)
    l1_loss = jnp.mean(-jnp.sum(soft_labels * log_probs_l1, axis=1))
    # L2
    pred_indices = jnp.argmax(jax.lax.stop_gradient(gnn_logits_batch), axis=1)
    pred_one_hot = jax.nn.one_hot(pred_indices, num_classes, dtype=jnp.float32)
    term = pred_one_hot + u_batch * true_labels_batch_one_hot - true_labels_batch_one_hot
    l2_loss = jnp.mean(jnp.sum(term ** 2, axis=1)) / num_classes
    # L3
    u3 = jnp.clip(u_det[:, 0], EPS, 1.0 - EPS)
    u_t = jnp.clip(jax.nn.sigmoid(-jnp.log(u3)), EPS, 1.0 - EPS)
    prob = jax.nn.softmax(gnn_logits_batch, axis=1)
    p_true = jnp.clip(jnp.sum(prob * true_labels_batch_one_hot, axis=1), EPS, 1.0 - EPS)
    dkl = p_true * (jnp.log(p_true) - jnp.log(u_t)) + (1.0 - p_true) * (jnp.log(1.0 - p_true) - jnp.log(1.0 - u_t))
    dkl = jnp.nan_to_num(dkl, nan=0.0, posinf=0.0, neginf=0.0)
    l3_loss = jnp.mean(dkl) * (1.0 - atrain_overall_accuracy)
    return (l1_loss, l2_loss, l3_loss, prev_updated)

if __name__ == "__main__":
    import jax
    _d = setup_inputs()
    print(jax.jit(kernel)(*tuple(_d.values())))

</pallas_src>

<mosaic_0001>
#map = affine_map<(d0, d1) -> (0)>
module attributes {stable_mosaic.version = 14 : i64} {
  func.func @_ugather(%arg0: i32, %arg1: i32, %arg2: memref<16384xi32, #tpu.memory_space<hbm>>, %arg3: memref<100000xf32, #tpu.memory_space<hbm>>, %arg4: memref<16384xf32, #tpu.memory_space<hbm>>, %arg5: memref<128xi32, #tpu.memory_space<vmem>>, %arg6: memref<128xf32, #tpu.memory_space<vmem>>) attributes {dimension_semantics = [#tpu.dimension_semantics<core_parallel>, #tpu.dimension_semantics<subcore_parallel>], iteration_bounds = array<i64: 2, 16>, scalar_prefetch = 0 : i64, scratch_operands = 2 : i64, tpu.core_type = #tpu.core_type<sc_vector_subcore>, window_params = [{transform_indices = #map}, {transform_indices = #map}, {transform_indices = #map}]} {
    %gt3A = arith.constant 0 : i32
    %gt3A_0 = arith.cmpi sgt, %arg1, %gt3A : i32
    %convert_element_type3A = arith.extui %gt3A_0 : i1 to i32
    %cond3A = arith.constant 0 : i32
    %cond3A_1 = arith.cmpi ne, %convert_element_type3A, %cond3A : i32
    scf.if %cond3A_1 {
      %sub3A = arith.constant 1 : i32
      %sub3A_2 = arith.subi %arg1, %sub3A : i32
      %mul3A = arith.constant 2 : i32
      %mul3A_3 = arith.muli %sub3A_2, %mul3A : i32
      %add3A = arith.addi %mul3A_3, %arg0 : i32
      %scan3A = arith.constant 0 : i32
      %scan3A_4 = arith.constant 0 : i32
      %scan3A_5 = arith.constant 5 : i32
      %scan3A_6 = arith.addi %scan3A_4, %scan3A_5 : i32
      %scan3A_7 = arith.constant 1 : i32
      scf.for %scan3A_9 = %scan3A_4 to %scan3A_6 step %scan3A_7  : i32 {
        %mul3A_10 = arith.constant 5 : i32
        %mul3A_11 = arith.muli %add3A, %mul3A_10 : i32
        %add3A_12 = arith.addi %mul3A_11, %scan3A_9 : i32
        %lt3A = arith.constant 128 : i32
        %lt3A_13 = arith.cmpi slt, %add3A_12, %lt3A : i32
        %convert_element_type3A_14 = arith.extui %lt3A_13 : i1 to i32
        %cond3A_15 = arith.constant 0 : i32
        %cond3A_16 = arith.cmpi ne, %convert_element_type3A_14, %cond3A_15 : i32
        scf.if %cond3A_16 {
          %mul3A_17 = arith.constant 128 : i32
          %mul3A_18 = arith.muli %add3A_12, %mul3A_17 : i32
          "tpu.region"() ({
            %run_scoped3A = tpu.sem_alloc : memref<!tpu.dma_semaphore, #tpu.memory_space<semaphore_mem>>
            %dma_start3A = tpu.memref_slice %arg2[%mul3A_18] : memref<16384xi32, #tpu.memory_space<hbm>> -> memref<128xi32, #tpu.memory_space<hbm>>
            %dma_start3A_19 = tpu.memref_slice %arg2[%mul3A_18] : memref<16384xi32, #tpu.memory_space<hbm>> -> memref<128xi32, #tpu.memory_space<hbm>>
            tpu.enqueue_dma source(%dma_start3A_19 : memref<128xi32, #tpu.memory_space<hbm>>) target(%arg5 : memref<128xi32, #tpu.memory_space<vmem>>) target_semaphore(%run_scoped3A : memref<!tpu.dma_semaphore, #tpu.memory_space<semaphore_mem>>)
            %dma_wait3A = tpu.memref_slice %arg2[%mul3A_18] : memref<16384xi32, #tpu.memory_space<hbm>> -> memref<128xi32, #tpu.memory_space<hbm>>
            %dma_wait3A_20 = tpu.memref_slice %arg2[%mul3A_18] : memref<16384xi32, #tpu.memory_space<hbm>> -> memref<128xi32, #tpu.memory_space<hbm>>
            tpu.wait_dma2 semaphore(%run_scoped3A : memref<!tpu.dma_semaphore, #tpu.memory_space<semaphore_mem>>) src(%dma_wait3A_20 : memref<128xi32, #tpu.memory_space<hbm>>) dst(%arg5 : memref<128xi32, #tpu.memory_space<vmem>>)
            tpu.yield
          }) : () -> ()
          "tpu.region"() ({
            %run_scoped3A = tpu.sem_alloc : memref<!tpu.dma_semaphore, #tpu.memory_space<semaphore_mem>>
            %dma_start3A = arith.constant 0 : i32
            %dma_start3A_19 = tpu.memref_slice %arg3[%dma_start3A] : memref<100000xf32, #tpu.memory_space<hbm>> -> memref<100000xf32, #tpu.memory_space<hbm>>
            tpu.enqueue_indirect_dma source(%dma_start3A_19 : memref<100000xf32, #tpu.memory_space<hbm>>) target(%arg6 : memref<128xf32, #tpu.memory_space<vmem>>) offsets(%arg5 : memref<128xi32, #tpu.memory_space<vmem>>) semaphore(%run_scoped3A : memref<!tpu.dma_semaphore, #tpu.memory_space<semaphore_mem>>)
            %dma_wait3A = arith.constant 0 : i32
            %dma_wait3A_20 = tpu.memref_slice %arg3[%dma_wait3A] : memref<100000xf32, #tpu.memory_space<hbm>> -> memref<100000xf32, #tpu.memory_space<hbm>>
            tpu.wait_indirect_dma semaphore(%run_scoped3A : memref<!tpu.dma_semaphore, #tpu.memory_space<semaphore_mem>>) src(%dma_wait3A_20 : memref<100000xf32, #tpu.memory_space<hbm>>) dst(%arg6 : memref<128xf32, #tpu.memory_space<vmem>>)
            tpu.yield
          }) : () -> ()
          "tpu.region"() ({
            %run_scoped3A = tpu.sem_alloc : memref<!tpu.dma_semaphore, #tpu.memory_space<semaphore_mem>>
            %dma_start3A = tpu.memref_slice %arg4[%mul3A_18] : memref<16384xf32, #tpu.memory_space<hbm>> -> memref<128xf32, #tpu.memory_space<hbm>>
            %dma_start3A_19 = tpu.memref_slice %arg4[%mul3A_18] : memref<16384xf32, #tpu.memory_space<hbm>> -> memref<128xf32, #tpu.memory_space<hbm>>
            tpu.enqueue_dma source(%arg6 : memref<128xf32, #tpu.memory_space<vmem>>) target(%dma_start3A_19 : memref<128xf32, #tpu.memory_space<hbm>>) target_semaphore(%run_scoped3A : memref<!tpu.dma_semaphore, #tpu.memory_space<semaphore_mem>>)
            %dma_wait3A = tpu.memref_slice %arg4[%mul3A_18] : memref<16384xf32, #tpu.memory_space<hbm>> -> memref<128xf32, #tpu.memory_space<hbm>>
            %dma_wait3A_20 = tpu.memref_slice %arg4[%mul3A_18] : memref<16384xf32, #tpu.memory_space<hbm>> -> memref<128xf32, #tpu.memory_space<hbm>>
            tpu.wait_dma2 semaphore(%run_scoped3A : memref<!tpu.dma_semaphore, #tpu.memory_space<semaphore_mem>>) src(%arg6 : memref<128xf32, #tpu.memory_space<vmem>>) dst(%dma_wait3A_20 : memref<128xf32, #tpu.memory_space<hbm>>)
            tpu.yield
          }) : () -> ()
        } else {
        }
      }
      %scan3A_8 = arith.constant 5 : i32
    } else {
    }
    return
  }
}

#map = affine_map<(d0, d1) -> (0, 0)>
#map1 = affine_map<(d0, d1) -> (0)>
module attributes {stable_mosaic.version = 14 : i64} {
  func.func @_scatter(%arg0: i32, %arg1: i32, %arg2: memref<100000x256xf32, #tpu.memory_space<hbm>>, %arg3: memref<16384x256xf32, #tpu.memory_space<hbm>>, %arg4: memref<16384xi32, #tpu.memory_space<hbm>>, %arg5: memref<100000x256xf32, #tpu.memory_space<hbm>>, %arg6: memref<16384xi32, #tpu.memory_space<vmem_shared>>, %arg7: memref<16x1152xi32, #tpu.memory_space<vmem_shared>>, %arg8: memref<2x!tpu.dma_semaphore, #tpu.memory_space<semaphore_mem>>, %arg9: memref<2x!tpu.dma_semaphore, #tpu.memory_space<semaphore_mem>>, %arg10: memref<2x!tpu.dma_semaphore, #tpu.memory_space<semaphore_mem>>, %arg11: memref<2x!tpu.dma_semaphore, #tpu.memory_space<semaphore_mem>>) attributes {dimension_semantics = [#tpu.dimension_semantics<core_parallel>, #tpu.dimension_semantics<subcore_parallel>], iteration_bounds = array<i64: 2, 16>, scalar_prefetch = 0 : i64, scratch_operands = 6 : i64, tpu.core_type = #tpu.core_type<sc_vector_subcore>, window_params = [{transform_indices = #map}, {transform_indices = #map}, {transform_indices = #map1}, {transform_indices = #map}]} {
    %mul3A = arith.constant 50000 : i32
    %mul3A_0 = arith.muli %arg0, %mul3A : i32
    %iota3A = tpu.iota {dimensions = array<i32: 0>} : vector<16xi32>
    %eq3A = arith.constant 0 : i32
    %eq3A_1 = arith.cmpi eq, %arg1, %eq3A : i32
    %convert_element_type3A = arith.extui %eq3A_1 : i1 to i32
    %cond3A = arith.constant 0 : i32
    %cond3A_2 = arith.cmpi ne, %convert_element_type3A, %cond3A : i32
    scf.if %cond3A_2 {
      "tpu.region"() ({
        %run_scoped3A = memref.alloca() : memref<50000xi32, #tpu.memory_space<vmem>>
        %run_scoped3A_7 = memref.alloca() : memref<16384xi32, #tpu.memory_space<vmem>>
        "tpu.region"() ({
          %run_scoped3A_19 = tpu.sem_alloc : memref<!tpu.dma_semaphore, #tpu.memory_space<semaphore_mem>>
          tpu.enqueue_dma source(%arg4 : memref<16384xi32, #tpu.memory_space<hbm>>) target(%run_scoped3A_7 : memref<16384xi32, #tpu.memory_space<vmem>>) target_semaphore(%run_scoped3A_19 : memref<!tpu.dma_semaphore, #tpu.memory_space<semaphore_mem>>)
          tpu.wait_dma2 semaphore(%run_scoped3A_19 : memref<!tpu.dma_semaphore, #tpu.memory_space<semaphore_mem>>) src(%arg4 : memref<16384xi32, #tpu.memory_space<hbm>>) dst(%run_scoped3A_7 : memref<16384xi32, #tpu.memory_space<vmem>>)
          tpu.yield
        }) : () -> ()
        %scan3A = arith.constant 0 : i32
        %scan3A_8 = arith.constant 0 : i32
        %scan3A_9 = arith.constant 1024 : i32
        %scan3A_10 = arith.addi %scan3A_8, %scan3A_9 : i32
        %scan3A_11 = arith.constant 1 : i32
        scf.for %scan3A_19 = %scan3A_8 to %scan3A_10 step %scan3A_11  : i32 {
          %mul3A_20 = arith.constant 16 : i32
          %mul3A_21 = arith.muli %scan3A_19, %mul3A_20 : i32
          %get3A = arith.index_cast %mul3A_21 : i32 to index
          %get3A_22 = tpu.vector_load %run_scoped3A_7[%get3A] {strides = array<i32>} : memref<16384xi32, #tpu.memory_space<vmem>>, vector<16xi32>,
          %mul3A_23 = arith.constant 16 : i32
          %mul3A_24 = arith.muli %scan3A_19, %mul3A_23 : i32
          %add3A = vector.broadcast %mul3A_24 : i32 to vector<16xi32>
          %add3A_25 = arith.addi %add3A, %iota3A : vector<16xi32>
          %mul3A_26 = arith.constant 16384 : i32
          %mul3A_27 = vector.broadcast %mul3A_26 : i32 to vector<16xi32>
          %mul3A_28 = arith.muli %get3A_22, %mul3A_27 : vector<16xi32>
          %add3A_29 = arith.addi %mul3A_28, %add3A_25 : vector<16xi32>
          %sort3A = arith.constant dense<true> : vector<16xi1>
          %sort3A_30, %sort3A_31, %sort3A_32 = tpu.sort %add3A_29, %add3A_29 masked %sort3A : (vector<16xi32>, vector<16xi32>, vector<16xi1>) -> (vector<16xi1>, vector<16xi32>, vector<16xi32>)
          %shift_right_arithmetic3A = arith.constant 14 : i32
          %shift_right_arithmetic3A_33 = vector.broadcast %shift_right_arithmetic3A : i32 to vector<16xi32>
          %shift_right_arithmetic3A_34 = arith.shrsi %sort3A_31, %shift_right_arithmetic3A_33 : vector<16xi32>
          %broadcast_in_dim3A = arith.constant 16383 : i32
          %broadcast_in_dim3A_35 = vector.broadcast %broadcast_in_dim3A : i32 to vector<16xi32>
          %and3A = arith.andi %sort3A_31, %broadcast_in_dim3A_35 : vector<16xi32>
          %iota3A_36 = tpu.iota {dimensions = array<i32: 0>} : vector<16xi32>
          %add3A_37 = arith.constant 1 : i32
          %add3A_38 = vector.broadcast %add3A_37 : i32 to vector<16xi32>
          %add3A_39 = arith.addi %iota3A_36, %add3A_38 : vector<16xi32>
          %broadcast_in_dim3A_40 = arith.constant 15 : i32
          %broadcast_in_dim3A_41 = vector.broadcast %broadcast_in_dim3A_40 : i32 to vector<16xi32>
          %min3A = arith.minsi %add3A_39, %broadcast_in_dim3A_41 : vector<16xi32>
          %broadcast_in_dim3A_42 = vector.shape_cast %min3A : vector<16xi32> to vector<16x1xi32>
          %gather3A = vector.shape_cast %broadcast_in_dim3A_42 : vector<16x1xi32> to vector<16xi32>
          %gather3A_43 = tpu.dynamic_gather %shift_right_arithmetic3A_34[%gather3A] in [0] : vector<16xi32>, vector<16xi32> -> vector<16xi32>
          %ge3A = vector.broadcast %mul3A_0 : i32 to vector<16xi32>
          %ge3A_44 = arith.cmpi sge, %shift_right_arithmetic3A_34, %ge3A : vector<16xi32>
          %add3A_45 = arith.constant 50000 : i32
          %add3A_46 = arith.addi %mul3A_0, %add3A_45 : i32
          %lt3A = vector.broadcast %add3A_46 : i32 to vector<16xi32>
          %lt3A_47 = arith.cmpi slt, %shift_right_arithmetic3A_34, %lt3A : vector<16xi32>
          %and3A_48 = arith.andi %ge3A_44, %lt3A_47 : vector<16xi1>
          %ne3A = arith.cmpi ne, %shift_right_arithmetic3A_34, %gather3A_43 : vector<16xi32>
          %eq3A_49 = arith.constant 15 : i32
          %eq3A_50 = vector.broadcast %eq3A_49 : i32 to vector<16xi32>
          %eq3A_51 = arith.cmpi eq, %iota3A, %eq3A_50 : vector<16xi32>
          %or3A = arith.ori %ne3A, %eq3A_51 : vector<16xi1>
          %and3A_52 = arith.andi %or3A, %and3A_48 : vector<16xi1>
          %sub3A = vector.broadcast %mul3A_0 : i32 to vector<16xi32>
          %sub3A_53 = arith.subi %shift_right_arithmetic3A_34, %sub3A : vector<16xi32>
          %jit3A = arith.constant 0 : i32
          %jit3A_54 = arith.constant 49999 : i32
          %max3A = vector.broadcast %jit3A : i32 to vector<16xi32>
          %max3A_55 = arith.maxsi %max3A, %sub3A_53 : vector<16xi32>
          %min3A_56 = vector.broadcast %jit3A_54 : i32 to vector<16xi32>
          %min3A_57 = arith.minsi %min3A_56, %max3A_55 : vector<16xi32>
          tpu.vector_store_idx %run_scoped3A[%min3A_57], %and3A masked %and3A_52 : memref<50000xi32, #tpu.memory_space<vmem>>[vector<16xi32>], vector<16xi32>, vector<16xi1>
        }
        %scan3A_12 = arith.constant 1024 : i32
        %scan3A_13 = arith.constant 0 : i32
        %scan3A_14 = arith.constant 0 : i32
        %scan3A_15 = arith.constant 1024 : i32
        %scan3A_16 = arith.addi %scan3A_14, %scan3A_15 : i32
        %scan3A_17 = arith.constant 1 : i32
        scf.for %scan3A_19 = %scan3A_14 to %scan3A_16 step %scan3A_17  : i32 {
          %mul3A_20 = arith.constant 16 : i32
          %mul3A_21 = arith.muli %scan3A_19, %mul3A_20 : i32
          %get3A = arith.index_cast %mul3A_21 : i32 to index
          %get3A_22 = tpu.vector_load %run_scoped3A_7[%get3A] {strides = array<i32>} : memref<16384xi32, #tpu.memory_space<vmem>>, vector<16xi32>,
          %sub3A = vector.broadcast %mul3A_0 : i32 to vector<16xi32>
          %sub3A_23 = arith.subi %get3A_22, %sub3A : vector<16xi32>
          %jit3A = arith.constant 0 : i32
          %jit3A_24 = arith.constant 49999 : i32
          %max3A = vector.broadcast %jit3A : i32 to vector<16xi32>
          %max3A_25 = arith.maxsi %max3A, %sub3A_23 : vector<16xi32>
          %min3A = vector.broadcast %jit3A_24 : i32 to vector<16xi32>
          %min3A_26 = arith.minsi %min3A, %max3A_25 : vector<16xi32>
          %gather3A = tpu.vector_load_idx %run_scoped3A[%min3A_26] : memref<50000xi32, #tpu.memory_space<vmem>>[vector<16xi32>], vector<16xi32>,
          %mul3A_27 = arith.constant 16 : i32
          %mul3A_28 = arith.muli %scan3A_19, %mul3A_27 : i32
          %swap3A = arith.index_cast %mul3A_28 : i32 to index
          %swap3A_29 = tpu.vector_load %run_scoped3A_7[%swap3A] {strides = array<i32>} : memref<16384xi32, #tpu.memory_space<vmem>>, vector<16xi32>,
          tpu.vector_store %run_scoped3A_7[%swap3A], %gather3A {strides = array<i32>} : memref<16384xi32, #tpu.memory_space<vmem>>, vector<16xi32>,
        }
        %scan3A_18 = arith.constant 1024 : i32
        "tpu.region"() ({
          %run_scoped3A_19 = tpu.sem_alloc : memref<!tpu.dma_semaphore, #tpu.memory_space<semaphore_mem>>
          tpu.enqueue_dma source(%run_scoped3A_7 : memref<16384xi32, #tpu.memory_space<vmem>>) target(%arg6 : memref<16384xi32, #tpu.memory_space<vmem_shared>>) target_semaphore(%run_scoped3A_19 : memref<!tpu.dma_semaphore, #tpu.memory_space<semaphore_mem>>)
          tpu.wait_dma2 semaphore(%run_scoped3A_19 : memref<!tpu.dma_semaphore, #tpu.memory_space<semaphore_mem>>) src(%run_scoped3A_7 : memref<16384xi32, #tpu.memory_space<vmem>>) dst(%arg6 : memref<16384xi32, #tpu.memory_space<vmem_shared>>)
          tpu.yield
        }) : () -> ()
        tpu.yield
      }) : () -> ()
    } else {
    }
    %gt3A = arith.constant 0 : i32
    %gt3A_3 = arith.cmpi sgt, %arg1, %gt3A : i32
    %convert_element_type3A_4 = arith.extui %gt3A_3 : i1 to i32
    %cond3A_5 = arith.constant 0 : i32
    %cond3A_6 = arith.cmpi ne, %convert_element_type3A_4, %cond3A_5 : i32
    scf.if %cond3A_6 {
      "tpu.region"() ({
        %run_scoped3A = memref.alloca() : memref<2x120x256xf32, #tpu.memory_space<vmem>>
        %rem3A = arith.constant 0 : i32
        %rem3A_7 = arith.constant 2 : i32
        %rem3A_8 = arith.remsi %rem3A, %rem3A_7 : i32
        %sub3A = arith.constant 1 : i32
        %sub3A_9 = arith.subi %arg1, %sub3A : i32
        %add3A = arith.constant 0 : i32
        %add3A_10 = arith.addi %sub3A_9, %add3A : i32
        %mul3A_11 = arith.constant 120 : i32
        %mul3A_12 = arith.muli %add3A_10, %mul3A_11 : i32
        %min3A = arith.constant 49880 : i32
        %min3A_13 = arith.minsi %mul3A_12, %min3A : i32
        %add3A_14 = arith.addi %mul3A_0, %min3A_13 : i32
        %multiple_of3A = tpu.assume_multiple %add3A_14, 8 : i32
        %dma_start3A = arith.constant 0 : i32
        %dma_start3A_15 = arith.constant 0 : i32
        %dma_start3A_16 = tpu.memref_slice %run_scoped3A[%rem3A_8, %dma_start3A, %dma_start3A_15] : memref<2x120x256xf32, #tpu.memory_space<vmem>> -> memref<1x120x256xf32, #tpu.memory_space<vmem>>
        %dma_start3A_17 = tpu.memref_squeeze %dma_start3A_16 : memref<1x120x256xf32, #tpu.memory_space<vmem>> -> memref<120x256xf32, #tpu.memory_space<vmem>>
        %dma_start3A_18 = arith.constant 0 : i32
        %dma_start3A_19 = tpu.memref_slice %arg2[%multiple_of3A, %dma_start3A_18] : memref<100000x256xf32, #tpu.memory_space<hbm>> -> memref<120x256xf32, #tpu.memory_space<hbm>>
        %dma_start3A_20 = tpu.memref_slice %arg8[%rem3A_8] : memref<2x!tpu.dma_semaphore, #tpu.memory_space<semaphore_mem>> -> memref<1x!tpu.dma_semaphore, #tpu.memory_space<semaphore_mem>>
        %dma_start3A_21 = tpu.memref_squeeze %dma_start3A_20 : memref<1x!tpu.dma_semaphore, #tpu.memory_space<semaphore_mem>> -> memref<!tpu.dma_semaphore, #tpu.memory_space<semaphore_mem>>
        %dma_start3A_22 = arith.constant 0 : i32
        %dma_start3A_23 = arith.constant 0 : i32
        %dma_start3A_24 = tpu.memref_slice %run_scoped3A[%rem3A_8, %dma_start3A_22, %dma_start3A_23] : memref<2x120x256xf32, #tpu.memory_space<vmem>> -> memref<1x120x256xf32, #tpu.memory_space<vmem>>
        %dma_start3A_25 = tpu.memref_squeeze %dma_start3A_24 : memref<1x120x256xf32, #tpu.memory_space<vmem>> -> memref<120x256xf32, #tpu.memory_space<vmem>>
        %dma_start3A_26 = arith.constant 0 : i32
        %dma_start3A_27 = tpu.memref_slice %arg2[%multiple_of3A, %dma_start3A_26] : memref<100000x256xf32, #tpu.memory_space<hbm>> -> memref<120x256xf32, #tpu.memory_space<hbm>>
        tpu.enqueue_dma source(%dma_start3A_27 : memref<120x256xf32, #tpu.memory_space<hbm>>) target(%dma_start3A_25 : memref<120x256xf32, #tpu.memory_space<vmem>>) target_semaphore(%dma_start3A_21 : memref<!tpu.dma_semaphore, #tpu.memory_space<semaphore_mem>>)
        %scan3A = arith.constant 0 : i32
        %scan3A_28 = arith.constant 0 : i32
        %scan3A_29 = arith.constant 28 : i32
        %scan3A_30 = arith.addi %scan3A_28, %scan3A_29 : i32
        %scan3A_31 = arith.constant 1 : i32
        scf.for %scan3A_33 = %scan3A_28 to %scan3A_30 step %scan3A_31  : i32 {
          %add3A_34 = arith.constant 1 : i32
          %add3A_35 = arith.addi %scan3A_33, %add3A_34 : i32
          %lt3A = arith.constant 28 : i32
          %lt3A_36 = arith.cmpi slt, %add3A_35, %lt3A : i32
          %convert_element_type3A_37 = arith.extui %lt3A_36 : i1 to i32
          %cond3A_38 = arith.constant 0 : i32
          %cond3A_39 = arith.cmpi ne, %convert_element_type3A_37, %cond3A_38 : i32
          scf.if %cond3A_39 {
            %add3A_120 = arith.constant 1 : i32
            %add3A_121 = arith.addi %scan3A_33, %add3A_120 : i32
            %rem3A_122 = arith.constant 2 : i32
            %rem3A_123 = arith.remsi %add3A_121, %rem3A_122 : i32
            %sub3A_124 = arith.constant 1 : i32
            %sub3A_125 = arith.subi %arg1, %sub3A_124 : i32
            %mul3A_126 = arith.constant 15 : i32
            %mul3A_127 = arith.muli %mul3A_126, %add3A_121 : i32
            %add3A_128 = arith.addi %sub3A_125, %mul3A_127 : i32
            %mul3A_129 = arith.constant 120 : i32
            %mul3A_130 = arith.muli %add3A_128, %mul3A_129 : i32
            %min3A_131 = arith.constant 49880 : i32
            %min3A_132 = arith.minsi %mul3A_130, %min3A_131 : i32
            %add3A_133 = arith.addi %mul3A_0, %min3A_132 : i32
            %multiple_of3A_134 = tpu.assume_multiple %add3A_133, 8 : i32
            %dma_start3A_135 = arith.constant 0 : i32
            %dma_start3A_136 = arith.constant 0 : i32
            %dma_start3A_137 = tpu.memref_slice %run_scoped3A[%rem3A_123, %dma_start3A_135, %dma_start3A_136] : memref<2x120x256xf32, #tpu.memory_space<vmem>> -> memref<1x120x256xf32, #tpu.memory_space<vmem>>
            %dma_start3A_138 = tpu.memref_squeeze %dma_start3A_137 : memref<1x120x256xf32, #tpu.memory_space<vmem>> -> memref<120x256xf32, #tpu.memory_space<vmem>>
            %dma_start3A_139 = arith.constant 0 : i32
            %dma_start3A_140 = tpu.memref_slice %arg2[%multiple_of3A_134, %dma_start3A_139] : memref<100000x256xf32, #tpu.memory_space<hbm>> -> memref<120x256xf32, #tpu.memory_space<hbm>>
            %dma_start3A_141 = tpu.memref_slice %arg8[%rem3A_123] : memref<2x!tpu.dma_semaphore, #tpu.memory_space<semaphore_mem>> -> memref<1x!tpu.dma_semaphore, #tpu.memory_space<semaphore_mem>>
            %dma_start3A_142 = tpu.memref_squeeze %dma_start3A_141 : memref<1x!tpu.dma_semaphore, #tpu.memory_space<semaphore_mem>> -> memref<!tpu.dma_semaphore, #tpu.memory_space<semaphore_mem>>
            %dma_start3A_143 = arith.constant 0 : i32
            %dma_start3A_144 = arith.constant 0 : i32
            %dma_start3A_145 = tpu.memref_slice %run_scoped3A[%rem3A_123, %dma_start3A_143, %dma_start3A_144] : memref<2x120x256xf32, #tpu.memory_space<vmem>> -> memref<1x120x256xf32, #tpu.memory_space<vmem>>
            %dma_start3A_146 = tpu.memref_squeeze %dma_start3A_145 : memref<1x120x256xf32, #tpu.memory_space<vmem>> -> memref<120x256xf32, #tpu.memory_space<vmem>>
            %dma_start3A_147 = arith.constant 0 : i32
            %dma_start3A_148 = tpu.memref_slice %arg2[%multiple_of3A_134, %dma_start3A_147] : memref<100000x256xf32, #tpu.memory_space<hbm>> -> memref<120x256xf32, #tpu.memory_space<hbm>>
            tpu.enqueue_dma source(%dma_start3A_148 : memref<120x256xf32, #tpu.memory_space<hbm>>) target(%dma_start3A_146 : memref<120x256xf32, #tpu.memory_space<vmem>>) target_semaphore(%dma_start3A_142 : memref<!tpu.dma_semaphore, #tpu.memory_space<semaphore_mem>>)
          } else {
          }
          %rem3A_40 = arith.constant 2 : i32
          %rem3A_41 = arith.remsi %scan3A_33, %rem3A_40 : i32
          %sub3A_42 = arith.constant 1 : i32
          %sub3A_43 = arith.subi %arg1, %sub3A_42 : i32
          %mul3A_44 = arith.constant 15 : i32
          %mul3A_45 = arith.muli %mul3A_44, %scan3A_33 : i32
          %add3A_46 = arith.addi %sub3A_43, %mul3A_45 : i32
          %mul3A_47 = arith.constant 120 : i32
          %mul3A_48 = arith.muli %add3A_46, %mul3A_47 : i32
          %min3A_49 = arith.constant 49880 : i32
          %min3A_50 = arith.minsi %mul3A_48, %min3A_49 : i32
          %add3A_51 = arith.addi %mul3A_0, %min3A_50 : i32
          %multiple_of3A_52 = tpu.assume_multiple %add3A_51, 8 : i32
          %dma_wait3A = arith.constant 0 : i32
          %dma_wait3A_53 = arith.constant 0 : i32
          %dma_wait3A_54 = tpu.memref_slice %run_scoped3A[%rem3A_41, %dma_wait3A, %dma_wait3A_53] : memref<2x120x256xf32, #tpu.memory_space<vmem>> -> memref<1x120x256xf32, #tpu.memory_space<vmem>>
          %dma_wait3A_55 = tpu.memref_squeeze %dma_wait3A_54 : memref<1x120x256xf32, #tpu.memory_space<vmem>> -> memref<120x256xf32, #tpu.memory_space<vmem>>
          %dma_wait3A_56 = arith.constant 0 : i32
          %dma_wait3A_57 = tpu.memref_slice %arg2[%multiple_of3A_52, %dma_wait3A_56] : memref<100000x256xf32, #tpu.memory_space<hbm>> -> memref<120x256xf32, #tpu.memory_space<hbm>>
          %dma_wait3A_58 = tpu.memref_slice %arg8[%rem3A_41] : memref<2x!tpu.dma_semaphore, #tpu.memory_space<semaphore_mem>> -> memref<1x!tpu.dma_semaphore, #tpu.memory_space<semaphore_mem>>
          %dma_wait3A_59 = tpu.memref_squeeze %dma_wait3A_58 : memref<1x!tpu.dma_semaphore, #tpu.memory_space<semaphore_mem>> -> memref<!tpu.dma_semaphore, #tpu.memory_space<semaphore_mem>>
          %dma_wait3A_60 = arith.constant 0 : i32
          %dma_wait3A_61 = arith.constant 0 : i32
          %dma_wait3A_62 = tpu.memref_slice %run_scoped3A[%rem3A_41, %dma_wait3A_60, %dma_wait3A_61] : memref<2x120x256xf32, #tpu.memory_space<vmem>> -> memref<1x120x256xf32, #tpu.memory_space<vmem>>
          %dma_wait3A_63 = tpu.memref_squeeze %dma_wait3A_62 : memref<1x120x256xf32, #tpu.memory_space<vmem>> -> memref<120x256xf32, #tpu.memory_space<vmem>>
          %dma_wait3A_64 = arith.constant 0 : i32
          %dma_wait3A_65 = tpu.memref_slice %arg2[%multiple_of3A_52, %dma_wait3A_64] : memref<100000x256xf32, #tpu.memory_space<hbm>> -> memref<120x256xf32, #tpu.memory_space<hbm>>
          tpu.wait_dma2 semaphore(%dma_wait3A_59 : memref<!tpu.dma_semaphore, #tpu.memory_space<semaphore_mem>>) src(%dma_wait3A_65 : memref<120x256xf32, #tpu.memory_space<hbm>>) dst(%dma_wait3A_63 : memref<120x256xf32, #tpu.memory_space<vmem>>)
          %rem3A_66 = arith.constant 2 : i32
          %rem3A_67 = arith.remsi %scan3A_33, %rem3A_66 : i32
          %sub3A_68 = arith.constant 1 : i32
          %sub3A_69 = arith.subi %arg1, %sub3A_68 : i32
          %mul3A_70 = arith.constant 15 : i32
          %mul3A_71 = arith.muli %mul3A_70, %scan3A_33 : i32
          %add3A_72 = arith.addi %sub3A_69, %mul3A_71 : i32
          %mul3A_73 = arith.constant 120 : i32
          %mul3A_74 = arith.muli %add3A_72, %mul3A_73 : i32
          %min3A_75 = arith.constant 49880 : i32
          %min3A_76 = arith.minsi %mul3A_74, %min3A_75 : i32
          %add3A_77 = arith.addi %mul3A_0, %min3A_76 : i32
          %multiple_of3A_78 = tpu.assume_multiple %add3A_77, 8 : i32
          %dma_start3A_79 = arith.constant 0 : i32
          %dma_start3A_80 = arith.constant 0 : i32
          %dma_start3A_81 = tpu.memref_slice %run_scoped3A[%rem3A_67, %dma_start3A_79, %dma_start3A_80] : memref<2x120x256xf32, #tpu.memory_space<vmem>> -> memref<1x120x256xf32, #tpu.memory_space<vmem>>
          %dma_start3A_82 = tpu.memref_squeeze %dma_start3A_81 : memref<1x120x256xf32, #tpu.memory_space<vmem>> -> memref<120x256xf32, #tpu.memory_space<vmem>>
          %dma_start3A_83 = arith.constant 0 : i32
          %dma_start3A_84 = tpu.memref_slice %arg5[%multiple_of3A_78, %dma_start3A_83] : memref<100000x256xf32, #tpu.memory_space<hbm>> -> memref<120x256xf32, #tpu.memory_space<hbm>>
          %dma_start3A_85 = tpu.memref_slice %arg9[%rem3A_67] : memref<2x!tpu.dma_semaphore, #tpu.memory_space<semaphore_mem>> -> memref<1x!tpu.dma_semaphore, #tpu.memory_space<semaphore_mem>>
          %dma_start3A_86 = tpu.memref_squeeze %dma_start3A_85 : memref<1x!tpu.dma_semaphore, #tpu.memory_space<semaphore_mem>> -> memref<!tpu.dma_semaphore, #tpu.memory_space<semaphore_mem>>
          %dma_start3A_87 = arith.constant 0 : i32
          %dma_start3A_88 = tpu.memref_slice %arg5[%multiple_of3A_78, %dma_start3A_87] : memref<100000x256xf32, #tpu.memory_space<hbm>> -> memref<120x256xf32, #tpu.memory_space<hbm>>
          %dma_start3A_89 = arith.constant 0 : i32
          %dma_start3A_90 = arith.constant 0 : i32
          %dma_start3A_91 = tpu.memref_slice %run_scoped3A[%rem3A_67, %dma_start3A_89, %dma_start3A_90] : memref<2x120x256xf32, #tpu.memory_space<vmem>> -> memref<1x120x256xf32, #tpu.memory_space<vmem>>
          %dma_start3A_92 = tpu.memref_squeeze %dma_start3A_91 : memref<1x120x256xf32, #tpu.memory_space<vmem>> -> memref<120x256xf32, #tpu.memory_space<vmem>>
          tpu.enqueue_dma source(%dma_start3A_92 : memref<120x256xf32, #tpu.memory_space<vmem>>) target(%dma_start3A_88 : memref<120x256xf32, #tpu.memory_space<hbm>>) target_semaphore(%dma_start3A_86 : memref<!tpu.dma_semaphore, #tpu.memory_space<semaphore_mem>>)
          %rem3A_93 = arith.constant 2 : i32
          %rem3A_94 = arith.remsi %scan3A_33, %rem3A_93 : i32
          %sub3A_95 = arith.constant 1 : i32
          %sub3A_96 = arith.subi %arg1, %sub3A_95 : i32
          %mul3A_97 = arith.constant 15 : i32
          %mul3A_98 = arith.muli %mul3A_97, %scan3A_33 : i32
          %add3A_99 = arith.addi %sub3A_96, %mul3A_98 : i32
          %mul3A_100 = arith.constant 120 : i32
          %mul3A_101 = arith.muli %add3A_99, %mul3A_100 : i32
          %min3A_102 = arith.constant 49880 : i32
          %min3A_103 = arith.minsi %mul3A_101, %min3A_102 : i32
          %add3A_104 = arith.addi %mul3A_0, %min3A_103 : i32
          %multiple_of3A_105 = tpu.assume_multiple %add3A_104, 8 : i32
          %dma_wait3A_106 = arith.constant 0 : i32
          %dma_wait3A_107 = arith.constant 0 : i32
          %dma_wait3A_108 = tpu.memref_slice %run_scoped3A[%rem3A_94, %dma_wait3A_106, %dma_wait3A_107] : memref<2x120x256xf32, #tpu.memory_space<vmem>> -> memref<1x120x256xf32, #tpu.memory_space<vmem>>
          %dma_wait3A_109 = tpu.memref_squeeze %dma_wait3A_108 : memref<1x120x256xf32, #tpu.memory_space<vmem>> -> memref<120x256xf32, #tpu.memory_space<vmem>>
          %dma_wait3A_110 = arith.constant 0 : i32
          %dma_wait3A_111 = tpu.memref_slice %arg5[%multiple_of3A_105, %dma_wait3A_110] : memref<100000x256xf32, #tpu.memory_space<hbm>> -> memref<120x256xf32, #tpu.memory_space<hbm>>
          %dma_wait3A_112 = tpu.memref_slice %arg9[%rem3A_94] : memref<2x!tpu.dma_semaphore, #tpu.memory_space<semaphore_mem>> -> memref<1x!tpu.dma_semaphore, #tpu.memory_space<semaphore_mem>>
          %dma_wait3A_113 = tpu.memref_squeeze %dma_wait3A_112 : memref<1x!tpu.dma_semaphore, #tpu.memory_space<semaphore_mem>> -> memref<!tpu.dma_semaphore, #tpu.memory_space<semaphore_mem>>
          %dma_wait3A_114 = arith.constant 0 : i32
          %dma_wait3A_115 = tpu.memref_slice %arg5[%multiple_of3A_105, %dma_wait3A_114] : memref<100000x256xf32, #tpu.memory_space<hbm>> -> memref<120x256xf32, #tpu.memory_space<hbm>>
          %dma_wait3A_116 = arith.constant 0 : i32
          %dma_wait3A_117 = arith.constant 0 : i32
          %dma_wait3A_118 = tpu.memref_slice %run_scoped3A[%rem3A_94, %dma_wait3A_116, %dma_wait3A_117] : memref<2x120x256xf32, #tpu.memory_space<vmem>> -> memref<1x120x256xf32, #tpu.memory_space<vmem>>
          %dma_wait3A_119 = tpu.memref_squeeze %dma_wait3A_118 : memref<1x120x256xf32, #tpu.memory_space<vmem>> -> memref<120x256xf32, #tpu.memory_space<vmem>>
          tpu.wait_dma2 semaphore(%dma_wait3A_113 : memref<!tpu.dma_semaphore, #tpu.memory_space<semaphore_mem>>) src(%dma_wait3A_119 : memref<120x256xf32, #tpu.memory_space<vmem>>) dst(%dma_wait3A_115 : memref<120x256xf32, #tpu.memory_space<hbm>>)
        }
        %scan3A_32 = arith.constant 28 : i32
        tpu.yield
      }) : () -> ()
    } else {
    }
    %barrier3A = arith.constant 0 : index
    tpu.barrier barrier_id(%barrier3A)
    "tpu.region"() ({
      %run_scoped3A = memref.alloca() : memref<1024xi32, #tpu.memory_space<vmem>>
      %run_scoped3A_7 = memref.alloca() : memref<1024xi32, #tpu.memory_space<vmem>>
      %run_scoped3A_8 = memref.alloca() : memref<1152xi32, #tpu.memory_space<vmem>>
      %run_scoped3A_9 = memref.alloca() : memref<1152xi32, #tpu.memory_space<vmem>>
      %run_scoped3A_10 = memref.alloca() : memref<9x128xi32, #tpu.memory_space<vmem>>
      %run_scoped3A_11 = memref.alloca() : memref<2x128x256xf32, #tpu.memory_space<vmem>>
      %mul3A_12 = arith.constant 1024 : i32
      %mul3A_13 = arith.muli %arg1, %mul3A_12 : i32
      "tpu.region"() ({
        %run_scoped3A_25 = tpu.sem_alloc : memref<!tpu.dma_semaphore, #tpu.memory_space<semaphore_mem>>
        %dma_start3A = tpu.memref_slice %arg4[%mul3A_13] : memref<16384xi32, #tpu.memory_space<hbm>> -> memref<1024xi32, #tpu.memory_space<hbm>>
        %dma_start3A_26 = tpu.memref_slice %arg4[%mul3A_13] : memref<16384xi32, #tpu.memory_space<hbm>> -> memref<1024xi32, #tpu.memory_space<hbm>>
        tpu.enqueue_dma source(%dma_start3A_26 : memref<1024xi32, #tpu.memory_space<hbm>>) target(%run_scoped3A : memref<1024xi32, #tpu.memory_space<vmem>>) target_semaphore(%run_scoped3A_25 : memref<!tpu.dma_semaphore, #tpu.memory_space<semaphore_mem>>)
        %dma_wait3A = tpu.memref_slice %arg4[%mul3A_13] : memref<16384xi32, #tpu.memory_space<hbm>> -> memref<1024xi32, #tpu.memory_space<hbm>>
        %dma_wait3A_27 = tpu.memref_slice %arg4[%mul3A_13] : memref<16384xi32, #tpu.memory_space<hbm>> -> memref<1024xi32, #tpu.memory_space<hbm>>
        tpu.wait_dma2 semaphore(%run_scoped3A_25 : memref<!tpu.dma_semaphore, #tpu.memory_space<semaphore_mem>>) src(%dma_wait3A_27 : memref<1024xi32, #tpu.memory_space<hbm>>) dst(%run_scoped3A : memref<1024xi32, #tpu.memory_space<vmem>>)
        tpu.yield
      }) : () -> ()
      "tpu.region"() ({
        %run_scoped3A_25 = tpu.sem_alloc : memref<!tpu.dma_semaphore, #tpu.memory_space<semaphore_mem>>
        %dma_start3A = tpu.memref_slice %arg6[%mul3A_13] : memref<16384xi32, #tpu.memory_space<vmem_shared>> -> memref<1024xi32, #tpu.memory_space<vmem_shared>>
        %dma_start3A_26 = tpu.memref_slice %arg6[%mul3A_13] : memref<16384xi32, #tpu.memory_space<vmem_shared>> -> memref<1024xi32, #tpu.memory_space<vmem_shared>>
        tpu.enqueue_dma source(%dma_start3A_26 : memref<1024xi32, #tpu.memory_space<vmem_shared>>) target(%run_scoped3A_7 : memref<1024xi32, #tpu.memory_space<vmem>>) target_semaphore(%run_scoped3A_25 : memref<!tpu.dma_semaphore, #tpu.memory_space<semaphore_mem>>)
        %dma_wait3A = tpu.memref_slice %arg6[%mul3A_13] : memref<16384xi32, #tpu.memory_space<vmem_shared>> -> memref<1024xi32, #tpu.memory_space<vmem_shared>>
        %dma_wait3A_27 = tpu.memref_slice %arg6[%mul3A_13] : memref<16384xi32, #tpu.memory_space<vmem_shared>> -> memref<1024xi32, #tpu.memory_space<vmem_shared>>
        tpu.wait_dma2 semaphore(%run_scoped3A_25 : memref<!tpu.dma_semaphore, #tpu.memory_space<semaphore_mem>>) src(%dma_wait3A_27 : memref<1024xi32, #tpu.memory_space<vmem_shared>>) dst(%run_scoped3A_7 : memref<1024xi32, #tpu.memory_space<vmem>>)
        tpu.yield
      }) : () -> ()
      %scan3A = arith.constant 0 : i32
      %scan3A_14 = arith.constant 0 : i32
      %scan3A_15 = arith.constant 64 : i32
      %scan3A_16 = arith.addi %scan3A_14, %scan3A_15 : i32
      %scan3A_17 = arith.constant 1 : i32
      %scan3A_18 = scf.for %scan3A_25 = %scan3A_14 to %scan3A_16 step %scan3A_17 iter_args(%scan3A_26 = %scan3A) -> (i32)  : i32 {
        %mul3A_27 = arith.constant 16 : i32
        %mul3A_28 = arith.muli %scan3A_25, %mul3A_27 : i32
        %get3A = arith.index_cast %mul3A_28 : i32 to index
        %get3A_29 = tpu.vector_load %run_scoped3A[%get3A] {strides = array<i32>} : memref<1024xi32, #tpu.memory_space<vmem>>, vector<16xi32>,
        %mul3A_30 = arith.constant 16 : i32
        %mul3A_31 = arith.muli %scan3A_25, %mul3A_30 : i32
        %get3A_32 = arith.index_cast %mul3A_31 : i32 to index
        %get3A_33 = tpu.vector_load %run_scoped3A_7[%get3A_32] {strides = array<i32>} : memref<1024xi32, #tpu.memory_space<vmem>>, vector<16xi32>,
        %ge3A = vector.broadcast %mul3A_0 : i32 to vector<16xi32>
        %ge3A_34 = arith.cmpi sge, %get3A_29, %ge3A : vector<16xi32>
        %add3A = arith.constant 50000 : i32
        %add3A_35 = arith.addi %mul3A_0, %add3A : i32
        %lt3A = vector.broadcast %add3A_35 : i32 to vector<16xi32>
        %lt3A_36 = arith.cmpi slt, %get3A_29, %lt3A : vector<16xi32>
        %and3A = arith.andi %ge3A_34, %lt3A_36 : vector<16xi1>
        %swap3A = arith.index_cast %scan3A_26 : i32 to index
        %swap3A_37 = tpu.vector_load %run_scoped3A_8[%swap3A] masked %and3A {strides = array<i32>} : memref<1152xi32, #tpu.memory_space<vmem>>, vector<16xi32>, vector<16xi1>
        tpu.vector_store %run_scoped3A_8[%swap3A], %get3A_29 masked %and3A {strides = array<i32>} : memref<1152xi32, #tpu.memory_space<vmem>>, vector<16xi32>, vector<16xi1>
        %swap3A_38 = arith.index_cast %scan3A_26 : i32 to index
        %swap3A_39 = tpu.vector_load %run_scoped3A_9[%swap3A_38] masked %and3A {strides = array<i32>} : memref<1152xi32, #tpu.memory_space<vmem>>, vector<16xi32>, vector<16xi1>
        tpu.vector_store %run_scoped3A_9[%swap3A_38], %get3A_33 masked %and3A {strides = array<i32>} : memref<1152xi32, #tpu.memory_space<vmem>>, vector<16xi32>, vector<16xi1>
        %convert_element_type3A_40 = arith.extui %and3A : vector<16xi1> to vector<16xi32>
        %reduce_sum3A = arith.constant true
        %reduce_sum3A_41 = vector.broadcast %reduce_sum3A : i1 to vector<16xi1>
        %reduce_sum3A_42 = tpu.scan <sum>, %convert_element_type3A_40 masked %reduce_sum3A_41 : vector<16xi32>, vector<16xi1> -> vector<16xi32>
        %reduce_sum3A_43 = vector.extract %reduce_sum3A_42[15] : i32 from vector<16xi32>
        %add3A_44 = arith.addi %scan3A_26, %reduce_sum3A_43 : i32
        scf.yield %add3A_44 : i32
      }
      %scan3A_19 = arith.constant 64 : i32
      %gt3A_20 = arith.constant 0 : i32
      %gt3A_21 = arith.cmpi sgt, %scan3A_18, %gt3A_20 : i32
      %convert_element_type3A_22 = arith.extui %gt3A_21 : i1 to i32
      %cond3A_23 = arith.constant 0 : i32
      %cond3A_24 = arith.cmpi ne, %convert_element_type3A_22, %cond3A_23 : i32
      scf.if %cond3A_24 {
        %broadcast_in_dim3A = arith.constant 0 : i32
        %broadcast_in_dim3A_25 = vector.broadcast %broadcast_in_dim3A : i32 to vector<16xi32>
        %get3A = arith.constant 0 : index
        %get3A_26 = tpu.vector_load %run_scoped3A_8[%get3A] {strides = array<i32>} : memref<1152xi32, #tpu.memory_space<vmem>>, vector<16xi32>,
        %broadcast_in_dim3A_27 = vector.shape_cast %broadcast_in_dim3A_25 : vector<16xi32> to vector<16x1xi32>
        %gather3A = vector.shape_cast %broadcast_in_dim3A_27 : vector<16x1xi32> to vector<16xi32>
        %gather3A_28 = tpu.dynamic_gather %get3A_26[%gather3A] in [0] : vector<16xi32>, vector<16xi32> -> vector<16xi32>
        %get3A_29 = arith.constant 0 : index
        %get3A_30 = tpu.vector_load %run_scoped3A_9[%get3A_29] {strides = array<i32>} : memref<1152xi32, #tpu.memory_space<vmem>>, vector<16xi32>,
        %broadcast_in_dim3A_31 = vector.shape_cast %broadcast_in_dim3A_25 : vector<16xi32> to vector<16x1xi32>
        %gather3A_32 = vector.shape_cast %broadcast_in_dim3A_31 : vector<16x1xi32> to vector<16xi32>
        %gather3A_33 = tpu.dynamic_gather %get3A_30[%gather3A_32] in [0] : vector<16xi32>, vector<16xi32> -> vector<16xi32>
        %scan3A_34 = arith.constant 0 : i32
        %scan3A_35 = arith.constant 0 : i32
        %scan3A_36 = arith.constant 72 : i32
        %scan3A_37 = arith.addi %scan3A_35, %scan3A_36 : i32
        %scan3A_38 = arith.constant 1 : i32
        scf.for %scan3A_164 = %scan3A_35 to %scan3A_37 step %scan3A_38  : i32 {
          %mul3A_165 = arith.constant 16 : i32
          %mul3A_166 = arith.muli %scan3A_164, %mul3A_165 : i32
          %add3A = vector.broadcast %mul3A_166 : i32 to vector<16xi32>
          %add3A_167 = arith.addi %add3A, %iota3A : vector<16xi32>
          %ge3A = vector.broadcast %scan3A_18 : i32 to vector<16xi32>
          %ge3A_168 = arith.cmpi sge, %add3A_167, %ge3A : vector<16xi32>
          %mul3A_169 = arith.constant 16 : i32
          %mul3A_170 = arith.muli %scan3A_164, %mul3A_169 : i32
          %get3A_171 = arith.index_cast %mul3A_170 : i32 to index
          %get3A_172 = tpu.vector_load %run_scoped3A_8[%get3A_171] {strides = array<i32>} : memref<1152xi32, #tpu.memory_space<vmem>>, vector<16xi32>,
          %mul3A_173 = arith.constant 16 : i32
          %mul3A_174 = arith.muli %scan3A_164, %mul3A_173 : i32
          %get3A_175 = arith.index_cast %mul3A_174 : i32 to index
          %get3A_176 = tpu.vector_load %run_scoped3A_9[%get3A_175] {strides = array<i32>} : memref<1152xi32, #tpu.memory_space<vmem>>, vector<16xi32>,
          %select_n3A = arith.select %ge3A_168, %gather3A_28, %get3A_172 : vector<16xi1>, vector<16xi32>
          %mul3A_177 = arith.constant 16 : i32
          %mul3A_178 = arith.muli %scan3A_164, %mul3A_177 : i32
          %swap3A = arith.index_cast %mul3A_178 : i32 to index
          %swap3A_179 = tpu.vector_load %run_scoped3A_8[%swap3A] {strides = array<i32>} : memref<1152xi32, #tpu.memory_space<vmem>>, vector<16xi32>,
          tpu.vector_store %run_scoped3A_8[%swap3A], %select_n3A {strides = array<i32>} : memref<1152xi32, #tpu.memory_space<vmem>>, vector<16xi32>,
          %select_n3A_180 = arith.select %ge3A_168, %gather3A_33, %get3A_176 : vector<16xi1>, vector<16xi32>
          %mul3A_181 = arith.constant 16 : i32
          %mul3A_182 = arith.muli %scan3A_164, %mul3A_181 : i32
          %swap3A_183 = arith.index_cast %mul3A_182 : i32 to index
          %swap3A_184 = tpu.vector_load %run_scoped3A_9[%swap3A_183] {strides = array<i32>} : memref<1152xi32, #tpu.memory_space<vmem>>, vector<16xi32>,
          tpu.vector_store %run_scoped3A_9[%swap3A_183], %select_n3A_180 {strides = array<i32>} : memref<1152xi32, #tpu.memory_space<vmem>>, vector<16xi32>,
        }
        %scan3A_39 = arith.constant 72 : i32
        "tpu.region"() ({
          %run_scoped3A_164 = tpu.sem_alloc : memref<!tpu.dma_semaphore, #tpu.memory_space<semaphore_mem>>
          %dma_start3A = arith.constant 0 : i32
          %dma_start3A_165 = tpu.memref_slice %arg7[%arg1, %dma_start3A] : memref<16x1152xi32, #tpu.memory_space<vmem_shared>> -> memref<1x1152xi32, #tpu.memory_space<vmem_shared>>
          %dma_start3A_166 = tpu.memref_squeeze %dma_start3A_165 : memref<1x1152xi32, #tpu.memory_space<vmem_shared>> -> memref<1152xi32, #tpu.memory_space<vmem_shared>>
          %dma_start3A_167 = arith.constant 0 : i32
          %dma_start3A_168 = tpu.memref_slice %arg7[%arg1, %dma_start3A_167] : memref<16x1152xi32, #tpu.memory_space<vmem_shared>> -> memref<1x1152xi32, #tpu.memory_space<vmem_shared>>
          %dma_start3A_169 = tpu.memref_squeeze %dma_start3A_168 : memref<1x1152xi32, #tpu.memory_space<vmem_shared>> -> memref<1152xi32, #tpu.memory_space<vmem_shared>>
          tpu.enqueue_dma source(%run_scoped3A_8 : memref<1152xi32, #tpu.memory_space<vmem>>) target(%dma_start3A_169 : memref<1152xi32, #tpu.memory_space<vmem_shared>>) target_semaphore(%run_scoped3A_164 : memref<!tpu.dma_semaphore, #tpu.memory_space<semaphore_mem>>)
          %dma_wait3A = arith.constant 0 : i32
          %dma_wait3A_170 = tpu.memref_slice %arg7[%arg1, %dma_wait3A] : memref<16x1152xi32, #tpu.memory_space<vmem_shared>> -> memref<1x1152xi32, #tpu.memory_space<vmem_shared>>
          %dma_wait3A_171 = tpu.memref_squeeze %dma_wait3A_170 : memref<1x1152xi32, #tpu.memory_space<vmem_shared>> -> memref<1152xi32, #tpu.memory_space<vmem_shared>>
          %dma_wait3A_172 = arith.constant 0 : i32
          %dma_wait3A_173 = tpu.memref_slice %arg7[%arg1, %dma_wait3A_172] : memref<16x1152xi32, #tpu.memory_space<vmem_shared>> -> memref<1x1152xi32, #tpu.memory_space<vmem_shared>>
          %dma_wait3A_174 = tpu.memref_squeeze %dma_wait3A_173 : memref<1x1152xi32, #tpu.memory_space<vmem_shared>> -> memref<1152xi32, #tpu.memory_space<vmem_shared>>
          tpu.wait_dma2 semaphore(%run_scoped3A_164 : memref<!tpu.dma_semaphore, #tpu.memory_space<semaphore_mem>>) src(%run_scoped3A_8 : memref<1152xi32, #tpu.memory_space<vmem>>) dst(%dma_wait3A_174 : memref<1152xi32, #tpu.memory_space<vmem_shared>>)
          tpu.yield
        }) : () -> ()
        %run_scoped3A_40 = arith.constant 0 : i32
        "tpu.region"() ({
          %run_scoped3A_164 = tpu.sem_alloc : memref<!tpu.dma_semaphore, #tpu.memory_space<semaphore_mem>>
          %dma_start3A = arith.constant 0 : i32
          %dma_start3A_165 = tpu.memref_slice %run_scoped3A_10[%run_scoped3A_40, %dma_start3A] : memref<9x128xi32, #tpu.memory_space<vmem>> -> memref<1x128xi32, #tpu.memory_space<vmem>>
          %dma_start3A_166 = tpu.memref_squeeze %dma_start3A_165 : memref<1x128xi32, #tpu.memory_space<vmem>> -> memref<128xi32, #tpu.memory_space<vmem>>
          %dma_start3A_167 = arith.constant 0 : i32
          %dma_start3A_168 = tpu.memref_slice %arg7[%arg1, %dma_start3A_167] : memref<16x1152xi32, #tpu.memory_space<vmem_shared>> -> memref<1x128xi32, #tpu.memory_space<vmem_shared>>
          %dma_start3A_169 = tpu.memref_squeeze %dma_start3A_168 : memref<1x128xi32, #tpu.memory_space<vmem_shared>> -> memref<128xi32, #tpu.memory_space<vmem_shared>>
          %dma_start3A_170 = arith.constant 0 : i32
          %dma_start3A_171 = tpu.memref_slice %run_scoped3A_10[%run_scoped3A_40, %dma_start3A_170] : memref<9x128xi32, #tpu.memory_space<vmem>> -> memref<1x128xi32, #tpu.memory_space<vmem>>
          %dma_start3A_172 = tpu.memref_squeeze %dma_start3A_171 : memref<1x128xi32, #tpu.memory_space<vmem>> -> memref<128xi32, #tpu.memory_space<vmem>>
          %dma_start3A_173 = arith.constant 0 : i32
          %dma_start3A_174 = tpu.memref_slice %arg7[%arg1, %dma_start3A_173] : memref<16x1152xi32, #tpu.memory_space<vmem_shared>> -> memref<1x128xi32, #tpu.memory_space<vmem_shared>>
          %dma_start3A_175 = tpu.memref_squeeze %dma_start3A_174 : memref<1x128xi32, #tpu.memory_space<vmem_shared>> -> memref<128xi32, #tpu.memory_space<vmem_shared>>
          tpu.enqueue_dma source(%dma_start3A_175 : memref<128xi32, #tpu.memory_space<vmem_shared>>) target(%dma_start3A_172 : memref<128xi32, #tpu.memory_space<vmem>>) target_semaphore(%run_scoped3A_164 : memref<!tpu.dma_semaphore, #tpu.memory_space<semaphore_mem>>)
          %dma_wait3A = arith.constant 0 : i32
          %dma_wait3A_176 = tpu.memref_slice %run_scoped3A_10[%run_scoped3A_40, %dma_wait3A] : memref<9x128xi32, #tpu.memory_space<vmem>> -> memref<1x128xi32, #tpu.memory_space<vmem>>
          %dma_wait3A_177 = tpu.memref_squeeze %dma_wait3A_176 : memref<1x128xi32, #tpu.memory_space<vmem>> -> memref<128xi32, #tpu.memory_space<vmem>>
          %dma_wait3A_178 = arith.constant 0 : i32
          %dma_wait3A_179 = tpu.memref_slice %arg7[%arg1, %dma_wait3A_178] : memref<16x1152xi32, #tpu.memory_space<vmem_shared>> -> memref<1x128xi32, #tpu.memory_space<vmem_shared>>
          %dma_wait3A_180 = tpu.memref_squeeze %dma_wait3A_179 : memref<1x128xi32, #tpu.memory_space<vmem_shared>> -> memref<128xi32, #tpu.memory_space<vmem_shared>>
          %dma_wait3A_181 = arith.constant 0 : i32
          %dma_wait3A_182 = tpu.memref_slice %run_scoped3A_10[%run_scoped3A_40, %dma_wait3A_181] : memref<9x128xi32, #tpu.memory_space<vmem>> -> memref<1x128xi32, #tpu.memory_space<vmem>>
          %dma_wait3A_183 = tpu.memref_squeeze %dma_wait3A_182 : memref<1x128xi32, #tpu.memory_space<vmem>> -> memref<128xi32, #tpu.memory_space<vmem>>
          %dma_wait3A_184 = arith.constant 0 : i32
          %dma_wait3A_185 = tpu.memref_slice %arg7[%arg1, %dma_wait3A_184] : memref<16x1152xi32, #tpu.memory_space<vmem_shared>> -> memref<1x128xi32, #tpu.memory_space<vmem_shared>>
          %dma_wait3A_186 = tpu.memref_squeeze %dma_wait3A_185 : memref<1x128xi32, #tpu.memory_space<vmem_shared>> -> memref<128xi32, #tpu.memory_space<vmem_shared>>
          tpu.wait_dma2 semaphore(%run_scoped3A_164 : memref<!tpu.dma_semaphore, #tpu.memory_space<semaphore_mem>>) src(%dma_wait3A_186 : memref<128xi32, #tpu.memory_space<vmem_shared>>) dst(%dma_wait3A_183 : memref<128xi32, #tpu.memory_space<vmem>>)
          tpu.yield
        }) : () -> ()
        %run_scoped3A_41 = arith.constant 1 : i32
        "tpu.region"() ({
          %run_scoped3A_164 = tpu.sem_alloc : memref<!tpu.dma_semaphore, #tpu.memory_space<semaphore_mem>>
          %dma_start3A = arith.constant 0 : i32
          %dma_start3A_165 = tpu.memref_slice %run_scoped3A_10[%run_scoped3A_41, %dma_start3A] : memref<9x128xi32, #tpu.memory_space<vmem>> -> memref<1x128xi32, #tpu.memory_space<vmem>>
          %dma_start3A_166 = tpu.memref_squeeze %dma_start3A_165 : memref<1x128xi32, #tpu.memory_space<vmem>> -> memref<128xi32, #tpu.memory_space<vmem>>
          %dma_start3A_167 = arith.constant 128 : i32
          %dma_start3A_168 = tpu.memref_slice %arg7[%arg1, %dma_start3A_167] : memref<16x1152xi32, #tpu.memory_space<vmem_shared>> -> memref<1x128xi32, #tpu.memory_space<vmem_shared>>
          %dma_start3A_169 = tpu.memref_squeeze %dma_start3A_168 : memref<1x128xi32, #tpu.memory_space<vmem_shared>> -> memref<128xi32, #tpu.memory_space<vmem_shared>>
          %dma_start3A_170 = arith.constant 0 : i32
          %dma_start3A_171 = tpu.memref_slice %run_scoped3A_10[%run_scoped3A_41, %dma_start3A_170] : memref<9x128xi32, #tpu.memory_space<vmem>> -> memref<1x128xi32, #tpu.memory_space<vmem>>
          %dma_start3A_172 = tpu.memref_squeeze %dma_start3A_171 : memref<1x128xi32, #tpu.memory_space<vmem>> -> memref<128xi32, #tpu.memory_space<vmem>>
          %dma_start3A_173 = arith.constant 128 : i32
          %dma_start3A_174 = tpu.memref_slice %arg7[%arg1, %dma_start3A_173] : memref<16x1152xi32, #tpu.memory_space<vmem_shared>> -> memref<1x128xi32, #tpu.memory_space<vmem_shared>>
          %dma_start3A_175 = tpu.memref_squeeze %dma_start3A_174 : memref<1x128xi32, #tpu.memory_space<vmem_shared>> -> memref<128xi32, #tpu.memory_space<vmem_shared>>
          tpu.enqueue_dma source(%dma_start3A_175 : memref<128xi32, #tpu.memory_space<vmem_shared>>) target(%dma_start3A_172 : memref<128xi32, #tpu.memory_space<vmem>>) target_semaphore(%run_scoped3A_164 : memref<!tpu.dma_semaphore, #tpu.memory_space<semaphore_mem>>)
          %dma_wait3A = arith.constant 0 : i32
          %dma_wait3A_176 = tpu.memref_slice %run_scoped3A_10[%run_scoped3A_41, %dma_wait3A] : memref<9x128xi32, #tpu.memory_space<vmem>> -> memref<1x128xi32, #tpu.memory_space<vmem>>
          %dma_wait3A_177 = tpu.memref_squeeze %dma_wait3A_176 : memref<1x128xi32, #tpu.memory_space<vmem>> -> memref<128xi32, #tpu.memory_space<vmem>>
          %dma_wait3A_178 = arith.constant 128 : i32
          %dma_wait3A_179 = tpu.memref_slice %arg7[%arg1, %dma_wait3A_178] : memref<16x1152xi32, #tpu.memory_space<vmem_shared>> -> memref<1x128xi32, #tpu.memory_space<vmem_shared>>
          %dma_wait3A_180 = tpu.memref_squeeze %dma_wait3A_179 : memref<1x128xi32, #tpu.memory_space<vmem_shared>> -> memref<128xi32, #tpu.memory_space<vmem_shared>>
          %dma_wait3A_181 = arith.constant 0 : i32
          %dma_wait3A_182 = tpu.memref_slice %run_scoped3A_10[%run_scoped3A_41, %dma_wait3A_181] : memref<9x128xi32, #tpu.memory_space<vmem>> -> memref<1x128xi32, #tpu.memory_space<vmem>>
          %dma_wait3A_183 = tpu.memref_squeeze %dma_wait3A_182 : memref<1x128xi32, #tpu.memory_space<vmem>> -> memref<128xi32, #tpu.memory_space<vmem>>
          %dma_wait3A_184 = arith.constant 128 : i32
          %dma_wait3A_185 = tpu.memref_slice %arg7[%arg1, %dma_wait3A_184] : memref<16x1152xi32, #tpu.memory_space<vmem_shared>> -> memref<1x128xi32, #tpu.memory_space<vmem_shared>>
          %dma_wait3A_186 = tpu.memref_squeeze %dma_wait3A_185 : memref<1x128xi32, #tpu.memory_space<vmem_shared>> -> memref<128xi32, #tpu.memory_space<vmem_shared>>
          tpu.wait_dma2 semaphore(%run_scoped3A_164 : memref<!tpu.dma_semaphore, #tpu.memory_space<semaphore_mem>>) src(%dma_wait3A_186 : memref<128xi32, #tpu.memory_space<vmem_shared>>) dst(%dma_wait3A_183 : memref<128xi32, #tpu.memory_space<vmem>>)
          tpu.yield
        }) : () -> ()
        %run_scoped3A_42 = arith.constant 2 : i32
        "tpu.region"() ({
          %run_scoped3A_164 = tpu.sem_alloc : memref<!tpu.dma_semaphore, #tpu.memory_space<semaphore_mem>>
          %dma_start3A = arith.constant 0 : i32
          %dma_start3A_165 = tpu.memref_slice %run_scoped3A_10[%run_scoped3A_42, %dma_start3A] : memref<9x128xi32, #tpu.memory_space<vmem>> -> memref<1x128xi32, #tpu.memory_space<vmem>>
          %dma_start3A_166 = tpu.memref_squeeze %dma_start3A_165 : memref<1x128xi32, #tpu.memory_space<vmem>> -> memref<128xi32, #tpu.memory_space<vmem>>
          %dma_start3A_167 = arith.constant 256 : i32
          %dma_start3A_168 = tpu.memref_slice %arg7[%arg1, %dma_start3A_167] : memref<16x1152xi32, #tpu.memory_space<vmem_shared>> -> memref<1x128xi32, #tpu.memory_space<vmem_shared>>
          %dma_start3A_169 = tpu.memref_squeeze %dma_start3A_168 : memref<1x128xi32, #tpu.memory_space<vmem_shared>> -> memref<128xi32, #tpu.memory_space<vmem_shared>>
          %dma_start3A_170 = arith.constant 0 : i32
          %dma_start3A_171 = tpu.memref_slice %run_scoped3A_10[%run_scoped3A_42, %dma_start3A_170] : memref<9x128xi32, #tpu.memory_space<vmem>> -> memref<1x128xi32, #tpu.memory_space<vmem>>
          %dma_start3A_172 = tpu.memref_squeeze %dma_start3A_171 : memref<1x128xi32, #tpu.memory_space<vmem>> -> memref<128xi32, #tpu.memory_space<vmem>>
          %dma_start3A_173 = arith.constant 256 : i32
          %dma_start3A_174 = tpu.memref_slice %arg7[%arg1, %dma_start3A_173] : memref<16x1152xi32, #tpu.memory_space<vmem_shared>> -> memref<1x128xi32, #tpu.memory_space<vmem_shared>>
          %dma_start3A_175 = tpu.memref_squeeze %dma_start3A_174 : memref<1x128xi32, #tpu.memory_space<vmem_shared>> -> memref<128xi32, #tpu.memory_space<vmem_shared>>
          tpu.enqueue_dma source(%dma_start3A_175 : memref<128xi32, #tpu.memory_space<vmem_shared>>) target(%dma_start3A_172 : memref<128xi32, #tpu.memory_space<vmem>>) target_semaphore(%run_scoped3A_164 : memref<!tpu.dma_semaphore, #tpu.memory_space<semaphore_mem>>)
          %dma_wait3A = arith.constant 0 : i32
          %dma_wait3A_176 = tpu.memref_slice %run_scoped3A_10[%run_scoped3A_42, %dma_wait3A] : memref<9x128xi32, #tpu.memory_space<vmem>> -> memref<1x128xi32, #tpu.memory_space<vmem>>
          %dma_wait3A_177 = tpu.memref_squeeze %dma_wait3A_176 : memref<1x128xi32, #tpu.memory_space<vmem>> -> memref<128xi32, #tpu.memory_space<vmem>>
          %dma_wait3A_178 = arith.constant 256 : i32
          %dma_wait3A_179 = tpu.memref_slice %arg7[%arg1, %dma_wait3A_178] : memref<16x1152xi32, #tpu.memory_space<vmem_shared>> -> memref<1x128xi32, #tpu.memory_space<vmem_shared>>
          %dma_wait3A_180 = tpu.memref_squeeze %dma_wait3A_179 : memref<1x128xi32, #tpu.memory_space<vmem_shared>> -> memref<128xi32, #tpu.memory_space<vmem_shared>>
          %dma_wait3A_181 = arith.constant 0 : i32
          %dma_wait3A_182 = tpu.memref_slice %run_scoped3A_10[%run_scoped3A_42, %dma_wait3A_181] : memref<9x128xi32, #tpu.memory_space<vmem>> -> memref<1x128xi32, #tpu.memory_space<vmem>>
          %dma_wait3A_183 = tpu.memref_squeeze %dma_wait3A_182 : memref<1x128xi32, #tpu.memory_space<vmem>> -> memref<128xi32, #tpu.memory_space<vmem>>
          %dma_wait3A_184 = arith.constant 256 : i32
          %dma_wait3A_185 = tpu.memref_slice %arg7[%arg1, %dma_wait3A_184] : memref<16x1152xi32, #tpu.memory_space<vmem_shared>> -> memref<1x128xi32, #tpu.memory_space<vmem_shared>>
          %dma_wait3A_186 = tpu.memref_squeeze %dma_wait3A_185 : memref<1x128xi32, #tpu.memory_space<vmem_shared>> -> memref<128xi32, #tpu.memory_space<vmem_shared>>
          tpu.wait_dma2 semaphore(%run_scoped3A_164 : memref<!tpu.dma_semaphore, #tpu.memory_space<semaphore_mem>>) src(%dma_wait3A_186 : memref<128xi32, #tpu.memory_space<vmem_shared>>) dst(%dma_wait3A_183 : memref<128xi32, #tpu.memory_space<vmem>>)
          tpu.yield
        }) : () -> ()
        %run_scoped3A_43 = arith.constant 3 : i32
        "tpu.region"() ({
          %run_scoped3A_164 = tpu.sem_alloc : memref<!tpu.dma_semaphore, #tpu.memory_space<semaphore_mem>>
          %dma_start3A = arith.constant 0 : i32
          %dma_start3A_165 = tpu.memref_slice %run_scoped3A_10[%run_scoped3A_43, %dma_start3A] : memref<9x128xi32, #tpu.memory_space<vmem>> -> memref<1x128xi32, #tpu.memory_space<vmem>>
          %dma_start3A_166 = tpu.memref_squeeze %dma_start3A_165 : memref<1x128xi32, #tpu.memory_space<vmem>> -> memref<128xi32, #tpu.memory_space<vmem>>
          %dma_start3A_167 = arith.constant 384 : i32
          %dma_start3A_168 = tpu.memref_slice %arg7[%arg1, %dma_start3A_167] : memref<16x1152xi32, #tpu.memory_space<vmem_shared>> -> memref<1x128xi32, #tpu.memory_space<vmem_shared>>
          %dma_start3A_169 = tpu.memref_squeeze %dma_start3A_168 : memref<1x128xi32, #tpu.memory_space<vmem_shared>> -> memref<128xi32, #tpu.memory_space<vmem_shared>>
          %dma_start3A_170 = arith.constant 0 : i32
          %dma_start3A_171 = tpu.memref_slice %run_scoped3A_10[%run_scoped3A_43, %dma_start3A_170] : memref<9x128xi32, #tpu.memory_space<vmem>> -> memref<1x128xi32, #tpu.memory_space<vmem>>
          %dma_start3A_172 = tpu.memref_squeeze %dma_start3A_171 : memref<1x128xi32, #tpu.memory_space<vmem>> -> memref<128xi32, #tpu.memory_space<vmem>>
          %dma_start3A_173 = arith.constant 384 : i32
          %dma_start3A_174 = tpu.memref_slice %arg7[%arg1, %dma_start3A_173] : memref<16x1152xi32, #tpu.memory_space<vmem_shared>> -> memref<1x128xi32, #tpu.memory_space<vmem_shared>>
          %dma_start3A_175 = tpu.memref_squeeze %dma_start3A_174 : memref<1x128xi32, #tpu.memory_space<vmem_shared>> -> memref<128xi32, #tpu.memory_space<vmem_shared>>
          tpu.enqueue_dma source(%dma_start3A_175 : memref<128xi32, #tpu.memory_space<vmem_shared>>) target(%dma_start3A_172 : memref<128xi32, #tpu.memory_space<vmem>>) target_semaphore(%run_scoped3A_164 : memref<!tpu.dma_semaphore, #tpu.memory_space<semaphore_mem>>)
          %dma_wait3A = arith.constant 0 : i32
          %dma_wait3A_176 = tpu.memref_slice %run_scoped3A_10[%run_scoped3A_43, %dma_wait3A] : memref<9x128xi32, #tpu.memory_space<vmem>> -> memref<1x128xi32, #tpu.memory_space<vmem>>
          %dma_wait3A_177 = tpu.memref_squeeze %dma_wait3A_176 : memref<1x128xi32, #tpu.memory_space<vmem>> -> memref<128xi32, #tpu.memory_space<vmem>>
          %dma_wait3A_178 = arith.constant 384 : i32
          %dma_wait3A_179 = tpu.memref_slice %arg7[%arg1, %dma_wait3A_178] : memref<16x1152xi32, #tpu.memory_space<vmem_shared>> -> memref<1x128xi32, #tpu.memory_space<vmem_shared>>
          %dma_wait3A_180 = tpu.memref_squeeze %dma_wait3A_179 : memref<1x128xi32, #tpu.memory_space<vmem_shared>> -> memref<128xi32, #tpu.memory_space<vmem_shared>>
          %dma_wait3A_181 = arith.constant 0 : i32
          %dma_wait3A_182 = tpu.memref_slice %run_scoped3A_10[%run_scoped3A_43, %dma_wait3A_181] : memref<9x128xi32, #tpu.memory_space<vmem>> -> memref<1x128xi32, #tpu.memory_space<vmem>>
          %dma_wait3A_183 = tpu.memref_squeeze %dma_wait3A_182 : memref<1x128xi32, #tpu.memory_space<vmem>> -> memref<128xi32, #tpu.memory_space<vmem>>
          %dma_wait3A_184 = arith.constant 384 : i32
          %dma_wait3A_185 = tpu.memref_slice %arg7[%arg1, %dma_wait3A_184] : memref<16x1152xi32, #tpu.memory_space<vmem_shared>> -> memref<1x128xi32, #tpu.memory_space<vmem_shared>>
          %dma_wait3A_186 = tpu.memref_squeeze %dma_wait3A_185 : memref<1x128xi32, #tpu.memory_space<vmem_shared>> -> memref<128xi32, #tpu.memory_space<vmem_shared>>
          tpu.wait_dma2 semaphore(%run_scoped3A_164 : memref<!tpu.dma_semaphore, #tpu.memory_space<semaphore_mem>>) src(%dma_wait3A_186 : memref<128xi32, #tpu.memory_space<vmem_shared>>) dst(%dma_wait3A_183 : memref<128xi32, #tpu.memory_space<vmem>>)
          tpu.yield
        }) : () -> ()
        %run_scoped3A_44 = arith.constant 4 : i32
        "tpu.region"() ({
          %run_scoped3A_164 = tpu.sem_alloc : memref<!tpu.dma_semaphore, #tpu.memory_space<semaphore_mem>>
          %dma_start3A = arith.constant 0 : i32
          %dma_start3A_165 = tpu.memref_slice %run_scoped3A_10[%run_scoped3A_44, %dma_start3A] : memref<9x128xi32, #tpu.memory_space<vmem>> -> memref<1x128xi32, #tpu.memory_space<vmem>>
          %dma_start3A_166 = tpu.memref_squeeze %dma_start3A_165 : memref<1x128xi32, #tpu.memory_space<vmem>> -> memref<128xi32, #tpu.memory_space<vmem>>
          %dma_start3A_167 = arith.constant 512 : i32
          %dma_start3A_168 = tpu.memref_slice %arg7[%arg1, %dma_start3A_167] : memref<16x1152xi32, #tpu.memory_space<vmem_shared>> -> memref<1x128xi32, #tpu.memory_space<vmem_shared>>
          %dma_start3A_169 = tpu.memref_squeeze %dma_start3A_168 : memref<1x128xi32, #tpu.memory_space<vmem_shared>> -> memref<128xi32, #tpu.memory_space<vmem_shared>>
          %dma_start3A_170 = arith.constant 0 : i32
          %dma_start3A_171 = tpu.memref_slice %run_scoped3A_10[%run_scoped3A_44, %dma_start3A_170] : memref<9x128xi32, #tpu.memory_space<vmem>> -> memref<1x128xi32, #tpu.memory_space<vmem>>
          %dma_start3A_172 = tpu.memref_squeeze %dma_start3A_171 : memref<1x128xi32, #tpu.memory_space<vmem>> -> memref<128xi32, #tpu.memory_space<vmem>>
          %dma_start3A_173 = arith.constant 512 : i32
          %dma_start3A_174 = tpu.memref_slice %arg7[%arg1, %dma_start3A_173] : memref<16x1152xi32, #tpu.memory_space<vmem_shared>> -> memref<1x128xi32, #tpu.memory_space<vmem_shared>>
          %dma_start3A_175 = tpu.memref_squeeze %dma_start3A_174 : memref<1x128xi32, #tpu.memory_space<vmem_shared>> -> memref<128xi32, #tpu.memory_space<vmem_shared>>
          tpu.enqueue_dma source(%dma_start3A_175 : memref<128xi32, #tpu.memory_space<vmem_shared>>) target(%dma_start3A_172 : memref<128xi32, #tpu.memory_space<vmem>>) target_semaphore(%run_scoped3A_164 : memref<!tpu.dma_semaphore, #tpu.memory_space<semaphore_mem>>)
          %dma_wait3A = arith.constant 0 : i32
          %dma_wait3A_176 = tpu.memref_slice %run_scoped3A_10[%run_scoped3A_44, %dma_wait3A] : memref<9x128xi32, #tpu.memory_space<vmem>> -> memref<1x128xi32, #tpu.memory_space<vmem>>
          %dma_wait3A_177 = tpu.memref_squeeze %dma_wait3A_176 : memref<1x128xi32, #tpu.memory_space<vmem>> -> memref<128xi32, #tpu.memory_space<vmem>>
          %dma_wait3A_178 = arith.constant 512 : i32
          %dma_wait3A_179 = tpu.memref_slice %arg7[%arg1, %dma_wait3A_178] : memref<16x1152xi32, #tpu.memory_space<vmem_shared>> -> memref<1x128xi32, #tpu.memory_space<vmem_shared>>
          %dma_wait3A_180 = tpu.memref_squeeze %dma_wait3A_179 : memref<1x128xi32, #tpu.memory_space<vmem_shared>> -> memref<128xi32, #tpu.memory_space<vmem_shared>>
          %dma_wait3A_181 = arith.constant 0 : i32
          %dma_wait3A_182 = tpu.memref_slice %run_scoped3A_10[%run_scoped3A_44, %dma_wait3A_181] : memref<9x128xi32, #tpu.memory_space<vmem>> -> memref<1x128xi32, #tpu.memory_space<vmem>>
          %dma_wait3A_183 = tpu.memref_squeeze %dma_wait3A_182 : memref<1x128xi32, #tpu.memory_space<vmem>> -> memref<128xi32, #tpu.memory_space<vmem>>
          %dma_wait3A_184 = arith.constant 512 : i32
          %dma_wait3A_185 = tpu.memref_slice %arg7[%arg1, %dma_wait3A_184] : memref<16x1152xi32, #tpu.memory_space<vmem_shared>> -> memref<1x128xi32, #tpu.memory_space<vmem_shared>>
          %dma_wait3A_186 = tpu.memref_squeeze %dma_wait3A_185 : memref<1x128xi32, #tpu.memory_space<vmem_shared>> -> memref<128xi32, #tpu.memory_space<vmem_shared>>
          tpu.wait_dma2 semaphore(%run_scoped3A_164 : memref<!tpu.dma_semaphore, #tpu.memory_space<semaphore_mem>>) src(%dma_wait3A_186 : memref<128xi32, #tpu.memory_space<vmem_shared>>) dst(%dma_wait3A_183 : memref<128xi32, #tpu.memory_space<vmem>>)
          tpu.yield
        }) : () -> ()
        %run_scoped3A_45 = arith.constant 5 : i32
        "tpu.region"() ({
          %run_scoped3A_164 = tpu.sem_alloc : memref<!tpu.dma_semaphore, #tpu.memory_space<semaphore_mem>>
          %dma_start3A = arith.constant 0 : i32
          %dma_start3A_165 = tpu.memref_slice %run_scoped3A_10[%run_scoped3A_45, %dma_start3A] : memref<9x128xi32, #tpu.memory_space<vmem>> -> memref<1x128xi32, #tpu.memory_space<vmem>>
          %dma_start3A_166 = tpu.memref_squeeze %dma_start3A_165 : memref<1x128xi32, #tpu.memory_space<vmem>> -> memref<128xi32, #tpu.memory_space<vmem>>
          %dma_start3A_167 = arith.constant 640 : i32
          %dma_start3A_168 = tpu.memref_slice %arg7[%arg1, %dma_start3A_167] : memref<16x1152xi32, #tpu.memory_space<vmem_shared>> -> memref<1x128xi32, #tpu.memory_space<vmem_shared>>
          %dma_start3A_169 = tpu.memref_squeeze %dma_start3A_168 : memref<1x128xi32, #tpu.memory_space<vmem_shared>> -> memref<128xi32, #tpu.memory_space<vmem_shared>>
          %dma_start3A_170 = arith.constant 0 : i32
          %dma_start3A_171 = tpu.memref_slice %run_scoped3A_10[%run_scoped3A_45, %dma_start3A_170] : memref<9x128xi32, #tpu.memory_space<vmem>> -> memref<1x128xi32, #tpu.memory_space<vmem>>
          %dma_start3A_172 = tpu.memref_squeeze %dma_start3A_171 : memref<1x128xi32, #tpu.memory_space<vmem>> -> memref<128xi32, #tpu.memory_space<vmem>>
          %dma_start3A_173 = arith.constant 640 : i32
          %dma_start3A_174 = tpu.memref_slice %arg7[%arg1, %dma_start3A_173] : memref<16x1152xi32, #tpu.memory_space<vmem_shared>> -> memref<1x128xi32, #tpu.memory_space<vmem_shared>>
          %dma_start3A_175 = tpu.memref_squeeze %dma_start3A_174 : memref<1x128xi32, #tpu.memory_space<vmem_shared>> -> memref<128xi32, #tpu.memory_space<vmem_shared>>
          tpu.enqueue_dma source(%dma_start3A_175 : memref<128xi32, #tpu.memory_space<vmem_shared>>) target(%dma_start3A_172 : memref<128xi32, #tpu.memory_space<vmem>>) target_semaphore(%run_scoped3A_164 : memref<!tpu.dma_semaphore, #tpu.memory_space<semaphore_mem>>)
          %dma_wait3A = arith.constant 0 : i32
          %dma_wait3A_176 = tpu.memref_slice %run_scoped3A_10[%run_scoped3A_45, %dma_wait3A] : memref<9x128xi32, #tpu.memory_space<vmem>> -> memref<1x128xi32, #tpu.memory_space<vmem>>
          %dma_wait3A_177 = tpu.memref_squeeze %dma_wait3A_176 : memref<1x128xi32, #tpu.memory_space<vmem>> -> memref<128xi32, #tpu.memory_space<vmem>>
          %dma_wait3A_178 = arith.constant 640 : i32
          %dma_wait3A_179 = tpu.memref_slice %arg7[%arg1, %dma_wait3A_178] : memref<16x1152xi32, #tpu.memory_space<vmem_shared>> -> memref<1x128xi32, #tpu.memory_space<vmem_shared>>
          %dma_wait3A_180 = tpu.memref_squeeze %dma_wait3A_179 : memref<1x128xi32, #tpu.memory_space<vmem_shared>> -> memref<128xi32, #tpu.memory_space<vmem_shared>>
          %dma_wait3A_181 = arith.constant 0 : i32
          %dma_wait3A_182 = tpu.memref_slice %run_scoped3A_10[%run_scoped3A_45, %dma_wait3A_181] : memref<9x128xi32, #tpu.memory_space<vmem>> -> memref<1x128xi32, #tpu.memory_space<vmem>>
          %dma_wait3A_183 = tpu.memref_squeeze %dma_wait3A_182 : memref<1x128xi32, #tpu.memory_space<vmem>> -> memref<128xi32, #tpu.memory_space<vmem>>
          %dma_wait3A_184 = arith.constant 640 : i32
          %dma_wait3A_185 = tpu.memref_slice %arg7[%arg1, %dma_wait3A_184] : memref<16x1152xi32, #tpu.memory_space<vmem_shared>> -> memref<1x128xi32, #tpu.memory_space<vmem_shared>>
          %dma_wait3A_186 = tpu.memref_squeeze %dma_wait3A_185 : memref<1x128xi32, #tpu.memory_space<vmem_shared>> -> memref<128xi32, #tpu.memory_space<vmem_shared>>
          tpu.wait_dma2 semaphore(%run_scoped3A_164 : memref<!tpu.dma_semaphore, #tpu.memory_space<semaphore_mem>>) src(%dma_wait3A_186 : memref<128xi32, #tpu.memory_space<vmem_shared>>) dst(%dma_wait3A_183 : memref<128xi32, #tpu.memory_space<vmem>>)
          tpu.yield
        }) : () -> ()
        %run_scoped3A_46 = arith.constant 6 : i32
        "tpu.region"() ({
          %run_scoped3A_164 = tpu.sem_alloc : memref<!tpu.dma_semaphore, #tpu.memory_space<semaphore_mem>>
          %dma_start3A = arith.constant 0 : i32
          %dma_start3A_165 = tpu.memref_slice %run_scoped3A_10[%run_scoped3A_46, %dma_start3A] : memref<9x128xi32, #tpu.memory_space<vmem>> -> memref<1x128xi32, #tpu.memory_space<vmem>>
          %dma_start3A_166 = tpu.memref_squeeze %dma_start3A_165 : memref<1x128xi32, #tpu.memory_space<vmem>> -> memref<128xi32, #tpu.memory_space<vmem>>
          %dma_start3A_167 = arith.constant 768 : i32
          %dma_start3A_168 = tpu.memref_slice %arg7[%arg1, %dma_start3A_167] : memref<16x1152xi32, #tpu.memory_space<vmem_shared>> -> memref<1x128xi32, #tpu.memory_space<vmem_shared>>
          %dma_start3A_169 = tpu.memref_squeeze %dma_start3A_168 : memref<1x128xi32, #tpu.memory_space<vmem_shared>> -> memref<128xi32, #tpu.memory_space<vmem_shared>>
          %dma_start3A_170 = arith.constant 0 : i32
          %dma_start3A_171 = tpu.memref_slice %run_scoped3A_10[%run_scoped3A_46, %dma_start3A_170] : memref<9x128xi32, #tpu.memory_space<vmem>> -> memref<1x128xi32, #tpu.memory_space<vmem>>
          %dma_start3A_172 = tpu.memref_squeeze %dma_start3A_171 : memref<1x128xi32, #tpu.memory_space<vmem>> -> memref<128xi32, #tpu.memory_space<vmem>>
          %dma_start3A_173 = arith.constant 768 : i32
          %dma_start3A_174 = tpu.memref_slice %arg7[%arg1, %dma_start3A_173] : memref<16x1152xi32, #tpu.memory_space<vmem_shared>> -> memref<1x128xi32, #tpu.memory_space<vmem_shared>>
          %dma_start3A_175 = tpu.memref_squeeze %dma_start3A_174 : memref<1x128xi32, #tpu.memory_space<vmem_shared>> -> memref<128xi32, #tpu.memory_space<vmem_shared>>
          tpu.enqueue_dma source(%dma_start3A_175 : memref<128xi32, #tpu.memory_space<vmem_shared>>) target(%dma_start3A_172 : memref<128xi32, #tpu.memory_space<vmem>>) target_semaphore(%run_scoped3A_164 : memref<!tpu.dma_semaphore, #tpu.memory_space<semaphore_mem>>)
          %dma_wait3A = arith.constant 0 : i32
          %dma_wait3A_176 = tpu.memref_slice %run_scoped3A_10[%run_scoped3A_46, %dma_wait3A] : memref<9x128xi32, #tpu.memory_space<vmem>> -> memref<1x128xi32, #tpu.memory_space<vmem>>
          %dma_wait3A_177 = tpu.memref_squeeze %dma_wait3A_176 : memref<1x128xi32, #tpu.memory_space<vmem>> -> memref<128xi32, #tpu.memory_space<vmem>>
          %dma_wait3A_178 = arith.constant 768 : i32
          %dma_wait3A_179 = tpu.memref_slice %arg7[%arg1, %dma_wait3A_178] : memref<16x1152xi32, #tpu.memory_space<vmem_shared>> -> memref<1x128xi32, #tpu.memory_space<vmem_shared>>
          %dma_wait3A_180 = tpu.memref_squeeze %dma_wait3A_179 : memref<1x128xi32, #tpu.memory_space<vmem_shared>> -> memref<128xi32, #tpu.memory_space<vmem_shared>>
          %dma_wait3A_181 = arith.constant 0 : i32
          %dma_wait3A_182 = tpu.memref_slice %run_scoped3A_10[%run_scoped3A_46, %dma_wait3A_181] : memref<9x128xi32, #tpu.memory_space<vmem>> -> memref<1x128xi32, #tpu.memory_space<vmem>>
          %dma_wait3A_183 = tpu.memref_squeeze %dma_wait3A_182 : memref<1x128xi32, #tpu.memory_space<vmem>> -> memref<128xi32, #tpu.memory_space<vmem>>
          %dma_wait3A_184 = arith.constant 768 : i32
          %dma_wait3A_185 = tpu.memref_slice %arg7[%arg1, %dma_wait3A_184] : memref<16x1152xi32, #tpu.memory_space<vmem_shared>> -> memref<1x128xi32, #tpu.memory_space<vmem_shared>>
          %dma_wait3A_186 = tpu.memref_squeeze %dma_wait3A_185 : memref<1x128xi32, #tpu.memory_space<vmem_shared>> -> memref<128xi32, #tpu.memory_space<vmem_shared>>
          tpu.wait_dma2 semaphore(%run_scoped3A_164 : memref<!tpu.dma_semaphore, #tpu.memory_space<semaphore_mem>>) src(%dma_wait3A_186 : memref<128xi32, #tpu.memory_space<vmem_shared>>) dst(%dma_wait3A_183 : memref<128xi32, #tpu.memory_space<vmem>>)
          tpu.yield
        }) : () -> ()
        %run_scoped3A_47 = arith.constant 7 : i32
        "tpu.region"() ({
          %run_scoped3A_164 = tpu.sem_alloc : memref<!tpu.dma_semaphore, #tpu.memory_space<semaphore_mem>>
          %dma_start3A = arith.constant 0 : i32
          %dma_start3A_165 = tpu.memref_slice %run_scoped3A_10[%run_scoped3A_47, %dma_start3A] : memref<9x128xi32, #tpu.memory_space<vmem>> -> memref<1x128xi32, #tpu.memory_space<vmem>>
          %dma_start3A_166 = tpu.memref_squeeze %dma_start3A_165 : memref<1x128xi32, #tpu.memory_space<vmem>> -> memref<128xi32, #tpu.memory_space<vmem>>
          %dma_start3A_167 = arith.constant 896 : i32
          %dma_start3A_168 = tpu.memref_slice %arg7[%arg1, %dma_start3A_167] : memref<16x1152xi32, #tpu.memory_space<vmem_shared>> -> memref<1x128xi32, #tpu.memory_space<vmem_shared>>
          %dma_start3A_169 = tpu.memref_squeeze %dma_start3A_168 : memref<1x128xi32, #tpu.memory_space<vmem_shared>> -> memref<128xi32, #tpu.memory_space<vmem_shared>>
          %dma_start3A_170 = arith.constant 0 : i32
          %dma_start3A_171 = tpu.memref_slice %run_scoped3A_10[%run_scoped3A_47, %dma_start3A_170] : memref<9x128xi32, #tpu.memory_space<vmem>> -> memref<1x128xi32, #tpu.memory_space<vmem>>
          %dma_start3A_172 = tpu.memref_squeeze %dma_start3A_171 : memref<1x128xi32, #tpu.memory_space<vmem>> -> memref<128xi32, #tpu.memory_space<vmem>>
          %dma_start3A_173 = arith.constant 896 : i32
          %dma_start3A_174 = tpu.memref_slice %arg7[%arg1, %dma_start3A_173] : memref<16x1152xi32, #tpu.memory_space<vmem_shared>> -> memref<1x128xi32, #tpu.memory_space<vmem_shared>>
          %dma_start3A_175 = tpu.memref_squeeze %dma_start3A_174 : memref<1x128xi32, #tpu.memory_space<vmem_shared>> -> memref<128xi32, #tpu.memory_space<vmem_shared>>
          tpu.enqueue_dma source(%dma_start3A_175 : memref<128xi32, #tpu.memory_space<vmem_shared>>) target(%dma_start3A_172 : memref<128xi32, #tpu.memory_space<vmem>>) target_semaphore(%run_scoped3A_164 : memref<!tpu.dma_semaphore, #tpu.memory_space<semaphore_mem>>)
          %dma_wait3A = arith.constant 0 : i32
          %dma_wait3A_176 = tpu.memref_slice %run_scoped3A_10[%run_scoped3A_47, %dma_wait3A] : memref<9x128xi32, #tpu.memory_space<vmem>> -> memref<1x128xi32, #tpu.memory_space<vmem>>
          %dma_wait3A_177 = tpu.memref_squeeze %dma_wait3A_176 : memref<1x128xi32, #tpu.memory_space<vmem>> -> memref<128xi32, #tpu.memory_space<vmem>>
          %dma_wait3A_178 = arith.constant 896 : i32
          %dma_wait3A_179 = tpu.memref_slice %arg7[%arg1, %dma_wait3A_178] : memref<16x1152xi32, #tpu.memory_space<vmem_shared>> -> memref<1x128xi32, #tpu.memory_space<vmem_shared>>
          %dma_wait3A_180 = tpu.memref_squeeze %dma_wait3A_179 : memref<1x128xi32, #tpu.memory_space<vmem_shared>> -> memref<128xi32, #tpu.memory_space<vmem_shared>>
          %dma_wait3A_181 = arith.constant 0 : i32
          %dma_wait3A_182 = tpu.memref_slice %run_scoped3A_10[%run_scoped3A_47, %dma_wait3A_181] : memref<9x128xi32, #tpu.memory_space<vmem>> -> memref<1x128xi32, #tpu.memory_space<vmem>>
          %dma_wait3A_183 = tpu.memref_squeeze %dma_wait3A_182 : memref<1x128xi32, #tpu.memory_space<vmem>> -> memref<128xi32, #tpu.memory_space<vmem>>
          %dma_wait3A_184 = arith.constant 896 : i32
          %dma_wait3A_185 = tpu.memref_slice %arg7[%arg1, %dma_wait3A_184] : memref<16x1152xi32, #tpu.memory_space<vmem_shared>> -> memref<1x128xi32, #tpu.memory_space<vmem_shared>>
          %dma_wait3A_186 = tpu.memref_squeeze %dma_wait3A_185 : memref<1x128xi32, #tpu.memory_space<vmem_shared>> -> memref<128xi32, #tpu.memory_space<vmem_shared>>
          tpu.wait_dma2 semaphore(%run_scoped3A_164 : memref<!tpu.dma_semaphore, #tpu.memory_space<semaphore_mem>>) src(%dma_wait3A_186 : memref<128xi32, #tpu.memory_space<vmem_shared>>) dst(%dma_wait3A_183 : memref<128xi32, #tpu.memory_space<vmem>>)
          tpu.yield
        }) : () -> ()
        %run_scoped3A_48 = arith.constant 8 : i32
        "tpu.region"() ({
          %run_scoped3A_164 = tpu.sem_alloc : memref<!tpu.dma_semaphore, #tpu.memory_space<semaphore_mem>>
          %dma_start3A = arith.constant 0 : i32
          %dma_start3A_165 = tpu.memref_slice %run_scoped3A_10[%run_scoped3A_48, %dma_start3A] : memref<9x128xi32, #tpu.memory_space<vmem>> -> memref<1x128xi32, #tpu.memory_space<vmem>>
          %dma_start3A_166 = tpu.memref_squeeze %dma_start3A_165 : memref<1x128xi32, #tpu.memory_space<vmem>> -> memref<128xi32, #tpu.memory_space<vmem>>
          %dma_start3A_167 = arith.constant 1024 : i32
          %dma_start3A_168 = tpu.memref_slice %arg7[%arg1, %dma_start3A_167] : memref<16x1152xi32, #tpu.memory_space<vmem_shared>> -> memref<1x128xi32, #tpu.memory_space<vmem_shared>>
          %dma_start3A_169 = tpu.memref_squeeze %dma_start3A_168 : memref<1x128xi32, #tpu.memory_space<vmem_shared>> -> memref<128xi32, #tpu.memory_space<vmem_shared>>
          %dma_start3A_170 = arith.constant 0 : i32
          %dma_start3A_171 = tpu.memref_slice %run_scoped3A_10[%run_scoped3A_48, %dma_start3A_170] : memref<9x128xi32, #tpu.memory_space<vmem>> -> memref<1x128xi32, #tpu.memory_space<vmem>>
          %dma_start3A_172 = tpu.memref_squeeze %dma_start3A_171 : memref<1x128xi32, #tpu.memory_space<vmem>> -> memref<128xi32, #tpu.memory_space<vmem>>
          %dma_start3A_173 = arith.constant 1024 : i32
          %dma_start3A_174 = tpu.memref_slice %arg7[%arg1, %dma_start3A_173] : memref<16x1152xi32, #tpu.memory_space<vmem_shared>> -> memref<1x128xi32, #tpu.memory_space<vmem_shared>>
          %dma_start3A_175 = tpu.memref_squeeze %dma_start3A_174 : memref<1x128xi32, #tpu.memory_space<vmem_shared>> -> memref<128xi32, #tpu.memory_space<vmem_shared>>
          tpu.enqueue_dma source(%dma_start3A_175 : memref<128xi32, #tpu.memory_space<vmem_shared>>) target(%dma_start3A_172 : memref<128xi32, #tpu.memory_space<vmem>>) target_semaphore(%run_scoped3A_164 : memref<!tpu.dma_semaphore, #tpu.memory_space<semaphore_mem>>)
          %dma_wait3A = arith.constant 0 : i32
          %dma_wait3A_176 = tpu.memref_slice %run_scoped3A_10[%run_scoped3A_48, %dma_wait3A] : memref<9x128xi32, #tpu.memory_space<vmem>> -> memref<1x128xi32, #tpu.memory_space<vmem>>
          %dma_wait3A_177 = tpu.memref_squeeze %dma_wait3A_176 : memref<1x128xi32, #tpu.memory_space<vmem>> -> memref<128xi32, #tpu.memory_space<vmem>>
          %dma_wait3A_178 = arith.constant 1024 : i32
          %dma_wait3A_179 = tpu.memref_slice %arg7[%arg1, %dma_wait3A_178] : memref<16x1152xi32, #tpu.memory_space<vmem_shared>> -> memref<1x128xi32, #tpu.memory_space<vmem_shared>>
          %dma_wait3A_180 = tpu.memref_squeeze %dma_wait3A_179 : memref<1x128xi32, #tpu.memory_space<vmem_shared>> -> memref<128xi32, #tpu.memory_space<vmem_shared>>
          %dma_wait3A_181 = arith.constant 0 : i32
          %dma_wait3A_182 = tpu.memref_slice %run_scoped3A_10[%run_scoped3A_48, %dma_wait3A_181] : memref<9x128xi32, #tpu.memory_space<vmem>> -> memref<1x128xi32, #tpu.memory_space<vmem>>
          %dma_wait3A_183 = tpu.memref_squeeze %dma_wait3A_182 : memref<1x128xi32, #tpu.memory_space<vmem>> -> memref<128xi32, #tpu.memory_space<vmem>>
          %dma_wait3A_184 = arith.constant 1024 : i32
          %dma_wait3A_185 = tpu.memref_slice %arg7[%arg1, %dma_wait3A_184] : memref<16x1152xi32, #tpu.memory_space<vmem_shared>> -> memref<1x128xi32, #tpu.memory_space<vmem_shared>>
          %dma_wait3A_186 = tpu.memref_squeeze %dma_wait3A_185 : memref<1x128xi32, #tpu.memory_space<vmem_shared>> -> memref<128xi32, #tpu.memory_space<vmem_shared>>
          tpu.wait_dma2 semaphore(%run_scoped3A_164 : memref<!tpu.dma_semaphore, #tpu.memory_space<semaphore_mem>>) src(%dma_wait3A_186 : memref<128xi32, #tpu.memory_space<vmem_shared>>) dst(%dma_wait3A_183 : memref<128xi32, #tpu.memory_space<vmem>>)
          tpu.yield
        }) : () -> ()
        %gt3A_49 = arith.constant 0 : i32
        %gt3A_50 = arith.cmpi sgt, %scan3A_18, %gt3A_49 : i32
        %convert_element_type3A_51 = arith.extui %gt3A_50 : i1 to i32
        %cond3A_52 = arith.constant 0 : i32
        %cond3A_53 = arith.cmpi ne, %convert_element_type3A_51, %cond3A_52 : i32
        scf.if %cond3A_53 {
          %dma_start3A = arith.constant 0 : i32
          %dma_start3A_164 = arith.constant 0 : i32
          %dma_start3A_165 = arith.constant 0 : i32
          %dma_start3A_166 = arith.constant 0 : i32
          %dma_start3A_167 = tpu.memref_slice %run_scoped3A_11[%dma_start3A, %dma_start3A_165, %dma_start3A_166] : memref<2x128x256xf32, #tpu.memory_space<vmem>> -> memref<1x128x256xf32, #tpu.memory_space<vmem>>
          %dma_start3A_168 = tpu.memref_squeeze %dma_start3A_167 : memref<1x128x256xf32, #tpu.memory_space<vmem>> -> memref<128x256xf32, #tpu.memory_space<vmem>>
          %dma_start3A_169 = arith.constant 0 : i32
          %dma_start3A_170 = tpu.memref_slice %run_scoped3A_9[%dma_start3A_169] : memref<1152xi32, #tpu.memory_space<vmem>> -> memref<128xi32, #tpu.memory_space<vmem>>
          %dma_start3A_171 = arith.constant 0 : i32
          %dma_start3A_172 = arith.constant 0 : i32
          %dma_start3A_173 = tpu.memref_slice %arg3[%dma_start3A_171, %dma_start3A_172] : memref<16384x256xf32, #tpu.memory_space<hbm>> -> memref<16384x256xf32, #tpu.memory_space<hbm>>
          %dma_start3A_174 = tpu.memref_slice %arg10[%dma_start3A_164] : memref<2x!tpu.dma_semaphore, #tpu.memory_space<semaphore_mem>> -> memref<1x!tpu.dma_semaphore, #tpu.memory_space<semaphore_mem>>
          %dma_start3A_175 = tpu.memref_squeeze %dma_start3A_174 : memref<1x!tpu.dma_semaphore, #tpu.memory_space<semaphore_mem>> -> memref<!tpu.dma_semaphore, #tpu.memory_space<semaphore_mem>>
          tpu.enqueue_indirect_dma source(%dma_start3A_173 : memref<16384x256xf32, #tpu.memory_space<hbm>>) target(%dma_start3A_168 : memref<128x256xf32, #tpu.memory_space<vmem>>) offsets(%dma_start3A_170 : memref<128xi32, #tpu.memory_space<vmem>>) semaphore(%dma_start3A_175 : memref<!tpu.dma_semaphore, #tpu.memory_space<semaphore_mem>>)
          %dma_wait3A = arith.constant 0 : i32
          %dma_wait3A_176 = arith.constant 0 : i32
          %dma_wait3A_177 = arith.constant 0 : i32
          %dma_wait3A_178 = arith.constant 0 : i32
          %dma_wait3A_179 = tpu.memref_slice %run_scoped3A_11[%dma_wait3A, %dma_wait3A_177, %dma_wait3A_178] : memref<2x128x256xf32, #tpu.memory_space<vmem>> -> memref<1x128x256xf32, #tpu.memory_space<vmem>>
          %dma_wait3A_180 = tpu.memref_squeeze %dma_wait3A_179 : memref<1x128x256xf32, #tpu.memory_space<vmem>> -> memref<128x256xf32, #tpu.memory_space<vmem>>
          %dma_wait3A_181 = arith.constant 0 : i32
          %dma_wait3A_182 = tpu.memref_slice %run_scoped3A_9[%dma_wait3A_181] : memref<1152xi32, #tpu.memory_space<vmem>> -> memref<128xi32, #tpu.memory_space<vmem>>
          %dma_wait3A_183 = arith.constant 0 : i32
          %dma_wait3A_184 = arith.constant 0 : i32
          %dma_wait3A_185 = tpu.memref_slice %arg3[%dma_wait3A_183, %dma_wait3A_184] : memref<16384x256xf32, #tpu.memory_space<hbm>> -> memref<16384x256xf32, #tpu.memory_space<hbm>>
          %dma_wait3A_186 = tpu.memref_slice %arg10[%dma_wait3A_176] : memref<2x!tpu.dma_semaphore, #tpu.memory_space<semaphore_mem>> -> memref<1x!tpu.dma_semaphore, #tpu.memory_space<semaphore_mem>>
          %dma_wait3A_187 = tpu.memref_squeeze %dma_wait3A_186 : memref<1x!tpu.dma_semaphore, #tpu.memory_space<semaphore_mem>> -> memref<!tpu.dma_semaphore, #tpu.memory_space<semaphore_mem>>
          tpu.wait_indirect_dma semaphore(%dma_wait3A_187 : memref<!tpu.dma_semaphore, #tpu.memory_space<semaphore_mem>>) src(%dma_wait3A_185 : memref<16384x256xf32, #tpu.memory_space<hbm>>) dst(%dma_wait3A_180 : memref<128x256xf32, #tpu.memory_space<vmem>>)
          %dma_start3A_188 = arith.constant 0 : i32
          %dma_start3A_189 = arith.constant 0 : i32
          %dma_start3A_190 = arith.constant 0 : i32
          %dma_start3A_191 = arith.constant 0 : i32
          %dma_start3A_192 = arith.constant 0 : i32
          %dma_start3A_193 = tpu.memref_slice %run_scoped3A_11[%dma_start3A_188, %dma_start3A_191, %dma_start3A_192] : memref<2x128x256xf32, #tpu.memory_space<vmem>> -> memref<1x128x256xf32, #tpu.memory_space<vmem>>
          %dma_start3A_194 = tpu.memref_squeeze %dma_start3A_193 : memref<1x128x256xf32, #tpu.memory_space<vmem>> -> memref<128x256xf32, #tpu.memory_space<vmem>>
          %dma_start3A_195 = arith.constant 0 : i32
          %dma_start3A_196 = tpu.memref_slice %run_scoped3A_10[%dma_start3A_189, %dma_start3A_195] : memref<9x128xi32, #tpu.memory_space<vmem>> -> memref<1x128xi32, #tpu.memory_space<vmem>>
          %dma_start3A_197 = tpu.memref_squeeze %dma_start3A_196 : memref<1x128xi32, #tpu.memory_space<vmem>> -> memref<128xi32, #tpu.memory_space<vmem>>
          %dma_start3A_198 = arith.constant 0 : i32
          %dma_start3A_199 = arith.constant 0 : i32
          %dma_start3A_200 = tpu.memref_slice %arg5[%dma_start3A_198, %dma_start3A_199] : memref<100000x256xf32, #tpu.memory_space<hbm>> -> memref<100000x256xf32, #tpu.memory_space<hbm>>
          %dma_start3A_201 = tpu.memref_slice %arg11[%dma_start3A_190] : memref<2x!tpu.dma_semaphore, #tpu.memory_space<semaphore_mem>> -> memref<1x!tpu.dma_semaphore, #tpu.memory_space<semaphore_mem>>
          %dma_start3A_202 = tpu.memref_squeeze %dma_start3A_201 : memref<1x!tpu.dma_semaphore, #tpu.memory_space<semaphore_mem>> -> memref<!tpu.dma_semaphore, #tpu.memory_space<semaphore_mem>>
          tpu.enqueue_indirect_dma source(%dma_start3A_194 : memref<128x256xf32, #tpu.memory_space<vmem>>) target(%dma_start3A_200 : memref<100000x256xf32, #tpu.memory_space<hbm>>) offsets(%dma_start3A_197 : memref<128xi32, #tpu.memory_space<vmem>>) semaphore(%dma_start3A_202 : memref<!tpu.dma_semaphore, #tpu.memory_space<semaphore_mem>>)
        } else {
        }
        %gt3A_54 = arith.constant 128 : i32
        %gt3A_55 = arith.cmpi sgt, %scan3A_18, %gt3A_54 : i32
        %convert_element_type3A_56 = arith.extui %gt3A_55 : i1 to i32
        %cond3A_57 = arith.constant 0 : i32
        %cond3A_58 = arith.cmpi ne, %convert_element_type3A_56, %cond3A_57 : i32
        scf.if %cond3A_58 {
          %dma_start3A = arith.constant 1 : i32
          %dma_start3A_164 = arith.constant 1 : i32
          %dma_start3A_165 = arith.constant 0 : i32
          %dma_start3A_166 = arith.constant 0 : i32
          %dma_start3A_167 = tpu.memref_slice %run_scoped3A_11[%dma_start3A, %dma_start3A_165, %dma_start3A_166] : memref<2x128x256xf32, #tpu.memory_space<vmem>> -> memref<1x128x256xf32, #tpu.memory_space<vmem>>
          %dma_start3A_168 = tpu.memref_squeeze %dma_start3A_167 : memref<1x128x256xf32, #tpu.memory_space<vmem>> -> memref<128x256xf32, #tpu.memory_space<vmem>>
          %dma_start3A_169 = arith.constant 128 : i32
          %dma_start3A_170 = tpu.memref_slice %run_scoped3A_9[%dma_start3A_169] : memref<1152xi32, #tpu.memory_space<vmem>> -> memref<128xi32, #tpu.memory_space<vmem>>
          %dma_start3A_171 = arith.constant 0 : i32
          %dma_start3A_172 = arith.constant 0 : i32
          %dma_start3A_173 = tpu.memref_slice %arg3[%dma_start3A_171, %dma_start3A_172] : memref<16384x256xf32, #tpu.memory_space<hbm>> -> memref<16384x256xf32, #tpu.memory_space<hbm>>
          %dma_start3A_174 = tpu.memref_slice %arg10[%dma_start3A_164] : memref<2x!tpu.dma_semaphore, #tpu.memory_space<semaphore_mem>> -> memref<1x!tpu.dma_semaphore, #tpu.memory_space<semaphore_mem>>
          %dma_start3A_175 = tpu.memref_squeeze %dma_start3A_174 : memref<1x!tpu.dma_semaphore, #tpu.memory_space<semaphore_mem>> -> memref<!tpu.dma_semaphore, #tpu.memory_space<semaphore_mem>>
          tpu.enqueue_indirect_dma source(%dma_start3A_173 : memref<16384x256xf32, #tpu.memory_space<hbm>>) target(%dma_start3A_168 : memref<128x256xf32, #tpu.memory_space<vmem>>) offsets(%dma_start3A_170 : memref<128xi32, #tpu.memory_space<vmem>>) semaphore(%dma_start3A_175 : memref<!tpu.dma_semaphore, #tpu.memory_space<semaphore_mem>>)
          %dma_wait3A = arith.constant 1 : i32
          %dma_wait3A_176 = arith.constant 1 : i32
          %dma_wait3A_177 = arith.constant 0 : i32
          %dma_wait3A_178 = arith.constant 0 : i32
          %dma_wait3A_179 = tpu.memref_slice %run_scoped3A_11[%dma_wait3A, %dma_wait3A_177, %dma_wait3A_178] : memref<2x128x256xf32, #tpu.memory_space<vmem>> -> memref<1x128x256xf32, #tpu.memory_space<vmem>>
          %dma_wait3A_180 = tpu.memref_squeeze %dma_wait3A_179 : memref<1x128x256xf32, #tpu.memory_space<vmem>> -> memref<128x256xf32, #tpu.memory_space<vmem>>
          %dma_wait3A_181 = arith.constant 128 : i32
          %dma_wait3A_182 = tpu.memref_slice %run_scoped3A_9[%dma_wait3A_181] : memref<1152xi32, #tpu.memory_space<vmem>> -> memref<128xi32, #tpu.memory_space<vmem>>
          %dma_wait3A_183 = arith.constant 0 : i32
          %dma_wait3A_184 = arith.constant 0 : i32
          %dma_wait3A_185 = tpu.memref_slice %arg3[%dma_wait3A_183, %dma_wait3A_184] : memref<16384x256xf32, #tpu.memory_space<hbm>> -> memref<16384x256xf32, #tpu.memory_space<hbm>>
          %dma_wait3A_186 = tpu.memref_slice %arg10[%dma_wait3A_176] : memref<2x!tpu.dma_semaphore, #tpu.memory_space<semaphore_mem>> -> memref<1x!tpu.dma_semaphore, #tpu.memory_space<semaphore_mem>>
          %dma_wait3A_187 = tpu.memref_squeeze %dma_wait3A_186 : memref<1x!tpu.dma_semaphore, #tpu.memory_space<semaphore_mem>> -> memref<!tpu.dma_semaphore, #tpu.memory_space<semaphore_mem>>
          tpu.wait_indirect_dma semaphore(%dma_wait3A_187 : memref<!tpu.dma_semaphore, #tpu.memory_space<semaphore_mem>>) src(%dma_wait3A_185 : memref<16384x256xf32, #tpu.memory_space<hbm>>) dst(%dma_wait3A_180 : memref<128x256xf32, #tpu.memory_space<vmem>>)
          %dma_start3A_188 = arith.constant 1 : i32
          %dma_start3A_189 = arith.constant 1 : i32
          %dma_start3A_190 = arith.constant 1 : i32
          %dma_start3A_191 = arith.constant 0 : i32
          %dma_start3A_192 = arith.constant 0 : i32
          %dma_start3A_193 = tpu.memref_slice %run_scoped3A_11[%dma_start3A_188, %dma_start3A_191, %dma_start3A_192] : memref<2x128x256xf32, #tpu.memory_space<vmem>> -> memref<1x128x256xf32, #tpu.memory_space<vmem>>
          %dma_start3A_194 = tpu.memref_squeeze %dma_start3A_193 : memref<1x128x256xf32, #tpu.memory_space<vmem>> -> memref<128x256xf32, #tpu.memory_space<vmem>>
          %dma_start3A_195 = arith.constant 0 : i32
          %dma_start3A_196 = tpu.memref_slice %run_scoped3A_10[%dma_start3A_189, %dma_start3A_195] : memref<9x128xi32, #tpu.memory_space<vmem>> -> memref<1x128xi32, #tpu.memory_space<vmem>>
          %dma_start3A_197 = tpu.memref_squeeze %dma_start3A_196 : memref<1x128xi32, #tpu.memory_space<vmem>> -> memref<128xi32, #tpu.memory_space<vmem>>
          %dma_start3A_198 = arith.constant 0 : i32
          %dma_start3A_199 = arith.constant 0 : i32
          %dma_start3A_200 = tpu.memref_slice %arg5[%dma_start3A_198, %dma_start3A_199] : memref<100000x256xf32, #tpu.memory_space<hbm>> -> memref<100000x256xf32, #tpu.memory_space<hbm>>
          %dma_start3A_201 = tpu.memref_slice %arg11[%dma_start3A_190] : memref<2x!tpu.dma_semaphore, #tpu.memory_space<semaphore_mem>> -> memref<1x!tpu.dma_semaphore, #tpu.memory_space<semaphore_mem>>
          %dma_start3A_202 = tpu.memref_squeeze %dma_start3A_201 : memref<1x!tpu.dma_semaphore, #tpu.memory_space<semaphore_mem>> -> memref<!tpu.dma_semaphore, #tpu.memory_space<semaphore_mem>>
          tpu.enqueue_indirect_dma source(%dma_start3A_194 : memref<128x256xf32, #tpu.memory_space<vmem>>) target(%dma_start3A_200 : memref<100000x256xf32, #tpu.memory_space<hbm>>) offsets(%dma_start3A_197 : memref<128xi32, #tpu.memory_space<vmem>>) semaphore(%dma_start3A_202 : memref<!tpu.dma_semaphore, #tpu.memory_space<semaphore_mem>>)
        } else {
        }
        %gt3A_59 = arith.constant 256 : i32
        %gt3A_60 = arith.cmpi sgt, %scan3A_18, %gt3A_59 : i32
        %convert_element_type3A_61 = arith.extui %gt3A_60 : i1 to i32
        %cond3A_62 = arith.constant 0 : i32
        %cond3A_63 = arith.cmpi ne, %convert_element_type3A_61, %cond3A_62 : i32
        scf.if %cond3A_63 {
          %dma_wait3A = arith.constant 0 : i32
          %dma_wait3A_164 = arith.constant 0 : i32
          %dma_wait3A_165 = arith.constant 0 : i32
          %dma_wait3A_166 = arith.constant 0 : i32
          %dma_wait3A_167 = arith.constant 0 : i32
          %dma_wait3A_168 = tpu.memref_slice %run_scoped3A_11[%dma_wait3A, %dma_wait3A_166, %dma_wait3A_167] : memref<2x128x256xf32, #tpu.memory_space<vmem>> -> memref<1x128x256xf32, #tpu.memory_space<vmem>>
          %dma_wait3A_169 = tpu.memref_squeeze %dma_wait3A_168 : memref<1x128x256xf32, #tpu.memory_space<vmem>> -> memref<128x256xf32, #tpu.memory_space<vmem>>
          %dma_wait3A_170 = arith.constant 0 : i32
          %dma_wait3A_171 = tpu.memref_slice %run_scoped3A_10[%dma_wait3A_164, %dma_wait3A_170] : memref<9x128xi32, #tpu.memory_space<vmem>> -> memref<1x128xi32, #tpu.memory_space<vmem>>
          %dma_wait3A_172 = tpu.memref_squeeze %dma_wait3A_171 : memref<1x128xi32, #tpu.memory_space<vmem>> -> memref<128xi32, #tpu.memory_space<vmem>>
          %dma_wait3A_173 = arith.constant 0 : i32
          %dma_wait3A_174 = arith.constant 0 : i32
          %dma_wait3A_175 = tpu.memref_slice %arg5[%dma_wait3A_173, %dma_wait3A_174] : memref<100000x256xf32, #tpu.memory_space<hbm>> -> memref<100000x256xf32, #tpu.memory_space<hbm>>
          %dma_wait3A_176 = tpu.memref_slice %arg11[%dma_wait3A_165] : memref<2x!tpu.dma_semaphore, #tpu.memory_space<semaphore_mem>> -> memref<1x!tpu.dma_semaphore, #tpu.memory_space<semaphore_mem>>
          %dma_wait3A_177 = tpu.memref_squeeze %dma_wait3A_176 : memref<1x!tpu.dma_semaphore, #tpu.memory_space<semaphore_mem>> -> memref<!tpu.dma_semaphore, #tpu.memory_space<semaphore_mem>>
          tpu.wait_indirect_dma semaphore(%dma_wait3A_177 : memref<!tpu.dma_semaphore, #tpu.memory_space<semaphore_mem>>) src(%dma_wait3A_169 : memref<128x256xf32, #tpu.memory_space<vmem>>) dst(%dma_wait3A_175 : memref<100000x256xf32, #tpu.memory_space<hbm>>)
          %dma_start3A = arith.constant 0 : i32
          %dma_start3A_178 = arith.constant 0 : i32
          %dma_start3A_179 = arith.constant 0 : i32
          %dma_start3A_180 = arith.constant 0 : i32
          %dma_start3A_181 = tpu.memref_slice %run_scoped3A_11[%dma_start3A, %dma_start3A_179, %dma_start3A_180] : memref<2x128x256xf32, #tpu.memory_space<vmem>> -> memref<1x128x256xf32, #tpu.memory_space<vmem>>
          %dma_start3A_182 = tpu.memref_squeeze %dma_start3A_181 : memref<1x128x256xf32, #tpu.memory_space<vmem>> -> memref<128x256xf32, #tpu.memory_space<vmem>>
          %dma_start3A_183 = arith.constant 256 : i32
          %dma_start3A_184 = tpu.memref_slice %run_scoped3A_9[%dma_start3A_183] : memref<1152xi32, #tpu.memory_space<vmem>> -> memref<128xi32, #tpu.memory_space<vmem>>
          %dma_start3A_185 = arith.constant 0 : i32
          %dma_start3A_186 = arith.constant 0 : i32
          %dma_start3A_187 = tpu.memref_slice %arg3[%dma_start3A_185, %dma_start3A_186] : memref<16384x256xf32, #tpu.memory_space<hbm>> -> memref<16384x256xf32, #tpu.memory_space<hbm>>
          %dma_start3A_188 = tpu.memref_slice %arg10[%dma_start3A_178] : memref<2x!tpu.dma_semaphore, #tpu.memory_space<semaphore_mem>> -> memref<1x!tpu.dma_semaphore, #tpu.memory_space<semaphore_mem>>
          %dma_start3A_189 = tpu.memref_squeeze %dma_start3A_188 : memref<1x!tpu.dma_semaphore, #tpu.memory_space<semaphore_mem>> -> memref<!tpu.dma_semaphore, #tpu.memory_space<semaphore_mem>>
          tpu.enqueue_indirect_dma source(%dma_start3A_187 : memref<16384x256xf32, #tpu.memory_space<hbm>>) target(%dma_start3A_182 : memref<128x256xf32, #tpu.memory_space<vmem>>) offsets(%dma_start3A_184 : memref<128xi32, #tpu.memory_space<vmem>>) semaphore(%dma_start3A_189 : memref<!tpu.dma_semaphore, #tpu.memory_space<semaphore_mem>>)
          %dma_wait3A_190 = arith.constant 0 : i32
          %dma_wait3A_191 = arith.constant 0 : i32
          %dma_wait3A_192 = arith.constant 0 : i32
          %dma_wait3A_193 = arith.constant 0 : i32
          %dma_wait3A_194 = tpu.memref_slice %run_scoped3A_11[%dma_wait3A_190, %dma_wait3A_192, %dma_wait3A_193] : memref<2x128x256xf32, #tpu.memory_space<vmem>> -> memref<1x128x256xf32, #tpu.memory_space<vmem>>
          %dma_wait3A_195 = tpu.memref_squeeze %dma_wait3A_194 : memref<1x128x256xf32, #tpu.memory_space<vmem>> -> memref<128x256xf32, #tpu.memory_space<vmem>>
          %dma_wait3A_196 = arith.constant 256 : i32
          %dma_wait3A_197 = tpu.memref_slice %run_scoped3A_9[%dma_wait3A_196] : memref<1152xi32, #tpu.memory_space<vmem>> -> memref<128xi32, #tpu.memory_space<vmem>>
          %dma_wait3A_198 = arith.constant 0 : i32
          %dma_wait3A_199 = arith.constant 0 : i32
          %dma_wait3A_200 = tpu.memref_slice %arg3[%dma_wait3A_198, %dma_wait3A_199] : memref<16384x256xf32, #tpu.memory_space<hbm>> -> memref<16384x256xf32, #tpu.memory_space<hbm>>
          %dma_wait3A_201 = tpu.memref_slice %arg10[%dma_wait3A_191] : memref<2x!tpu.dma_semaphore, #tpu.memory_space<semaphore_mem>> -> memref<1x!tpu.dma_semaphore, #tpu.memory_space<semaphore_mem>>
          %dma_wait3A_202 = tpu.memref_squeeze %dma_wait3A_201 : memref<1x!tpu.dma_semaphore, #tpu.memory_space<semaphore_mem>> -> memref<!tpu.dma_semaphore, #tpu.memory_space<semaphore_mem>>
          tpu.wait_indirect_dma semaphore(%dma_wait3A_202 : memref<!tpu.dma_semaphore, #tpu.memory_space<semaphore_mem>>) src(%dma_wait3A_200 : memref<16384x256xf32, #tpu.memory_space<hbm>>) dst(%dma_wait3A_195 : memref<128x256xf32, #tpu.memory_space<vmem>>)
          %dma_start3A_203 = arith.constant 0 : i32
          %dma_start3A_204 = arith.constant 2 : i32
          %dma_start3A_205 = arith.constant 0 : i32
          %dma_start3A_206 = arith.constant 0 : i32
          %dma_start3A_207 = arith.constant 0 : i32
          %dma_start3A_208 = tpu.memref_slice %run_scoped3A_11[%dma_start3A_203, %dma_start3A_206, %dma_start3A_207] : memref<2x128x256xf32, #tpu.memory_space<vmem>> -> memref<1x128x256xf32, #tpu.memory_space<vmem>>
          %dma_start3A_209 = tpu.memref_squeeze %dma_start3A_208 : memref<1x128x256xf32, #tpu.memory_space<vmem>> -> memref<128x256xf32, #tpu.memory_space<vmem>>
          %dma_start3A_210 = arith.constant 0 : i32
          %dma_start3A_211 = tpu.memref_slice %run_scoped3A_10[%dma_start3A_204, %dma_start3A_210] : memref<9x128xi32, #tpu.memory_space<vmem>> -> memref<1x128xi32, #tpu.memory_space<vmem>>
          %dma_start3A_212 = tpu.memref_squeeze %dma_start3A_211 : memref<1x128xi32, #tpu.memory_space<vmem>> -> memref<128xi32, #tpu.memory_space<vmem>>
          %dma_start3A_213 = arith.constant 0 : i32
          %dma_start3A_214 = arith.constant 0 : i32
          %dma_start3A_215 = tpu.memref_slice %arg5[%dma_start3A_213, %dma_start3A_214] : memref<100000x256xf32, #tpu.memory_space<hbm>> -> memref<100000x256xf32, #tpu.memory_space<hbm>>
          %dma_start3A_216 = tpu.memref_slice %arg11[%dma_start3A_205] : memref<2x!tpu.dma_semaphore, #tpu.memory_space<semaphore_mem>> -> memref<1x!tpu.dma_semaphore, #tpu.memory_space<semaphore_mem>>
          %dma_start3A_217 = tpu.memref_squeeze %dma_start3A_216 : memref<1x!tpu.dma_semaphore, #tpu.memory_space<semaphore_mem>> -> memref<!tpu.dma_semaphore, #tpu.memory_space<semaphore_mem>>
          tpu.enqueue_indirect_dma source(%dma_start3A_209 : memref<128x256xf32, #tpu.memory_space<vmem>>) target(%dma_start3A_215 : memref<100000x256xf32, #tpu.memory_space<hbm>>) offsets(%dma_start3A_212 : memref<128xi32, #tpu.memory_space<vmem>>) semaphore(%dma_start3A_217 : memref<!tpu.dma_semaphore, #tpu.memory_space<semaphore_mem>>)
        } else {
        }
        %gt3A_64 = arith.constant 384 : i32
        %gt3A_65 = arith.cmpi sgt, %scan3A_18, %gt3A_64 : i32
        %convert_element_type3A_66 = arith.extui %gt3A_65 : i1 to i32
        %cond3A_67 = arith.constant 0 : i32
        %cond3A_68 = arith.cmpi ne, %convert_element_type3A_66, %cond3A_67 : i32
        scf.if %cond3A_68 {
          %dma_wait3A = arith.constant 1 : i32
          %dma_wait3A_164 = arith.constant 1 : i32
          %dma_wait3A_165 = arith.constant 1 : i32
          %dma_wait3A_166 = arith.constant 0 : i32
          %dma_wait3A_167 = arith.constant 0 : i32
          %dma_wait3A_168 = tpu.memref_slice %run_scoped3A_11[%dma_wait3A, %dma_wait3A_166, %dma_wait3A_167] : memref<2x128x256xf32, #tpu.memory_space<vmem>> -> memref<1x128x256xf32, #tpu.memory_space<vmem>>
          %dma_wait3A_169 = tpu.memref_squeeze %dma_wait3A_168 : memref<1x128x256xf32, #tpu.memory_space<vmem>> -> memref<128x256xf32, #tpu.memory_space<vmem>>
          %dma_wait3A_170 = arith.constant 0 : i32
          %dma_wait3A_171 = tpu.memref_slice %run_scoped3A_10[%dma_wait3A_164, %dma_wait3A_170] : memref<9x128xi32, #tpu.memory_space<vmem>> -> memref<1x128xi32, #tpu.memory_space<vmem>>
          %dma_wait3A_172 = tpu.memref_squeeze %dma_wait3A_171 : memref<1x128xi32, #tpu.memory_space<vmem>> -> memref<128xi32, #tpu.memory_space<vmem>>
          %dma_wait3A_173 = arith.constant 0 : i32
          %dma_wait3A_174 = arith.constant 0 : i32
          %dma_wait3A_175 = tpu.memref_slice %arg5[%dma_wait3A_173, %dma_wait3A_174] : memref<100000x256xf32, #tpu.memory_space<hbm>> -> memref<100000x256xf32, #tpu.memory_space<hbm>>
          %dma_wait3A_176 = tpu.memref_slice %arg11[%dma_wait3A_165] : memref<2x!tpu.dma_semaphore, #tpu.memory_space<semaphore_mem>> -> memref<1x!tpu.dma_semaphore, #tpu.memory_space<semaphore_mem>>
          %dma_wait3A_177 = tpu.memref_squeeze %dma_wait3A_176 : memref<1x!tpu.dma_semaphore, #tpu.memory_space<semaphore_mem>> -> memref<!tpu.dma_semaphore, #tpu.memory_space<semaphore_mem>>
          tpu.wait_indirect_dma semaphore(%dma_wait3A_177 : memref<!tpu.dma_semaphore, #tpu.memory_space<semaphore_mem>>) src(%dma_wait3A_169 : memref<128x256xf32, #tpu.memory_space<vmem>>) dst(%dma_wait3A_175 : memref<100000x256xf32, #tpu.memory_space<hbm>>)
          %dma_start3A = arith.constant 1 : i32
          %dma_start3A_178 = arith.constant 1 : i32
          %dma_start3A_179 = arith.constant 0 : i32
          %dma_start3A_180 = arith.constant 0 : i32
          %dma_start3A_181 = tpu.memref_slice %run_scoped3A_11[%dma_start3A, %dma_start3A_179, %dma_start3A_180] : memref<2x128x256xf32, #tpu.memory_space<vmem>> -> memref<1x128x256xf32, #tpu.memory_space<vmem>>
          %dma_start3A_182 = tpu.memref_squeeze %dma_start3A_181 : memref<1x128x256xf32, #tpu.memory_space<vmem>> -> memref<128x256xf32, #tpu.memory_space<vmem>>
          %dma_start3A_183 = arith.constant 384 : i32
          %dma_start3A_184 = tpu.memref_slice %run_scoped3A_9[%dma_start3A_183] : memref<1152xi32, #tpu.memory_space<vmem>> -> memref<128xi32, #tpu.memory_space<vmem>>
          %dma_start3A_185 = arith.constant 0 : i32
          %dma_start3A_186 = arith.constant 0 : i32
          %dma_start3A_187 = tpu.memref_slice %arg3[%dma_start3A_185, %dma_start3A_186] : memref<16384x256xf32, #tpu.memory_space<hbm>> -> memref<16384x256xf32, #tpu.memory_space<hbm>>
          %dma_start3A_188 = tpu.memref_slice %arg10[%dma_start3A_178] : memref<2x!tpu.dma_semaphore, #tpu.memory_space<semaphore_mem>> -> memref<1x!tpu.dma_semaphore, #tpu.memory_space<semaphore_mem>>
          %dma_start3A_189 = tpu.memref_squeeze %dma_start3A_188 : memref<1x!tpu.dma_semaphore, #tpu.memory_space<semaphore_mem>> -> memref<!tpu.dma_semaphore, #tpu.memory_space<semaphore_mem>>
          tpu.enqueue_indirect_dma source(%dma_start3A_187 : memref<16384x256xf32, #tpu.memory_space<hbm>>) target(%dma_start3A_182 : memref<128x256xf32, #tpu.memory_space<vmem>>) offsets(%dma_start3A_184 : memref<128xi32, #tpu.memory_space<vmem>>) semaphore(%dma_start3A_189 : memref<!tpu.dma_semaphore, #tpu.memory_space<semaphore_mem>>)
          %dma_wait3A_190 = arith.constant 1 : i32
          %dma_wait3A_191 = arith.constant 1 : i32
          %dma_wait3A_192 = arith.constant 0 : i32
          %dma_wait3A_193 = arith.constant 0 : i32
          %dma_wait3A_194 = tpu.memref_slice %run_scoped3A_11[%dma_wait3A_190, %dma_wait3A_192, %dma_wait3A_193] : memref<2x128x256xf32, #tpu.memory_space<vmem>> -> memref<1x128x256xf32, #tpu.memory_space<vmem>>
          %dma_wait3A_195 = tpu.memref_squeeze %dma_wait3A_194 : memref<1x128x256xf32, #tpu.memory_space<vmem>> -> memref<128x256xf32, #tpu.memory_space<vmem>>
          %dma_wait3A_196 = arith.constant 384 : i32
          %dma_wait3A_197 = tpu.memref_slice %run_scoped3A_9[%dma_wait3A_196] : memref<1152xi32, #tpu.memory_space<vmem>> -> memref<128xi32, #tpu.memory_space<vmem>>
          %dma_wait3A_198 = arith.constant 0 : i32
          %dma_wait3A_199 = arith.constant 0 : i32
          %dma_wait3A_200 = tpu.memref_slice %arg3[%dma_wait3A_198, %dma_wait3A_199] : memref<16384x256xf32, #tpu.memory_space<hbm>> -> memref<16384x256xf32, #tpu.memory_space<hbm>>
          %dma_wait3A_201 = tpu.memref_slice %arg10[%dma_wait3A_191] : memref<2x!tpu.dma_semaphore, #tpu.memory_space<semaphore_mem>> -> memref<1x!tpu.dma_semaphore, #tpu.memory_space<semaphore_mem>>
          %dma_wait3A_202 = tpu.memref_squeeze %dma_wait3A_201 : memref<1x!tpu.dma_semaphore, #tpu.memory_space<semaphore_mem>> -> memref<!tpu.dma_semaphore, #tpu.memory_space<semaphore_mem>>
          tpu.wait_indirect_dma semaphore(%dma_wait3A_202 : memref<!tpu.dma_semaphore, #tpu.memory_space<semaphore_mem>>) src(%dma_wait3A_200 : memref<16384x256xf32, #tpu.memory_space<hbm>>) dst(%dma_wait3A_195 : memref<128x256xf32, #tpu.memory_space<vmem>>)
          %dma_start3A_203 = arith.constant 1 : i32
          %dma_start3A_204 = arith.constant 3 : i32
          %dma_start3A_205 = arith.constant 1 : i32
          %dma_start3A_206 = arith.constant 0 : i32
          %dma_start3A_207 = arith.constant 0 : i32
          %dma_start3A_208 = tpu.memref_slice %run_scoped3A_11[%dma_start3A_203, %dma_start3A_206, %dma_start3A_207] : memref<2x128x256xf32, #tpu.memory_space<vmem>> -> memref<1x128x256xf32, #tpu.memory_space<vmem>>
          %dma_start3A_209 = tpu.memref_squeeze %dma_start3A_208 : memref<1x128x256xf32, #tpu.memory_space<vmem>> -> memref<128x256xf32, #tpu.memory_space<vmem>>
          %dma_start3A_210 = arith.constant 0 : i32
          %dma_start3A_211 = tpu.memref_slice %run_scoped3A_10[%dma_start3A_204, %dma_start3A_210] : memref<9x128xi32, #tpu.memory_space<vmem>> -> memref<1x128xi32, #tpu.memory_space<vmem>>
          %dma_start3A_212 = tpu.memref_squeeze %dma_start3A_211 : memref<1x128xi32, #tpu.memory_space<vmem>> -> memref<128xi32, #tpu.memory_space<vmem>>
          %dma_start3A_213 = arith.constant 0 : i32
          %dma_start3A_214 = arith.constant 0 : i32
          %dma_start3A_215 = tpu.memref_slice %arg5[%dma_start3A_213, %dma_start3A_214] : memref<100000x256xf32, #tpu.memory_space<hbm>> -> memref<100000x256xf32, #tpu.memory_space<hbm>>
          %dma_start3A_216 = tpu.memref_slice %arg11[%dma_start3A_205] : memref<2x!tpu.dma_semaphore, #tpu.memory_space<semaphore_mem>> -> memref<1x!tpu.dma_semaphore, #tpu.memory_space<semaphore_mem>>
          %dma_start3A_217 = tpu.memref_squeeze %dma_start3A_216 : memref<1x!tpu.dma_semaphore, #tpu.memory_space<semaphore_mem>> -> memref<!tpu.dma_semaphore, #tpu.memory_space<semaphore_mem>>
          tpu.enqueue_indirect_dma source(%dma_start3A_209 : memref<128x256xf32, #tpu.memory_space<vmem>>) target(%dma_start3A_215 : memref<100000x256xf32, #tpu.memory_space<hbm>>) offsets(%dma_start3A_212 : memref<128xi32, #tpu.memory_space<vmem>>) semaphore(%dma_start3A_217 : memref<!tpu.dma_semaphore, #tpu.memory_space<semaphore_mem>>)
        } else {
        }
        %gt3A_69 = arith.constant 512 : i32
        %gt3A_70 = arith.cmpi sgt, %scan3A_18, %gt3A_69 : i32
        %convert_element_type3A_71 = arith.extui %gt3A_70 : i1 to i32
        %cond3A_72 = arith.constant 0 : i32
        %cond3A_73 = arith.cmpi ne, %convert_element_type3A_71, %cond3A_72 : i32
        scf.if %cond3A_73 {
          %dma_wait3A = arith.constant 0 : i32
          %dma_wait3A_164 = arith.constant 2 : i32
          %dma_wait3A_165 = arith.constant 0 : i32
          %dma_wait3A_166 = arith.constant 0 : i32
          %dma_wait3A_167 = arith.constant 0 : i32
          %dma_wait3A_168 = tpu.memref_slice %run_scoped3A_11[%dma_wait3A, %dma_wait3A_166, %dma_wait3A_167] : memref<2x128x256xf32, #tpu.memory_space<vmem>> -> memref<1x128x256xf32, #tpu.memory_space<vmem>>
          %dma_wait3A_169 = tpu.memref_squeeze %dma_wait3A_168 : memref<1x128x256xf32, #tpu.memory_space<vmem>> -> memref<128x256xf32, #tpu.memory_space<vmem>>
          %dma_wait3A_170 = arith.constant 0 : i32
          %dma_wait3A_171 = tpu.memref_slice %run_scoped3A_10[%dma_wait3A_164, %dma_wait3A_170] : memref<9x128xi32, #tpu.memory_space<vmem>> -> memref<1x128xi32, #tpu.memory_space<vmem>>
          %dma_wait3A_172 = tpu.memref_squeeze %dma_wait3A_171 : memref<1x128xi32, #tpu.memory_space<vmem>> -> memref<128xi32, #tpu.memory_space<vmem>>
          %dma_wait3A_173 = arith.constant 0 : i32
          %dma_wait3A_174 = arith.constant 0 : i32
          %dma_wait3A_175 = tpu.memref_slice %arg5[%dma_wait3A_173, %dma_wait3A_174] : memref<100000x256xf32, #tpu.memory_space<hbm>> -> memref<100000x256xf32, #tpu.memory_space<hbm>>
          %dma_wait3A_176 = tpu.memref_slice %arg11[%dma_wait3A_165] : memref<2x!tpu.dma_semaphore, #tpu.memory_space<semaphore_mem>> -> memref<1x!tpu.dma_semaphore, #tpu.memory_space<semaphore_mem>>
          %dma_wait3A_177 = tpu.memref_squeeze %dma_wait3A_176 : memref<1x!tpu.dma_semaphore, #tpu.memory_space<semaphore_mem>> -> memref<!tpu.dma_semaphore, #tpu.memory_space<semaphore_mem>>
          tpu.wait_indirect_dma semaphore(%dma_wait3A_177 : memref<!tpu.dma_semaphore, #tpu.memory_space<semaphore_mem>>) src(%dma_wait3A_169 : memref<128x256xf32, #tpu.memory_space<vmem>>) dst(%dma_wait3A_175 : memref<100000x256xf32, #tpu.memory_space<hbm>>)
          %dma_start3A = arith.constant 0 : i32
          %dma_start3A_178 = arith.constant 0 : i32
          %dma_start3A_179 = arith.constant 0 : i32
          %dma_start3A_180 = arith.constant 0 : i32
          %dma_start3A_181 = tpu.memref_slice %run_scoped3A_11[%dma_start3A, %dma_start3A_179, %dma_start3A_180] : memref<2x128x256xf32, #tpu.memory_space<vmem>> -> memref<1x128x256xf32, #tpu.memory_space<vmem>>
          %dma_start3A_182 = tpu.memref_squeeze %dma_start3A_181 : memref<1x128x256xf32, #tpu.memory_space<vmem>> -> memref<128x256xf32, #tpu.memory_space<vmem>>
          %dma_start3A_183 = arith.constant 512 : i32
          %dma_start3A_184 = tpu.memref_slice %run_scoped3A_9[%dma_start3A_183] : memref<1152xi32, #tpu.memory_space<vmem>> -> memref<128xi32, #tpu.memory_space<vmem>>
          %dma_start3A_185 = arith.constant 0 : i32
          %dma_start3A_186 = arith.constant 0 : i32
          %dma_start3A_187 = tpu.memref_slice %arg3[%dma_start3A_185, %dma_start3A_186] : memref<16384x256xf32, #tpu.memory_space<hbm>> -> memref<16384x256xf32, #tpu.memory_space<hbm>>
          %dma_start3A_188 = tpu.memref_slice %arg10[%dma_start3A_178] : memref<2x!tpu.dma_semaphore, #tpu.memory_space<semaphore_mem>> -> memref<1x!tpu.dma_semaphore, #tpu.memory_space<semaphore_mem>>
          %dma_start3A_189 = tpu.memref_squeeze %dma_start3A_188 : memref<1x!tpu.dma_semaphore, #tpu.memory_space<semaphore_mem>> -> memref<!tpu.dma_semaphore, #tpu.memory_space<semaphore_mem>>
          tpu.enqueue_indirect_dma source(%dma_start3A_187 : memref<16384x256xf32, #tpu.memory_space<hbm>>) target(%dma_start3A_182 : memref<128x256xf32, #tpu.memory_space<vmem>>) offsets(%dma_start3A_184 : memref<128xi32, #tpu.memory_space<vmem>>) semaphore(%dma_start3A_189 : memref<!tpu.dma_semaphore, #tpu.memory_space<semaphore_mem>>)
          %dma_wait3A_190 = arith.constant 0 : i32
          %dma_wait3A_191 = arith.constant 0 : i32
          %dma_wait3A_192 = arith.constant 0 : i32
          %dma_wait3A_193 = arith.constant 0 : i32
          %dma_wait3A_194 = tpu.memref_slice %run_scoped3A_11[%dma_wait3A_190, %dma_wait3A_192, %dma_wait3A_193] : memref<2x128x256xf32, #tpu.memory_space<vmem>> -> memref<1x128x256xf32, #tpu.memory_space<vmem>>
          %dma_wait3A_195 = tpu.memref_squeeze %dma_wait3A_194 : memref<1x128x256xf32, #tpu.memory_space<vmem>> -> memref<128x256xf32, #tpu.memory_space<vmem>>
          %dma_wait3A_196 = arith.constant 512 : i32
          %dma_wait3A_197 = tpu.memref_slice %run_scoped3A_9[%dma_wait3A_196] : memref<1152xi32, #tpu.memory_space<vmem>> -> memref<128xi32, #tpu.memory_space<vmem>>
          %dma_wait3A_198 = arith.constant 0 : i32
          %dma_wait3A_199 = arith.constant 0 : i32
          %dma_wait3A_200 = tpu.memref_slice %arg3[%dma_wait3A_198, %dma_wait3A_199] : memref<16384x256xf32, #tpu.memory_space<hbm>> -> memref<16384x256xf32, #tpu.memory_space<hbm>>
          %dma_wait3A_201 = tpu.memref_slice %arg10[%dma_wait3A_191] : memref<2x!tpu.dma_semaphore, #tpu.memory_space<semaphore_mem>> -> memref<1x!tpu.dma_semaphore, #tpu.memory_space<semaphore_mem>>
          %dma_wait3A_202 = tpu.memref_squeeze %dma_wait3A_201 : memref<1x!tpu.dma_semaphore, #tpu.memory_space<semaphore_mem>> -> memref<!tpu.dma_semaphore, #tpu.memory_space<semaphore_mem>>
          tpu.wait_indirect_dma semaphore(%dma_wait3A_202 : memref<!tpu.dma_semaphore, #tpu.memory_space<semaphore_mem>>) src(%dma_wait3A_200 : memref<16384x256xf32, #tpu.memory_space<hbm>>) dst(%dma_wait3A_195 : memref<128x256xf32, #tpu.memory_space<vmem>>)
          %dma_start3A_203 = arith.constant 0 : i32
          %dma_start3A_204 = arith.constant 4 : i32
          %dma_start3A_205 = arith.constant 0 : i32
          %dma_start3A_206 = arith.constant 0 : i32
          %dma_start3A_207 = arith.constant 0 : i32
          %dma_start3A_208 = tpu.memref_slice %run_scoped3A_11[%dma_start3A_203, %dma_start3A_206, %dma_start3A_207] : memref<2x128x256xf32, #tpu.memory_space<vmem>> -> memref<1x128x256xf32, #tpu.memory_space<vmem>>
          %dma_start3A_209 = tpu.memref_squeeze %dma_start3A_208 : memref<1x128x256xf32, #tpu.memory_space<vmem>> -> memref<128x256xf32, #tpu.memory_space<vmem>>
          %dma_start3A_210 = arith.constant 0 : i32
          %dma_start3A_211 = tpu.memref_slice %run_scoped3A_10[%dma_start3A_204, %dma_start3A_210] : memref<9x128xi32, #tpu.memory_space<vmem>> -> memref<1x128xi32, #tpu.memory_space<vmem>>
          %dma_start3A_212 = tpu.memref_squeeze %dma_start3A_211 : memref<1x128xi32, #tpu.memory_space<vmem>> -> memref<128xi32, #tpu.memory_space<vmem>>
          %dma_start3A_213 = arith.constant 0 : i32
          %dma_start3A_214 = arith.constant 0 : i32
          %dma_start3A_215 = tpu.memref_slice %arg5[%dma_start3A_213, %dma_start3A_214] : memref<100000x256xf32, #tpu.memory_space<hbm>> -> memref<100000x256xf32, #tpu.memory_space<hbm>>
          %dma_start3A_216 = tpu.memref_slice %arg11[%dma_start3A_205] : memref<2x!tpu.dma_semaphore, #tpu.memory_space<semaphore_mem>> -> memref<1x!tpu.dma_semaphore, #tpu.memory_space<semaphore_mem>>
          %dma_start3A_217 = tpu.memref_squeeze %dma_start3A_216 : memref<1x!tpu.dma_semaphore, #tpu.memory_space<semaphore_mem>> -> memref<!tpu.dma_semaphore, #tpu.memory_space<semaphore_mem>>
          tpu.enqueue_indirect_dma source(%dma_start3A_209 : memref<128x256xf32, #tpu.memory_space<vmem>>) target(%dma_start3A_215 : memref<100000x256xf32, #tpu.memory_space<hbm>>) offsets(%dma_start3A_212 : memref<128xi32, #tpu.memory_space<vmem>>) semaphore(%dma_start3A_217 : memref<!tpu.dma_semaphore, #tpu.memory_space<semaphore_mem>>)
        } else {
        }
        %gt3A_74 = arith.constant 640 : i32
        %gt3A_75 = arith.cmpi sgt, %scan3A_18, %gt3A_74 : i32
        %convert_element_type3A_76 = arith.extui %gt3A_75 : i1 to i32
        %cond3A_77 = arith.constant 0 : i32
        %cond3A_78 = arith.cmpi ne, %convert_element_type3A_76, %cond3A_77 : i32
        scf.if %cond3A_78 {
          %dma_wait3A = arith.constant 1 : i32
          %dma_wait3A_164 = arith.constant 3 : i32
          %dma_wait3A_165 = arith.constant 1 : i32
          %dma_wait3A_166 = arith.constant 0 : i32
          %dma_wait3A_167 = arith.constant 0 : i32
          %dma_wait3A_168 = tpu.memref_slice %run_scoped3A_11[%dma_wait3A, %dma_wait3A_166, %dma_wait3A_167] : memref<2x128x256xf32, #tpu.memory_space<vmem>> -> memref<1x128x256xf32, #tpu.memory_space<vmem>>
          %dma_wait3A_169 = tpu.memref_squeeze %dma_wait3A_168 : memref<1x128x256xf32, #tpu.memory_space<vmem>> -> memref<128x256xf32, #tpu.memory_space<vmem>>
          %dma_wait3A_170 = arith.constant 0 : i32
          %dma_wait3A_171 = tpu.memref_slice %run_scoped3A_10[%dma_wait3A_164, %dma_wait3A_170] : memref<9x128xi32, #tpu.memory_space<vmem>> -> memref<1x128xi32, #tpu.memory_space<vmem>>
          %dma_wait3A_172 = tpu.memref_squeeze %dma_wait3A_171 : memref<1x128xi32, #tpu.memory_space<vmem>> -> memref<128xi32, #tpu.memory_space<vmem>>
          %dma_wait3A_173 = arith.constant 0 : i32
          %dma_wait3A_174 = arith.constant 0 : i32
          %dma_wait3A_175 = tpu.memref_slice %arg5[%dma_wait3A_173, %dma_wait3A_174] : memref<100000x256xf32, #tpu.memory_space<hbm>> -> memref<100000x256xf32, #tpu.memory_space<hbm>>
          %dma_wait3A_176 = tpu.memref_slice %arg11[%dma_wait3A_165] : memref<2x!tpu.dma_semaphore, #tpu.memory_space<semaphore_mem>> -> memref<1x!tpu.dma_semaphore, #tpu.memory_space<semaphore_mem>>
          %dma_wait3A_177 = tpu.memref_squeeze %dma_wait3A_176 : memref<1x!tpu.dma_semaphore, #tpu.memory_space<semaphore_mem>> -> memref<!tpu.dma_semaphore, #tpu.memory_space<semaphore_mem>>
          tpu.wait_indirect_dma semaphore(%dma_wait3A_177 : memref<!tpu.dma_semaphore, #tpu.memory_space<semaphore_mem>>) src(%dma_wait3A_169 : memref<128x256xf32, #tpu.memory_space<vmem>>) dst(%dma_wait3A_175 : memref<100000x256xf32, #tpu.memory_space<hbm>>)
          %dma_start3A = arith.constant 1 : i32
          %dma_start3A_178 = arith.constant 1 : i32
          %dma_start3A_179 = arith.constant 0 : i32
          %dma_start3A_180 = arith.constant 0 : i32
          %dma_start3A_181 = tpu.memref_slice %run_scoped3A_11[%dma_start3A, %dma_start3A_179, %dma_start3A_180] : memref<2x128x256xf32, #tpu.memory_space<vmem>> -> memref<1x128x256xf32, #tpu.memory_space<vmem>>
          %dma_start3A_182 = tpu.memref_squeeze %dma_start3A_181 : memref<1x128x256xf32, #tpu.memory_space<vmem>> -> memref<128x256xf32, #tpu.memory_space<vmem>>
          %dma_start3A_183 = arith.constant 640 : i32
          %dma_start3A_184 = tpu.memref_slice %run_scoped3A_9[%dma_start3A_183] : memref<1152xi32, #tpu.memory_space<vmem>> -> memref<128xi32, #tpu.memory_space<vmem>>
          %dma_start3A_185 = arith.constant 0 : i32
          %dma_start3A_186 = arith.constant 0 : i32
          %dma_start3A_187 = tpu.memref_slice %arg3[%dma_start3A_185, %dma_start3A_186] : memref<16384x256xf32, #tpu.memory_space<hbm>> -> memref<16384x256xf32, #tpu.memory_space<hbm>>
          %dma_start3A_188 = tpu.memref_slice %arg10[%dma_start3A_178] : memref<2x!tpu.dma_semaphore, #tpu.memory_space<semaphore_mem>> -> memref<1x!tpu.dma_semaphore, #tpu.memory_space<semaphore_mem>>
          %dma_start3A_189 = tpu.memref_squeeze %dma_start3A_188 : memref<1x!tpu.dma_semaphore, #tpu.memory_space<semaphore_mem>> -> memref<!tpu.dma_semaphore, #tpu.memory_space<semaphore_mem>>
          tpu.enqueue_indirect_dma source(%dma_start3A_187 : memref<16384x256xf32, #tpu.memory_space<hbm>>) target(%dma_start3A_182 : memref<128x256xf32, #tpu.memory_space<vmem>>) offsets(%dma_start3A_184 : memref<128xi32, #tpu.memory_space<vmem>>) semaphore(%dma_start3A_189 : memref<!tpu.dma_semaphore, #tpu.memory_space<semaphore_mem>>)
          %dma_wait3A_190 = arith.constant 1 : i32
          %dma_wait3A_191 = arith.constant 1 : i32
          %dma_wait3A_192 = arith.constant 0 : i32
          %dma_wait3A_193 = arith.constant 0 : i32
          %dma_wait3A_194 = tpu.memref_slice %run_scoped3A_11[%dma_wait3A_190, %dma_wait3A_192, %dma_wait3A_193] : memref<2x128x256xf32, #tpu.memory_space<vmem>> -> memref<1x128x256xf32, #tpu.memory_space<vmem>>
          %dma_wait3A_195 = tpu.memref_squeeze %dma_wait3A_194 : memref<1x128x256xf32, #tpu.memory_space<vmem>> -> memref<128x256xf32, #tpu.memory_space<vmem>>
          %dma_wait3A_196 = arith.constant 640 : i32
          %dma_wait3A_197 = tpu.memref_slice %run_scoped3A_9[%dma_wait3A_196] : memref<1152xi32, #tpu.memory_space<vmem>> -> memref<128xi32, #tpu.memory_space<vmem>>
          %dma_wait3A_198 = arith.constant 0 : i32
          %dma_wait3A_199 = arith.constant 0 : i32
          %dma_wait3A_200 = tpu.memref_slice %arg3[%dma_wait3A_198, %dma_wait3A_199] : memref<16384x256xf32, #tpu.memory_space<hbm>> -> memref<16384x256xf32, #tpu.memory_space<hbm>>
          %dma_wait3A_201 = tpu.memref_slice %arg10[%dma_wait3A_191] : memref<2x!tpu.dma_semaphore, #tpu.memory_space<semaphore_mem>> -> memref<1x!tpu.dma_semaphore, #tpu.memory_space<semaphore_mem>>
          %dma_wait3A_202 = tpu.memref_squeeze %dma_wait3A_201 : memref<1x!tpu.dma_semaphore, #tpu.memory_space<semaphore_mem>> -> memref<!tpu.dma_semaphore, #tpu.memory_space<semaphore_mem>>
          tpu.wait_indirect_dma semaphore(%dma_wait3A_202 : memref<!tpu.dma_semaphore, #tpu.memory_space<semaphore_mem>>) src(%dma_wait3A_200 : memref<16384x256xf32, #tpu.memory_space<hbm>>) dst(%dma_wait3A_195 : memref<128x256xf32, #tpu.memory_space<vmem>>)
          %dma_start3A_203 = arith.constant 1 : i32
          %dma_start3A_204 = arith.constant 5 : i32
          %dma_start3A_205 = arith.constant 1 : i32
          %dma_start3A_206 = arith.constant 0 : i32
          %dma_start3A_207 = arith.constant 0 : i32
          %dma_start3A_208 = tpu.memref_slice %run_scoped3A_11[%dma_start3A_203, %dma_start3A_206, %dma_start3A_207] : memref<2x128x256xf32, #tpu.memory_space<vmem>> -> memref<1x128x256xf32, #tpu.memory_space<vmem>>
          %dma_start3A_209 = tpu.memref_squeeze %dma_start3A_208 : memref<1x128x256xf32, #tpu.memory_space<vmem>> -> memref<128x256xf32, #tpu.memory_space<vmem>>
          %dma_start3A_210 = arith.constant 0 : i32
          %dma_start3A_211 = tpu.memref_slice %run_scoped3A_10[%dma_start3A_204, %dma_start3A_210] : memref<9x128xi32, #tpu.memory_space<vmem>> -> memref<1x128xi32, #tpu.memory_space<vmem>>
          %dma_start3A_212 = tpu.memref_squeeze %dma_start3A_211 : memref<1x128xi32, #tpu.memory_space<vmem>> -> memref<128xi32, #tpu.memory_space<vmem>>
          %dma_start3A_213 = arith.constant 0 : i32
          %dma_start3A_214 = arith.constant 0 : i32
          %dma_start3A_215 = tpu.memref_slice %arg5[%dma_start3A_213, %dma_start3A_214] : memref<100000x256xf32, #tpu.memory_space<hbm>> -> memref<100000x256xf32, #tpu.memory_space<hbm>>
          %dma_start3A_216 = tpu.memref_slice %arg11[%dma_start3A_205] : memref<2x!tpu.dma_semaphore, #tpu.memory_space<semaphore_mem>> -> memref<1x!tpu.dma_semaphore, #tpu.memory_space<semaphore_mem>>
          %dma_start3A_217 = tpu.memref_squeeze %dma_start3A_216 : memref<1x!tpu.dma_semaphore, #tpu.memory_space<semaphore_mem>> -> memref<!tpu.dma_semaphore, #tpu.memory_space<semaphore_mem>>
          tpu.enqueue_indirect_dma source(%dma_start3A_209 : memref<128x256xf32, #tpu.memory_space<vmem>>) target(%dma_start3A_215 : memref<100000x256xf32, #tpu.memory_space<hbm>>) offsets(%dma_start3A_212 : memref<128xi32, #tpu.memory_space<vmem>>) semaphore(%dma_start3A_217 : memref<!tpu.dma_semaphore, #tpu.memory_space<semaphore_mem>>)
        } else {
        }
        %gt3A_79 = arith.constant 768 : i32
        %gt3A_80 = arith.cmpi sgt, %scan3A_18, %gt3A_79 : i32
        %convert_element_type3A_81 = arith.extui %gt3A_80 : i1 to i32
        %cond3A_82 = arith.constant 0 : i32
        %cond3A_83 = arith.cmpi ne, %convert_element_type3A_81, %cond3A_82 : i32
        scf.if %cond3A_83 {
          %dma_wait3A = arith.constant 0 : i32
          %dma_wait3A_164 = arith.constant 4 : i32
          %dma_wait3A_165 = arith.constant 0 : i32
          %dma_wait3A_166 = arith.constant 0 : i32
          %dma_wait3A_167 = arith.constant 0 : i32
          %dma_wait3A_168 = tpu.memref_slice %run_scoped3A_11[%dma_wait3A, %dma_wait3A_166, %dma_wait3A_167] : memref<2x128x256xf32, #tpu.memory_space<vmem>> -> memref<1x128x256xf32, #tpu.memory_space<vmem>>
          %dma_wait3A_169 = tpu.memref_squeeze %dma_wait3A_168 : memref<1x128x256xf32, #tpu.memory_space<vmem>> -> memref<128x256xf32, #tpu.memory_space<vmem>>
          %dma_wait3A_170 = arith.constant 0 : i32
          %dma_wait3A_171 = tpu.memref_slice %run_scoped3A_10[%dma_wait3A_164, %dma_wait3A_170] : memref<9x128xi32, #tpu.memory_space<vmem>> -> memref<1x128xi32, #tpu.memory_space<vmem>>
          %dma_wait3A_172 = tpu.memref_squeeze %dma_wait3A_171 : memref<1x128xi32, #tpu.memory_space<vmem>> -> memref<128xi32, #tpu.memory_space<vmem>>
          %dma_wait3A_173 = arith.constant 0 : i32
          %dma_wait3A_174 = arith.constant 0 : i32
          %dma_wait3A_175 = tpu.memref_slice %arg5[%dma_wait3A_173, %dma_wait3A_174] : memref<100000x256xf32, #tpu.memory_space<hbm>> -> memref<100000x256xf32, #tpu.memory_space<hbm>>
          %dma_wait3A_176 = tpu.memref_slice %arg11[%dma_wait3A_165] : memref<2x!tpu.dma_semaphore, #tpu.memory_space<semaphore_mem>> -> memref<1x!tpu.dma_semaphore, #tpu.memory_space<semaphore_mem>>
          %dma_wait3A_177 = tpu.memref_squeeze %dma_wait3A_176 : memref<1x!tpu.dma_semaphore, #tpu.memory_space<semaphore_mem>> -> memref<!tpu.dma_semaphore, #tpu.memory_space<semaphore_mem>>
          tpu.wait_indirect_dma semaphore(%dma_wait3A_177 : memref<!tpu.dma_semaphore, #tpu.memory_space<semaphore_mem>>) src(%dma_wait3A_169 : memref<128x256xf32, #tpu.memory_space<vmem>>) dst(%dma_wait3A_175 : memref<100000x256xf32, #tpu.memory_space<hbm>>)
          %dma_start3A = arith.constant 0 : i32
          %dma_start3A_178 = arith.constant 0 : i32
          %dma_start3A_179 = arith.constant 0 : i32
          %dma_start3A_180 = arith.constant 0 : i32
          %dma_start3A_181 = tpu.memref_slice %run_scoped3A_11[%dma_start3A, %dma_start3A_179, %dma_start3A_180] : memref<2x128x256xf32, #tpu.memory_space<vmem>> -> memref<1x128x256xf32, #tpu.memory_space<vmem>>
          %dma_start3A_182 = tpu.memref_squeeze %dma_start3A_181 : memref<1x128x256xf32, #tpu.memory_space<vmem>> -> memref<128x256xf32, #tpu.memory_space<vmem>>
          %dma_start3A_183 = arith.constant 768 : i32
          %dma_start3A_184 = tpu.memref_slice %run_scoped3A_9[%dma_start3A_183] : memref<1152xi32, #tpu.memory_space<vmem>> -> memref<128xi32, #tpu.memory_space<vmem>>
          %dma_start3A_185 = arith.constant 0 : i32
          %dma_start3A_186 = arith.constant 0 : i32
          %dma_start3A_187 = tpu.memref_slice %arg3[%dma_start3A_185, %dma_start3A_186] : memref<16384x256xf32, #tpu.memory_space<hbm>> -> memref<16384x256xf32, #tpu.memory_space<hbm>>
          %dma_start3A_188 = tpu.memref_slice %arg10[%dma_start3A_178] : memref<2x!tpu.dma_semaphore, #tpu.memory_space<semaphore_mem>> -> memref<1x!tpu.dma_semaphore, #tpu.memory_space<semaphore_mem>>
          %dma_start3A_189 = tpu.memref_squeeze %dma_start3A_188 : memref<1x!tpu.dma_semaphore, #tpu.memory_space<semaphore_mem>> -> memref<!tpu.dma_semaphore, #tpu.memory_space<semaphore_mem>>
          tpu.enqueue_indirect_dma source(%dma_start3A_187 : memref<16384x256xf32, #tpu.memory_space<hbm>>) target(%dma_start3A_182 : memref<128x256xf32, #tpu.memory_space<vmem>>) offsets(%dma_start3A_184 : memref<128xi32, #tpu.memory_space<vmem>>) semaphore(%dma_start3A_189 : memref<!tpu.dma_semaphore, #tpu.memory_space<semaphore_mem>>)
          %dma_wait3A_190 = arith.constant 0 : i32
          %dma_wait3A_191 = arith.constant 0 : i32
          %dma_wait3A_192 = arith.constant 0 : i32
          %dma_wait3A_193 = arith.constant 0 : i32
          %dma_wait3A_194 = tpu.memref_slice %run_scoped3A_11[%dma_wait3A_190, %dma_wait3A_192, %dma_wait3A_193] : memref<2x128x256xf32, #tpu.memory_space<vmem>> -> memref<1x128x256xf32, #tpu.memory_space<vmem>>
          %dma_wait3A_195 = tpu.memref_squeeze %dma_wait3A_194 : memref<1x128x256xf32, #tpu.memory_space<vmem>> -> memref<128x256xf32, #tpu.memory_space<vmem>>
          %dma_wait3A_196 = arith.constant 768 : i32
          %dma_wait3A_197 = tpu.memref_slice %run_scoped3A_9[%dma_wait3A_196] : memref<1152xi32, #tpu.memory_space<vmem>> -> memref<128xi32, #tpu.memory_space<vmem>>
          %dma_wait3A_198 = arith.constant 0 : i32
          %dma_wait3A_199 = arith.constant 0 : i32
          %dma_wait3A_200 = tpu.memref_slice %arg3[%dma_wait3A_198, %dma_wait3A_199] : memref<16384x256xf32, #tpu.memory_space<hbm>> -> memref<16384x256xf32, #tpu.memory_space<hbm>>
          %dma_wait3A_201 = tpu.memref_slice %arg10[%dma_wait3A_191] : memref<2x!tpu.dma_semaphore, #tpu.memory_space<semaphore_mem>> -> memref<1x!tpu.dma_semaphore, #tpu.memory_space<semaphore_mem>>
          %dma_wait3A_202 = tpu.memref_squeeze %dma_wait3A_201 : memref<1x!tpu.dma_semaphore, #tpu.memory_space<semaphore_mem>> -> memref<!tpu.dma_semaphore, #tpu.memory_space<semaphore_mem>>
          tpu.wait_indirect_dma semaphore(%dma_wait3A_202 : memref<!tpu.dma_semaphore, #tpu.memory_space<semaphore_mem>>) src(%dma_wait3A_200 : memref<16384x256xf32, #tpu.memory_space<hbm>>) dst(%dma_wait3A_195 : memref<128x256xf32, #tpu.memory_space<vmem>>)
          %dma_start3A_203 = arith.constant 0 : i32
          %dma_start3A_204 = arith.constant 6 : i32
          %dma_start3A_205 = arith.constant 0 : i32
          %dma_start3A_206 = arith.constant 0 : i32
          %dma_start3A_207 = arith.constant 0 : i32
          %dma_start3A_208 = tpu.memref_slice %run_scoped3A_11[%dma_start3A_203, %dma_start3A_206, %dma_start3A_207] : memref<2x128x256xf32, #tpu.memory_space<vmem>> -> memref<1x128x256xf32, #tpu.memory_space<vmem>>
          %dma_start3A_209 = tpu.memref_squeeze %dma_start3A_208 : memref<1x128x256xf32, #tpu.memory_space<vmem>> -> memref<128x256xf32, #tpu.memory_space<vmem>>
          %dma_start3A_210 = arith.constant 0 : i32
          %dma_start3A_211 = tpu.memref_slice %run_scoped3A_10[%dma_start3A_204, %dma_start3A_210] : memref<9x128xi32, #tpu.memory_space<vmem>> -> memref<1x128xi32, #tpu.memory_space<vmem>>
          %dma_start3A_212 = tpu.memref_squeeze %dma_start3A_211 : memref<1x128xi32, #tpu.memory_space<vmem>> -> memref<128xi32, #tpu.memory_space<vmem>>
          %dma_start3A_213 = arith.constant 0 : i32
          %dma_start3A_214 = arith.constant 0 : i32
          %dma_start3A_215 = tpu.memref_slice %arg5[%dma_start3A_213, %dma_start3A_214] : memref<100000x256xf32, #tpu.memory_space<hbm>> -> memref<100000x256xf32, #tpu.memory_space<hbm>>
          %dma_start3A_216 = tpu.memref_slice %arg11[%dma_start3A_205] : memref<2x!tpu.dma_semaphore, #tpu.memory_space<semaphore_mem>> -> memref<1x!tpu.dma_semaphore, #tpu.memory_space<semaphore_mem>>
          %dma_start3A_217 = tpu.memref_squeeze %dma_start3A_216 : memref<1x!tpu.dma_semaphore, #tpu.memory_space<semaphore_mem>> -> memref<!tpu.dma_semaphore, #tpu.memory_space<semaphore_mem>>
          tpu.enqueue_indirect_dma source(%dma_start3A_209 : memref<128x256xf32, #tpu.memory_space<vmem>>) target(%dma_start3A_215 : memref<100000x256xf32, #tpu.memory_space<hbm>>) offsets(%dma_start3A_212 : memref<128xi32, #tpu.memory_space<vmem>>) semaphore(%dma_start3A_217 : memref<!tpu.dma_semaphore, #tpu.memory_space<semaphore_mem>>)
        } else {
        }
        %gt3A_84 = arith.constant 896 : i32
        %gt3A_85 = arith.cmpi sgt, %scan3A_18, %gt3A_84 : i32
        %convert_element_type3A_86 = arith.extui %gt3A_85 : i1 to i32
        %cond3A_87 = arith.constant 0 : i32
        %cond3A_88 = arith.cmpi ne, %convert_element_type3A_86, %cond3A_87 : i32
        scf.if %cond3A_88 {
          %dma_wait3A = arith.constant 1 : i32
          %dma_wait3A_164 = arith.constant 5 : i32
          %dma_wait3A_165 = arith.constant 1 : i32
          %dma_wait3A_166 = arith.constant 0 : i32
          %dma_wait3A_167 = arith.constant 0 : i32
          %dma_wait3A_168 = tpu.memref_slice %run_scoped3A_11[%dma_wait3A, %dma_wait3A_166, %dma_wait3A_167] : memref<2x128x256xf32, #tpu.memory_space<vmem>> -> memref<1x128x256xf32, #tpu.memory_space<vmem>>
          %dma_wait3A_169 = tpu.memref_squeeze %dma_wait3A_168 : memref<1x128x256xf32, #tpu.memory_space<vmem>> -> memref<128x256xf32, #tpu.memory_space<vmem>>
          %dma_wait3A_170 = arith.constant 0 : i32
          %dma_wait3A_171 = tpu.memref_slice %run_scoped3A_10[%dma_wait3A_164, %dma_wait3A_170] : memref<9x128xi32, #tpu.memory_space<vmem>> -> memref<1x128xi32, #tpu.memory_space<vmem>>
          %dma_wait3A_172 = tpu.memref_squeeze %dma_wait3A_171 : memref<1x128xi32, #tpu.memory_space<vmem>> -> memref<128xi32, #tpu.memory_space<vmem>>
          %dma_wait3A_173 = arith.constant 0 : i32
          %dma_wait3A_174 = arith.constant 0 : i32
          %dma_wait3A_175 = tpu.memref_slice %arg5[%dma_wait3A_173, %dma_wait3A_174] : memref<100000x256xf32, #tpu.memory_space<hbm>> -> memref<100000x256xf32, #tpu.memory_space<hbm>>
          %dma_wait3A_176 = tpu.memref_slice %arg11[%dma_wait3A_165] : memref<2x!tpu.dma_semaphore, #tpu.memory_space<semaphore_mem>> -> memref<1x!tpu.dma_semaphore, #tpu.memory_space<semaphore_mem>>
          %dma_wait3A_177 = tpu.memref_squeeze %dma_wait3A_176 : memref<1x!tpu.dma_semaphore, #tpu.memory_space<semaphore_mem>> -> memref<!tpu.dma_semaphore, #tpu.memory_space<semaphore_mem>>
          tpu.wait_indirect_dma semaphore(%dma_wait3A_177 : memref<!tpu.dma_semaphore, #tpu.memory_space<semaphore_mem>>) src(%dma_wait3A_169 : memref<128x256xf32, #tpu.memory_space<vmem>>) dst(%dma_wait3A_175 : memref<100000x256xf32, #tpu.memory_space<hbm>>)
          %dma_start3A = arith.constant 1 : i32
          %dma_start3A_178 = arith.constant 1 : i32
          %dma_start3A_179 = arith.constant 0 : i32
          %dma_start3A_180 = arith.constant 0 : i32
          %dma_start3A_181 = tpu.memref_slice %run_scoped3A_11[%dma_start3A, %dma_start3A_179, %dma_start3A_180] : memref<2x128x256xf32, #tpu.memory_space<vmem>> -> memref<1x128x256xf32, #tpu.memory_space<vmem>>
          %dma_start3A_182 = tpu.memref_squeeze %dma_start3A_181 : memref<1x128x256xf32, #tpu.memory_space<vmem>> -> memref<128x256xf32, #tpu.memory_space<vmem>>
          %dma_start3A_183 = arith.constant 896 : i32
          %dma_start3A_184 = tpu.memref_slice %run_scoped3A_9[%dma_start3A_183] : memref<1152xi32, #tpu.memory_space<vmem>> -> memref<128xi32, #tpu.memory_space<vmem>>
          %dma_start3A_185 = arith.constant 0 : i32
          %dma_start3A_186 = arith.constant 0 : i32
          %dma_start3A_187 = tpu.memref_slice %arg3[%dma_start3A_185, %dma_start3A_186] : memref<16384x256xf32, #tpu.memory_space<hbm>> -> memref<16384x256xf32, #tpu.memory_space<hbm>>
          %dma_start3A_188 = tpu.memref_slice %arg10[%dma_start3A_178] : memref<2x!tpu.dma_semaphore, #tpu.memory_space<semaphore_mem>> -> memref<1x!tpu.dma_semaphore, #tpu.memory_space<semaphore_mem>>
          %dma_start3A_189 = tpu.memref_squeeze %dma_start3A_188 : memref<1x!tpu.dma_semaphore, #tpu.memory_space<semaphore_mem>> -> memref<!tpu.dma_semaphore, #tpu.memory_space<semaphore_mem>>
          tpu.enqueue_indirect_dma source(%dma_start3A_187 : memref<16384x256xf32, #tpu.memory_space<hbm>>) target(%dma_start3A_182 : memref<128x256xf32, #tpu.memory_space<vmem>>) offsets(%dma_start3A_184 : memref<128xi32, #tpu.memory_space<vmem>>) semaphore(%dma_start3A_189 : memref<!tpu.dma_semaphore, #tpu.memory_space<semaphore_mem>>)
          %dma_wait3A_190 = arith.constant 1 : i32
          %dma_wait3A_191 = arith.constant 1 : i32
          %dma_wait3A_192 = arith.constant 0 : i32
          %dma_wait3A_193 = arith.constant 0 : i32
          %dma_wait3A_194 = tpu.memref_slice %run_scoped3A_11[%dma_wait3A_190, %dma_wait3A_192, %dma_wait3A_193] : memref<2x128x256xf32, #tpu.memory_space<vmem>> -> memref<1x128x256xf32, #tpu.memory_space<vmem>>
          %dma_wait3A_195 = tpu.memref_squeeze %dma_wait3A_194 : memref<1x128x256xf32, #tpu.memory_space<vmem>> -> memref<128x256xf32, #tpu.memory_space<vmem>>
          %dma_wait3A_196 = arith.constant 896 : i32
          %dma_wait3A_197 = tpu.memref_slice %run_scoped3A_9[%dma_wait3A_196] : memref<1152xi32, #tpu.memory_space<vmem>> -> memref<128xi32, #tpu.memory_space<vmem>>
          %dma_wait3A_198 = arith.constant 0 : i32
          %dma_wait3A_199 = arith.constant 0 : i32
          %dma_wait3A_200 = tpu.memref_slice %arg3[%dma_wait3A_198, %dma_wait3A_199] : memref<16384x256xf32, #tpu.memory_space<hbm>> -> memref<16384x256xf32, #tpu.memory_space<hbm>>
          %dma_wait3A_201 = tpu.memref_slice %arg10[%dma_wait3A_191] : memref<2x!tpu.dma_semaphore, #tpu.memory_space<semaphore_mem>> -> memref<1x!tpu.dma_semaphore, #tpu.memory_space<semaphore_mem>>
          %dma_wait3A_202 = tpu.memref_squeeze %dma_wait3A_201 : memref<1x!tpu.dma_semaphore, #tpu.memory_space<semaphore_mem>> -> memref<!tpu.dma_semaphore, #tpu.memory_space<semaphore_mem>>
          tpu.wait_indirect_dma semaphore(%dma_wait3A_202 : memref<!tpu.dma_semaphore, #tpu.memory_space<semaphore_mem>>) src(%dma_wait3A_200 : memref<16384x256xf32, #tpu.memory_space<hbm>>) dst(%dma_wait3A_195 : memref<128x256xf32, #tpu.memory_space<vmem>>)
          %dma_start3A_203 = arith.constant 1 : i32
          %dma_start3A_204 = arith.constant 7 : i32
          %dma_start3A_205 = arith.constant 1 : i32
          %dma_start3A_206 = arith.constant 0 : i32
          %dma_start3A_207 = arith.constant 0 : i32
          %dma_start3A_208 = tpu.memref_slice %run_scoped3A_11[%dma_start3A_203, %dma_start3A_206, %dma_start3A_207] : memref<2x128x256xf32, #tpu.memory_space<vmem>> -> memref<1x128x256xf32, #tpu.memory_space<vmem>>
          %dma_start3A_209 = tpu.memref_squeeze %dma_start3A_208 : memref<1x128x256xf32, #tpu.memory_space<vmem>> -> memref<128x256xf32, #tpu.memory_space<vmem>>
          %dma_start3A_210 = arith.constant 0 : i32
          %dma_start3A_211 = tpu.memref_slice %run_scoped3A_10[%dma_start3A_204, %dma_start3A_210] : memref<9x128xi32, #tpu.memory_space<vmem>> -> memref<1x128xi32, #tpu.memory_space<vmem>>
          %dma_start3A_212 = tpu.memref_squeeze %dma_start3A_211 : memref<1x128xi32, #tpu.memory_space<vmem>> -> memref<128xi32, #tpu.memory_space<vmem>>
          %dma_start3A_213 = arith.constant 0 : i32
          %dma_start3A_214 = arith.constant 0 : i32
          %dma_start3A_215 = tpu.memref_slice %arg5[%dma_start3A_213, %dma_start3A_214] : memref<100000x256xf32, #tpu.memory_space<hbm>> -> memref<100000x256xf32, #tpu.memory_space<hbm>>
          %dma_start3A_216 = tpu.memref_slice %arg11[%dma_start3A_205] : memref<2x!tpu.dma_semaphore, #tpu.memory_space<semaphore_mem>> -> memref<1x!tpu.dma_semaphore, #tpu.memory_space<semaphore_mem>>
          %dma_start3A_217 = tpu.memref_squeeze %dma_start3A_216 : memref<1x!tpu.dma_semaphore, #tpu.memory_space<semaphore_mem>> -> memref<!tpu.dma_semaphore, #tpu.memory_space<semaphore_mem>>
          tpu.enqueue_indirect_dma source(%dma_start3A_209 : memref<128x256xf32, #tpu.memory_space<vmem>>) target(%dma_start3A_215 : memref<100000x256xf32, #tpu.memory_space<hbm>>) offsets(%dma_start3A_212 : memref<128xi32, #tpu.memory_space<vmem>>) semaphore(%dma_start3A_217 : memref<!tpu.dma_semaphore, #tpu.memory_space<semaphore_mem>>)
        } else {
        }
        %gt3A_89 = arith.constant 1024 : i32
        %gt3A_90 = arith.cmpi sgt, %scan3A_18, %gt3A_89 : i32
        %convert_element_type3A_91 = arith.extui %gt3A_90 : i1 to i32
        %cond3A_92 = arith.constant 0 : i32
        %cond3A_93 = arith.cmpi ne, %convert_element_type3A_91, %cond3A_92 : i32
        scf.if %cond3A_93 {
          %dma_wait3A = arith.constant 0 : i32
          %dma_wait3A_164 = arith.constant 6 : i32
          %dma_wait3A_165 = arith.constant 0 : i32
          %dma_wait3A_166 = arith.constant 0 : i32
          %dma_wait3A_167 = arith.constant 0 : i32
          %dma_wait3A_168 = tpu.memref_slice %run_scoped3A_11[%dma_wait3A, %dma_wait3A_166, %dma_wait3A_167] : memref<2x128x256xf32, #tpu.memory_space<vmem>> -> memref<1x128x256xf32, #tpu.memory_space<vmem>>
          %dma_wait3A_169 = tpu.memref_squeeze %dma_wait3A_168 : memref<1x128x256xf32, #tpu.memory_space<vmem>> -> memref<128x256xf32, #tpu.memory_space<vmem>>
          %dma_wait3A_170 = arith.constant 0 : i32
          %dma_wait3A_171 = tpu.memref_slice %run_scoped3A_10[%dma_wait3A_164, %dma_wait3A_170] : memref<9x128xi32, #tpu.memory_space<vmem>> -> memref<1x128xi32, #tpu.memory_space<vmem>>
          %dma_wait3A_172 = tpu.memref_squeeze %dma_wait3A_171 : memref<1x128xi32, #tpu.memory_space<vmem>> -> memref<128xi32, #tpu.memory_space<vmem>>
          %dma_wait3A_173 = arith.constant 0 : i32
          %dma_wait3A_174 = arith.constant 0 : i32
          %dma_wait3A_175 = tpu.memref_slice %arg5[%dma_wait3A_173, %dma_wait3A_174] : memref<100000x256xf32, #tpu.memory_space<hbm>> -> memref<100000x256xf32, #tpu.memory_space<hbm>>
          %dma_wait3A_176 = tpu.memref_slice %arg11[%dma_wait3A_165] : memref<2x!tpu.dma_semaphore, #tpu.memory_space<semaphore_mem>> -> memref<1x!tpu.dma_semaphore, #tpu.memory_space<semaphore_mem>>
          %dma_wait3A_177 = tpu.memref_squeeze %dma_wait3A_176 : memref<1x!tpu.dma_semaphore, #tpu.memory_space<semaphore_mem>> -> memref<!tpu.dma_semaphore, #tpu.memory_space<semaphore_mem>>
          tpu.wait_indirect_dma semaphore(%dma_wait3A_177 : memref<!tpu.dma_semaphore, #tpu.memory_space<semaphore_mem>>) src(%dma_wait3A_169 : memref<128x256xf32, #tpu.memory_space<vmem>>) dst(%dma_wait3A_175 : memref<100000x256xf32, #tpu.memory_space<hbm>>)
          %dma_start3A = arith.constant 0 : i32
          %dma_start3A_178 = arith.constant 0 : i32
          %dma_start3A_179 = arith.constant 0 : i32
          %dma_start3A_180 = arith.constant 0 : i32
          %dma_start3A_181 = tpu.memref_slice %run_scoped3A_11[%dma_start3A, %dma_start3A_179, %dma_start3A_180] : memref<2x128x256xf32, #tpu.memory_space<vmem>> -> memref<1x128x256xf32, #tpu.memory_space<vmem>>
          %dma_start3A_182 = tpu.memref_squeeze %dma_start3A_181 : memref<1x128x256xf32, #tpu.memory_space<vmem>> -> memref<128x256xf32, #tpu.memory_space<vmem>>
          %dma_start3A_183 = arith.constant 1024 : i32
          %dma_start3A_184 = tpu.memref_slice %run_scoped3A_9[%dma_start3A_183] : memref<1152xi32, #tpu.memory_space<vmem>> -> memref<128xi32, #tpu.memory_space<vmem>>
          %dma_start3A_185 = arith.constant 0 : i32
          %dma_start3A_186 = arith.constant 0 : i32
          %dma_start3A_187 = tpu.memref_slice %arg3[%dma_start3A_185, %dma_start3A_186] : memref<16384x256xf32, #tpu.memory_space<hbm>> -> memref<16384x256xf32, #tpu.memory_space<hbm>>
          %dma_start3A_188 = tpu.memref_slice %arg10[%dma_start3A_178] : memref<2x!tpu.dma_semaphore, #tpu.memory_space<semaphore_mem>> -> memref<1x!tpu.dma_semaphore, #tpu.memory_space<semaphore_mem>>
          %dma_start3A_189 = tpu.memref_squeeze %dma_start3A_188 : memref<1x!tpu.dma_semaphore, #tpu.memory_space<semaphore_mem>> -> memref<!tpu.dma_semaphore, #tpu.memory_space<semaphore_mem>>
          tpu.enqueue_indirect_dma source(%dma_start3A_187 : memref<16384x256xf32, #tpu.memory_space<hbm>>) target(%dma_start3A_182 : memref<128x256xf32, #tpu.memory_space<vmem>>) offsets(%dma_start3A_184 : memref<128xi32, #tpu.memory_space<vmem>>) semaphore(%dma_start3A_189 : memref<!tpu.dma_semaphore, #tpu.memory_space<semaphore_mem>>)
          %dma_wait3A_190 = arith.constant 0 : i32
          %dma_wait3A_191 = arith.constant 0 : i32
          %dma_wait3A_192 = arith.constant 0 : i32
          %dma_wait3A_193 = arith.constant 0 : i32
          %dma_wait3A_194 = tpu.memref_slice %run_scoped3A_11[%dma_wait3A_190, %dma_wait3A_192, %dma_wait3A_193] : memref<2x128x256xf32, #tpu.memory_space<vmem>> -> memref<1x128x256xf32, #tpu.memory_space<vmem>>
          %dma_wait3A_195 = tpu.memref_squeeze %dma_wait3A_194 : memref<1x128x256xf32, #tpu.memory_space<vmem>> -> memref<128x256xf32, #tpu.memory_space<vmem>>
          %dma_wait3A_196 = arith.constant 1024 : i32
          %dma_wait3A_197 = tpu.memref_slice %run_scoped3A_9[%dma_wait3A_196] : memref<1152xi32, #tpu.memory_space<vmem>> -> memref<128xi32, #tpu.memory_space<vmem>>
          %dma_wait3A_198 = arith.constant 0 : i32
          %dma_wait3A_199 = arith.constant 0 : i32
          %dma_wait3A_200 = tpu.memref_slice %arg3[%dma_wait3A_198, %dma_wait3A_199] : memref<16384x256xf32, #tpu.memory_space<hbm>> -> memref<16384x256xf32, #tpu.memory_space<hbm>>
          %dma_wait3A_201 = tpu.memref_slice %arg10[%dma_wait3A_191] : memref<2x!tpu.dma_semaphore, #tpu.memory_space<semaphore_mem>> -> memref<1x!tpu.dma_semaphore, #tpu.memory_space<semaphore_mem>>
          %dma_wait3A_202 = tpu.memref_squeeze %dma_wait3A_201 : memref<1x!tpu.dma_semaphore, #tpu.memory_space<semaphore_mem>> -> memref<!tpu.dma_semaphore, #tpu.memory_space<semaphore_mem>>
          tpu.wait_indirect_dma semaphore(%dma_wait3A_202 : memref<!tpu.dma_semaphore, #tpu.memory_space<semaphore_mem>>) src(%dma_wait3A_200 : memref<16384x256xf32, #tpu.memory_space<hbm>>) dst(%dma_wait3A_195 : memref<128x256xf32, #tpu.memory_space<vmem>>)
          %dma_start3A_203 = arith.constant 0 : i32
          %dma_start3A_204 = arith.constant 8 : i32
          %dma_start3A_205 = arith.constant 0 : i32
          %dma_start3A_206 = arith.constant 0 : i32
          %dma_start3A_207 = arith.constant 0 : i32
          %dma_start3A_208 = tpu.memref_slice %run_scoped3A_11[%dma_start3A_203, %dma_start3A_206, %dma_start3A_207] : memref<2x128x256xf32, #tpu.memory_space<vmem>> -> memref<1x128x256xf32, #tpu.memory_space<vmem>>
          %dma_start3A_209 = tpu.memref_squeeze %dma_start3A_208 : memref<1x128x256xf32, #tpu.memory_space<vmem>> -> memref<128x256xf32, #tpu.memory_space<vmem>>
          %dma_start3A_210 = arith.constant 0 : i32
          %dma_start3A_211 = tpu.memref_slice %run_scoped3A_10[%dma_start3A_204, %dma_start3A_210] : memref<9x128xi32, #tpu.memory_space<vmem>> -> memref<1x128xi32, #tpu.memory_space<vmem>>
          %dma_start3A_212 = tpu.memref_squeeze %dma_start3A_211 : memref<1x128xi32, #tpu.memory_space<vmem>> -> memref<128xi32, #tpu.memory_space<vmem>>
          %dma_start3A_213 = arith.constant 0 : i32
          %dma_start3A_214 = arith.constant 0 : i32
          %dma_start3A_215 = tpu.memref_slice %arg5[%dma_start3A_213, %dma_start3A_214] : memref<100000x256xf32, #tpu.memory_space<hbm>> -> memref<100000x256xf32, #tpu.memory_space<hbm>>
          %dma_start3A_216 = tpu.memref_slice %arg11[%dma_start3A_205] : memref<2x!tpu.dma_semaphore, #tpu.memory_space<semaphore_mem>> -> memref<1x!tpu.dma_semaphore, #tpu.memory_space<semaphore_mem>>
          %dma_start3A_217 = tpu.memref_squeeze %dma_start3A_216 : memref<1x!tpu.dma_semaphore, #tpu.memory_space<semaphore_mem>> -> memref<!tpu.dma_semaphore, #tpu.memory_space<semaphore_mem>>
          tpu.enqueue_indirect_dma source(%dma_start3A_209 : memref<128x256xf32, #tpu.memory_space<vmem>>) target(%dma_start3A_215 : memref<100000x256xf32, #tpu.memory_space<hbm>>) offsets(%dma_start3A_212 : memref<128xi32, #tpu.memory_space<vmem>>) semaphore(%dma_start3A_217 : memref<!tpu.dma_semaphore, #tpu.memory_space<semaphore_mem>>)
        } else {
        }
        %gt3A_94 = arith.constant 0 : i32
        %gt3A_95 = arith.cmpi sgt, %scan3A_18, %gt3A_94 : i32
        %le3A = arith.constant 256 : i32
        %le3A_96 = arith.cmpi sle, %scan3A_18, %le3A : i32
        %and3A = arith.andi %gt3A_95, %le3A_96 : i1
        %convert_element_type3A_97 = arith.extui %and3A : i1 to i32
        %cond3A_98 = arith.constant 0 : i32
        %cond3A_99 = arith.cmpi ne, %convert_element_type3A_97, %cond3A_98 : i32
        scf.if %cond3A_99 {
          %dma_wait3A = arith.constant 0 : i32
          %dma_wait3A_164 = arith.constant 0 : i32
          %dma_wait3A_165 = arith.constant 0 : i32
          %dma_wait3A_166 = arith.constant 0 : i32
          %dma_wait3A_167 = arith.constant 0 : i32
          %dma_wait3A_168 = tpu.memref_slice %run_scoped3A_11[%dma_wait3A, %dma_wait3A_166, %dma_wait3A_167] : memref<2x128x256xf32, #tpu.memory_space<vmem>> -> memref<1x128x256xf32, #tpu.memory_space<vmem>>
          %dma_wait3A_169 = tpu.memref_squeeze %dma_wait3A_168 : memref<1x128x256xf32, #tpu.memory_space<vmem>> -> memref<128x256xf32, #tpu.memory_space<vmem>>
          %dma_wait3A_170 = arith.constant 0 : i32
          %dma_wait3A_171 = tpu.memref_slice %run_scoped3A_10[%dma_wait3A_164, %dma_wait3A_170] : memref<9x128xi32, #tpu.memory_space<vmem>> -> memref<1x128xi32, #tpu.memory_space<vmem>>
          %dma_wait3A_172 = tpu.memref_squeeze %dma_wait3A_171 : memref<1x128xi32, #tpu.memory_space<vmem>> -> memref<128xi32, #tpu.memory_space<vmem>>
          %dma_wait3A_173 = arith.constant 0 : i32
          %dma_wait3A_174 = arith.constant 0 : i32
          %dma_wait3A_175 = tpu.memref_slice %arg5[%dma_wait3A_173, %dma_wait3A_174] : memref<100000x256xf32, #tpu.memory_space<hbm>> -> memref<100000x256xf32, #tpu.memory_space<hbm>>
          %dma_wait3A_176 = tpu.memref_slice %arg11[%dma_wait3A_165] : memref<2x!tpu.dma_semaphore, #tpu.memory_space<semaphore_mem>> -> memref<1x!tpu.dma_semaphore, #tpu.memory_space<semaphore_mem>>
          %dma_wait3A_177 = tpu.memref_squeeze %dma_wait3A_176 : memref<1x!tpu.dma_semaphore, #tpu.memory_space<semaphore_mem>> -> memref<!tpu.dma_semaphore, #tpu.memory_space<semaphore_mem>>
          tpu.wait_indirect_dma semaphore(%dma_wait3A_177 : memref<!tpu.dma_semaphore, #tpu.memory_space<semaphore_mem>>) src(%dma_wait3A_169 : memref<128x256xf32, #tpu.memory_space<vmem>>) dst(%dma_wait3A_175 : memref<100000x256xf32, #tpu.memory_space<hbm>>)
        } else {
        }
        %gt3A_100 = arith.constant 128 : i32
        %gt3A_101 = arith.cmpi sgt, %scan3A_18, %gt3A_100 : i32
        %le3A_102 = arith.constant 384 : i32
        %le3A_103 = arith.cmpi sle, %scan3A_18, %le3A_102 : i32
        %and3A_104 = arith.andi %gt3A_101, %le3A_103 : i1
        %convert_element_type3A_105 = arith.extui %and3A_104 : i1 to i32
        %cond3A_106 = arith.constant 0 : i32
        %cond3A_107 = arith.cmpi ne, %convert_element_type3A_105, %cond3A_106 : i32
        scf.if %cond3A_107 {
          %dma_wait3A = arith.constant 1 : i32
          %dma_wait3A_164 = arith.constant 1 : i32
          %dma_wait3A_165 = arith.constant 1 : i32
          %dma_wait3A_166 = arith.constant 0 : i32
          %dma_wait3A_167 = arith.constant 0 : i32
          %dma_wait3A_168 = tpu.memref_slice %run_scoped3A_11[%dma_wait3A, %dma_wait3A_166, %dma_wait3A_167] : memref<2x128x256xf32, #tpu.memory_space<vmem>> -> memref<1x128x256xf32, #tpu.memory_space<vmem>>
          %dma_wait3A_169 = tpu.memref_squeeze %dma_wait3A_168 : memref<1x128x256xf32, #tpu.memory_space<vmem>> -> memref<128x256xf32, #tpu.memory_space<vmem>>
          %dma_wait3A_170 = arith.constant 0 : i32
          %dma_wait3A_171 = tpu.memref_slice %run_scoped3A_10[%dma_wait3A_164, %dma_wait3A_170] : memref<9x128xi32, #tpu.memory_space<vmem>> -> memref<1x128xi32, #tpu.memory_space<vmem>>
          %dma_wait3A_172 = tpu.memref_squeeze %dma_wait3A_171 : memref<1x128xi32, #tpu.memory_space<vmem>> -> memref<128xi32, #tpu.memory_space<vmem>>
          %dma_wait3A_173 = arith.constant 0 : i32
          %dma_wait3A_174 = arith.constant 0 : i32
          %dma_wait3A_175 = tpu.memref_slice %arg5[%dma_wait3A_173, %dma_wait3A_174] : memref<100000x256xf32, #tpu.memory_space<hbm>> -> memref<100000x256xf32, #tpu.memory_space<hbm>>
          %dma_wait3A_176 = tpu.memref_slice %arg11[%dma_wait3A_165] : memref<2x!tpu.dma_semaphore, #tpu.memory_space<semaphore_mem>> -> memref<1x!tpu.dma_semaphore, #tpu.memory_space<semaphore_mem>>
          %dma_wait3A_177 = tpu.memref_squeeze %dma_wait3A_176 : memref<1x!tpu.dma_semaphore, #tpu.memory_space<semaphore_mem>> -> memref<!tpu.dma_semaphore, #tpu.memory_space<semaphore_mem>>
          tpu.wait_indirect_dma semaphore(%dma_wait3A_177 : memref<!tpu.dma_semaphore, #tpu.memory_space<semaphore_mem>>) src(%dma_wait3A_169 : memref<128x256xf32, #tpu.memory_space<vmem>>) dst(%dma_wait3A_175 : memref<100000x256xf32, #tpu.memory_space<hbm>>)
        } else {
        }
        %gt3A_108 = arith.constant 256 : i32
        %gt3A_109 = arith.cmpi sgt, %scan3A_18, %gt3A_108 : i32
        %le3A_110 = arith.constant 512 : i32
        %le3A_111 = arith.cmpi sle, %scan3A_18, %le3A_110 : i32
        %and3A_112 = arith.andi %gt3A_109, %le3A_111 : i1
        %convert_element_type3A_113 = arith.extui %and3A_112 : i1 to i32
        %cond3A_114 = arith.constant 0 : i32
        %cond3A_115 = arith.cmpi ne, %convert_element_type3A_113, %cond3A_114 : i32
        scf.if %cond3A_115 {
          %dma_wait3A = arith.constant 0 : i32
          %dma_wait3A_164 = arith.constant 2 : i32
          %dma_wait3A_165 = arith.constant 0 : i32
          %dma_wait3A_166 = arith.constant 0 : i32
          %dma_wait3A_167 = arith.constant 0 : i32
          %dma_wait3A_168 = tpu.memref_slice %run_scoped3A_11[%dma_wait3A, %dma_wait3A_166, %dma_wait3A_167] : memref<2x128x256xf32, #tpu.memory_space<vmem>> -> memref<1x128x256xf32, #tpu.memory_space<vmem>>
          %dma_wait3A_169 = tpu.memref_squeeze %dma_wait3A_168 : memref<1x128x256xf32, #tpu.memory_space<vmem>> -> memref<128x256xf32, #tpu.memory_space<vmem>>
          %dma_wait3A_170 = arith.constant 0 : i32
          %dma_wait3A_171 = tpu.memref_slice %run_scoped3A_10[%dma_wait3A_164, %dma_wait3A_170] : memref<9x128xi32, #tpu.memory_space<vmem>> -> memref<1x128xi32, #tpu.memory_space<vmem>>
          %dma_wait3A_172 = tpu.memref_squeeze %dma_wait3A_171 : memref<1x128xi32, #tpu.memory_space<vmem>> -> memref<128xi32, #tpu.memory_space<vmem>>
          %dma_wait3A_173 = arith.constant 0 : i32
          %dma_wait3A_174 = arith.constant 0 : i32
          %dma_wait3A_175 = tpu.memref_slice %arg5[%dma_wait3A_173, %dma_wait3A_174] : memref<100000x256xf32, #tpu.memory_space<hbm>> -> memref<100000x256xf32, #tpu.memory_space<hbm>>
          %dma_wait3A_176 = tpu.memref_slice %arg11[%dma_wait3A_165] : memref<2x!tpu.dma_semaphore, #tpu.memory_space<semaphore_mem>> -> memref<1x!tpu.dma_semaphore, #tpu.memory_space<semaphore_mem>>
          %dma_wait3A_177 = tpu.memref_squeeze %dma_wait3A_176 : memref<1x!tpu.dma_semaphore, #tpu.memory_space<semaphore_mem>> -> memref<!tpu.dma_semaphore, #tpu.memory_space<semaphore_mem>>
          tpu.wait_indirect_dma semaphore(%dma_wait3A_177 : memref<!tpu.dma_semaphore, #tpu.memory_space<semaphore_mem>>) src(%dma_wait3A_169 : memref<128x256xf32, #tpu.memory_space<vmem>>) dst(%dma_wait3A_175 : memref<100000x256xf32, #tpu.memory_space<hbm>>)
        } else {
        }
        %gt3A_116 = arith.constant 384 : i32
        %gt3A_117 = arith.cmpi sgt, %scan3A_18, %gt3A_116 : i32
        %le3A_118 = arith.constant 640 : i32
        %le3A_119 = arith.cmpi sle, %scan3A_18, %le3A_118 : i32
        %and3A_120 = arith.andi %gt3A_117, %le3A_119 : i1
        %convert_element_type3A_121 = arith.extui %and3A_120 : i1 to i32
        %cond3A_122 = arith.constant 0 : i32
        %cond3A_123 = arith.cmpi ne, %convert_element_type3A_121, %cond3A_122 : i32
        scf.if %cond3A_123 {
          %dma_wait3A = arith.constant 1 : i32
          %dma_wait3A_164 = arith.constant 3 : i32
          %dma_wait3A_165 = arith.constant 1 : i32
          %dma_wait3A_166 = arith.constant 0 : i32
          %dma_wait3A_167 = arith.constant 0 : i32
          %dma_wait3A_168 = tpu.memref_slice %run_scoped3A_11[%dma_wait3A, %dma_wait3A_166, %dma_wait3A_167] : memref<2x128x256xf32, #tpu.memory_space<vmem>> -> memref<1x128x256xf32, #tpu.memory_space<vmem>>
          %dma_wait3A_169 = tpu.memref_squeeze %dma_wait3A_168 : memref<1x128x256xf32, #tpu.memory_space<vmem>> -> memref<128x256xf32, #tpu.memory_space<vmem>>
          %dma_wait3A_170 = arith.constant 0 : i32
          %dma_wait3A_171 = tpu.memref_slice %run_scoped3A_10[%dma_wait3A_164, %dma_wait3A_170] : memref<9x128xi32, #tpu.memory_space<vmem>> -> memref<1x128xi32, #tpu.memory_space<vmem>>
          %dma_wait3A_172 = tpu.memref_squeeze %dma_wait3A_171 : memref<1x128xi32, #tpu.memory_space<vmem>> -> memref<128xi32, #tpu.memory_space<vmem>>
          %dma_wait3A_173 = arith.constant 0 : i32
          %dma_wait3A_174 = arith.constant 0 : i32
          %dma_wait3A_175 = tpu.memref_slice %arg5[%dma_wait3A_173, %dma_wait3A_174] : memref<100000x256xf32, #tpu.memory_space<hbm>> -> memref<100000x256xf32, #tpu.memory_space<hbm>>
          %dma_wait3A_176 = tpu.memref_slice %arg11[%dma_wait3A_165] : memref<2x!tpu.dma_semaphore, #tpu.memory_space<semaphore_mem>> -> memref<1x!tpu.dma_semaphore, #tpu.memory_space<semaphore_mem>>
          %dma_wait3A_177 = tpu.memref_squeeze %dma_wait3A_176 : memref<1x!tpu.dma_semaphore, #tpu.memory_space<semaphore_mem>> -> memref<!tpu.dma_semaphore, #tpu.memory_space<semaphore_mem>>
          tpu.wait_indirect_dma semaphore(%dma_wait3A_177 : memref<!tpu.dma_semaphore, #tpu.memory_space<semaphore_mem>>) src(%dma_wait3A_169 : memref<128x256xf32, #tpu.memory_space<vmem>>) dst(%dma_wait3A_175 : memref<100000x256xf32, #tpu.memory_space<hbm>>)
        } else {
        }
        %gt3A_124 = arith.constant 512 : i32
        %gt3A_125 = arith.cmpi sgt, %scan3A_18, %gt3A_124 : i32
        %le3A_126 = arith.constant 768 : i32
        %le3A_127 = arith.cmpi sle, %scan3A_18, %le3A_126 : i32
        %and3A_128 = arith.andi %gt3A_125, %le3A_127 : i1
        %convert_element_type3A_129 = arith.extui %and3A_128 : i1 to i32
        %cond3A_130 = arith.constant 0 : i32
        %cond3A_131 = arith.cmpi ne, %convert_element_type3A_129, %cond3A_130 : i32
        scf.if %cond3A_131 {
          %dma_wait3A = arith.constant 0 : i32
          %dma_wait3A_164 = arith.constant 4 : i32
          %dma_wait3A_165 = arith.constant 0 : i32
          %dma_wait3A_166 = arith.constant 0 : i32
          %dma_wait3A_167 = arith.constant 0 : i32
          %dma_wait3A_168 = tpu.memref_slice %run_scoped3A_11[%dma_wait3A, %dma_wait3A_166, %dma_wait3A_167] : memref<2x128x256xf32, #tpu.memory_space<vmem>> -> memref<1x128x256xf32, #tpu.memory_space<vmem>>
          %dma_wait3A_169 = tpu.memref_squeeze %dma_wait3A_168 : memref<1x128x256xf32, #tpu.memory_space<vmem>> -> memref<128x256xf32, #tpu.memory_space<vmem>>
          %dma_wait3A_170 = arith.constant 0 : i32
          %dma_wait3A_171 = tpu.memref_slice %run_scoped3A_10[%dma_wait3A_164, %dma_wait3A_170] : memref<9x128xi32, #tpu.memory_space<vmem>> -> memref<1x128xi32, #tpu.memory_space<vmem>>
          %dma_wait3A_172 = tpu.memref_squeeze %dma_wait3A_171 : memref<1x128xi32, #tpu.memory_space<vmem>> -> memref<128xi32, #tpu.memory_space<vmem>>
          %dma_wait3A_173 = arith.constant 0 : i32
          %dma_wait3A_174 = arith.constant 0 : i32
          %dma_wait3A_175 = tpu.memref_slice %arg5[%dma_wait3A_173, %dma_wait3A_174] : memref<100000x256xf32, #tpu.memory_space<hbm>> -> memref<100000x256xf32, #tpu.memory_space<hbm>>
          %dma_wait3A_176 = tpu.memref_slice %arg11[%dma_wait3A_165] : memref<2x!tpu.dma_semaphore, #tpu.memory_space<semaphore_mem>> -> memref<1x!tpu.dma_semaphore, #tpu.memory_space<semaphore_mem>>
          %dma_wait3A_177 = tpu.memref_squeeze %dma_wait3A_176 : memref<1x!tpu.dma_semaphore, #tpu.memory_space<semaphore_mem>> -> memref<!tpu.dma_semaphore, #tpu.memory_space<semaphore_mem>>
          tpu.wait_indirect_dma semaphore(%dma_wait3A_177 : memref<!tpu.dma_semaphore, #tpu.memory_space<semaphore_mem>>) src(%dma_wait3A_169 : memref<128x256xf32, #tpu.memory_space<vmem>>) dst(%dma_wait3A_175 : memref<100000x256xf32, #tpu.memory_space<hbm>>)
        } else {
        }
        %gt3A_132 = arith.constant 640 : i32
        %gt3A_133 = arith.cmpi sgt, %scan3A_18, %gt3A_132 : i32
        %le3A_134 = arith.constant 896 : i32
        %le3A_135 = arith.cmpi sle, %scan3A_18, %le3A_134 : i32
        %and3A_136 = arith.andi %gt3A_133, %le3A_135 : i1
        %convert_element_type3A_137 = arith.extui %and3A_136 : i1 to i32
        %cond3A_138 = arith.constant 0 : i32
        %cond3A_139 = arith.cmpi ne, %convert_element_type3A_137, %cond3A_138 : i32
        scf.if %cond3A_139 {
          %dma_wait3A = arith.constant 1 : i32
          %dma_wait3A_164 = arith.constant 5 : i32
          %dma_wait3A_165 = arith.constant 1 : i32
          %dma_wait3A_166 = arith.constant 0 : i32
          %dma_wait3A_167 = arith.constant 0 : i32
          %dma_wait3A_168 = tpu.memref_slice %run_scoped3A_11[%dma_wait3A, %dma_wait3A_166, %dma_wait3A_167] : memref<2x128x256xf32, #tpu.memory_space<vmem>> -> memref<1x128x256xf32, #tpu.memory_space<vmem>>
          %dma_wait3A_169 = tpu.memref_squeeze %dma_wait3A_168 : memref<1x128x256xf32, #tpu.memory_space<vmem>> -> memref<128x256xf32, #tpu.memory_space<vmem>>
          %dma_wait3A_170 = arith.constant 0 : i32
          %dma_wait3A_171 = tpu.memref_slice %run_scoped3A_10[%dma_wait3A_164, %dma_wait3A_170] : memref<9x128xi32, #tpu.memory_space<vmem>> -> memref<1x128xi32, #tpu.memory_space<vmem>>
          %dma_wait3A_172 = tpu.memref_squeeze %dma_wait3A_171 : memref<1x128xi32, #tpu.memory_space<vmem>> -> memref<128xi32, #tpu.memory_space<vmem>>
          %dma_wait3A_173 = arith.constant 0 : i32
          %dma_wait3A_174 = arith.constant 0 : i32
          %dma_wait3A_175 = tpu.memref_slice %arg5[%dma_wait3A_173, %dma_wait3A_174] : memref<100000x256xf32, #tpu.memory_space<hbm>> -> memref<100000x256xf32, #tpu.memory_space<hbm>>
          %dma_wait3A_176 = tpu.memref_slice %arg11[%dma_wait3A_165] : memref<2x!tpu.dma_semaphore, #tpu.memory_space<semaphore_mem>> -> memref<1x!tpu.dma_semaphore, #tpu.memory_space<semaphore_mem>>
          %dma_wait3A_177 = tpu.memref_squeeze %dma_wait3A_176 : memref<1x!tpu.dma_semaphore, #tpu.memory_space<semaphore_mem>> -> memref<!tpu.dma_semaphore, #tpu.memory_space<semaphore_mem>>
          tpu.wait_indirect_dma semaphore(%dma_wait3A_177 : memref<!tpu.dma_semaphore, #tpu.memory_space<semaphore_mem>>) src(%dma_wait3A_169 : memref<128x256xf32, #tpu.memory_space<vmem>>) dst(%dma_wait3A_175 : memref<100000x256xf32, #tpu.memory_space<hbm>>)
        } else {
        }
        %gt3A_140 = arith.constant 768 : i32
        %gt3A_141 = arith.cmpi sgt, %scan3A_18, %gt3A_140 : i32
        %le3A_142 = arith.constant 1024 : i32
        %le3A_143 = arith.cmpi sle, %scan3A_18, %le3A_142 : i32
        %and3A_144 = arith.andi %gt3A_141, %le3A_143 : i1
        %convert_element_type3A_145 = arith.extui %and3A_144 : i1 to i32
        %cond3A_146 = arith.constant 0 : i32
        %cond3A_147 = arith.cmpi ne, %convert_element_type3A_145, %cond3A_146 : i32
        scf.if %cond3A_147 {
          %dma_wait3A = arith.constant 0 : i32
          %dma_wait3A_164 = arith.constant 6 : i32
          %dma_wait3A_165 = arith.constant 0 : i32
          %dma_wait3A_166 = arith.constant 0 : i32
          %dma_wait3A_167 = arith.constant 0 : i32
          %dma_wait3A_168 = tpu.memref_slice %run_scoped3A_11[%dma_wait3A, %dma_wait3A_166, %dma_wait3A_167] : memref<2x128x256xf32, #tpu.memory_space<vmem>> -> memref<1x128x256xf32, #tpu.memory_space<vmem>>
          %dma_wait3A_169 = tpu.memref_squeeze %dma_wait3A_168 : memref<1x128x256xf32, #tpu.memory_space<vmem>> -> memref<128x256xf32, #tpu.memory_space<vmem>>
          %dma_wait3A_170 = arith.constant 0 : i32
          %dma_wait3A_171 = tpu.memref_slice %run_scoped3A_10[%dma_wait3A_164, %dma_wait3A_170] : memref<9x128xi32, #tpu.memory_space<vmem>> -> memref<1x128xi32, #tpu.memory_space<vmem>>
          %dma_wait3A_172 = tpu.memref_squeeze %dma_wait3A_171 : memref<1x128xi32, #tpu.memory_space<vmem>> -> memref<128xi32, #tpu.memory_space<vmem>>
          %dma_wait3A_173 = arith.constant 0 : i32
          %dma_wait3A_174 = arith.constant 0 : i32
          %dma_wait3A_175 = tpu.memref_slice %arg5[%dma_wait3A_173, %dma_wait3A_174] : memref<100000x256xf32, #tpu.memory_space<hbm>> -> memref<100000x256xf32, #tpu.memory_space<hbm>>
          %dma_wait3A_176 = tpu.memref_slice %arg11[%dma_wait3A_165] : memref<2x!tpu.dma_semaphore, #tpu.memory_space<semaphore_mem>> -> memref<1x!tpu.dma_semaphore, #tpu.memory_space<semaphore_mem>>
          %dma_wait3A_177 = tpu.memref_squeeze %dma_wait3A_176 : memref<1x!tpu.dma_semaphore, #tpu.memory_space<semaphore_mem>> -> memref<!tpu.dma_semaphore, #tpu.memory_space<semaphore_mem>>
          tpu.wait_indirect_dma semaphore(%dma_wait3A_177 : memref<!tpu.dma_semaphore, #tpu.memory_space<semaphore_mem>>) src(%dma_wait3A_169 : memref<128x256xf32, #tpu.memory_space<vmem>>) dst(%dma_wait3A_175 : memref<100000x256xf32, #tpu.memory_space<hbm>>)
        } else {
        }
        %gt3A_148 = arith.constant 896 : i32
        %gt3A_149 = arith.cmpi sgt, %scan3A_18, %gt3A_148 : i32
        %le3A_150 = arith.constant 1152 : i32
        %le3A_151 = arith.cmpi sle, %scan3A_18, %le3A_150 : i32
        %and3A_152 = arith.andi %gt3A_149, %le3A_151 : i1
        %convert_element_type3A_153 = arith.extui %and3A_152 : i1 to i32
        %cond3A_154 = arith.constant 0 : i32
        %cond3A_155 = arith.cmpi ne, %convert_element_type3A_153, %cond3A_154 : i32
        scf.if %cond3A_155 {
          %dma_wait3A = arith.constant 1 : i32
          %dma_wait3A_164 = arith.constant 7 : i32
          %dma_wait3A_165 = arith.constant 1 : i32
          %dma_wait3A_166 = arith.constant 0 : i32
          %dma_wait3A_167 = arith.constant 0 : i32
          %dma_wait3A_168 = tpu.memref_slice %run_scoped3A_11[%dma_wait3A, %dma_wait3A_166, %dma_wait3A_167] : memref<2x128x256xf32, #tpu.memory_space<vmem>> -> memref<1x128x256xf32, #tpu.memory_space<vmem>>
          %dma_wait3A_169 = tpu.memref_squeeze %dma_wait3A_168 : memref<1x128x256xf32, #tpu.memory_space<vmem>> -> memref<128x256xf32, #tpu.memory_space<vmem>>
          %dma_wait3A_170 = arith.constant 0 : i32
          %dma_wait3A_171 = tpu.memref_slice %run_scoped3A_10[%dma_wait3A_164, %dma_wait3A_170] : memref<9x128xi32, #tpu.memory_space<vmem>> -> memref<1x128xi32, #tpu.memory_space<vmem>>
          %dma_wait3A_172 = tpu.memref_squeeze %dma_wait3A_171 : memref<1x128xi32, #tpu.memory_space<vmem>> -> memref<128xi32, #tpu.memory_space<vmem>>
          %dma_wait3A_173 = arith.constant 0 : i32
          %dma_wait3A_174 = arith.constant 0 : i32
          %dma_wait3A_175 = tpu.memref_slice %arg5[%dma_wait3A_173, %dma_wait3A_174] : memref<100000x256xf32, #tpu.memory_space<hbm>> -> memref<100000x256xf32, #tpu.memory_space<hbm>>
          %dma_wait3A_176 = tpu.memref_slice %arg11[%dma_wait3A_165] : memref<2x!tpu.dma_semaphore, #tpu.memory_space<semaphore_mem>> -> memref<1x!tpu.dma_semaphore, #tpu.memory_space<semaphore_mem>>
          %dma_wait3A_177 = tpu.memref_squeeze %dma_wait3A_176 : memref<1x!tpu.dma_semaphore, #tpu.memory_space<semaphore_mem>> -> memref<!tpu.dma_semaphore, #tpu.memory_space<semaphore_mem>>
          tpu.wait_indirect_dma semaphore(%dma_wait3A_177 : memref<!tpu.dma_semaphore, #tpu.memory_space<semaphore_mem>>) src(%dma_wait3A_169 : memref<128x256xf32, #tpu.memory_space<vmem>>) dst(%dma_wait3A_175 : memref<100000x256xf32, #tpu.memory_space<hbm>>)
        } else {
        }
        %gt3A_156 = arith.constant 1024 : i32
        %gt3A_157 = arith.cmpi sgt, %scan3A_18, %gt3A_156 : i32
        %le3A_158 = arith.constant 1280 : i32
        %le3A_159 = arith.cmpi sle, %scan3A_18, %le3A_158 : i32
        %and3A_160 = arith.andi %gt3A_157, %le3A_159 : i1
        %convert_element_type3A_161 = arith.extui %and3A_160 : i1 to i32
        %cond3A_162 = arith.constant 0 : i32
        %cond3A_163 = arith.cmpi ne, %convert_element_type3A_161, %cond3A_162 : i32
        scf.if %cond3A_163 {
          %dma_wait3A = arith.constant 0 : i32
          %dma_wait3A_164 = arith.constant 8 : i32
          %dma_wait3A_165 = arith.constant 0 : i32
          %dma_wait3A_166 = arith.constant 0 : i32
          %dma_wait3A_167 = arith.constant 0 : i32
          %dma_wait3A_168 = tpu.memref_slice %run_scoped3A_11[%dma_wait3A, %dma_wait3A_166, %dma_wait3A_167] : memref<2x128x256xf32, #tpu.memory_space<vmem>> -> memref<1x128x256xf32, #tpu.memory_space<vmem>>
          %dma_wait3A_169 = tpu.memref_squeeze %dma_wait3A_168 : memref<1x128x256xf32, #tpu.memory_space<vmem>> -> memref<128x256xf32, #tpu.memory_space<vmem>>
          %dma_wait3A_170 = arith.constant 0 : i32
          %dma_wait3A_171 = tpu.memref_slice %run_scoped3A_10[%dma_wait3A_164, %dma_wait3A_170] : memref<9x128xi32, #tpu.memory_space<vmem>> -> memref<1x128xi32, #tpu.memory_space<vmem>>
          %dma_wait3A_172 = tpu.memref_squeeze %dma_wait3A_171 : memref<1x128xi32, #tpu.memory_space<vmem>> -> memref<128xi32, #tpu.memory_space<vmem>>
          %dma_wait3A_173 = arith.constant 0 : i32
          %dma_wait3A_174 = arith.constant 0 : i32
          %dma_wait3A_175 = tpu.memref_slice %arg5[%dma_wait3A_173, %dma_wait3A_174] : memref<100000x256xf32, #tpu.memory_space<hbm>> -> memref<100000x256xf32, #tpu.memory_space<hbm>>
          %dma_wait3A_176 = tpu.memref_slice %arg11[%dma_wait3A_165] : memref<2x!tpu.dma_semaphore, #tpu.memory_space<semaphore_mem>> -> memref<1x!tpu.dma_semaphore, #tpu.memory_space<semaphore_mem>>
          %dma_wait3A_177 = tpu.memref_squeeze %dma_wait3A_176 : memref<1x!tpu.dma_semaphore, #tpu.memory_space<semaphore_mem>> -> memref<!tpu.dma_semaphore, #tpu.memory_space<semaphore_mem>>
          tpu.wait_indirect_dma semaphore(%dma_wait3A_177 : memref<!tpu.dma_semaphore, #tpu.memory_space<semaphore_mem>>) src(%dma_wait3A_169 : memref<128x256xf32, #tpu.memory_space<vmem>>) dst(%dma_wait3A_175 : memref<100000x256xf32, #tpu.memory_space<hbm>>)
        } else {
        }
      } else {
      }
      tpu.yield
    }) : () -> ()
    return
  }
}

module attributes {stable_mosaic.version = 14 : i64} {
  func.func @_loss_body(%arg0: i32, %arg1: memref<1x1xf32, #tpu.memory_space<smem>>, %arg2: memref<512x100xf32, #tpu.memory_space<vmem>>, %arg3: memref<512x100xf32, #tpu.memory_space<vmem>>, %arg4: memref<512x256xf32, #tpu.memory_space<vmem>>, %arg5: memref<512x1xf32, #tpu.memory_space<vmem>>, %arg6: memref<100x256xf32, #tpu.memory_space<vmem>>, %arg7: memref<1x1xf32, #tpu.memory_space<vmem>>, %arg8: memref<1x1xf32, #tpu.memory_space<vmem>>, %arg9: memref<1x1xf32, #tpu.memory_space<vmem>>) attributes {dimension_semantics = [#tpu.dimension_semantics<arbitrary>], iteration_bounds = array<i64: 32>, scalar_prefetch = 0 : i64, scratch_operands = 0 : i64, tpu.core_type = #tpu.core_type<tc>, window_params = [{transform_indices = @transform_0, window_bounds = array<i64: 1, 1>}, {transform_indices = @transform_1, window_bounds = array<i64: 512, 100>}, {transform_indices = @transform_2, window_bounds = array<i64: 512, 100>}, {transform_indices = @transform_3, window_bounds = array<i64: 512, 256>}, {transform_indices = @transform_4, window_bounds = array<i64: 512, 1>}, {pipeline_mode = #tpu.pipeline_mode<synchronous>, transform_indices = @transform_5, window_bounds = array<i64: 100, 256>}, {pipeline_mode = #tpu.pipeline_mode<synchronous>, transform_indices = @transform_6, window_bounds = array<i64: 1, 1>}, {pipeline_mode = #tpu.pipeline_mode<synchronous>, transform_indices = @transform_7, window_bounds = array<i64: 1, 1>}, {pipeline_mode = #tpu.pipeline_mode<synchronous>, transform_indices = @transform_8, window_bounds = array<i64: 1, 1>}]} {
    %broadcast_in_dim3A = arith.constant 0.000000e+00 : f32
    %broadcast_in_dim3A_0 = vector.broadcast %broadcast_in_dim3A : f32 to vector<1x1xf32>
    %eq3A = arith.constant 0 : i32
    %eq3A_1 = arith.cmpi eq, %arg0, %eq3A : i32
    %convert_element_type3A = arith.extui %eq3A_1 : i1 to i32
    %cond3A = arith.constant 0 : i32
    %cond3A_2 = arith.cmpi ne, %convert_element_type3A, %cond3A : i32
    scf.if %cond3A_2 {
      %swap3A_188 = arith.constant 0 : index
      %swap3A_189 = arith.constant 0 : index
      %swap3A_190 = vector.load %arg7[%swap3A_188, %swap3A_189] : memref<1x1xf32, #tpu.memory_space<vmem>>, vector<1x1xf32>
      tpu.vector_store %arg7[%swap3A_188, %swap3A_189], %broadcast_in_dim3A_0 {strides = array<i32>} : memref<1x1xf32, #tpu.memory_space<vmem>>, vector<1x1xf32>,
      %swap3A_191 = arith.constant 0 : index
      %swap3A_192 = arith.constant 0 : index
      %swap3A_193 = vector.load %arg8[%swap3A_191, %swap3A_192] : memref<1x1xf32, #tpu.memory_space<vmem>>, vector<1x1xf32>
      tpu.vector_store %arg8[%swap3A_191, %swap3A_192], %broadcast_in_dim3A_0 {strides = array<i32>} : memref<1x1xf32, #tpu.memory_space<vmem>>, vector<1x1xf32>,
      %swap3A_194 = arith.constant 0 : index
      %swap3A_195 = arith.constant 0 : index
      %swap3A_196 = vector.load %arg9[%swap3A_194, %swap3A_195] : memref<1x1xf32, #tpu.memory_space<vmem>>, vector<1x1xf32>
      tpu.vector_store %arg9[%swap3A_194, %swap3A_195], %broadcast_in_dim3A_0 {strides = array<i32>} : memref<1x1xf32, #tpu.memory_space<vmem>>, vector<1x1xf32>,
    } else {
    }
    %get3A = arith.constant 0 : index
    %get3A_3 = arith.constant 0 : index
    %get3A_4 = memref.load %arg1[%get3A, %get3A_3] : memref<1x1xf32, #tpu.memory_space<smem>>
    %get3A_5 = arith.constant 0 : index
    %get3A_6 = arith.constant 0 : index
    %get3A_7 = vector.load %arg2[%get3A_5, %get3A_6] : memref<512x100xf32, #tpu.memory_space<vmem>>, vector<512x100xf32>
    %get3A_8 = arith.constant 0 : index
    %get3A_9 = arith.constant 0 : index
    %get3A_10 = vector.load %arg3[%get3A_8, %get3A_9] : memref<512x100xf32, #tpu.memory_space<vmem>>, vector<512x100xf32>
    %get3A_11 = arith.constant 0 : index
    %get3A_12 = arith.constant 0 : index
    %get3A_13 = vector.load %arg4[%get3A_11, %get3A_12] : memref<512x256xf32, #tpu.memory_space<vmem>>, vector<512x256xf32>
    %get3A_14 = arith.constant 0 : index
    %get3A_15 = arith.constant 0 : index
    %get3A_16 = vector.load %arg5[%get3A_14, %get3A_15] : memref<512x1xf32, #tpu.memory_space<vmem>>, vector<512x1xf32>
    %mul3A = arith.mulf %get3A_13, %get3A_13 : vector<512x256xf32>
    %reduce_sum3A = arith.constant dense<0.000000e+00> : vector<512xf32>
    %reduce_sum3A_17 = vector.multi_reduction <add>, %mul3A, %reduce_sum3A [1] : vector<512x256xf32> to vector<512xf32>
    %broadcast_in_dim3A_18 = vector.shape_cast %reduce_sum3A_17 : vector<512xf32> to vector<512x1xf32>
    %sqrt3A = math.sqrt %broadcast_in_dim3A_18 : vector<512x1xf32>
    %eq3A_19 = arith.constant 0.000000e+00 : f32
    %eq3A_20 = vector.broadcast %eq3A_19 : f32 to vector<512x1xf32>
    %eq3A_21 = arith.cmpf oeq, %sqrt3A, %eq3A_20 : vector<512x1xf32>
    %jit3A = arith.constant 1.000000e+00 : f32
    %broadcast_in_dim3A_22 = vector.broadcast %jit3A : f32 to vector<512x1xf32>
    %select_n3A = arith.select %eq3A_21, %broadcast_in_dim3A_22, %sqrt3A : vector<512x1xi1>, vector<512x1xf32>
    %add3A = arith.constant 1.000000e-07 : f32
    %add3A_23 = vector.broadcast %add3A : f32 to vector<512x1xf32>
    %add3A_24 = arith.addf %select_n3A, %add3A_23 : vector<512x1xf32>
    %div3A = vector.broadcast %add3A_24 : vector<512x1xf32> to vector<512x256xf32>
    %div3A_25 = arith.divf %get3A_13, %div3A : vector<512x256xf32>
    %get3A_26 = arith.constant 0 : index
    %get3A_27 = arith.constant 0 : index
    %get3A_28 = vector.load %arg6[%get3A_26, %get3A_27] : memref<100x256xf32, #tpu.memory_space<vmem>>, vector<100x256xf32>
    %mul3A_29 = arith.mulf %get3A_28, %get3A_28 : vector<100x256xf32>
    %reduce_sum3A_30 = arith.constant dense<0.000000e+00> : vector<100xf32>
    %reduce_sum3A_31 = vector.multi_reduction <add>, %mul3A_29, %reduce_sum3A_30 [1] : vector<100x256xf32> to vector<100xf32>
    %broadcast_in_dim3A_32 = vector.shape_cast %reduce_sum3A_31 : vector<100xf32> to vector<100x1xf32>
    %sqrt3A_33 = math.sqrt %broadcast_in_dim3A_32 : vector<100x1xf32>
    %eq3A_34 = arith.constant 0.000000e+00 : f32
    %eq3A_35 = vector.broadcast %eq3A_34 : f32 to vector<100x1xf32>
    %eq3A_36 = arith.cmpf oeq, %sqrt3A_33, %eq3A_35 : vector<100x1xf32>
    %jit3A_37 = arith.constant 1.000000e+00 : f32
    %broadcast_in_dim3A_38 = vector.broadcast %jit3A_37 : f32 to vector<100x1xf32>
    %select_n3A_39 = arith.select %eq3A_36, %broadcast_in_dim3A_38, %sqrt3A_33 : vector<100x1xi1>, vector<100x1xf32>
    %add3A_40 = arith.constant 1.000000e-07 : f32
    %add3A_41 = vector.broadcast %add3A_40 : f32 to vector<100x1xf32>
    %add3A_42 = arith.addf %select_n3A_39, %add3A_41 : vector<100x1xf32>
    %div3A_43 = vector.broadcast %add3A_42 : vector<100x1xf32> to vector<100x256xf32>
    %div3A_44 = arith.divf %get3A_28, %div3A_43 : vector<100x256xf32>
    %dot_general3A = arith.constant dense<0.000000e+00> : vector<512x100xf32>
    %dot_general3A_45 = tpu.matmul %div3A_25, %div3A_44, %dot_general3A {dimension_numbers = #tpu.dot_dimension_numbers<[1], [1], [0], [0], [0, 0, 1, 0], [], []>, transpose_lhs_hint = false} : vector<512x256xf32>, vector<100x256xf32>, vector<512x100xf32> -> vector<512x100xf32>
    %reduce_max3A = arith.constant dense<0xFF800000> : vector<512xf32>
    %reduce_max3A_46 = vector.multi_reduction <maximumf>, %dot_general3A_45, %reduce_max3A [1] : vector<512x100xf32> to vector<512xf32>
    %broadcast_in_dim3A_47 = vector.shape_cast %reduce_max3A_46 : vector<512xf32> to vector<512x1xf32>
    %sub3A = vector.broadcast %broadcast_in_dim3A_47 : vector<512x1xf32> to vector<512x100xf32>
    %sub3A_48 = arith.subf %dot_general3A_45, %sub3A : vector<512x100xf32>
    %exp3A = math.exp %sub3A_48 : vector<512x100xf32>
    %reduce_sum3A_49 = arith.constant dense<0.000000e+00> : vector<512xf32>
    %reduce_sum3A_50 = vector.multi_reduction <add>, %exp3A, %reduce_sum3A_49 [1] : vector<512x100xf32> to vector<512xf32>
    %broadcast_in_dim3A_51 = vector.shape_cast %reduce_sum3A_50 : vector<512xf32> to vector<512x1xf32>
    %div3A_52 = vector.broadcast %broadcast_in_dim3A_51 : vector<512x1xf32> to vector<512x100xf32>
    %div3A_53 = arith.divf %exp3A, %div3A_52 : vector<512x100xf32>
    %mul3A_54 = vector.broadcast %get3A_4 : f32 to vector<512x1xf32>
    %mul3A_55 = arith.mulf %mul3A_54, %get3A_16 : vector<512x1xf32>
    %mul3A_56 = vector.broadcast %mul3A_55 : vector<512x1xf32> to vector<512x100xf32>
    %mul3A_57 = arith.mulf %mul3A_56, %get3A_10 : vector<512x100xf32>
    %add3A_58 = arith.addf %get3A_7, %mul3A_57 : vector<512x100xf32>
    %reduce_max3A_59 = arith.constant dense<0xFF800000> : vector<512xf32>
    %reduce_max3A_60 = vector.multi_reduction <maximumf>, %add3A_58, %reduce_max3A_59 [1] : vector<512x100xf32> to vector<512xf32>
    %broadcast_in_dim3A_61 = vector.shape_cast %reduce_max3A_60 : vector<512xf32> to vector<512x1xf32>
    %sub3A_62 = vector.broadcast %broadcast_in_dim3A_61 : vector<512x1xf32> to vector<512x100xf32>
    %sub3A_63 = arith.subf %add3A_58, %sub3A_62 : vector<512x100xf32>
    %exp3A_64 = math.exp %sub3A_63 : vector<512x100xf32>
    %reduce_sum3A_65 = arith.constant dense<0.000000e+00> : vector<512xf32>
    %reduce_sum3A_66 = vector.multi_reduction <add>, %exp3A_64, %reduce_sum3A_65 [1] : vector<512x100xf32> to vector<512xf32>
    %broadcast_in_dim3A_67 = vector.shape_cast %reduce_sum3A_66 : vector<512xf32> to vector<512x1xf32>
    %log3A = math.log %broadcast_in_dim3A_67 : vector<512x1xf32>
    %sub3A_68 = vector.broadcast %log3A : vector<512x1xf32> to vector<512x100xf32>
    %sub3A_69 = arith.subf %sub3A_63, %sub3A_68 : vector<512x100xf32>
    %neg3A = arith.constant 0.000000e+00 : f32
    %neg3A_70 = vector.broadcast %neg3A : f32 to vector<512x100xf32>
    %neg3A_71 = arith.subf %neg3A_70, %div3A_53 : vector<512x100xf32>
    %mul3A_72 = arith.mulf %neg3A_71, %sub3A_69 : vector<512x100xf32>
    %reduce_sum3A_73 = vector.shape_cast %mul3A_72 : vector<512x100xf32> to vector<1x512x100xf32>
    %reduce_sum3A_74 = arith.constant dense<0.000000e+00> : vector<1xf32>
    %reduce_sum3A_75 = vector.multi_reduction <add>, %reduce_sum3A_73, %reduce_sum3A_74 [1, 2] : vector<1x512x100xf32> to vector<1xf32>
    %reduce_sum3A_76 = vector.shape_cast %reduce_sum3A_75 : vector<1xf32> to vector<1x1x1xf32>
    %reduce_sum3A_77 = vector.extract %reduce_sum3A_76[0, 0, 0] : f32 from vector<1x1x1xf32>
    %iota3A = tpu.iota {dimensions = array<i32: 1>} : vector<512x100xi32>
    %reduce_max3A_78 = arith.constant dense<0xFF800000> : vector<512xf32>
    %reduce_max3A_79 = vector.multi_reduction <maximumf>, %get3A_7, %reduce_max3A_78 [1] : vector<512x100xf32> to vector<512xf32>
    %broadcast_in_dim3A_80 = vector.shape_cast %reduce_max3A_79 : vector<512xf32> to vector<512x1xf32>
    %eq3A_81 = vector.broadcast %broadcast_in_dim3A_80 : vector<512x1xf32> to vector<512x100xf32>
    %eq3A_82 = arith.cmpf oeq, %get3A_7, %eq3A_81 : vector<512x100xf32>
    %jit3A_83 = arith.constant 100 : i32
    %broadcast_in_dim3A_84 = vector.broadcast %jit3A_83 : i32 to vector<512x100xi32>
    %select_n3A_85 = arith.select %eq3A_82, %iota3A, %broadcast_in_dim3A_84 : vector<512x100xi1>, vector<512x100xi32>
    %reduce_min3A = arith.constant dense<2147483647> : vector<512xi32>
    %reduce_min3A_86 = vector.multi_reduction <minsi>, %select_n3A_85, %reduce_min3A [1] : vector<512x100xi32> to vector<512xi32>
    %broadcast_in_dim3A_87 = vector.shape_cast %reduce_min3A_86 : vector<512xi32> to vector<512x1xi32>
    %eq3A_88 = vector.broadcast %broadcast_in_dim3A_87 : vector<512x1xi32> to vector<512x100xi32>
    %eq3A_89 = arith.cmpi eq, %iota3A, %eq3A_88 : vector<512x100xi32>
    %convert_element_type3A_90 = arith.extui %eq3A_89 : vector<512x100xi1> to vector<512x100xi32>
    %convert_element_type3A_91 = arith.sitofp %convert_element_type3A_90 : vector<512x100xi32> to vector<512x100xf32>
    %mul3A_92 = vector.broadcast %get3A_16 : vector<512x1xf32> to vector<512x100xf32>
    %mul3A_93 = arith.mulf %mul3A_92, %get3A_10 : vector<512x100xf32>
    %add3A_94 = arith.addf %convert_element_type3A_91, %mul3A_93 : vector<512x100xf32>
    %sub3A_95 = arith.subf %add3A_94, %get3A_10 : vector<512x100xf32>
    %mul3A_96 = arith.mulf %sub3A_95, %sub3A_95 : vector<512x100xf32>
    %reduce_sum3A_97 = vector.shape_cast %mul3A_96 : vector<512x100xf32> to vector<1x512x100xf32>
    %reduce_sum3A_98 = arith.constant dense<0.000000e+00> : vector<1xf32>
    %reduce_sum3A_99 = vector.multi_reduction <add>, %reduce_sum3A_97, %reduce_sum3A_98 [1, 2] : vector<1x512x100xf32> to vector<1xf32>
    %reduce_sum3A_100 = vector.shape_cast %reduce_sum3A_99 : vector<1xf32> to vector<1x1x1xf32>
    %reduce_sum3A_101 = vector.extract %reduce_sum3A_100[0, 0, 0] : f32 from vector<1x1x1xf32>
    %sub3A_102 = vector.broadcast %broadcast_in_dim3A_80 : vector<512x1xf32> to vector<512x100xf32>
    %sub3A_103 = arith.subf %get3A_7, %sub3A_102 : vector<512x100xf32>
    %exp3A_104 = math.exp %sub3A_103 : vector<512x100xf32>
    %reduce_sum3A_105 = arith.constant dense<0.000000e+00> : vector<512xf32>
    %reduce_sum3A_106 = vector.multi_reduction <add>, %exp3A_104, %reduce_sum3A_105 [1] : vector<512x100xf32> to vector<512xf32>
    %broadcast_in_dim3A_107 = vector.shape_cast %reduce_sum3A_106 : vector<512xf32> to vector<512x1xf32>
    %div3A_108 = vector.broadcast %broadcast_in_dim3A_107 : vector<512x1xf32> to vector<512x100xf32>
    %div3A_109 = arith.divf %exp3A_104, %div3A_108 : vector<512x100xf32>
    %mul3A_110 = arith.mulf %div3A_109, %get3A_10 : vector<512x100xf32>
    %reduce_sum3A_111 = arith.constant dense<0.000000e+00> : vector<512xf32>
    %reduce_sum3A_112 = vector.multi_reduction <add>, %mul3A_110, %reduce_sum3A_111 [1] : vector<512x100xf32> to vector<512xf32>
    %broadcast_in_dim3A_113 = vector.shape_cast %reduce_sum3A_112 : vector<512xf32> to vector<512x1xf32>
    %jit3A_114 = arith.constant 1.000000e-07 : f32
    %jit3A_115 = arith.constant 0.99999988 : f32
    %max3A = vector.broadcast %jit3A_114 : f32 to vector<512x1xf32>
    %max3A_116 = arith.maximumf %max3A, %broadcast_in_dim3A_113 : vector<512x1xf32>
    %min3A = vector.broadcast %jit3A_115 : f32 to vector<512x1xf32>
    %min3A_117 = arith.minimumf %min3A, %max3A_116 : vector<512x1xf32>
    %jit3A_118 = arith.constant 1.000000e-07 : f32
    %jit3A_119 = arith.constant 0.99999988 : f32
    %max3A_120 = vector.broadcast %jit3A_118 : f32 to vector<512x1xf32>
    %max3A_121 = arith.maximumf %max3A_120, %get3A_16 : vector<512x1xf32>
    %min3A_122 = vector.broadcast %jit3A_119 : f32 to vector<512x1xf32>
    %min3A_123 = arith.minimumf %min3A_122, %max3A_121 : vector<512x1xf32>
    %log3A_124 = math.log %min3A_123 : vector<512x1xf32>
    %neg3A_125 = arith.constant 0.000000e+00 : f32
    %neg3A_126 = vector.broadcast %neg3A_125 : f32 to vector<512x1xf32>
    %neg3A_127 = arith.subf %neg3A_126, %log3A_124 : vector<512x1xf32>
    %logistic3A = arith.negf %neg3A_127 : vector<512x1xf32>
    %logistic3A_128 = math.exp %logistic3A : vector<512x1xf32>
    %logistic3A_129 = arith.constant 1.000000e+00 : f32
    %logistic3A_130 = vector.broadcast %logistic3A_129 : f32 to vector<512x1xf32>
    %logistic3A_131 = arith.addf %logistic3A_130, %logistic3A_128 : vector<512x1xf32>
    %logistic3A_132 = arith.divf %logistic3A_130, %logistic3A_131 : vector<512x1xf32>
    %jit3A_133 = arith.constant 1.000000e-07 : f32
    %jit3A_134 = arith.constant 0.99999988 : f32
    %max3A_135 = vector.broadcast %jit3A_133 : f32 to vector<512x1xf32>
    %max3A_136 = arith.maximumf %max3A_135, %logistic3A_132 : vector<512x1xf32>
    %min3A_137 = vector.broadcast %jit3A_134 : f32 to vector<512x1xf32>
    %min3A_138 = arith.minimumf %min3A_137, %max3A_136 : vector<512x1xf32>
    %log3A_139 = math.log %min3A_117 : vector<512x1xf32>
    %log3A_140 = math.log %min3A_138 : vector<512x1xf32>
    %sub3A_141 = arith.subf %log3A_139, %log3A_140 : vector<512x1xf32>
    %mul3A_142 = arith.mulf %min3A_117, %sub3A_141 : vector<512x1xf32>
    %sub3A_143 = arith.constant 1.000000e+00 : f32
    %sub3A_144 = vector.broadcast %sub3A_143 : f32 to vector<512x1xf32>
    %sub3A_145 = arith.subf %sub3A_144, %min3A_117 : vector<512x1xf32>
    %neg3A_146 = arith.constant 0.000000e+00 : f32
    %neg3A_147 = vector.broadcast %neg3A_146 : f32 to vector<512x1xf32>
    %neg3A_148 = arith.subf %neg3A_147, %min3A_117 : vector<512x1xf32>
    %log1p3A = math.log1p %neg3A_148 : vector<512x1xf32>
    %neg3A_149 = arith.constant 0.000000e+00 : f32
    %neg3A_150 = vector.broadcast %neg3A_149 : f32 to vector<512x1xf32>
    %neg3A_151 = arith.subf %neg3A_150, %min3A_138 : vector<512x1xf32>
    %log1p3A_152 = math.log1p %neg3A_151 : vector<512x1xf32>
    %sub3A_153 = arith.subf %log1p3A, %log1p3A_152 : vector<512x1xf32>
    %mul3A_154 = arith.mulf %sub3A_145, %sub3A_153 : vector<512x1xf32>
    %add3A_155 = arith.addf %mul3A_142, %mul3A_154 : vector<512x1xf32>
    %reduce_sum3A_156 = vector.shape_cast %add3A_155 : vector<512x1xf32> to vector<1x512x1xf32>
    %reduce_sum3A_157 = arith.constant dense<0.000000e+00> : vector<1xf32>
    %reduce_sum3A_158 = vector.multi_reduction <add>, %reduce_sum3A_156, %reduce_sum3A_157 [1, 2] : vector<1x512x1xf32> to vector<1xf32>
    %reduce_sum3A_159 = vector.shape_cast %reduce_sum3A_158 : vector<1xf32> to vector<1x1x1xf32>
    %reduce_sum3A_160 = vector.extract %reduce_sum3A_159[0, 0, 0] : f32 from vector<1x1x1xf32>
    %get3A_161 = arith.constant 0 : index
    %get3A_162 = arith.constant 0 : index
    %get3A_163 = vector.load %arg7[%get3A_161, %get3A_162] : memref<1x1xf32, #tpu.memory_space<vmem>>, vector<1x1xf32>
    %reshape3A = vector.broadcast %reduce_sum3A_77 : f32 to vector<1x1xf32>
    %add3A_164 = arith.addf %get3A_163, %reshape3A : vector<1x1xf32>
    %swap3A = arith.constant 0 : index
    %swap3A_165 = arith.constant 0 : index
    %swap3A_166 = vector.load %arg7[%swap3A, %swap3A_165] : memref<1x1xf32, #tpu.memory_space<vmem>>, vector<1x1xf32>
    tpu.vector_store %arg7[%swap3A, %swap3A_165], %add3A_164 {strides = array<i32>} : memref<1x1xf32, #tpu.memory_space<vmem>>, vector<1x1xf32>,
    %get3A_167 = arith.constant 0 : index
    %get3A_168 = arith.constant 0 : index
    %get3A_169 = vector.load %arg8[%get3A_167, %get3A_168] : memref<1x1xf32, #tpu.memory_space<vmem>>, vector<1x1xf32>
    %reshape3A_170 = vector.broadcast %reduce_sum3A_101 : f32 to vector<1x1xf32>
    %add3A_171 = arith.addf %get3A_169, %reshape3A_170 : vector<1x1xf32>
    %swap3A_172 = arith.constant 0 : index
    %swap3A_173 = arith.constant 0 : index
    %swap3A_174 = vector.load %arg8[%swap3A_172, %swap3A_173] : memref<1x1xf32, #tpu.memory_space<vmem>>, vector<1x1xf32>
    tpu.vector_store %arg8[%swap3A_172, %swap3A_173], %add3A_171 {strides = array<i32>} : memref<1x1xf32, #tpu.memory_space<vmem>>, vector<1x1xf32>,
    %get3A_175 = arith.constant 0 : index
    %get3A_176 = arith.constant 0 : index
    %get3A_177 = vector.load %arg9[%get3A_175, %get3A_176] : memref<1x1xf32, #tpu.memory_space<vmem>>, vector<1x1xf32>
    %reshape3A_178 = vector.broadcast %reduce_sum3A_160 : f32 to vector<1x1xf32>
    %add3A_179 = arith.addf %get3A_177, %reshape3A_178 : vector<1x1xf32>
    %swap3A_180 = arith.constant 0 : index
    %swap3A_181 = arith.constant 0 : index
    %swap3A_182 = vector.load %arg9[%swap3A_180, %swap3A_181] : memref<1x1xf32, #tpu.memory_space<vmem>>, vector<1x1xf32>
    tpu.vector_store %arg9[%swap3A_180, %swap3A_181], %add3A_179 {strides = array<i32>} : memref<1x1xf32, #tpu.memory_space<vmem>>, vector<1x1xf32>,
    %eq3A_183 = arith.constant 31 : i32
    %eq3A_184 = arith.cmpi eq, %arg0, %eq3A_183 : i32
    %convert_element_type3A_185 = arith.extui %eq3A_184 : i1 to i32
    %cond3A_186 = arith.constant 0 : i32
    %cond3A_187 = arith.cmpi ne, %convert_element_type3A_185, %cond3A_186 : i32
    scf.if %cond3A_187 {
      %get3A_188 = arith.constant 0 : index
      %get3A_189 = arith.constant 0 : index
      %get3A_190 = vector.load %arg7[%get3A_188, %get3A_189] : memref<1x1xf32, #tpu.memory_space<vmem>>, vector<1x1xf32>
      %mul3A_191 = arith.constant 6.10351563E-5 : f32
      %mul3A_192 = vector.broadcast %mul3A_191 : f32 to vector<1x1xf32>
      %mul3A_193 = arith.mulf %get3A_190, %mul3A_192 : vector<1x1xf32>
      %swap3A_194 = arith.constant 0 : index
      %swap3A_195 = arith.constant 0 : index
      %swap3A_196 = vector.load %arg7[%swap3A_194, %swap3A_195] : memref<1x1xf32, #tpu.memory_space<vmem>>, vector<1x1xf32>
      tpu.vector_store %arg7[%swap3A_194, %swap3A_195], %mul3A_193 {strides = array<i32>} : memref<1x1xf32, #tpu.memory_space<vmem>>, vector<1x1xf32>,
      %get3A_197 = arith.constant 0 : index
      %get3A_198 = arith.constant 0 : index
      %get3A_199 = vector.load %arg8[%get3A_197, %get3A_198] : memref<1x1xf32, #tpu.memory_space<vmem>>, vector<1x1xf32>
      %mul3A_200 = arith.constant 6.10351549E-7 : f32
      %mul3A_201 = vector.broadcast %mul3A_200 : f32 to vector<1x1xf32>
      %mul3A_202 = arith.mulf %get3A_199, %mul3A_201 : vector<1x1xf32>
      %swap3A_203 = arith.constant 0 : index
      %swap3A_204 = arith.constant 0 : index
      %swap3A_205 = vector.load %arg8[%swap3A_203, %swap3A_204] : memref<1x1xf32, #tpu.memory_space<vmem>>, vector<1x1xf32>
      tpu.vector_store %arg8[%swap3A_203, %swap3A_204], %mul3A_202 {strides = array<i32>} : memref<1x1xf32, #tpu.memory_space<vmem>>, vector<1x1xf32>,
      %get3A_206 = arith.constant 0 : index
      %get3A_207 = arith.constant 0 : index
      %get3A_208 = vector.load %arg9[%get3A_206, %get3A_207] : memref<1x1xf32, #tpu.memory_space<vmem>>, vector<1x1xf32>
      %sub3A_209 = arith.constant 1.000000e+00 : f32
      %sub3A_210 = arith.subf %sub3A_209, %get3A_4 : f32
      %div3A_211 = arith.constant 1.638400e+04 : f32
      %div3A_212 = arith.divf %sub3A_210, %div3A_211 : f32
      %mul3A_213 = vector.broadcast %div3A_212 : f32 to vector<1x1xf32>
      %mul3A_214 = arith.mulf %get3A_208, %mul3A_213 : vector<1x1xf32>
      %swap3A_215 = arith.constant 0 : index
      %swap3A_216 = arith.constant 0 : index
      %swap3A_217 = vector.load %arg9[%swap3A_215, %swap3A_216] : memref<1x1xf32, #tpu.memory_space<vmem>>, vector<1x1xf32>
      tpu.vector_store %arg9[%swap3A_215, %swap3A_216], %mul3A_214 {strides = array<i32>} : memref<1x1xf32, #tpu.memory_space<vmem>>, vector<1x1xf32>,
    } else {
    }
    return
  }
  func.func @transform_0(%arg0: i32) -> (i32, i32) {
    %c0_i32 = arith.constant 0 : i32
    %c0_i32_0 = arith.constant 0 : i32
    %c0_i32_1 = arith.constant 0 : i32
    return %c0_i32, %c0_i32_0 : i32, i32
  }
  func.func @transform_1(%arg0: i32) -> (i32, i32) {
    %c0_i32 = arith.constant 0 : i32
    %c0_i32_0 = arith.constant 0 : i32
    return %arg0, %c0_i32 : i32, i32
  }
  func.func @transform_2(%arg0: i32) -> (i32, i32) {
    %c0_i32 = arith.constant 0 : i32
    %c0_i32_0 = arith.constant 0 : i32
    return %arg0, %c0_i32 : i32, i32
  }
  func.func @transform_3(%arg0: i32) -> (i32, i32) {
    %c0_i32 = arith.constant 0 : i32
    %c0_i32_0 = arith.constant 0 : i32
    return %arg0, %c0_i32 : i32, i32
  }
  func.func @transform_4(%arg0: i32) -> (i32, i32) {
    %c0_i32 = arith.constant 0 : i32
    %c0_i32_0 = arith.constant 0 : i32
    return %arg0, %c0_i32 : i32, i32
  }
  func.func @transform_5(%arg0: i32) -> (i32, i32) {
    %c0_i32 = arith.constant 0 : i32
    %c0_i32_0 = arith.constant 0 : i32
    %c0_i32_1 = arith.constant 0 : i32
    return %c0_i32, %c0_i32_0 : i32, i32
  }
  func.func @transform_6(%arg0: i32) -> (i32, i32) {
    %c0_i32 = arith.constant 0 : i32
    %c0_i32_0 = arith.constant 0 : i32
    %c0_i32_1 = arith.constant 0 : i32
    return %c0_i32, %c0_i32_0 : i32, i32
  }
  func.func @transform_7(%arg0: i32) -> (i32, i32) {
    %c0_i32 = arith.constant 0 : i32
    %c0_i32_0 = arith.constant 0 : i32
    %c0_i32_1 = arith.constant 0 : i32
    return %c0_i32, %c0_i32_0 : i32, i32
  }
  func.func @transform_8(%arg0: i32) -> (i32, i32) {
    %c0_i32 = arith.constant 0 : i32
    %c0_i32_0 = arith.constant 0 : i32
    %c0_i32_1 = arith.constant 0 : i32
    return %c0_i32, %c0_i32_0 : i32, i32
  }
}

</mosaic_0001>

<sc_bundles>
// kernel: kernel.5.cloned.1.call-start
scs
__scs_entry_jumppad:
0x0: {  	(pc) =	sbr.rel $0x88, $3  }
0x1: {  	(tag) =	ssettag $0x0;
	lr =	simm.s32 $0x1  }
0x2: {  	[smem:$0x3F99] =	sst lr;
	_ =	strace $0xD0000000  }
0x3: {  	_ = 	snop  }
0x4: {  	_ = 	snop  }
0x5: {  	_ = 	snop  }
0x6: {  	_ = 	snop  }
0x7: {  	_ = 	snop  }
__scs_overlays_trampoline_lowered:
0x8: {  	[smem:$0x3FA8] =	sst s0  }
0x9: {  	[smem:$0x3FA9] =	sst s1  }
0xa: {  	[smem:$0x3FAA] =	sst s2  }
0xb: {  	[smem:$0x3FAB] =	sst s3  }
0xc: {  	[smem:$0x3FAC] =	sst s4  }
0xd: {  	[smem:$0x3FAD] =	sst s5  }
0xe: {  	[smem:$0x3FAE] =	sst s6  }
0xf: {  	[smem:$0x3FAF] =	sst s7  }
0x10: {  	[smem:$0x3FB0] =	sst s8  }
0x11: {  	[smem:$0x3FB1] =	sst s9;
	s0 =	simm.s32 @!p0 $0x0  }
0x12: {  	s1 =	sld [smem:$0x3F97];
	s0 =	simm.s32 @p0 $0x1  }
0x13: {  	[smem:$0x3FB2] =	sst s0;
	s0 =	simm.s32 @!p1 $0x0  }
0x14: {  	s2 =	sld [smem:$0x3F96];
	s0 =	simm.s32 @p1 $0x1  }
0x15: {  	[smem:$0x3FB3] =	sst s0;
	s0 =	simm.s32 @!p2 $0x0  }
0x16: {  	s3 =	sld [smem:$0x3FDB];
	s0 =	simm.s32 @p2 $0x1  }
0x17: {  	s4 =	simm.s32 $0x1BF5;
	[smem:$0x3FB5] =	sst s0  }
0x18: {  	s0 =	sld [smem:$0x3F98];
	_ =	swait.ge [sflag:s4], $0x0  }
0x19: {  	s7 =	sld [smem:$0x3F99]  }
0x1a: {  	s8 =	sadd.s32 $0xFFFFE003, lr  }
0x1b: {  	s9 =	sadd.s32 $0xFFFFFEF7, lr;
	s5 =	simm.s32 $0xFFFFFFFF;
	p2 =	slt.u32 s8, $0xFFFFF086  }
0x1c: {  	p1 =	slt.u32 s9, $0xF7A;
	s5 =	simm.s32 @!p2 $0x0  }
0x1d: {  	s5 =	simm.s32 @p1 $0x1;
	p0 =	seq.s32 s7, s2  }
0x1e: {  	s7 =	smul.u32 @!p0 $0xF7A, s2;
	p2 =	seq.s32 @!p0 s5, $0x0  }
0x1f: {  	s9 =	smul.u32 $0xF7A, s1;
	s8 =	simm.s32 @!p0 $0x1BF5;
	p2 =	por !p2, p0  }
0x20: {  	[sflag:s8] =	ssyncset.s32 @!p0 $0xFFFFF086;
	s6 =	sadd.s32 @!p0 s3, s7;
	s7 =	simm.s32 @!p0 $0x108  }
0x21: {  	s3 =	sadd.s32 s3, s9;
	s6 =	sadd.s32 @!p0 $0x88, s6;
	s7 =	simm.s32 @p2 $0x1082  }
0x22: {  	[simem:s7], [sflag:s8] =	dma.local @!p0 [hbm:s6], $0xF7A  }
0x23: {  	s9 =	sor.u32 $0xD0000000, s2;
	s6 =	simm.s32 $0x108;
	_ =	swait.ge @!p0 [sflag:s8], $0x0  }
0x24: {  	s3 =	sadd.s32 $0x88, s3;
	s6 =	simm.s32 @!p1 $0x1082;
	[sflag:s4] =	ssyncset.s32 $0xFFFFF086  }
0x25: {  	[simem:s6], [sflag:s4] =	dma.local [hbm:s3], $0xF7A  }
0x26: {  	[smem:$0x3F99] =	sst s1;
	(tag) =	ssettag s2;
	_ =	strace s9  }
0x27: {  	s1 =	sld [smem:$0x3FA9]  }
0x28: {  	s2 =	sld [smem:$0x3FAA]  }
0x29: {  	s4 =	sld [smem:$0x3FAC]  }
0x2a: {  	p0 =	seq.s32 s5, $0x0;
	s5 =	sld [smem:$0x3FAD]  }
0x2b: {  	s6 =	sld [smem:$0x3FAE]  }
0x2c: {  	s7 =	sld [smem:$0x3FAF]  }
0x2d: {  	s3 =	simm.s32 $0x108;
	s8 =	sld [smem:$0x3FB0]  }
0x2e: {  	s3 =	simm.s32 @!p0 $0x1082;
	s9 =	sld [smem:$0x3FB1]  }
0x2f: {  	lr =	sadd.s32 s0, s3;
	s0 =	sld [smem:$0x3FA8]  }
0x30: {  	s3 =	sld [smem:$0x3FAB]  }
0x31: {  	[smem:$0x3FB4] =	sst s10  }
0x32: {  	s10 =	sld [smem:$0x3FB2];
	_ =	sdelay $0x3  }
0x33: {  	p0 =	seq.s32 s10, $0x1;
	s10 =	sld [smem:$0x3FB4];
	_ =	sdelay $0x3  }
0x34: {  	[smem:$0x3FB4] =	sst s10  }
0x35: {  	s10 =	sld [smem:$0x3FB3];
	_ =	sdelay $0x3  }
0x36: {  	p1 =	seq.s32 s10, $0x1;
	s10 =	sld [smem:$0x3FB4];
	_ =	sdelay $0x3  }
0x37: {  	[smem:$0x3FB4] =	sst s10  }
0x38: {  	s10 =	sld [smem:$0x3FB5]  }
0x39: {  	_ = 	snop;
	(pc) =	sbr.ind lr, $3  }
0x3a: {  	_ = 	snop  }
0x3b: {  	_ = 	snop  }
0x3c: {  	p2 =	seq.s32 s10, $0x1;
	s10 =	sld [smem:$0x3FB4]  }
0x3d: {  	_ =	shalt  }
0x3e: {  	_ =	shalt  }
0x3f: {  	_ =	shalt  }
0x40: {  	_ =	shalt  }
0x41: {  	_ =	shalt  }
0x42: {  	_ =	shalt  }
0x43: {  	_ =	shalt  }
0x44: {  	_ =	shalt  }
0x45: {  	_ =	shalt  }
0x46: {  	_ =	shalt  }
0x47: {  	_ =	shalt  }
0x48: {  	_ =	shalt  }
0x49: {  	_ =	shalt  }
0x4a: {  	_ =	shalt  }
0x4b: {  	_ =	shalt  }
0x4c: {  	_ =	shalt  }
0x4d: {  	_ =	shalt  }
0x4e: {  	_ =	shalt  }
0x4f: {  	_ =	shalt  }
0x50: {  	_ =	shalt  }
0x51: {  	_ =	shalt  }
0x52: {  	_ =	shalt  }
0x53: {  	_ =	shalt  }
0x54: {  	_ =	shalt  }
0x55: {  	_ =	shalt  }
0x56: {  	_ =	shalt  }
0x57: {  	_ =	shalt  }
0x58: {  	_ =	shalt  }
0x59: {  	_ =	shalt  }
0x5a: {  	_ =	shalt  }
0x5b: {  	_ =	shalt  }
0x5c: {  	_ =	shalt  }
0x5d: {  	_ =	shalt  }
0x5e: {  	_ =	shalt  }
0x5f: {  	_ =	shalt  }
0x60: {  	_ =	shalt  }
0x61: {  	_ =	shalt  }
0x62: {  	_ =	shalt  }
0x63: {  	_ =	shalt  }
0x64: {  	_ =	shalt  }
0x65: {  	_ =	shalt  }
0x66: {  	_ =	shalt  }
0x67: {  	_ =	shalt  }
0x68: {  	_ =	shalt  }
0x69: {  	_ =	shalt  }
0x6a: {  	_ =	shalt  }
0x6b: {  	_ =	shalt  }
0x6c: {  	_ =	shalt  }
0x6d: {  	_ =	shalt  }
0x6e: {  	_ =	shalt  }
0x6f: {  	_ =	shalt  }
0x70: {  	_ =	shalt  }
0x71: {  	_ =	shalt  }
0x72: {  	_ =	shalt  }
0x73: {  	_ =	shalt  }
0x74: {  	_ =	shalt  }
0x75: {  	_ =	shalt  }
0x76: {  	_ =	shalt  }
0x77: {  	_ =	shalt  }
0x78: {  	_ =	shalt  }
0x79: {  	_ =	shalt  }
0x7a: {  	_ =	shalt  }
0x7b: {  	_ =	shalt  }
0x7c: {  	_ =	shalt  }
0x7d: {  	_ =	shalt  }
0x7e: {  	_ =	shalt  }
0x7f: {  	_ =	shalt  }
0x80: {  	_ =	shalt  }
0x81: {  	_ =	shalt  }
0x82: {  	_ =	shalt  }
0x83: {  	_ =	shalt  }
0x84: {  	_ =	shalt  }
0x85: {  	_ =	shalt  }
0x86: {  	_ =	shalt  }
0x87: {  	_ =	shalt  }
.Lfunc_end0:
.L_simem_size_0:
called_computation_lowered:
.L_overlay_start_0:
0x88: {  	s2 =	sld [smem:$0x3FD9]  }
0x89: {  	s3 =	sld [smem:$0x3FFE];
	_ =	sdelay $0x1  }
0x8a: {  	s1 =	srdreg.scid  }
0x8b: {  	s0 =	sand.u32 $0x1, s1  }
0x8c: {  	s17 =	sshll.u32 s0, $0xA;
	s2 =	sadd.s32 s3, s2  }
0x8d: {  	s2 =	sadd.s32 s2, s17  }
0x8e: {  	[smem:$0x3FC0] =	sst s2  }
0x8f: {  	_ = 	snop  }
0x90: {  	s2 =	sld [smem:$0x3FC9];
	(tm) =	ssettm $0x1  }
0x91: {  	s18 =	sld [smem:$0x3FFB];
	_ =	sdelay $0x3  }
0x92: {  	_ =	strace s18  }
0x93: {  	s3 =	sld [smem:$0x3FFC];
	_ =	sdelay $0x3  }
0x94: {  	_ =	strace s3  }
0x95: {  	s3 =	sld [smem:$0x3FFD];
	_ =	sdelay $0x3  }
0x96: {  	_ =	strace s3  }
0x97: {  	_ =	strace $0x8FFFFFFF  }
0x98: {  	s19 =	sld [smem:$0x3FDB];
	_ =	sdelay $0x1  }
0x99: {  	s4 =	simm.s32 $_scs_section_size  }
0x9a: {  	s5 =	simm.s32 $_size__tile_overlayer_lowered;
	s6 =	simm.s32 $_tile_overlayer_lowered  }
0x9b: {  	s22 =	simm.s32 $0x1BFF;
	s21 =	sshll.u32 s6, $0x1;
	s3 =	sadd.s32 s4, s19  }
0x9c: {  	s7 =	simm.s32 $0x0;
	s20 =	sshll.u32 s5, $0x1;
	s5 =	sadd.s32 s21, s3  }
0x9d: {  	[timem:s7], [sflag:s22] =	dma.local [hbm:s5], s20  }
0x9e: {  	_ =	swait.ge [sflag:s22], s20  }
0x9f: {  	s4 =	ssub.s32 $0x0, s20;
	[sflag:s22] =	ssyncset.done $0x0  }
0xa0: {  	[sflag:s22] =	ssyncadd.s32 s4;
	_ =	sdelay $0x1  }
0xa1: {  	s23 =	simm.s32 $0x1B8B  }
0xa2: {  	_ =	swait.ge [sflag:s23], $0x1  }
0xa3: {  	[sflag:s23] =	ssyncset.done $0x0  }
0xa4: {  	s25 =	simm.s32 $0x1B8E;
	s24 =	sld [smem:$0x3FFE];
	[sflag:s23] =	ssyncadd.s32 $0xFFFFFFFF  }
0xa5: {  	s26 =	simm.s32 $execute0_lowered;
	[smem:$0x3FD2] =	sst s25  }
0xa6: {  	s5 =	sshll.u32 s26, $0x1;
	_ =	strace $0x80000046;
	[dreg:$0x1] =	wrdreg $0xFFFFFFFF  }
0xa7: {  	s28 =	simm.s32 $_size_execute0_lowered;
	s3 =	sadd.s32 s3, s5;
	[dreg:$0x0] =	wrdreg $0x0  }
0xa8: {  	s5 =	sshll.u32 s28, $0x1;
	[dreg:$0x2] =	wrdreg s3  }
0xa9: {  	[dreg:$0x3] =	wrdreg s5  }
0xaa: {  	[dreg:$0x4] =	wrdreg $0xC0  }
0xab: {  	_ =	task [dreg:s7], $0x5FFFF  }
0xac: {  	[dreg:$0x1] =	wrdreg $0xFFFFFFFF  }
0xad: {  	[dreg:$0x0] =	wrdreg $0x60  }
0xae: {  	[dreg:$0x2] =	wrdreg s2  }
0xaf: {  	[dreg:$0x3] =	wrdreg s24  }
0xb0: {  	[dreg:$0x4] =	wrdreg $0x9  }
0xb1: {  	_ =	task.clear_ibuf [dreg:s7], $0x5FFFF;
	_ =	strace $0x90000046  }
0xb2: {  	s29 =	simm.s32 $0x9;
	_ =	strace $0x80000048  }
0xb3: {  	_ =	swait.ge [sflag:s29], $0x1  }
0xb4: {  	[sflag:s29] =	ssyncadd.s32 $0xFFFFFFFF  }
0xb5: {  	_ =	strace $0x90000048  }
0xb6: {  	_ =	sfence  }
0xb7: {  	s30 =	sld [smem:$0x0];
	_ =	sdelay $0x2  }
0xb8: {  	s31 =	sshll.u32 s1, $0xD;
	s1 =	sshrl.u32 s1, $0x2  }
0xb9: {  	s3 =	sand.u32 $0x4000, s31;
	s1 =	sadd.s32 s1, s30  }
0xba: {  	s0 =	sor.u32 s3, s0;
	s1 =	sshll.u32 s1, $0x11  }
0xbb: {  	s0 =	sor.u32 s1, s0  }
0xbc: {  	s0 =	sadd.s32 $0x8F2B, s0  }
0xbd: {  	[sflag:s0] =	ssyncadd.remote.s32 $0x1  }
0xbe: {  	_ =	sfence.sel $0xFFFF  }
0xbf: {  	[dreg:$0x0] =	wrdreg $0xFFFFFFFF;
	(pc) =	sbr.abs _section_cstart, $3  }
0xc0: {  	[dreg:$0x1] =	wrdreg $0xFFFFFFFF  }
0xc1: {  	_ =	task.clear_ibuf [dreg:s7], $0x2FFFF;
	_ =	strace $0x9FFFFFFF  }
0xc2: {  	(tm) =	ssettm $0x7FFFFFFF  }
0xc3: {  	_ =	shalt  }
tec
execute0_lowered:
.L_overlay_start_1:
0x0: {  	(tag) =	ssettag $0x1  }
0x1: {  	s1 =	stileid.u32  }
0x2: {  	p0 =	seq.s32 s1, $0x0  }
.Ltmp0:
0x3: {  	_ = 	snop;
	(pc) =	sbr.rel @p0 .LBB2_5-.Ltmp0, $4  }
0x4: {  	s13 =	rddreg [dreg:$0x0]  }
0x5: {  	s4 =	rddreg [dreg:$0x1];
	s2 =	simm.s32 $0x0  }
0x6: {  	[smem:$0x7FF] =	sst s2  }
0x7: {  	s0 =	rddreg [dreg:$0x2];
	_ =	strace $0x80000047  }
0x8: {  	s3 =	srdreg.scid;
	s5 =	sshll.u32 s1, $0x1  }
0x9: {  	s14 =	sadd.s32 $0x4400, s4;
	s6 =	sor.u32 $0xFFFFFFFE, s3;
	s3 =	sand.u32 $0x1, s3  }
0xa: {  	s17 =	simm.s32 $0x1;
	s15 =	sadd.s32 s6, s5;
	s30 =	ssub.s32 $0x2, s3  }
0xb: {  	s3 =	sadd.s32 $0x1200, s4;
	s31 =	sshrl.u32 s30, $0x1;
	s11 =	smul.u32 $0x50, s15  }
0xc: {  	p0 =	sgt.u32 s15, $0x19;
	p1 =	sgt.u32 s15, $0x18;
	s5 =	ssub.s32 s30, s31  }
0xd: {  	s15 =	simm.s32 $0x2;
	s4 =	smax.u32 s5, $0x1;
	s5 =	sadd.s32 s13, s11  }
.Ltmp1:
0xe: {  	s6 =	sadd.s32 s14, s11;
	s8 =	sadd.s32 $0x10, s11;
	(pc) =	sbr.rel .LBB2_2-.Ltmp1, $4  }
0xf: {  	s10 =	sadd.s32 $0x20, s11;
	s12 =	sadd.s32 $0x30, s11;
	s16 =	sadd.s32 $0x40, s11  }
0x10: {  	s7 =	sadd.s32 s13, s8;
	s8 =	sadd.s32 s14, s8;
	s9 =	sadd.s32 s13, s10  }
0x11: {  	s10 =	sadd.s32 s14, s10;
	s11 =	sadd.s32 s13, s12;
	s12 =	sadd.s32 s14, s12  }
0x12: {  	s13 =	sadd.s32 s13, s16;
	s14 =	sadd.s32 s14, s16;
	s16 =	simm.s32 $0x80  }
.LBB2_4:
0x13: {  	s4 =	sadd.s32 $0xFFFFFFFF, s4  }
0x14: {  	p2 =	sne.s32 s4, $0x0  }
.Ltmp2:
0x15: {  	_ = 	snop;
	(pc) =	sbr.rel @!p2 .LBB2_5-.Ltmp2, $1  }
0x16: {  	_ =	sdelay $0x3  }
.LBB2_2:
.Ltmp3:
0x17: {  	(pc) =	sbr.rel @p0 .LBB2_4-.Ltmp3, $1  }
0x18: {  	_ =	sdelay $0x3  }
0x19: {  	[tilespmem:s2], [sflag:$0x2] =	stream.linear.gather [hbm4b:s5+s2], $0x80, $0x38;
	[tilespmem:$0x100] =	vst v63  }
0x1a: {  	_ =	swait.ge [sflag:s15], $0x80  }
0x1b: {  	[sflag:s15] =	ssyncset.done $0x0  }
0x1c: {  	[sflag:s15] =	ssyncadd.s32 $0xFFFFFF80  }
0x1d: {  	[tilespmem:s16], [sflag:$0x2] =	stream.indirect.gather [hbm4b:s3+s16], $0x1, s2, s16, $0xb8;
	[tilespmem:$0x100] =	vst v63  }
0x1e: {  	_ =	swait.ge [sflag:s15], $0x80  }
0x1f: {  	[sflag:s15] =	ssyncset.done $0x0  }
0x20: {  	[sflag:s15] =	ssyncadd.s32 $0xFFFFFF80  }
0x21: {  	[hbm4b:s6+s2] =	stream.linear.scatter [tilespmem:s16], [sflag:$0x1], $0x80, $0x38;
	[tilespmem:$0x100] =	vst v63  }
0x22: {  	_ =	swait.ge [sflag:s17], $0x80  }
0x23: {  	[sflag:s17] =	ssyncset.done $0x0  }
0x24: {  	[sflag:s17] =	ssyncadd.s32 $0xFFFFFF80  }
0x25: {  	[tilespmem:s2], [sflag:$0x2] =	stream.linear.gather [hbm4b:s7+s2], $0x80, $0x38;
	[tilespmem:$0x100] =	vst v63  }
0x26: {  	_ =	swait.ge [sflag:s15], $0x80  }
0x27: {  	[sflag:s15] =	ssyncset.done $0x0  }
0x28: {  	[sflag:s15] =	ssyncadd.s32 $0xFFFFFF80  }
0x29: {  	[tilespmem:s16], [sflag:$0x2] =	stream.indirect.gather [hbm4b:s3+s16], $0x1, s2, s16, $0xb8;
	[tilespmem:$0x100] =	vst v63  }
0x2a: {  	_ =	swait.ge [sflag:s15], $0x80  }
0x2b: {  	[sflag:s15] =	ssyncset.done $0x0  }
0x2c: {  	[sflag:s15] =	ssyncadd.s32 $0xFFFFFF80  }
0x2d: {  	[hbm4b:s8+s2] =	stream.linear.scatter [tilespmem:s16], [sflag:$0x1], $0x80, $0x38;
	[tilespmem:$0x100] =	vst v63  }
0x2e: {  	_ =	swait.ge [sflag:s17], $0x80  }
0x2f: {  	[sflag:s17] =	ssyncset.done $0x0  }
0x30: {  	[sflag:s17] =	ssyncadd.s32 $0xFFFFFF80  }
0x31: {  	[tilespmem:s2], [sflag:$0x2] =	stream.linear.gather [hbm4b:s9+s2], $0x80, $0x38;
	[tilespmem:$0x100] =	vst v63  }
0x32: {  	_ =	swait.ge [sflag:s15], $0x80  }
0x33: {  	[sflag:s15] =	ssyncset.done $0x0  }
0x34: {  	[sflag:s15] =	ssyncadd.s32 $0xFFFFFF80  }
0x35: {  	[tilespmem:s16], [sflag:$0x2] =	stream.indirect.gather [hbm4b:s3+s16], $0x1, s2, s16, $0xb8;
	[tilespmem:$0x100] =	vst v63  }
0x36: {  	_ =	swait.ge [sflag:s15], $0x80  }
0x37: {  	[sflag:s15] =	ssyncset.done $0x0  }
0x38: {  	[sflag:s15] =	ssyncadd.s32 $0xFFFFFF80  }
0x39: {  	[hbm4b:s10+s2] =	stream.linear.scatter [tilespmem:s16], [sflag:$0x1], $0x80, $0x38;
	[tilespmem:$0x100] =	vst v63  }
0x3a: {  	_ =	swait.ge [sflag:s17], $0x80  }
0x3b: {  	[sflag:s17] =	ssyncset.done $0x0  }
0x3c: {  	s18 =	simm.s32 @!p1 $0x0;
	s19 =	simm.s32 @!p1 $0x2;
	[sflag:s17] =	ssyncadd.s32 $0xFFFFFF80  }
0x3d: {  	[tilespmem:s18], [sflag:$0x2] =	stream.linear.gather @!p1 [hbm4b:s11+s18], $0x80, $0x38;
	[tilespmem:$0x100] =	vst v63  }
0x3e: {  	_ =	swait.ge @!p1 [sflag:s19], $0x80  }
0x3f: {  	[sflag:s19] =	ssyncset.done @!p1 $0x0  }
0x40: {  	s20 =	simm.s32 @!p1 $0x80;
	[sflag:s19] =	ssyncadd.s32 @!p1 $0xFFFFFF80  }
0x41: {  	[tilespmem:s20], [sflag:$0x2] =	stream.indirect.gather @!p1 [hbm4b:s3+s20], $0x1, s18, s20, $0xb8;
	[tilespmem:$0x100] =	vst v63  }
0x42: {  	_ =	swait.ge @!p1 [sflag:s19], $0x80  }
0x43: {  	[sflag:s19] =	ssyncset.done @!p1 $0x0  }
0x44: {  	s21 =	simm.s32 @!p1 $0x1;
	[sflag:s19] =	ssyncadd.s32 @!p1 $0xFFFFFF80  }
0x45: {  	[hbm4b:s12+s18] =	stream.linear.scatter @!p1 [tilespmem:s20], [sflag:$0x1], $0x80, $0x38;
	[tilespmem:$0x100] =	vst v63  }
0x46: {  	_ =	swait.ge @!p1 [sflag:s21], $0x80  }
0x47: {  	[sflag:s21] =	ssyncset.done @!p1 $0x0  }
0x48: {  	[sflag:s21] =	ssyncadd.s32 @!p1 $0xFFFFFF80  }
0x49: {  	[tilespmem:s18], [sflag:$0x2] =	stream.linear.gather @!p1 [hbm4b:s13+s18], $0x80, $0x38;
	[tilespmem:$0x100] =	vst v63  }
0x4a: {  	_ =	swait.ge @!p1 [sflag:s19], $0x80  }
0x4b: {  	[sflag:s19] =	ssyncset.done @!p1 $0x0  }
0x4c: {  	[sflag:s19] =	ssyncadd.s32 @!p1 $0xFFFFFF80  }
0x4d: {  	[tilespmem:s20], [sflag:$0x2] =	stream.indirect.gather @!p1 [hbm4b:s3+s20], $0x1, s18, s20, $0xb8;
	[tilespmem:$0x100] =	vst v63  }
0x4e: {  	_ =	swait.ge @!p1 [sflag:s19], $0x80  }
0x4f: {  	[sflag:s19] =	ssyncset.done @!p1 $0x0  }
.Ltmp4:
0x50: {  	[sflag:s19] =	ssyncadd.s32 @!p1 $0xFFFFFF80;
	(pc) =	sbr.rel .LBB2_4-.Ltmp4, $4  }
0x51: {  	[hbm4b:s14+s18] =	stream.linear.scatter @!p1 [tilespmem:s20], [sflag:$0x1], $0x80, $0x38;
	[tilespmem:$0x100] =	vst v63  }
0x52: {  	_ =	swait.ge @!p1 [sflag:s21], $0x80  }
0x53: {  	[sflag:s21] =	ssyncset.done @!p1 $0x0  }
0x54: {  	[sflag:s21] =	ssyncadd.s32 @!p1 $0xFFFFFF80  }
.LBB2_5:
0x55: {  	_ =	sfence.sel $0x180000  }
0x56: {  	[bflag:$0x0] =	sbarrier.arrive $0xFFFF  }
0x57: {  	p0 =	sne.s32 s1, $0x0;
	_ =	strace $0x90000047  }
0x58: {  	s0 =	sadd.s32 @!p0 $0x100000, s0;
	[bflag:$0x2] =	sbarrier.arrive $0xFFFF  }
0x59: {  	[sflag:s0] =	ssyncadd.tile.s32 @!p0 $0x1;
	_ =	shalt  }
.Lfunc_end2:
_tile_overlayer_lowered:
.L_overlay_start_2:
0x5a: {  	(tag) =	ssettag $0x2  }
0x5b: {  	s0 =	rddreg [dreg:$0x0];
	s2 =	stileid.u32  }
0x5c: {  	s1 =	rddreg [dreg:$0x1];
	p0 =	sne.s32 s2, $0x0  }
0x5d: {  	s3 =	rddreg [dreg:$0x2];
	[bflag:$0x3] =	sbarrier.arrive $0xFFFF;
	s2 =	simm.s32 @!p0 $0x1C01  }
0x5e: {  	[timem:s3], [sflag:s2] =	dma.local @!p0 [hbm:s0], s1  }
0x5f: {  	s0 =	simm.s32 @!p0 $0x1  }
0x60: {  	_ =	swait.ge @!p0 [sflag:s0], s1  }
0x61: {  	s1 =	ssub.s32 @!p0 $0x0, s1;
	[sflag:s0] =	ssyncset.done @!p0 $0x0  }
0x62: {  	[sflag:s0] =	ssyncadd.s32 @!p0 s1  }
0x63: {  	[bflag:$0x3] =	sbarrier.arrive $0xFFFF  }
0x64: {  	_ =	shalt  }

// kernel: kernel.8.cloned.1.call-start
scs
__scs_entry_jumppad:
0x0: {  	(pc) =	sbr.rel $0x88, $3  }
0x1: {  	(tag) =	ssettag $0x0;
	lr =	simm.s32 $0x1  }
0x2: {  	[smem:$0x3F99] =	sst lr;
	_ =	strace $0xD0000000  }
0x3: {  	_ = 	snop  }
0x4: {  	_ = 	snop  }
0x5: {  	_ = 	snop  }
0x6: {  	_ = 	snop  }
0x7: {  	_ = 	snop  }
__scs_overlays_trampoline_lowered:
0x8: {  	[smem:$0x3FA8] =	sst s0  }
0x9: {  	[smem:$0x3FA9] =	sst s1  }
0xa: {  	[smem:$0x3FAA] =	sst s2  }
0xb: {  	[smem:$0x3FAB] =	sst s3  }
0xc: {  	[smem:$0x3FAC] =	sst s4  }
0xd: {  	[smem:$0x3FAD] =	sst s5  }
0xe: {  	[smem:$0x3FAE] =	sst s6  }
0xf: {  	[smem:$0x3FAF] =	sst s7  }
0x10: {  	[smem:$0x3FB0] =	sst s8  }
0x11: {  	[smem:$0x3FB1] =	sst s9;
	s0 =	simm.s32 @!p0 $0x0  }
0x12: {  	s1 =	sld [smem:$0x3F97];
	s0 =	simm.s32 @p0 $0x1  }
0x13: {  	[smem:$0x3FB2] =	sst s0;
	s0 =	simm.s32 @!p1 $0x0  }
0x14: {  	s2 =	sld [smem:$0x3F96];
	s0 =	simm.s32 @p1 $0x1  }
0x15: {  	[smem:$0x3FB3] =	sst s0;
	s0 =	simm.s32 @!p2 $0x0  }
0x16: {  	s3 =	sld [smem:$0x3FDB];
	s0 =	simm.s32 @p2 $0x1  }
0x17: {  	s4 =	simm.s32 $0x1BF5;
	[smem:$0x3FB5] =	sst s0  }
0x18: {  	s0 =	sld [smem:$0x3F98];
	_ =	swait.ge [sflag:s4], $0x0  }
0x19: {  	s7 =	sld [smem:$0x3F99]  }
0x1a: {  	s8 =	sadd.s32 $0xFFFFE003, lr  }
0x1b: {  	s9 =	sadd.s32 $0xFFFFFEF7, lr;
	s5 =	simm.s32 $0xFFFFFFFF;
	p2 =	slt.u32 s8, $0xFFFFF086  }
0x1c: {  	p1 =	slt.u32 s9, $0xF7A;
	s5 =	simm.s32 @!p2 $0x0  }
0x1d: {  	s5 =	simm.s32 @p1 $0x1;
	p0 =	seq.s32 s7, s2  }
0x1e: {  	s7 =	smul.u32 @!p0 $0xF7A, s2;
	p2 =	seq.s32 @!p0 s5, $0x0  }
0x1f: {  	s9 =	smul.u32 $0xF7A, s1;
	s8 =	simm.s32 @!p0 $0x1BF5;
	p2 =	por !p2, p0  }
0x20: {  	[sflag:s8] =	ssyncset.s32 @!p0 $0xFFFFF086;
	s6 =	sadd.s32 @!p0 s3, s7;
	s7 =	simm.s32 @!p0 $0x108  }
0x21: {  	s3 =	sadd.s32 s3, s9;
	s6 =	sadd.s32 @!p0 $0x88, s6;
	s7 =	simm.s32 @p2 $0x1082  }
0x22: {  	[simem:s7], [sflag:s8] =	dma.local @!p0 [hbm:s6], $0xF7A  }
0x23: {  	s9 =	sor.u32 $0xD0000000, s2;
	s6 =	simm.s32 $0x108;
	_ =	swait.ge @!p0 [sflag:s8], $0x0  }
0x24: {  	s3 =	sadd.s32 $0x88, s3;
	s6 =	simm.s32 @!p1 $0x1082;
	[sflag:s4] =	ssyncset.s32 $0xFFFFF086  }
0x25: {  	[simem:s6], [sflag:s4] =	dma.local [hbm:s3], $0xF7A  }
0x26: {  	[smem:$0x3F99] =	sst s1;
	(tag) =	ssettag s2;
	_ =	strace s9  }
0x27: {  	s1 =	sld [smem:$0x3FA9]  }
0x28: {  	s2 =	sld [smem:$0x3FAA]  }
0x29: {  	s4 =	sld [smem:$0x3FAC]  }
0x2a: {  	p0 =	seq.s32 s5, $0x0;
	s5 =	sld [smem:$0x3FAD]  }
0x2b: {  	s6 =	sld [smem:$0x3FAE]  }
0x2c: {  	s7 =	sld [smem:$0x3FAF]  }
0x2d: {  	s3 =	simm.s32 $0x108;
	s8 =	sld [smem:$0x3FB0]  }
0x2e: {  	s3 =	simm.s32 @!p0 $0x1082;
	s9 =	sld [smem:$0x3FB1]  }
0x2f: {  	lr =	sadd.s32 s0, s3;
	s0 =	sld [smem:$0x3FA8]  }
0x30: {  	s3 =	sld [smem:$0x3FAB]  }
0x31: {  	[smem:$0x3FB4] =	sst s10  }
0x32: {  	s10 =	sld [smem:$0x3FB2];
	_ =	sdelay $0x3  }
0x33: {  	p0 =	seq.s32 s10, $0x1;
	s10 =	sld [smem:$0x3FB4];
	_ =	sdelay $0x3  }
0x34: {  	[smem:$0x3FB4] =	sst s10  }
0x35: {  	s10 =	sld [smem:$0x3FB3];
	_ =	sdelay $0x3  }
0x36: {  	p1 =	seq.s32 s10, $0x1;
	s10 =	sld [smem:$0x3FB4];
	_ =	sdelay $0x3  }
0x37: {  	[smem:$0x3FB4] =	sst s10  }
0x38: {  	s10 =	sld [smem:$0x3FB5]  }
0x39: {  	_ = 	snop;
	(pc) =	sbr.ind lr, $3  }
0x3a: {  	_ = 	snop  }
0x3b: {  	_ = 	snop  }
0x3c: {  	p2 =	seq.s32 s10, $0x1;
	s10 =	sld [smem:$0x3FB4]  }
0x3d: {  	_ =	shalt  }
0x3e: {  	_ =	shalt  }
0x3f: {  	_ =	shalt  }
0x40: {  	_ =	shalt  }
0x41: {  	_ =	shalt  }
0x42: {  	_ =	shalt  }
0x43: {  	_ =	shalt  }
0x44: {  	_ =	shalt  }
0x45: {  	_ =	shalt  }
0x46: {  	_ =	shalt  }
0x47: {  	_ =	shalt  }
0x48: {  	_ =	shalt  }
0x49: {  	_ =	shalt  }
0x4a: {  	_ =	shalt  }
0x4b: {  	_ =	shalt  }
0x4c: {  	_ =	shalt  }
0x4d: {  	_ =	shalt  }
0x4e: {  	_ =	shalt  }
0x4f: {  	_ =	shalt  }
0x50: {  	_ =	shalt  }
0x51: {  	_ =	shalt  }
0x52: {  	_ =	shalt  }
0x53: {  	_ =	shalt  }
0x54: {  	_ =	shalt  }
0x55: {  	_ =	shalt  }
0x56: {  	_ =	shalt  }
0x57: {  	_ =	shalt  }
0x58: {  	_ =	shalt  }
0x59: {  	_ =	shalt  }
0x5a: {  	_ =	shalt  }
0x5b: {  	_ =	shalt  }
0x5c: {  	_ =	shalt  }
0x5d: {  	_ =	shalt  }
0x5e: {  	_ =	shalt  }
0x5f: {  	_ =	shalt  }
0x60: {  	_ =	shalt  }
0x61: {  	_ =	shalt  }
0x62: {  	_ =	shalt  }
0x63: {  	_ =	shalt  }
0x64: {  	_ =	shalt  }
0x65: {  	_ =	shalt  }
0x66: {  	_ =	shalt  }
0x67: {  	_ =	shalt  }
0x68: {  	_ =	shalt  }
0x69: {  	_ =	shalt  }
0x6a: {  	_ =	shalt  }
0x6b: {  	_ =	shalt  }
0x6c: {  	_ =	shalt  }
0x6d: {  	_ =	shalt  }
0x6e: {  	_ =	shalt  }
0x6f: {  	_ =	shalt  }
0x70: {  	_ =	shalt  }
0x71: {  	_ =	shalt  }
0x72: {  	_ =	shalt  }
0x73: {  	_ =	shalt  }
0x74: {  	_ =	shalt  }
0x75: {  	_ =	shalt  }
0x76: {  	_ =	shalt  }
0x77: {  	_ =	shalt  }
0x78: {  	_ =	shalt  }
0x79: {  	_ =	shalt  }
0x7a: {  	_ =	shalt  }
0x7b: {  	_ =	shalt  }
0x7c: {  	_ =	shalt  }
0x7d: {  	_ =	shalt  }
0x7e: {  	_ =	shalt  }
0x7f: {  	_ =	shalt  }
0x80: {  	_ =	shalt  }
0x81: {  	_ =	shalt  }
0x82: {  	_ =	shalt  }
0x83: {  	_ =	shalt  }
0x84: {  	_ =	shalt  }
0x85: {  	_ =	shalt  }
0x86: {  	_ =	shalt  }
0x87: {  	_ =	shalt  }
.Lfunc_end0:
.L_simem_size_0:
called_computation.1_lowered:
.L_overlay_start_0:
0x88: {  	s2 =	sld [smem:$0x3FD9]  }
0x89: {  	s3 =	sld [smem:$0x3FFE];
	_ =	sdelay $0x1  }
0x8a: {  	s1 =	srdreg.scid  }
0x8b: {  	s0 =	sand.u32 $0x1, s1  }
0x8c: {  	s16 =	sshll.u32 s0, $0xA;
	s2 =	sadd.s32 s3, s2  }
0x8d: {  	s2 =	sadd.s32 s2, s16  }
0x8e: {  	[smem:$0x3FC0] =	sst s2  }
0x8f: {  	_ = 	snop  }
0x90: {  	s17 =	sld [smem:$0x3FD0]  }
0x91: {  	s2 =	sld [smem:$0x3FC9]  }
0x92: {  	s4 =	sld [smem:$0x3FC6]  }
0x93: {  	s6 =	simm.s32 $0xB;
	s7 =	simm.s32 $0x10;
	s5 =	sld [smem:$0x3FC3]  }
0x94: {  	[smem:s7], [sflag:s6] =	dma.local [hbm:s17], $0x1  }
0x95: {  	_ =	swait.eq [sflag:s6], $0x1  }
0x96: {  	[sflag:s6] =	ssyncset.done $0x0  }
0x97: {  	[sflag:s6] =	ssyncadd.s32 $0xFFFFFFFF  }
0x98: {  	s18 =	sld [smem:$0x13];
	(tm) =	ssettm $0x1  }
0x99: {  	s19 =	sld [smem:$0x3FFB];
	_ =	sdelay $0x3  }
0x9a: {  	_ =	strace s19  }
0x9b: {  	s3 =	sld [smem:$0x3FFC];
	_ =	sdelay $0x3  }
0x9c: {  	_ =	strace s3  }
0x9d: {  	s3 =	sld [smem:$0x3FFD];
	_ =	sdelay $0x3  }
0x9e: {  	_ =	strace s3  }
0x9f: {  	_ =	strace $0x8FFFFFFF  }
0xa0: {  	s20 =	sld [smem:$0x3FDB];
	_ =	sdelay $0x1  }
0xa1: {  	s21 =	simm.s32 $_scs_section_size  }
0xa2: {  	s8 =	simm.s32 $_size__tile_overlayer_lowered;
	s9 =	simm.s32 $_tile_overlayer_lowered  }
0xa3: {  	s10 =	simm.s32 $0x1BFF;
	s22 =	sshll.u32 s9, $0x1;
	s7 =	sadd.s32 s21, s20  }
0xa4: {  	s23 =	simm.s32 $0x0;
	s8 =	sshll.u32 s8, $0x1;
	s9 =	sadd.s32 s22, s7  }
0xa5: {  	[timem:s23], [sflag:s10] =	dma.local [hbm:s9], s8  }
0xa6: {  	_ =	swait.ge [sflag:s10], s8  }
0xa7: {  	s8 =	ssub.s32 $0x0, s8;
	[sflag:s10] =	ssyncset.done $0x0  }
0xa8: {  	[sflag:s10] =	ssyncadd.s32 s8;
	_ =	sdelay $0x1  }
0xa9: {  	s24 =	simm.s32 $0x1B8B  }
0xaa: {  	_ =	swait.ge [sflag:s24], $0x1  }
0xab: {  	[sflag:s24] =	ssyncset.done $0x0  }
0xac: {  	[sflag:s24] =	ssyncadd.s32 $0xFFFFFFFF  }
0xad: {  	s8 =	sld [smem:$0x0]  }
0xae: {  	s9 =	sand.u32 $0xFFFFFFFE, s1  }
0xaf: {  	p0 =	sne.s32 s1, s9  }
0xb0: {  	s9 =	sshll.u32 @p0 s9, $0xE  }
0xb1: {  	s9 =	sadd.s32 @p0 $0x11B8D, s9;
	s10 =	sshll.u32 @p0 s8, $0x11  }
0xb2: {  	s9 =	sor.u32 @p0 s10, s9  }
0xb3: {  	[sflag:s9] =	ssyncadd.remote.s32 @p0 $0x1;
	_ =	sdelay $0x1  }
0xb4: {  	s9 =	simm.s32 @p0 $0x1B8D  }
0xb5: {  	_ =	swait.eq @p0 [sflag:s9], $0x1  }
0xb6: {  	[sflag:s9] =	ssyncadd.s32 @p0 $0xFFFFFFFF  }
0xb7: {  	s10 =	sshll.u32 @!p0 s1, $0xE  }
0xb8: {  	s10 =	sor.u32 @!p0 $0x4000, s10;
	s9 =	simm.s32 @!p0 $0x1B8D  }
0xb9: {  	s8 =	sshll.u32 @!p0 s8, $0x11;
	s10 =	sadd.s32 @!p0 $0x11B8D, s10;
	_ =	swait.eq @!p0 [sflag:s9], $0x1  }
0xba: {  	s8 =	sor.u32 @!p0 s8, s10;
	[sflag:s9] =	ssyncadd.s32 @!p0 $0xFFFFFFFF  }
0xbb: {  	s25 =	simm.s32 $0x1B8E;
	[sflag:s8] =	ssyncadd.remote.s32 @!p0 $0x1  }
0xbc: {  	s26 =	simm.s32 $execute0_lowered;
	[smem:$0x3FD2] =	sst s25  }
0xbd: {  	s8 =	sshll.u32 s26, $0x1;
	_ =	strace $0x80000049;
	[dreg:$0x1] =	wrdreg $0xFFFFFFFF  }
0xbe: {  	s28 =	simm.s32 $_size_execute0_lowered;
	s7 =	sadd.s32 s7, s8;
	[dreg:$0x0] =	wrdreg $0x0  }
0xbf: {  	s8 =	sshll.u32 s28, $0x1;
	[dreg:$0x2] =	wrdreg s7  }
0xc0: {  	[dreg:$0x3] =	wrdreg s8  }
0xc1: {  	[dreg:$0x4] =	wrdreg $0xC0  }
0xc2: {  	_ =	task [dreg:s23], $0x5FFFF  }
0xc3: {  	[dreg:$0x1] =	wrdreg $0xFFFFFFFF  }
0xc4: {  	[dreg:$0x0] =	wrdreg $0x60  }
0xc5: {  	[dreg:$0x2] =	wrdreg s5  }
0xc6: {  	[dreg:$0x3] =	wrdreg s4  }
0xc7: {  	[dreg:$0x4] =	wrdreg s2  }
0xc8: {  	[dreg:$0x5] =	wrdreg s18  }
0xc9: {  	[dreg:$0x6] =	wrdreg $0x0  }
0xca: {  	[dreg:$0x7] =	wrdreg $0x4000  }
0xcb: {  	[dreg:$0x8] =	wrdreg $0xA  }
0xcc: {  	_ =	task.clear_ibuf [dreg:s23], $0x9FFFF;
	_ =	strace $0x90000049  }
0xcd: {  	s29 =	simm.s32 $0xA;
	_ =	strace $0x8000004B  }
0xce: {  	_ =	swait.ge [sflag:s29], $0x1  }
0xcf: {  	[sflag:s29] =	ssyncadd.s32 $0xFFFFFFFF  }
0xd0: {  	_ =	strace $0x9000004B  }
0xd1: {  	_ =	sfence  }
0xd2: {  	s30 =	sld [smem:$0x0];
	_ =	sdelay $0x2  }
0xd3: {  	s31 =	sshll.u32 s1, $0xD;
	s1 =	sshrl.u32 s1, $0x2  }
0xd4: {  	s4 =	sand.u32 $0x4000, s31;
	s1 =	sadd.s32 s1, s30  }
0xd5: {  	s0 =	sor.u32 s4, s0;
	s1 =	sshll.u32 s1, $0x11  }
0xd6: {  	s0 =	sor.u32 s1, s0  }
0xd7: {  	s0 =	sadd.s32 $0x8F2B, s0  }
0xd8: {  	[sflag:s0] =	ssyncadd.remote.s32 $0x1  }
0xd9: {  	_ =	sfence.sel $0xFFFF  }
0xda: {  	[dreg:$0x0] =	wrdreg $0xFFFFFFFF;
	(pc) =	sbr.abs _section_cstart, $3  }
0xdb: {  	[dreg:$0x1] =	wrdreg $0xFFFFFFFF  }
0xdc: {  	_ =	task.clear_ibuf [dreg:s23], $0x2FFFF;
	_ =	strace $0x9FFFFFFF  }
0xdd: {  	(tm) =	ssettm $0x7FFFFFFF  }
tec
execute0_lowered:
.L_overlay_start_1:
0x0: {  	(tag) =	ssettag $0x1  }
0x1: {  	s0 =	rddreg [dreg:$0x0]  }
0x2: {  	s1 =	rddreg [dreg:$0x1]  }
0x3: {  	s14 =	rddreg [dreg:$0x2]  }
0x4: {  	s3 =	rddreg [dreg:$0x3]  }
0x5: {  	s15 =	rddreg [dreg:$0x4];
	s2 =	srdreg.scid  }
0x6: {  	s4 =	rddreg [dreg:$0x5];
	s8 =	stileid.u32;
	s7 =	simm.s32 $0x0  }
0x7: {  	s30 =	simm.s32 $0x0;
	s5 =	sand.u32 $0x1, s2;
	s12 =	smul.u32 $0x78, s8  }
0x8: {  	[smem:$0x7FF] =	sst s7;
	s10 =	sshrl.u32 s8, $0x3;
	s26 =	smul.u32 $0xF00, s8  }
0x9: {  	s17 =	sshll.u32 s8, $0xA;
	p0 =	sne.s32 s8, $0x0;
	s6 =	smul.u32 $0xC350, s5  }
0xa: {  	s2 =	ssub.s32 $0x2, s5;
	s10 =	smul.u32 $0x9000, s10;
	_ =	strace $0x8000004A  }
0xb: {  	s18 =	sadd.s32 s17, s15;
	s23 =	smul.u32 $0x186A00, s5;
	s11 =	sshrl.u32 s2, $0x1  }
0xc: {  	[dreg:$0x12] =	wrdreg s18;
	s25 =	smin.u32 s12, $0x578;
	s9 =	sadd.s32 s6, s12  }
0xd: {  	s13 =	ssub.s32 s2, s11;
	s11 =	sshll.u32 s8, $0x7;
	s9 =	sshll.u32 s9, $0x5  }
0xe: {  	s10 =	sshrl.u32 s10, $0x2;
	s5 =	sadd.s32 s6, s25;
	s9 =	sadd.s32 s0, s9  }
0xf: {  	s16 =	sand.u32 $0x380, s11;
	s4 =	sadd.s32 s10, s4;
	s2 =	sadd.s32 $0xFFFFF100, s9  }
0x10: {  	s10 =	sadd.s32 s16, s4;
	s9 =	sadd.s32 s14, s11;
	[dreg:$0x7] =	wrdreg s2  }
0x11: {  	s25 =	simm.s32 $0x880;
	s19 =	sadd.s32 $0x400, s10;
	[dreg:$0x11] =	wrdreg s9  }
0x12: {  	s5 =	sshll.u32 s5, $0x5;
	s20 =	sadd.s32 $0x800, s10;
	[dreg:$0x8] =	wrdreg s19  }
0x13: {  	s4 =	sadd.s32 s23, s3;
	s21 =	sadd.s32 $0xC00, s10;
	[dreg:$0x9] =	wrdreg s20  }
0x14: {  	s5 =	sadd.s32 s3, s5;
	s22 =	sadd.s32 $0x1000, s10;
	[dreg:$0xa] =	wrdreg s21  }
0x15: {  	s23 =	sadd.s32 $0x690, s12;
	s24 =	sadd.s32 $0x1400, s10;
	[dreg:$0xb] =	wrdreg s22  }
0x16: {  	v0 =	vimm.s32 $0xFFEDCBA9;
	v1 =	vimm.s32 $0x87654321;
	s28 =	sadd.s32 $0x1800, s10;
	s29 =	sadd.s32 $0x1C00, s10;
	[dreg:$0xc] =	wrdreg s24  }
.Ltmp0:
0x17: {  	v2 =	vlaneseq.u32;
	v0 =	vunpack.c.l.s4.s8 v0;
	v1 =	vunpack.c.l.s4.s8 v1;
	s4 =	sadd.s32 s26, s4;
	[dreg:$0xd] =	wrdreg s28;
	(pc) =	sbr.rel .LBB2_1-.Ltmp0, $4  }
0x18: {  	vm0 =	vcmask $0x3F3C;
	vm1 =	vmmov $0xffff;
	v5 =	vand.u32 $0x7, v2;
	s31 =	sadd.s32 $0x2000, s10;
	s5 =	sadd.s32 $0x17AC00, s5;
	[dreg:$0xe] =	wrdreg s29  }
0x19: {  	v6 =	vshrl.u32 v2, $0x3;
	v3 =	vunpack.c.0.s8.s32 v0;
	v4 =	vunpack.c.0.s8.s32 v1;
	s2 =	sadd.s32 $0xC350, s6;
	[dreg:$0xf] =	wrdreg s31;
	s20 =	smax.u32 s13, $0x1  }
0x1a: {  	v7 =	vor.u32 $0x8, v2;
	v6 =	vmul.u32 $0x8, v6;
	v1 =	vmov s6;
	[dreg:$0x10] =	wrdreg s5;
	s4 =	sadd.s32 $0xFFFFF100, s4;
	s24 =	simm.s32 $0x9  }
0x1b: {  	v3 =	vcombine.low v4, v3;
	v4 =	vimm.s32 $0x0;
	s19 =	simm.s32 $0x5;
	s21 =	simm.s32 $0x7;
	[dreg:$0x13] =	wrdreg s4;
	v0 =	vmov s2  }
.LBB2_30:
0x1c: {  	_ =	swait.ge [sflag:s21], $0x8000  }
0x1d: {  	[sflag:s21] =	ssyncset.done $0x0  }
0x1e: {  	[sflag:s21] =	ssyncadd.s32 $0xFFFF8000  }
.LBB2_31:
0x1f: {  	s5 =	sadd.s32 $0xFFFFFC7F, s31  }
0x20: {  	p1 =	sgt.u32 s5, $0xFF  }
0x21: {  	s5 =	simm.s32 @!p1 $0x8  }
0x22: {  	s8 =	sadd.s32 $0xFFFFFBFF, s31;
	_ =	swait.ge @!p1 [sflag:s5], $0x8000  }
0x23: {  	p2 =	sgt.u32 s8, $0xFF;
	[sflag:s5] =	ssyncset.done @!p1 $0x0  }
0x24: {  	[sflag:s5] =	ssyncadd.s32 @!p1 $0xFFFF8000;
	s5 =	simm.s32 @!p2 $0x7  }
0x25: {  	_ =	swait.ge @!p2 [sflag:s5], $0x8000  }
0x26: {  	[sflag:s5] =	ssyncset.done @!p2 $0x0  }
0x27: {  	[sflag:s5] =	ssyncadd.s32 @!p2 $0xFFFF8000  }
.LBB2_32:
0x28: {  	s30 =	sadd.s32 $0x1, s30  }
0x29: {  	p1 =	sne.s32 s30, s20  }
.Ltmp1:
0x2a: {  	_ = 	snop;
	(pc) =	sbr.rel @!p1 .LBB2_33-.Ltmp1, $1  }
0x2b: {  	_ =	sdelay $0x3  }
.LBB2_1:
.Ltmp2:
0x2c: {  	(pc) =	sbr.rel @!p0 .LBB2_2-.Ltmp2, $1  }
0x2d: {  	_ =	sdelay $0x3  }
0x2e: {  	s5 =	rddreg [dreg:$0x7];
	s26 =	simm.s32 $0x1  }
0x2f: {  	[tilespmem:s25], [sflag:$0x1] =	stream.linear.gather [hbm4b:s5+s7], $0x7800, $0x38;
	[tilespmem:$0x11E00] =	vst v63  }
0x30: {  	s5 =	sand.u32 $0x1, s26  }
0x31: {  	s28 =	simm.s32 $0x0;
	s26 =	smin.u32 s23, $0xC2D8;
	s8 =	smul.u32 $0x1E000, s5  }
0x32: {  	s28 =	sand.u32 $0x1, s28;
	s5 =	sadd.s32 $0x1, s5;
	s26 =	sadd.s32 s6, s26  }
0x33: {  	s31 =	sadd.s32 $0x1, s28;
	s26 =	sshll.u32 s26, $0x5;
	s8 =	sshrl.u32 s8, $0x2  }
0x34: {  	s12 =	smul.u32 $0x1E000, s28;
	s26 =	sadd.s32 s0, s26;
	s8 =	sadd.s32 $0x880, s8  }
0x35: {  	[tilespmem:s8], [sflag:s5] =	stream.linear.gather [hbm4b:s26+s7], $0x7800, $0x38;
	[tilespmem:$0x11E00] =	vst v63  }
0x36: {  	s29 =	sshrl.u32 s12, $0x2;
	s8 =	sadd.s32 $0x3, s28;
	_ =	swait.ge [sflag:s31], $0x7800  }
0x37: {  	s5 =	sadd.s32 $0x880, s29;
	s28 =	simm.s32 $0x2;
	[sflag:s31] =	ssyncset.done $0x0  }
0x38: {  	s26 =	simm.s32 $0x3;
	s2 =	rddreg [dreg:$0x13];
	[sflag:s31] =	ssyncadd.s32 $0xFFFF8800  }
0x39: {  	[hbm4b:s2+s7] =	stream.linear.scatter [tilespmem:s5], [sflag:s8], $0x7800, $0x38;
	[tilespmem:$0x11E00] =	vst v63  }
0x3a: {  	s31 =	sadd.s32 $0xE100, s2;
	s5 =	sadd.s32 $0x708, s23;
	_ =	swait.ge [sflag:s8], $0x7800  }
.LBB2_8:
0x3b: {  	s12 =	sand.u32 $0x1, s28  }
0x3c: {  	s13 =	smin.u32 s5, $0xC2D8;
	[sflag:s8] =	ssyncset.done $0x0;
	s14 =	smov.u32 s26  }
0x3d: {  	s15 =	smul.u32 $0x1E000, s12;
	s12 =	sadd.s32 $0x1, s12;
	[sflag:s8] =	ssyncadd.s32 $0xFFFF8800  }
0x3e: {  	p1 =	sne.s32 s26, $0x1B;
	s26 =	sadd.s32 $0x1, s26;
	s8 =	sadd.s32 s6, s13  }
0x3f: {  	s13 =	sadd.s32 $0xFFFFFFFF, s28;
	s8 =	sshll.u32 s8, $0x5;
	s15 =	sshrl.u32 s15, $0x2  }
0x40: {  	s13 =	sand.u32 $0x1, s13;
	s8 =	sadd.s32 s0, s8;
	s15 =	sadd.s32 $0x880, s15  }
0x41: {  	s28 =	smov.u32 s14;
	s16 =	sadd.s32 $0x1, s13;
	s17 =	smul.u32 $0x1E000, s13  }
0x42: {  	[tilespmem:s15], [sflag:s12] =	stream.linear.gather [hbm4b:s8+s7], $0x7800, $0x38;
	[tilespmem:$0x11E00] =	vst v63  }
.Ltmp3:
0x43: {  	s12 =	sshrl.u32 s17, $0x2;
	_ =	swait.ge [sflag:s16], $0x7800;
	(pc) =	sbr.rel @p1 .LBB2_8-.Ltmp3, $4  }
0x44: {  	s8 =	sadd.s32 $0x3, s13;
	s12 =	sadd.s32 $0x880, s12;
	[sflag:s16] =	ssyncset.done $0x0  }
0x45: {  	[sflag:s16] =	ssyncadd.s32 $0xFFFF8800  }
0x46: {  	[hbm4b:s31+s7] =	stream.linear.scatter [tilespmem:s12], [sflag:s8], $0x7800, $0x38;
	[tilespmem:$0x11E00] =	vst v63  }
0x47: {  	s5 =	sadd.s32 $0x708, s5;
	s31 =	sadd.s32 $0xE100, s31;
	_ =	swait.ge [sflag:s8], $0x7800  }
0x48: {  	s12 =	sand.u32 $0x1, s28;
	[sflag:s8] =	ssyncset.done $0x0;
	s5 =	smin.u32 s5, $0xC2D8  }
0x49: {  	s22 =	sadd.s32 $0xFFFFFFFF, s28;
	s13 =	smul.u32 $0x1E000, s12;
	s12 =	sadd.s32 $0x1, s12  }
0x4a: {  	[sflag:s8] =	ssyncadd.s32 $0xFFFF8800;
	s5 =	sadd.s32 s6, s5;
	s8 =	sand.u32 $0x1, s22  }
0x4b: {  	s5 =	sshll.u32 s5, $0x5;
	s14 =	sadd.s32 $0x1, s8;
	s13 =	sshrl.u32 s13, $0x2  }
0x4c: {  	s15 =	smul.u32 $0x1E000, s8;
	s5 =	sadd.s32 s0, s5;
	s13 =	sadd.s32 $0x880, s13  }
0x4d: {  	[tilespmem:s13], [sflag:s12] =	stream.linear.gather [hbm4b:s5+s7], $0x7800, $0x38;
	[tilespmem:$0x11E00] =	vst v63  }
0x4e: {  	_ =	swait.ge [sflag:s14], $0x7800  }
0x4f: {  	s26 =	sshrl.u32 s15, $0x2;
	[sflag:s14] =	ssyncset.done $0x0  }
0x50: {  	s8 =	sadd.s32 $0x3, s8;
	s5 =	sadd.s32 $0x880, s26;
	[sflag:s14] =	ssyncadd.s32 $0xFFFF8800  }
0x51: {  	[hbm4b:s31+s7] =	stream.linear.scatter [tilespmem:s5], [sflag:s8], $0x7800, $0x38;
	[tilespmem:$0x11E00] =	vst v63  }
0x52: {  	_ =	swait.ge [sflag:s8], $0x7800  }
0x53: {  	[sflag:s8] =	ssyncset.done $0x0  }
0x54: {  	s2 =	simm.s32 $0x2;
	[sflag:s8] =	ssyncadd.s32 $0xFFFF8800  }
0x55: {  	_ =	swait.ge [sflag:s2], $0x7800  }
0x56: {  	s29 =	simm.s32 $0x8080;
	s31 =	simm.s32 $0x4;
	[sflag:s2] =	ssyncset.done $0x0  }
.Ltmp4:
0x57: {  	s28 =	rddreg [dreg:$0x10];
	[sflag:s2] =	ssyncadd.s32 $0xFFFF8800;
	(pc) =	sbr.rel .LBB2_10-.Ltmp4, $4  }
0x58: {  	[hbm4b:s28+s7] =	stream.linear.scatter [tilespmem:s29], [sflag:$0x4], $0x7800, $0x38;
	[tilespmem:$0x11E00] =	vst v63  }
0x59: {  	_ =	swait.ge [sflag:s31], $0x7800  }
0x5a: {  	[sflag:s31] =	ssyncset.done $0x0  }
0x5b: {  	[sflag:s31] =	ssyncadd.s32 $0xFFFF8800  }
.LBB2_2:
0x5c: {  	s5 =	simm.s32 $0x0;
	s8 =	simm.s32 $0xCC00;
	s12 =	rddreg [dreg:$0x2]  }
0x5d: {  	[tilespmem:s8], [sflag:$0x9] =	stream.linear.gather [hbm4b:s12+s5], $0x4000, $0x38;
	[tilespmem:$0x11E00] =	vst v63  }
0x5e: {  	_ =	swait.ge [sflag:s24], $0x4000  }
0x5f: {  	[sflag:s24] =	ssyncset.done $0x0  }
0x60: {  	[sflag:s24] =	ssyncadd.s32 $0xFFFFC000  }
0x61: {  	v8 =	vld [tilespmem:s8+$0x0];
	_ =	sdelay $0x4  }
0x62: {  	v8 =	vshll.u32 v8, $0xE  }
0x63: {  	v8 =	vadd.s32 s5, v8  }
0x64: {  	v8 =	vadd.s32 v2, v8  }
0x65: {  	s17 =	simm.s32 $0xCC10;
	(xrf1) =	vsort.ascd.msk.u32 $0xffff, v8, v8  }
0x66: {  	v9 =	vld [tilespmem:s17+$0x0];
	_ =	sdelay $0x3  }
0x67: {  	s22 =	simm.s32 $0xCC20  }
0x68: {  	s18 =	simm.s32 $0x10;
	s26 =	simm.s32 $0xCC30;
	v8 =	vshll.u32 v9, $0xE;
	v9 =	vld [tilespmem:s22+$0x0]  }
0x69: {  	v10 =	vld [tilespmem:s26+$0x0];
	v8 =	vadd.s32 s18, v8  }
0x6a: {  	v8 =	vadd.s32 v2, v8  }
0x6b: {  	(xrf1) =	vsort.ascd.msk.u32 $0xffff, v8, v8;
	_ =	sdelay $0x1  }
0x6c: {  	s31 =	simm.s32 $0x20;
	v9 =	vshll.u32 v9, $0xE  }
0x6d: {  	s26 =	simm.s32 $0x30;
	v10 =	vshll.u32 v10, $0xE;
	v9 =	vadd.s32 s31, v9  }
0x6e: {  	v10 =	vadd.s32 s26, v10;
	v9 =	vadd.s32 v2, v9  }
0x6f: {  	v10 =	vadd.s32 v2, v10;
	v8, _, _ =	vpop (xrf1);
	(xrf1) =	vsort.ascd.msk.u32 $0xffff, v9, v9  }
0x70: {  	(xrf1) =	vsort.ascd.msk.u32 $0xffff, v10, v10;
	_ =	sdelay $0x1  }
0x71: {  	s29 =	simm.s32 $0xCC40  }
0x72: {  	v12 =	vld [tilespmem:s29+$0x0];
	v11 =	vshra.s32 v8, $0xE  }
0x73: {  	v13 =	vperm.xlane v11, v3  }
0x74: {  	vm3 =	vge.s32 v11, v1  }
0x75: {  	vm4 =	vlt.s32 v11, v0;
	v63 =	vsub.s32 v11, v1;
	vm2 =	vne.s32 v11, v13  }
0x76: {  	vm3 =	vmand vm3, vm4;
	vm15 =	vgt.s32 v63, $0x0;
	vm2 =	vmor vm2, vm0  }
0x77: {  	s28 =	simm.s32 $0xCC50;
	s26 =	simm.s32 $0x40;
	s5 =	simm.s32 $0x50;
	v9, _, _ =	vpop (xrf1);
	v11 =	vshll.u32 v12, $0xE;
	v10 =	vnsel vm15, $0x0, v63;
	vm2 =	vmand vm2, vm3  }
.LBB2_3:
0x78: {  	v12 =	vld [tilespmem:s28+$0x0];
	v11 =	vadd.s32 s26, v11;
	v13 =	vshra.s32 v9, $0xE;
	v14 =	vmin.u32 v10, $0xC34F;
	s26 =	smov.u32 s5;
	p1 =	sne.s32 s5, $0x3FF0  }
.Ltmp5:
0x79: {  	s5 =	sadd.s32 $0x10, s5;
	v10 =	vadd.s32 v2, v11;
	v11 =	vperm.xlane v13, v3;
	(pc) =	sbr.rel @p1 .LBB2_3-.Ltmp5, $4  }
0x7a: {  	v15 =	vand.u32 $0x3FFF, v8;
	v8 =	vmovc v9;
	vm3 =	vge.s32 v13, v1;
	(xrf1) =	vsort.ascd.msk.u32 $0xffff, v10, v10  }
0x7b: {  	vm4 =	vlt.s32 v13, v0;
	v10 =	vsub.s32 v13, v1;
	vm5 =	vne.s32 v13, v11  }
0x7c: {  	vm3 =	vmand vm3, vm4;
	v9, _, _ =	vpop (xrf1);
	vm4 =	vmor vm5, vm0;
	vm5 =	vgt.s32 v10, $0x0  }
0x7d: {  	s28 =	sadd.s32 $0x10, s28;
	v11 =	vshll.u32 v12, $0xE;
	v10 =	vnsel vm5, $0x0, v10;
	[tilespmem:v14+s25+$0x0] =	vst.idx.msk vm2, v15;
	vm2 =	vmand vm4, vm3  }
0x7e: {  	v11 =	vadd.s32 s26, v11  }
0x7f: {  	v11 =	vadd.s32 v2, v11  }
0x80: {  	(xrf1) =	vsort.ascd.msk.u32 $0xffff, v11, v11;
	_ =	sdelay $0x3  }
0x81: {  	v12 =	vshra.s32 v9, $0xE  }
0x82: {  	v60, _, _ =	vpop (xrf1);
	v10 =	vmin.u32 v10, $0xC34F;
	v14 =	vperm.xlane v12, v3  }
0x83: {  	v15 =	vshra.s32 v60, $0xE;
	vm7 =	vge.s32 v12, v1;
	vm8 =	vlt.s32 v12, v0  }
0x84: {  	v17 =	vperm.xlane v15, v3;
	vm7 =	vmand vm7, vm8;
	vm15 =	vge.s32 v15, v1  }
0x85: {  	vm12 =	vlt.s32 v15, v0;
	v61 =	vsub.s32 v15, v1;
	vm3 =	vne.s32 v12, v14  }
0x86: {  	v12 =	vsub.s32 v12, v1;
	vm13 =	vgt.s32 v61, $0x0;
	vm4 =	vne.s32 v15, v17  }
0x87: {  	vm3 =	vmor vm3, vm0;
	vm14 =	vgt.s32 v12, $0x0;
	v14 =	vnsel vm13, $0x0, v61  }
0x88: {  	vm3 =	vmand vm3, vm7;
	v12 =	vnsel vm14, $0x0, v12;
	vm7 =	vmand vm15, vm12;
	v13, _, _ =	vpop (xrf1)  }
0x89: {  	vm4 =	vmor vm4, vm0;
	v14 =	vmin.u32 v14, $0xC34F;
	v18 =	vshra.s32 v13, $0xE  }
0x8a: {  	v12 =	vmin.u32 v12, $0xC34F;
	vm4 =	vmand vm4, vm7;
	v20 =	vperm.xlane v18, v3  }
0x8b: {  	vm14 =	vge.s32 v18, v1;
	vm15 =	vlt.s32 v18, v0;
	v62 =	vsub.s32 v18, v1;
	v16, _, _ =	vpop (xrf1)  }
0x8c: {  	vm7 =	vmand vm14, vm15;
	vm5 =	vne.s32 v18, v20;
	v19 =	vshra.s32 v16, $0xE  }
0x8d: {  	vm12 =	vgt.s32 v62, $0x0;
	vm5 =	vmor vm5, vm0;
	v21 =	vperm.xlane v19, v3  }
0x8e: {  	v15 =	vnsel vm12, $0x0, v62;
	vm5 =	vmand vm5, vm7;
	vm13 =	vge.s32 v19, v1  }
0x8f: {  	vm14 =	vlt.s32 v19, v0;
	v63 =	vsub.s32 v19, v1;
	vm6 =	vne.s32 v19, v21  }
0x90: {  	vm7 =	vmand vm13, vm14;
	vm15 =	vgt.s32 v63, $0x0;
	vm6 =	vmor vm6, vm0  }
0x91: {  	v15 =	vmin.u32 v15, $0xC34F;
	v17 =	vnsel vm15, $0x0, v63;
	vm6 =	vmand vm6, vm7  }
0x92: {  	v8 =	vand.u32 $0x3FFF, v8;
	v17 =	vmin.u32 v17, $0xC34F  }
0x93: {  	[tilespmem:v10+s25+$0x0] =	vst.idx.msk vm2, v8;
	v8 =	vand.u32 $0x3FFF, v9  }
0x94: {  	[tilespmem:v12+s25+$0x0] =	vst.idx.msk vm3, v8;
	v8 =	vand.u32 $0x3FFF, v60  }
0x95: {  	[tilespmem:v14+s25+$0x0] =	vst.idx.msk vm4, v8;
	v8 =	vand.u32 $0x3FFF, v13  }
0x96: {  	[tilespmem:v15+s25+$0x0] =	vst.idx.msk vm5, v8;
	v8 =	vand.u32 $0x3FFF, v16  }
0x97: {  	s5 =	simm.s32 $0x0;
	s8 =	simm.s32 $0x40;
	[tilespmem:v17+s25+$0x0] =	vst.idx.msk vm6, v8  }
.LBB2_5:
0x98: {  	p1 =	sne.s32 s8, $0xFFC0;
	v8 =	vld [tilespmem:s5+$0xCC00];
	_ =	sdelay $0x4  }
0x99: {  	v8 =	vsub.s32 v8, v1  }
0x9a: {  	vm2 =	vgt.s32 v8, $0x0  }
0x9b: {  	v8 =	vnsel vm2, $0x0, v8  }
0x9c: {  	v8 =	vmin.u32 v8, $0xC34F;
	_ =	sdelay $0x4  }
0x9d: {  	v8 =	vld.idx.msk [tilespmem:v8+s25+$0x0], $0xffff;
	_ =	sdelay $0x1  }
.Ltmp6:
0x9e: {  	(pc) =	sbr.rel @p1 .LBB2_5-.Ltmp6, $2  }
0x9f: {  	_ =	sdelay $0x2  }
0xa0: {  	[tilespmem:s5+$0xCC00] =	vst v8;
	s5 =	sshra.s32 s8, $0x2;
	s8 =	sadd.s32 $0x40, s8  }
0xa1: {  	v8 =	vld [tilespmem:s5+$0xCC00];
	_ =	sdelay $0x4  }
0xa2: {  	v8 =	vsub.s32 v8, v1  }
0xa3: {  	vm2 =	vgt.s32 v8, $0x0  }
0xa4: {  	v8 =	vnsel vm2, $0x0, v8  }
0xa5: {  	v8 =	vmin.u32 v8, $0xC34F;
	_ =	sdelay $0x4  }
0xa6: {  	v8 =	vld.idx.msk [tilespmem:v8+s25+$0x0], $0xffff;
	_ =	sdelay $0x4  }
0xa7: {  	s31 =	rddreg [dreg:$0x4];
	s8 =	simm.s32 $0xCC00;
	[tilespmem:s5+$0xCC00] =	vst v8  }
0xa8: {  	[spmem:s31] =	stream.linear.scatter [tilespmem:s8], [sflag:$0x9], $0x4000, $0x38;
	[tilespmem:$0x11E00] =	vst v63  }
0xa9: {  	_ =	swait.ge [sflag:s24], $0x4000  }
0xaa: {  	[sflag:s24] =	ssyncset.done $0x0  }
0xab: {  	[sflag:s24] =	ssyncadd.s32 $0xFFFFC000  }
.LBB2_10:
0xac: {  	[bflag:$0x0] =	sbarrier.arrive $0xFFFF  }
0xad: {  	s31 =	simm.s32 $0x0;
	s2 =	rddreg [dreg:$0x11]  }
0xae: {  	[tilespmem:s25], [sflag:$0x9] =	stream.linear.gather [hbm4b:s2+s31], $0x400, $0x38;
	[tilespmem:$0x11E00] =	vst v63  }
0xaf: {  	_ =	swait.ge [sflag:s24], $0x400  }
0xb0: {  	[sflag:s24] =	ssyncset.done $0x0  }
0xb1: {  	s5 =	simm.s32 $0xC80;
	s26 =	rddreg [dreg:$0x12];
	[sflag:s24] =	ssyncadd.s32 $0xFFFFFC00  }
0xb2: {  	[tilespmem:s5], [sflag:$0x9] =	stream.linear.gather [spmem:s26], $0x400, $0x38;
	[tilespmem:$0x11E00] =	vst v63  }
0xb3: {  	_ =	swait.ge [sflag:s24], $0x400  }
0xb4: {  	[sflag:s24] =	ssyncset.done $0x0  }
0xb5: {  	s28 =	simm.s32 $0x0;
	[sflag:s24] =	ssyncadd.s32 $0xFFFFFC00  }
0xb6: {  	v15 =	vld [tilespmem:s28+$0x880];
	_ =	sdelay $0x1  }
0xb7: {  	s8 =	simm.s32 $0x10  }
0xb8: {  	s12 =	simm.s32 $0x20;
	v9 =	vld [tilespmem:s8+$0x880]  }
0xb9: {  	v8 =	vld [tilespmem:s12+$0x880]  }
0xba: {  	vm2 =	vge.s32 v15, v1;
	vm3 =	vlt.s32 v15, v0  }
0xbb: {  	vm2 =	vmand vm2, vm3  }
0xbc: {  	v10 =	vsel vm2, $0x1, v4  }
0xbd: {  	vm4 =	vlt.s32 v9, v0;
	vm3 =	vge.s32 v9, v1;
	(xrf0) =	vadd.scan.msk.s32 $0xffff, v10  }
0xbe: {  	vm5 =	vlt.s32 v8, v0;
	vm3 =	vmand vm3, vm4;
	vm4 =	vge.s32 v8, v1  }
0xbf: {  	v10 =	vsel vm3, $0x1, v4;
	vm4 =	vmand vm4, vm5  }
0xc0: {  	(xrf0) =	vadd.scan.msk.s32 $0xffff, v10;
	v11 =	vsel vm4, $0x1, v4  }
0xc1: {  	(xrf0) =	vadd.scan.msk.s32 $0xffff, v11;
	_ =	sdelay $0x1  }
0xc2: {  	v11, _, _ =	vpop (xrf0)  }
0xc3: {  	(v2sf) =	vpush v11, $0xF;
	_ =	sdelay $0x1  }
0xc4: {  	s13 =	simm.s32 $0x30;
	v11, _, _ =	vpop (xrf0)  }
0xc5: {  	v10 =	vld [tilespmem:s13+$0x880];
	(v2sf) =	vpush v11, $0xF;
	v18, _, _ =	vpop (xrf0)  }
0xc6: {  	(v2sf) =	vpush v18, $0xF;
	_ =	sdelay $0x2  }
0xc7: {  	vm2 =	vmmov vm2  }
0xc8: {  	s29 =	simm.s32 $0x40;
	v16 =	vld [tilespmem:s28+$0xC80];
	vm2 =	vmmov vm2;
	vm5 =	vge.s32 v10, v1;
	vm6 =	vlt.s32 v10, v0  }
0xc9: {  	v13 =	vld [tilespmem:s29+$0x880];
	vm2 =	vmmov vm2;
	vm5 =	vmand vm5, vm6  }
0xca: {  	[tilespmem:s31+$0x1080] =	vst.msk vm2, v15;
	v15 =	vld [tilespmem:s29+$0xC80];
	v17 =	vsel vm5, $0x1, v4  }
0xcb: {  	v14 =	vld [tilespmem:s8+$0xC80];
	vm3 =	vmmov vm3;
	(xrf0) =	vadd.scan.msk.s32 $0xffff, v17  }
0xcc: {  	v12 =	vld [tilespmem:s12+$0xC80];
	vm3 =	vmmov vm3;
	vm6 =	vmmov vm4  }
0xcd: {  	s5 =	simm.s32 $0x140;
	[tilespmem:s31+$0x1500] =	vst.msk vm2, v16;
	vm4 =	vmmov vm3;
	v11 =	vld [tilespmem:s13+$0xC80];
	vm3 =	vmmov vm6;
	vm2 =	vmmov vm5  }
.LBB2_11:
0xce: {  	s8 =	sshra.s32 s5, $0x2;
	p1 =	sne.s32 s5, $0xFC0;
	s5 =	sadd.s32 $0x40, s5;
	vm5 =	vge.s32 v13, v1;
	vm6 =	vlt.s32 v13, v0;
	v16 =	vmov v13  }
.Ltmp7:
0xcf: {  	v13 =	vld [tilespmem:s8+$0x880];
	vm5 =	vmand vm5, vm6;
	s12 =	spop (v2sf);
	v17 =	vmov v15;
	(pc) =	sbr.rel @p1 .LBB2_11-.Ltmp7, $4  }
0xd0: {  	v15 =	vld [tilespmem:s8+$0xC80];
	v19 =	vsel vm5, $0x1, v4;
	s31 =	sadd.s32 s31, s12  }
0xd1: {  	(xrf0) =	vadd.scan.msk.s32 $0xffff, v19;
	v18, _, _ =	vpop (xrf0);
	[tilespmem:s31+$0x1080] =	vst.msk vm4, v9;
	v9 =	vmov v8;
	v8 =	vmov v10  }
0xd2: {  	v10 =	vmovc v16;
	(v2sf) =	vpush v18, $0xF;
	[tilespmem:s31+$0x1500] =	vst.msk vm4, v14;
	v14 =	vmovc v12;
	v12 =	vmov v11;
	v11 =	vmov v17  }
0xd3: {  	vm4 =	vmmov vm3;
	vm3 =	vmmov vm2;
	vm2 =	vmmov vm5  }
0xd4: {  	vm5 =	vge.s32 v13, v1;
	vm6 =	vlt.s32 v13, v0  }
0xd5: {  	vm5 =	vmand vm5, vm6  }
0xd6: {  	v16 =	vsel vm5, $0x1, v4  }
0xd7: {  	(xrf0) =	vadd.scan.msk.s32 $0xffff, v16;
	_ =	sdelay $0x4  }
0xd8: {  	v62, _, _ =	vpop (xrf0)  }
0xd9: {  	(v2sf) =	vpush v62, $0xF;
	v63, _, _ =	vpop (xrf0)  }
0xda: {  	(v2sf) =	vpush v63, $0xF;
	_ =	sdelay $0x8  }
0xdb: {  	s5 =	spop (v2sf)  }
0xdc: {  	s5 =	sadd.s32 s31, s5  }
0xdd: {  	s8 =	spop (v2sf);
	[tilespmem:s5+$0x1080] =	vst.msk vm4, v9  }
0xde: {  	vm3 =	vmmov vm3;
	[tilespmem:s5+$0x1500] =	vst.msk vm4, v14;
	s5 =	sadd.s32 s5, s8  }
0xdf: {  	[tilespmem:s5+$0x1080] =	vst.msk vm3, v8;
	s28 =	spop (v2sf)  }
0xe0: {  	[tilespmem:s5+$0x1500] =	vst.msk vm3, v12;
	s5 =	sadd.s32 s5, s28;
	s29 =	spop (v2sf)  }
0xe1: {  	s8 =	sadd.s32 s5, s29;
	s12 =	spop (v2sf)  }
0xe2: {  	s31 =	sadd.s32 s8, s12  }
0xe3: {  	vm2 =	vmmov vm2;
	p1 =	slt.s32 s31, $0x1  }
.Ltmp8:
0xe4: {  	vm2 =	vmmov vm2;
	vm15 =	vmmov vm5;
	(pc) =	sbr.rel @p1 .LBB2_32-.Ltmp8, $4  }
0xe5: {  	vm3 =	vmmov vm15;
	[tilespmem:s5+$0x1080] =	vst.msk vm2, v10  }
0xe6: {  	[tilespmem:s5+$0x1500] =	vst.msk vm2, v11;
	vm2 =	vmmov vm3  }
0xe7: {  	[tilespmem:s8+$0x1080] =	vst.msk vm2, v13  }
0xe8: {  	[tilespmem:s8+$0x1500] =	vst.msk vm2, v15  }
0xe9: {  	v8 =	vld [tilespmem:$0x1080]  }
0xea: {  	v10 =	vld [tilespmem:$0x1500];
	_ =	sdelay $0x2  }
0xeb: {  	s8 =	simm.s32 $0x1080  }
0xec: {  	s5 =	simm.s32 $0x1500;
	v11 =	vld [tilespmem:s8+$0x0]  }
0xed: {  	s26 =	simm.s32 $0x0;
	s28 =	simm.s32 $0x10;
	v12 =	vld [tilespmem:s5+$0x0];
	v9 =	vperm.xlane v8, v4;
	v8 =	vperm.xlane v10, v4;
	v10 =	vmov s31  }
.LBB2_14:
0xee: {  	p1 =	sne.s32 s28, $0x470  }
0xef: {  	v13 =	vor.u32 s26, v2;
	s26 =	smov.u32 s28  }
.Ltmp9:
0xf0: {  	vm2 =	vlt.s32 v13, v10;
	(pc) =	sbr.rel @p1 .LBB2_14-.Ltmp9, $4  }
0xf1: {  	v11 =	vsel vm2, v11, v9  }
0xf2: {  	[tilespmem:s8+$0x0] =	vst v11;
	v12 =	vsel vm2, v12, v8;
	s8 =	sadd.s32 $0x10, s8  }
0xf3: {  	v11 =	vld [tilespmem:s8+$0x0];
	[tilespmem:s5+$0x0] =	vst v12;
	s5 =	sadd.s32 $0x10, s5  }
0xf4: {  	s28 =	sadd.s32 $0x10, s28;
	v12 =	vld [tilespmem:s5+$0x0]  }
0xf5: {  	_ = 	snop  }
0xf6: {  	v13 =	vor.u32 s26, v2  }
0xf7: {  	vm2 =	vlt.s32 v13, v10  }
0xf8: {  	v9 =	vsel vm2, v11, v9  }
0xf9: {  	[tilespmem:s8+$0x0] =	vst v9;
	v8 =	vsel vm2, v12, v8  }
0xfa: {  	s29 =	simm.s32 $0x80;
	s2 =	simm.s32 $0x400;
	s12 =	simm.s32 $0x1080;
	[tilespmem:s5+$0x0] =	vst v8  }
0xfb: {  	[spmem:s10] =	stream.strided.scatter [tilespmem:s12], [sflag:$0x9], $0x480, s2, s29, $0x38;
	[tilespmem:$0x11E00] =	vst v63  }
0xfc: {  	_ =	swait.ge [sflag:s24], $0x480  }
0xfd: {  	[sflag:s24] =	ssyncset.done $0x0  }
0xfe: {  	s4 =	simm.s32 $0x1980;
	[sflag:s24] =	ssyncadd.s32 $0xFFFFFB80  }
0xff: {  	[tilespmem:s4], [sflag:$0x9] =	stream.linear.gather [spmem:s10], $0x80, $0x38;
	[tilespmem:$0x11E00] =	vst v63  }
0x100: {  	_ =	swait.ge [sflag:s24], $0x80  }
0x101: {  	[sflag:s24] =	ssyncset.done $0x0  }
0x102: {  	s9 =	simm.s32 $0x1A00;
	s8 =	rddreg [dreg:$0x8];
	[sflag:s24] =	ssyncadd.s32 $0xFFFFFF80  }
0x103: {  	[tilespmem:s9], [sflag:$0x9] =	stream.linear.gather [spmem:s8], $0x80, $0x38;
	[tilespmem:$0x11E00] =	vst v63  }
0x104: {  	_ =	swait.ge [sflag:s24], $0x80  }
0x105: {  	[sflag:s24] =	ssyncset.done $0x0  }
0x106: {  	s12 =	simm.s32 $0x1A80;
	s11 =	rddreg [dreg:$0x9];
	[sflag:s24] =	ssyncadd.s32 $0xFFFFFF80  }
0x107: {  	[tilespmem:s12], [sflag:$0x9] =	stream.linear.gather [spmem:s11], $0x80, $0x38;
	[tilespmem:$0x11E00] =	vst v63  }
0x108: {  	_ =	swait.ge [sflag:s24], $0x80  }
0x109: {  	[sflag:s24] =	ssyncset.done $0x0  }
0x10a: {  	s14 =	simm.s32 $0x1B00;
	s13 =	rddreg [dreg:$0xa];
	[sflag:s24] =	ssyncadd.s32 $0xFFFFFF80  }
0x10b: {  	[tilespmem:s14], [sflag:$0x9] =	stream.linear.gather [spmem:s13], $0x80, $0x38;
	[tilespmem:$0x11E00] =	vst v63  }
0x10c: {  	_ =	swait.ge [sflag:s24], $0x80  }
0x10d: {  	[sflag:s24] =	ssyncset.done $0x0  }
0x10e: {  	s16 =	simm.s32 $0x1B80;
	s15 =	rddreg [dreg:$0xb];
	[sflag:s24] =	ssyncadd.s32 $0xFFFFFF80  }
0x10f: {  	[tilespmem:s16], [sflag:$0x9] =	stream.linear.gather [spmem:s15], $0x80, $0x38;
	[tilespmem:$0x11E00] =	vst v63  }
0x110: {  	_ =	swait.ge [sflag:s24], $0x80  }
0x111: {  	[sflag:s24] =	ssyncset.done $0x0  }
0x112: {  	s18 =	simm.s32 $0x1C00;
	s17 =	rddreg [dreg:$0xc];
	[sflag:s24] =	ssyncadd.s32 $0xFFFFFF80  }
0x113: {  	[tilespmem:s18], [sflag:$0x9] =	stream.linear.gather [spmem:s17], $0x80, $0x38;
	[tilespmem:$0x11E00] =	vst v63  }
0x114: {  	_ =	swait.ge [sflag:s24], $0x80  }
0x115: {  	[sflag:s24] =	ssyncset.done $0x0  }
0x116: {  	s26 =	simm.s32 $0x1C80;
	s22 =	rddreg [dreg:$0xd];
	[sflag:s24] =	ssyncadd.s32 $0xFFFFFF80  }
0x117: {  	[tilespmem:s26], [sflag:$0x9] =	stream.linear.gather [spmem:s22], $0x80, $0x38;
	[tilespmem:$0x11E00] =	vst v63  }
0x118: {  	_ =	swait.ge [sflag:s24], $0x80  }
0x119: {  	[sflag:s24] =	ssyncset.done $0x0  }
0x11a: {  	s29 =	simm.s32 $0x1D00;
	s28 =	rddreg [dreg:$0xe];
	[sflag:s24] =	ssyncadd.s32 $0xFFFFFF80  }
0x11b: {  	[tilespmem:s29], [sflag:$0x9] =	stream.linear.gather [spmem:s28], $0x80, $0x38;
	[tilespmem:$0x11E00] =	vst v63  }
0x11c: {  	_ =	swait.ge [sflag:s24], $0x80  }
0x11d: {  	[sflag:s24] =	ssyncset.done $0x0  }
0x11e: {  	s4 =	simm.s32 $0x1D80;
	s2 =	rddreg [dreg:$0xf];
	[sflag:s24] =	ssyncadd.s32 $0xFFFFFF80  }
0x11f: {  	[tilespmem:s4], [sflag:$0x9] =	stream.linear.gather [spmem:s2], $0x80, $0x38;
	[tilespmem:$0x11E00] =	vst v63  }
0x120: {  	_ =	swait.ge [sflag:s24], $0x80  }
0x121: {  	[sflag:s24] =	ssyncset.done $0x0  }
0x122: {  	[sflag:s24] =	ssyncadd.s32 $0xFFFFFF80  }
0x123: {  	v8 =	vld [tilespmem:$0x1500];
	_ =	sdelay $0x4  }
0x124: {  	v48 =	vshll.u32 v8, $0x1  }
0x125: {  	v8 =	vand.u32 $0x7, v8;
	v9 =	vand.u32 $0xFFFFFFF0, v48  }
0x126: {  	v8 =	vor.u32 v8, v9  }
0x127: {  	v9 =	vperm.xlane v8, v5;
	_ =	sdelay $0x1  }
0x128: {  	v8 =	vperm.xlane v8, v7;
	v9 =	vadd.s32 v6, v9;
	_ =	sdelay $0x1  }
0x129: {  	v8 =	vadd.s32 v6, v8;
	_ =	sdelay $0x1  }
0x12a: {  	s8 =	simm.s32 $0x1E00  }
0x12b: {  	[tilespmem:s8], [sflag:$0x5] =	stream.indirect_vreg.gather [hbm4b:s1+s7], $0x80, v9, vm1, $0xb8;
	[tilespmem:$0x11E00] =	vst v63  }
0x12c: {  	s12 =	simm.s32 $0x2600  }
0x12d: {  	[tilespmem:s12], [sflag:$0x5] =	stream.indirect_vreg.gather [hbm4b:s1+s7], $0x80, v8, vm1, $0xb8;
	[tilespmem:$0x11E00] =	vst v63  }
0x12e: {  	v8 =	vld [tilespmem:$0x1510];
	_ =	sdelay $0x4  }
0x12f: {  	v49 =	vshll.u32 v8, $0x1  }
0x130: {  	v8 =	vand.u32 $0x7, v8;
	v9 =	vand.u32 $0xFFFFFFF0, v49  }
0x131: {  	v8 =	vor.u32 v8, v9  }
0x132: {  	v9 =	vperm.xlane v8, v5;
	_ =	sdelay $0x1  }
0x133: {  	v8 =	vperm.xlane v8, v7;
	v9 =	vadd.s32 v6, v9;
	_ =	sdelay $0x1  }
0x134: {  	v8 =	vadd.s32 v6, v8;
	_ =	sdelay $0x1  }
0x135: {  	s26 =	simm.s32 $0x2E00  }
0x136: {  	[tilespmem:s26], [sflag:$0x5] =	stream.indirect_vreg.gather [hbm4b:s1+s7], $0x80, v9, vm1, $0xb8;
	[tilespmem:$0x11E00] =	vst v63  }
0x137: {  	s13 =	simm.s32 $0x3600  }
0x138: {  	[tilespmem:s13], [sflag:$0x5] =	stream.indirect_vreg.gather [hbm4b:s1+s7], $0x80, v8, vm1, $0xb8;
	[tilespmem:$0x11E00] =	vst v63  }
0x139: {  	v8 =	vld [tilespmem:$0x1520];
	_ =	sdelay $0x4  }
0x13a: {  	v50 =	vshll.u32 v8, $0x1  }
0x13b: {  	v8 =	vand.u32 $0x7, v8;
	v9 =	vand.u32 $0xFFFFFFF0, v50  }
0x13c: {  	v8 =	vor.u32 v8, v9  }
0x13d: {  	v9 =	vperm.xlane v8, v5;
	_ =	sdelay $0x1  }
0x13e: {  	v8 =	vperm.xlane v8, v7;
	v9 =	vadd.s32 v6, v9;
	_ =	sdelay $0x1  }
0x13f: {  	v8 =	vadd.s32 v6, v8;
	_ =	sdelay $0x1  }
0x140: {  	s14 =	simm.s32 $0x3E00  }
0x141: {  	[tilespmem:s14], [sflag:$0x5] =	stream.indirect_vreg.gather [hbm4b:s1+s7], $0x80, v9, vm1, $0xb8;
	[tilespmem:$0x11E00] =	vst v63  }
0x142: {  	s15 =	simm.s32 $0x4600  }
0x143: {  	[tilespmem:s15], [sflag:$0x5] =	stream.indirect_vreg.gather [hbm4b:s1+s7], $0x80, v8, vm1, $0xb8;
	[tilespmem:$0x11E00] =	vst v63  }
0x144: {  	v8 =	vld [tilespmem:$0x1530];
	_ =	sdelay $0x4  }
0x145: {  	v51 =	vshll.u32 v8, $0x1  }
0x146: {  	v8 =	vand.u32 $0x7, v8;
	v9 =	vand.u32 $0xFFFFFFF0, v51  }
0x147: {  	v8 =	vor.u32 v8, v9  }
0x148: {  	v9 =	vperm.xlane v8, v5;
	_ =	sdelay $0x1  }
0x149: {  	v8 =	vperm.xlane v8, v7;
	v9 =	vadd.s32 v6, v9;
	_ =	sdelay $0x1  }
0x14a: {  	v8 =	vadd.s32 v6, v8;
	_ =	sdelay $0x1  }
0x14b: {  	s16 =	simm.s32 $0x4E00  }
0x14c: {  	[tilespmem:s16], [sflag:$0x5] =	stream.indirect_vreg.gather [hbm4b:s1+s7], $0x80, v9, vm1, $0xb8;
	[tilespmem:$0x11E00] =	vst v63  }
0x14d: {  	s17 =	simm.s32 $0x5600  }
0x14e: {  	[tilespmem:s17], [sflag:$0x5] =	stream.indirect_vreg.gather [hbm4b:s1+s7], $0x80, v8, vm1, $0xb8;
	[tilespmem:$0x11E00] =	vst v63  }
0x14f: {  	v8 =	vld [tilespmem:$0x1540];
	_ =	sdelay $0x4  }
0x150: {  	v52 =	vshll.u32 v8, $0x1  }
0x151: {  	v8 =	vand.u32 $0x7, v8;
	v9 =	vand.u32 $0xFFFFFFF0, v52  }
0x152: {  	v8 =	vor.u32 v8, v9  }
0x153: {  	v9 =	vperm.xlane v8, v5;
	_ =	sdelay $0x1  }
0x154: {  	v8 =	vperm.xlane v8, v7;
	v9 =	vadd.s32 v6, v9;
	_ =	sdelay $0x1  }
0x155: {  	v8 =	vadd.s32 v6, v8;
	_ =	sdelay $0x1  }
0x156: {  	s22 =	simm.s32 $0x5E00  }
0x157: {  	[tilespmem:s22], [sflag:$0x5] =	stream.indirect_vreg.gather [hbm4b:s1+s7], $0x80, v9, vm1, $0xb8;
	[tilespmem:$0x11E00] =	vst v63  }
0x158: {  	s28 =	simm.s32 $0x6600  }
0x159: {  	[tilespmem:s28], [sflag:$0x5] =	stream.indirect_vreg.gather [hbm4b:s1+s7], $0x80, v8, vm1, $0xb8;
	[tilespmem:$0x11E00] =	vst v63  }
0x15a: {  	v8 =	vld [tilespmem:$0x1550];
	_ =	sdelay $0x4  }
0x15b: {  	v53 =	vshll.u32 v8, $0x1  }
0x15c: {  	v8 =	vand.u32 $0x7, v8;
	v9 =	vand.u32 $0xFFFFFFF0, v53  }
0x15d: {  	v8 =	vor.u32 v8, v9  }
0x15e: {  	v9 =	vperm.xlane v8, v5;
	_ =	sdelay $0x1  }
0x15f: {  	v8 =	vperm.xlane v8, v7;
	v9 =	vadd.s32 v6, v9;
	_ =	sdelay $0x1  }
0x160: {  	v8 =	vadd.s32 v6, v8;
	_ =	sdelay $0x1  }
0x161: {  	s18 =	simm.s32 $0x6E00  }
0x162: {  	[tilespmem:s18], [sflag:$0x5] =	stream.indirect_vreg.gather [hbm4b:s1+s7], $0x80, v9, vm1, $0xb8;
	[tilespmem:$0x11E00] =	vst v63  }
0x163: {  	s2 =	simm.s32 $0x7600  }
0x164: {  	[tilespmem:s2], [sflag:$0x5] =	stream.indirect_vreg.gather [hbm4b:s1+s7], $0x80, v8, vm1, $0xb8;
	[tilespmem:$0x11E00] =	vst v63  }
0x165: {  	v8 =	vld [tilespmem:$0x1560];
	_ =	sdelay $0x4  }
0x166: {  	v54 =	vshll.u32 v8, $0x1  }
0x167: {  	v8 =	vand.u32 $0x7, v8;
	v9 =	vand.u32 $0xFFFFFFF0, v54  }
0x168: {  	v8 =	vor.u32 v8, v9  }
0x169: {  	v9 =	vperm.xlane v8, v5;
	_ =	sdelay $0x1  }
0x16a: {  	v8 =	vperm.xlane v8, v7;
	v9 =	vadd.s32 v6, v9;
	_ =	sdelay $0x1  }
0x16b: {  	v8 =	vadd.s32 v6, v8;
	_ =	sdelay $0x1  }
0x16c: {  	s4 =	simm.s32 $0x7E00  }
0x16d: {  	[tilespmem:s4], [sflag:$0x5] =	stream.indirect_vreg.gather [hbm4b:s1+s7], $0x80, v9, vm1, $0xb8;
	[tilespmem:$0x11E00] =	vst v63  }
0x16e: {  	s29 =	simm.s32 $0x8600  }
0x16f: {  	[tilespmem:s29], [sflag:$0x5] =	stream.indirect_vreg.gather [hbm4b:s1+s7], $0x80, v8, vm1, $0xb8;
	[tilespmem:$0x11E00] =	vst v63  }
0x170: {  	v8 =	vld [tilespmem:$0x1570];
	_ =	sdelay $0x4  }
0x171: {  	v55 =	vshll.u32 v8, $0x1  }
0x172: {  	v8 =	vand.u32 $0x7, v8;
	v9 =	vand.u32 $0xFFFFFFF0, v55  }
0x173: {  	v8 =	vor.u32 v8, v9  }
0x174: {  	v9 =	vperm.xlane v8, v5;
	_ =	sdelay $0x1  }
0x175: {  	v8 =	vperm.xlane v8, v7;
	v9 =	vadd.s32 v6, v9;
	_ =	sdelay $0x1  }
0x176: {  	v8 =	vadd.s32 v6, v8;
	_ =	sdelay $0x1  }
0x177: {  	s9 =	simm.s32 $0x8E00  }
0x178: {  	[tilespmem:s9], [sflag:$0x5] =	stream.indirect_vreg.gather [hbm4b:s1+s7], $0x80, v9, vm1, $0xb8;
	[tilespmem:$0x11E00] =	vst v63  }
0x179: {  	s11 =	simm.s32 $0x9600  }
0x17a: {  	[tilespmem:s11], [sflag:$0x5] =	stream.indirect_vreg.gather [hbm4b:s1+s7], $0x80, v8, vm1, $0xb8;
	[tilespmem:$0x11E00] =	vst v63  }
0x17b: {  	_ =	swait.ge [sflag:s19], $0x8000  }
0x17c: {  	[sflag:s19] =	ssyncset.done $0x0  }
0x17d: {  	[sflag:s19] =	ssyncadd.s32 $0xFFFF8000  }
0x17e: {  	v8 =	vld [tilespmem:$0x1980];
	_ =	sdelay $0x4  }
0x17f: {  	v56 =	vshll.u32 v8, $0x1  }
0x180: {  	v8 =	vand.u32 $0x7, v8;
	v9 =	vand.u32 $0xFFFFFFF0, v56  }
0x181: {  	v8 =	vor.u32 v8, v9  }
0x182: {  	v9 =	vperm.xlane v8, v5;
	_ =	sdelay $0x1  }
0x183: {  	v8 =	vperm.xlane v8, v7;
	v9 =	vadd.s32 v6, v9;
	_ =	sdelay $0x1  }
0x184: {  	v8 =	vadd.s32 v6, v8;
	_ =	sdelay $0x2  }
0x185: {  	[hbm4b:s3+s7] =	stream.indirect_vreg.scatter [tilespmem:s8], [sflag:$0x7], $0x80, v9, vm1, $0xb8;
	[tilespmem:$0x11E00] =	vst v63  }
0x186: {  	_ = 	snop  }
0x187: {  	[hbm4b:s3+s7] =	stream.indirect_vreg.scatter [tilespmem:s12], [sflag:$0x7], $0x80, v8, vm1, $0xb8;
	[tilespmem:$0x11E00] =	vst v63  }
0x188: {  	v8 =	vld [tilespmem:$0x1990];
	_ =	sdelay $0x4  }
0x189: {  	v57 =	vshll.u32 v8, $0x1  }
0x18a: {  	v8 =	vand.u32 $0x7, v8;
	v9 =	vand.u32 $0xFFFFFFF0, v57  }
0x18b: {  	v8 =	vor.u32 v8, v9  }
0x18c: {  	v9 =	vperm.xlane v8, v5;
	_ =	sdelay $0x1  }
0x18d: {  	v8 =	vperm.xlane v8, v7;
	v9 =	vadd.s32 v6, v9;
	_ =	sdelay $0x1  }
0x18e: {  	v8 =	vadd.s32 v6, v8;
	_ =	sdelay $0x2  }
0x18f: {  	[hbm4b:s3+s7] =	stream.indirect_vreg.scatter [tilespmem:s26], [sflag:$0x7], $0x80, v9, vm1, $0xb8;
	[tilespmem:$0x11E00] =	vst v63  }
0x190: {  	_ = 	snop  }
0x191: {  	[hbm4b:s3+s7] =	stream.indirect_vreg.scatter [tilespmem:s13], [sflag:$0x7], $0x80, v8, vm1, $0xb8;
	[tilespmem:$0x11E00] =	vst v63  }
0x192: {  	v8 =	vld [tilespmem:$0x19A0];
	_ =	sdelay $0x4  }
0x193: {  	v58 =	vshll.u32 v8, $0x1  }
0x194: {  	v8 =	vand.u32 $0x7, v8;
	v9 =	vand.u32 $0xFFFFFFF0, v58  }
0x195: {  	v8 =	vor.u32 v8, v9  }
0x196: {  	v9 =	vperm.xlane v8, v5;
	_ =	sdelay $0x1  }
0x197: {  	v8 =	vperm.xlane v8, v7;
	v9 =	vadd.s32 v6, v9;
	_ =	sdelay $0x1  }
0x198: {  	v8 =	vadd.s32 v6, v8;
	_ =	sdelay $0x2  }
0x199: {  	[hbm4b:s3+s7] =	stream.indirect_vreg.scatter [tilespmem:s14], [sflag:$0x7], $0x80, v9, vm1, $0xb8;
	[tilespmem:$0x11E00] =	vst v63  }
0x19a: {  	_ = 	snop  }
0x19b: {  	[hbm4b:s3+s7] =	stream.indirect_vreg.scatter [tilespmem:s15], [sflag:$0x7], $0x80, v8, vm1, $0xb8;
	[tilespmem:$0x11E00] =	vst v63  }
0x19c: {  	v8 =	vld [tilespmem:$0x19B0];
	_ =	sdelay $0x4  }
0x19d: {  	v59 =	vshll.u32 v8, $0x1  }
0x19e: {  	v8 =	vand.u32 $0x7, v8;
	v9 =	vand.u32 $0xFFFFFFF0, v59  }
0x19f: {  	v8 =	vor.u32 v8, v9  }
0x1a0: {  	v9 =	vperm.xlane v8, v5;
	_ =	sdelay $0x1  }
0x1a1: {  	v8 =	vperm.xlane v8, v7;
	v9 =	vadd.s32 v6, v9;
	_ =	sdelay $0x1  }
0x1a2: {  	v8 =	vadd.s32 v6, v8;
	_ =	sdelay $0x2  }
0x1a3: {  	[hbm4b:s3+s7] =	stream.indirect_vreg.scatter [tilespmem:s16], [sflag:$0x7], $0x80, v9, vm1, $0xb8;
	[tilespmem:$0x11E00] =	vst v63  }
0x1a4: {  	_ = 	snop  }
0x1a5: {  	[hbm4b:s3+s7] =	stream.indirect_vreg.scatter [tilespmem:s17], [sflag:$0x7], $0x80, v8, vm1, $0xb8;
	[tilespmem:$0x11E00] =	vst v63  }
0x1a6: {  	v8 =	vld [tilespmem:$0x19C0];
	_ =	sdelay $0x4  }
0x1a7: {  	v60 =	vshll.u32 v8, $0x1  }
0x1a8: {  	v8 =	vand.u32 $0x7, v8;
	v9 =	vand.u32 $0xFFFFFFF0, v60  }
0x1a9: {  	v8 =	vor.u32 v8, v9  }
0x1aa: {  	v9 =	vperm.xlane v8, v5;
	_ =	sdelay $0x1  }
0x1ab: {  	v8 =	vperm.xlane v8, v7;
	v9 =	vadd.s32 v6, v9;
	_ =	sdelay $0x1  }
0x1ac: {  	v8 =	vadd.s32 v6, v8;
	_ =	sdelay $0x2  }
0x1ad: {  	[hbm4b:s3+s7] =	stream.indirect_vreg.scatter [tilespmem:s22], [sflag:$0x7], $0x80, v9, vm1, $0xb8;
	[tilespmem:$0x11E00] =	vst v63  }
0x1ae: {  	_ = 	snop  }
0x1af: {  	[hbm4b:s3+s7] =	stream.indirect_vreg.scatter [tilespmem:s28], [sflag:$0x7], $0x80, v8, vm1, $0xb8;
	[tilespmem:$0x11E00] =	vst v63  }
0x1b0: {  	v8 =	vld [tilespmem:$0x19D0];
	_ =	sdelay $0x4  }
0x1b1: {  	v61 =	vshll.u32 v8, $0x1  }
0x1b2: {  	v8 =	vand.u32 $0x7, v8;
	v9 =	vand.u32 $0xFFFFFFF0, v61  }
0x1b3: {  	v8 =	vor.u32 v8, v9  }
0x1b4: {  	v9 =	vperm.xlane v8, v5;
	_ =	sdelay $0x1  }
0x1b5: {  	v8 =	vperm.xlane v8, v7;
	v9 =	vadd.s32 v6, v9;
	_ =	sdelay $0x1  }
0x1b6: {  	v8 =	vadd.s32 v6, v8;
	_ =	sdelay $0x2  }
0x1b7: {  	[hbm4b:s3+s7] =	stream.indirect_vreg.scatter [tilespmem:s18], [sflag:$0x7], $0x80, v9, vm1, $0xb8;
	[tilespmem:$0x11E00] =	vst v63  }
0x1b8: {  	_ = 	snop  }
0x1b9: {  	[hbm4b:s3+s7] =	stream.indirect_vreg.scatter [tilespmem:s2], [sflag:$0x7], $0x80, v8, vm1, $0xb8;
	[tilespmem:$0x11E00] =	vst v63  }
0x1ba: {  	v8 =	vld [tilespmem:$0x19E0];
	_ =	sdelay $0x4  }
0x1bb: {  	v62 =	vshll.u32 v8, $0x1  }
0x1bc: {  	v8 =	vand.u32 $0x7, v8;
	v9 =	vand.u32 $0xFFFFFFF0, v62  }
0x1bd: {  	v8 =	vor.u32 v8, v9  }
0x1be: {  	v9 =	vperm.xlane v8, v5;
	_ =	sdelay $0x1  }
0x1bf: {  	v8 =	vperm.xlane v8, v7;
	v9 =	vadd.s32 v6, v9;
	_ =	sdelay $0x1  }
0x1c0: {  	v8 =	vadd.s32 v6, v8;
	_ =	sdelay $0x2  }
0x1c1: {  	[hbm4b:s3+s7] =	stream.indirect_vreg.scatter [tilespmem:s4], [sflag:$0x7], $0x80, v9, vm1, $0xb8;
	[tilespmem:$0x11E00] =	vst v63  }
0x1c2: {  	_ = 	snop  }
0x1c3: {  	[hbm4b:s3+s7] =	stream.indirect_vreg.scatter [tilespmem:s29], [sflag:$0x7], $0x80, v8, vm1, $0xb8;
	[tilespmem:$0x11E00] =	vst v63  }
0x1c4: {  	v8 =	vld [tilespmem:$0x19F0];
	_ =	sdelay $0x4  }
0x1c5: {  	v63 =	vshll.u32 v8, $0x1  }
0x1c6: {  	v8 =	vand.u32 $0x7, v8;
	v9 =	vand.u32 $0xFFFFFFF0, v63  }
0x1c7: {  	v8 =	vor.u32 v8, v9  }
0x1c8: {  	v9 =	vperm.xlane v8, v5;
	_ =	sdelay $0x1  }
0x1c9: {  	v8 =	vperm.xlane v8, v7;
	v9 =	vadd.s32 v6, v9;
	_ =	sdelay $0x1  }
0x1ca: {  	p1 =	slt.u32 s31, $0x81;
	v8 =	vadd.s32 v6, v8  }
.Ltmp10:
0x1cb: {  	_ = 	snop;
	(pc) =	sbr.rel @p1 .LBB2_24-.Ltmp10, $4  }
0x1cc: {  	_ = 	snop  }
0x1cd: {  	[hbm4b:s3+s7] =	stream.indirect_vreg.scatter [tilespmem:s9], [sflag:$0x7], $0x80, v9, vm1, $0xb8;
	[tilespmem:$0x11E00] =	vst v63  }
0x1ce: {  	_ = 	snop  }
0x1cf: {  	[hbm4b:s3+s7] =	stream.indirect_vreg.scatter [tilespmem:s11], [sflag:$0x7], $0x80, v8, vm1, $0xb8;
	[tilespmem:$0x11E00] =	vst v63  }
0x1d0: {  	v8 =	vld [tilespmem:$0x1580];
	_ =	sdelay $0x4  }
0x1d1: {  	v9 =	vshll.u32 v8, $0x1  }
0x1d2: {  	v8 =	vand.u32 $0x7, v8;
	v9 =	vand.u32 $0xFFFFFFF0, v9  }
0x1d3: {  	v8 =	vor.u32 v8, v9  }
0x1d4: {  	v9 =	vperm.xlane v8, v5;
	_ =	sdelay $0x1  }
0x1d5: {  	v8 =	vperm.xlane v8, v7;
	v9 =	vadd.s32 v6, v9;
	_ =	sdelay $0x1  }
0x1d6: {  	v8 =	vadd.s32 v6, v8;
	_ =	sdelay $0x1  }
0x1d7: {  	s2 =	simm.s32 $0x9E00  }
0x1d8: {  	[tilespmem:s2], [sflag:$0x6] =	stream.indirect_vreg.gather [hbm4b:s1+s7], $0x80, v9, vm1, $0xb8;
	[tilespmem:$0x11E00] =	vst v63  }
0x1d9: {  	s4 =	simm.s32 $0xA600  }
0x1da: {  	[tilespmem:s4], [sflag:$0x6] =	stream.indirect_vreg.gather [hbm4b:s1+s7], $0x80, v8, vm1, $0xb8;
	[tilespmem:$0x11E00] =	vst v63  }
0x1db: {  	v8 =	vld [tilespmem:$0x1590];
	_ =	sdelay $0x4  }
0x1dc: {  	v49 =	vshll.u32 v8, $0x1  }
0x1dd: {  	v8 =	vand.u32 $0x7, v8;
	v9 =	vand.u32 $0xFFFFFFF0, v49  }
0x1de: {  	v8 =	vor.u32 v8, v9  }
0x1df: {  	v9 =	vperm.xlane v8, v5;
	_ =	sdelay $0x1  }
0x1e0: {  	v8 =	vperm.xlane v8, v7;
	v9 =	vadd.s32 v6, v9;
	_ =	sdelay $0x1  }
0x1e1: {  	v8 =	vadd.s32 v6, v8;
	_ =	sdelay $0x1  }
0x1e2: {  	s5 =	simm.s32 $0xAE00  }
0x1e3: {  	[tilespmem:s5], [sflag:$0x6] =	stream.indirect_vreg.gather [hbm4b:s1+s7], $0x80, v9, vm1, $0xb8;
	[tilespmem:$0x11E00] =	vst v63  }
0x1e4: {  	s8 =	simm.s32 $0xB600  }
0x1e5: {  	[tilespmem:s8], [sflag:$0x6] =	stream.indirect_vreg.gather [hbm4b:s1+s7], $0x80, v8, vm1, $0xb8;
	[tilespmem:$0x11E00] =	vst v63  }
0x1e6: {  	v8 =	vld [tilespmem:$0x15A0];
	_ =	sdelay $0x4  }
0x1e7: {  	v50 =	vshll.u32 v8, $0x1  }
0x1e8: {  	v8 =	vand.u32 $0x7, v8;
	v9 =	vand.u32 $0xFFFFFFF0, v50  }
0x1e9: {  	v8 =	vor.u32 v8, v9  }
0x1ea: {  	v9 =	vperm.xlane v8, v5;
	_ =	sdelay $0x1  }
0x1eb: {  	v8 =	vperm.xlane v8, v7;
	v9 =	vadd.s32 v6, v9;
	_ =	sdelay $0x1  }
0x1ec: {  	v8 =	vadd.s32 v6, v8;
	_ =	sdelay $0x1  }
0x1ed: {  	s9 =	simm.s32 $0xBE00  }
0x1ee: {  	[tilespmem:s9], [sflag:$0x6] =	stream.indirect_vreg.gather [hbm4b:s1+s7], $0x80, v9, vm1, $0xb8;
	[tilespmem:$0x11E00] =	vst v63  }
0x1ef: {  	s11 =	simm.s32 $0xC600  }
0x1f0: {  	[tilespmem:s11], [sflag:$0x6] =	stream.indirect_vreg.gather [hbm4b:s1+s7], $0x80, v8, vm1, $0xb8;
	[tilespmem:$0x11E00] =	vst v63  }
0x1f1: {  	v8 =	vld [tilespmem:$0x15B0];
	_ =	sdelay $0x4  }
0x1f2: {  	v51 =	vshll.u32 v8, $0x1  }
0x1f3: {  	v8 =	vand.u32 $0x7, v8;
	v9 =	vand.u32 $0xFFFFFFF0, v51  }
0x1f4: {  	v8 =	vor.u32 v8, v9  }
0x1f5: {  	v9 =	vperm.xlane v8, v5;
	_ =	sdelay $0x1  }
0x1f6: {  	v8 =	vperm.xlane v8, v7;
	v9 =	vadd.s32 v6, v9;
	_ =	sdelay $0x1  }
0x1f7: {  	v8 =	vadd.s32 v6, v8;
	_ =	sdelay $0x1  }
0x1f8: {  	s12 =	simm.s32 $0xCE00  }
0x1f9: {  	[tilespmem:s12], [sflag:$0x6] =	stream.indirect_vreg.gather [hbm4b:s1+s7], $0x80, v9, vm1, $0xb8;
	[tilespmem:$0x11E00] =	vst v63  }
0x1fa: {  	s13 =	simm.s32 $0xD600  }
0x1fb: {  	[tilespmem:s13], [sflag:$0x6] =	stream.indirect_vreg.gather [hbm4b:s1+s7], $0x80, v8, vm1, $0xb8;
	[tilespmem:$0x11E00] =	vst v63  }
0x1fc: {  	v8 =	vld [tilespmem:$0x15C0];
	_ =	sdelay $0x4  }
0x1fd: {  	v52 =	vshll.u32 v8, $0x1  }
0x1fe: {  	v8 =	vand.u32 $0x7, v8;
	v9 =	vand.u32 $0xFFFFFFF0, v52  }
0x1ff: {  	v8 =	vor.u32 v8, v9  }
0x200: {  	v9 =	vperm.xlane v8, v5;
	_ =	sdelay $0x1  }
0x201: {  	v8 =	vperm.xlane v8, v7;
	v9 =	vadd.s32 v6, v9;
	_ =	sdelay $0x1  }
0x202: {  	v8 =	vadd.s32 v6, v8;
	_ =	sdelay $0x1  }
0x203: {  	s14 =	simm.s32 $0xDE00  }
0x204: {  	[tilespmem:s14], [sflag:$0x6] =	stream.indirect_vreg.gather [hbm4b:s1+s7], $0x80, v9, vm1, $0xb8;
	[tilespmem:$0x11E00] =	vst v63  }
0x205: {  	s15 =	simm.s32 $0xE600  }
0x206: {  	[tilespmem:s15], [sflag:$0x6] =	stream.indirect_vreg.gather [hbm4b:s1+s7], $0x80, v8, vm1, $0xb8;
	[tilespmem:$0x11E00] =	vst v63  }
0x207: {  	v8 =	vld [tilespmem:$0x15D0];
	_ =	sdelay $0x4  }
0x208: {  	v53 =	vshll.u32 v8, $0x1  }
0x209: {  	v8 =	vand.u32 $0x7, v8;
	v9 =	vand.u32 $0xFFFFFFF0, v53  }
0x20a: {  	v8 =	vor.u32 v8, v9  }
0x20b: {  	v9 =	vperm.xlane v8, v5;
	_ =	sdelay $0x1  }
0x20c: {  	v8 =	vperm.xlane v8, v7;
	v9 =	vadd.s32 v6, v9;
	_ =	sdelay $0x1  }
0x20d: {  	v8 =	vadd.s32 v6, v8;
	_ =	sdelay $0x1  }
0x20e: {  	s16 =	simm.s32 $0xEE00  }
0x20f: {  	[tilespmem:s16], [sflag:$0x6] =	stream.indirect_vreg.gather [hbm4b:s1+s7], $0x80, v9, vm1, $0xb8;
	[tilespmem:$0x11E00] =	vst v63  }
0x210: {  	s17 =	simm.s32 $0xF600  }
0x211: {  	[tilespmem:s17], [sflag:$0x6] =	stream.indirect_vreg.gather [hbm4b:s1+s7], $0x80, v8, vm1, $0xb8;
	[tilespmem:$0x11E00] =	vst v63  }
0x212: {  	v8 =	vld [tilespmem:$0x15E0];
	_ =	sdelay $0x4  }
0x213: {  	v54 =	vshll.u32 v8, $0x1  }
0x214: {  	v8 =	vand.u32 $0x7, v8;
	v9 =	vand.u32 $0xFFFFFFF0, v54  }
0x215: {  	v8 =	vor.u32 v8, v9  }
0x216: {  	v9 =	vperm.xlane v8, v5;
	_ =	sdelay $0x1  }
0x217: {  	v8 =	vperm.xlane v8, v7;
	v9 =	vadd.s32 v6, v9;
	_ =	sdelay $0x1  }
0x218: {  	v8 =	vadd.s32 v6, v8;
	_ =	sdelay $0x1  }
0x219: {  	s18 =	simm.s32 $0xFE00  }
0x21a: {  	[tilespmem:s18], [sflag:$0x6] =	stream.indirect_vreg.gather [hbm4b:s1+s7], $0x80, v9, vm1, $0xb8;
	[tilespmem:$0x11E00] =	vst v63  }
0x21b: {  	s26 =	simm.s32 $0x10600  }
0x21c: {  	[tilespmem:s26], [sflag:$0x6] =	stream.indirect_vreg.gather [hbm4b:s1+s7], $0x80, v8, vm1, $0xb8;
	[tilespmem:$0x11E00] =	vst v63  }
0x21d: {  	v8 =	vld [tilespmem:$0x15F0];
	_ =	sdelay $0x4  }
0x21e: {  	v55 =	vshll.u32 v8, $0x1  }
0x21f: {  	v8 =	vand.u32 $0x7, v8;
	v9 =	vand.u32 $0xFFFFFFF0, v55  }
0x220: {  	v8 =	vor.u32 v8, v9  }
0x221: {  	v9 =	vperm.xlane v8, v5;
	_ =	sdelay $0x1  }
0x222: {  	v8 =	vperm.xlane v8, v7;
	v9 =	vadd.s32 v6, v9;
	_ =	sdelay $0x1  }
0x223: {  	v8 =	vadd.s32 v6, v8;
	_ =	sdelay $0x1  }
0x224: {  	s28 =	simm.s32 $0x10E00  }
0x225: {  	[tilespmem:s28], [sflag:$0x6] =	stream.indirect_vreg.gather [hbm4b:s1+s7], $0x80, v9, vm1, $0xb8;
	[tilespmem:$0x11E00] =	vst v63  }
0x226: {  	s29 =	simm.s32 $0x11600;
	s22 =	smov.u32 s20;
	s20 =	simm.s32 $0x6  }
0x227: {  	[tilespmem:s29], [sflag:$0x6] =	stream.indirect_vreg.gather [hbm4b:s1+s7], $0x80, v8, vm1, $0xb8;
	[tilespmem:$0x11E00] =	vst v63  }
0x228: {  	_ =	swait.ge [sflag:s20], $0x8000  }
0x229: {  	[sflag:s20] =	ssyncset.done $0x0  }
0x22a: {  	[sflag:s20] =	ssyncadd.s32 $0xFFFF8000  }
0x22b: {  	v8 =	vld [tilespmem:$0x1A00];
	_ =	sdelay $0x4  }
0x22c: {  	v56 =	vshll.u32 v8, $0x1  }
0x22d: {  	v8 =	vand.u32 $0x7, v8;
	v9 =	vand.u32 $0xFFFFFFF0, v56  }
0x22e: {  	v8 =	vor.u32 v8, v9  }
0x22f: {  	v9 =	vperm.xlane v8, v5;
	_ =	sdelay $0x1  }
0x230: {  	v8 =	vperm.xlane v8, v7;
	v9 =	vadd.s32 v6, v9;
	_ =	sdelay $0x1  }
0x231: {  	v8 =	vadd.s32 v6, v8;
	_ =	sdelay $0x2  }
0x232: {  	[hbm4b:s3+s7] =	stream.indirect_vreg.scatter [tilespmem:s2], [sflag:$0x8], $0x80, v9, vm1, $0xb8;
	[tilespmem:$0x11E00] =	vst v63  }
0x233: {  	_ = 	snop  }
0x234: {  	[hbm4b:s3+s7] =	stream.indirect_vreg.scatter [tilespmem:s4], [sflag:$0x8], $0x80, v8, vm1, $0xb8;
	[tilespmem:$0x11E00] =	vst v63  }
0x235: {  	v8 =	vld [tilespmem:$0x1A10];
	_ =	sdelay $0x4  }
0x236: {  	v57 =	vshll.u32 v8, $0x1  }
0x237: {  	v8 =	vand.u32 $0x7, v8;
	v9 =	vand.u32 $0xFFFFFFF0, v57  }
0x238: {  	v8 =	vor.u32 v8, v9  }
0x239: {  	v9 =	vperm.xlane v8, v5;
	_ =	sdelay $0x1  }
0x23a: {  	v8 =	vperm.xlane v8, v7;
	v9 =	vadd.s32 v6, v9;
	_ =	sdelay $0x1  }
0x23b: {  	v8 =	vadd.s32 v6, v8;
	_ =	sdelay $0x2  }
0x23c: {  	[hbm4b:s3+s7] =	stream.indirect_vreg.scatter [tilespmem:s5], [sflag:$0x8], $0x80, v9, vm1, $0xb8;
	[tilespmem:$0x11E00] =	vst v63  }
0x23d: {  	_ = 	snop  }
0x23e: {  	[hbm4b:s3+s7] =	stream.indirect_vreg.scatter [tilespmem:s8], [sflag:$0x8], $0x80, v8, vm1, $0xb8;
	[tilespmem:$0x11E00] =	vst v63  }
0x23f: {  	v8 =	vld [tilespmem:$0x1A20];
	_ =	sdelay $0x4  }
0x240: {  	v58 =	vshll.u32 v8, $0x1  }
0x241: {  	v8 =	vand.u32 $0x7, v8;
	v9 =	vand.u32 $0xFFFFFFF0, v58  }
0x242: {  	v8 =	vor.u32 v8, v9  }
0x243: {  	v9 =	vperm.xlane v8, v5;
	_ =	sdelay $0x1  }
0x244: {  	v8 =	vperm.xlane v8, v7;
	v9 =	vadd.s32 v6, v9;
	_ =	sdelay $0x1  }
0x245: {  	v8 =	vadd.s32 v6, v8;
	_ =	sdelay $0x2  }
0x246: {  	[hbm4b:s3+s7] =	stream.indirect_vreg.scatter [tilespmem:s9], [sflag:$0x8], $0x80, v9, vm1, $0xb8;
	[tilespmem:$0x11E00] =	vst v63  }
0x247: {  	_ = 	snop  }
0x248: {  	[hbm4b:s3+s7] =	stream.indirect_vreg.scatter [tilespmem:s11], [sflag:$0x8], $0x80, v8, vm1, $0xb8;
	[tilespmem:$0x11E00] =	vst v63  }
0x249: {  	v8 =	vld [tilespmem:$0x1A30];
	_ =	sdelay $0x4  }
0x24a: {  	v59 =	vshll.u32 v8, $0x1  }
0x24b: {  	v8 =	vand.u32 $0x7, v8;
	v9 =	vand.u32 $0xFFFFFFF0, v59  }
0x24c: {  	v8 =	vor.u32 v8, v9  }
0x24d: {  	v9 =	vperm.xlane v8, v5;
	_ =	sdelay $0x1  }
0x24e: {  	v8 =	vperm.xlane v8, v7;
	v9 =	vadd.s32 v6, v9;
	_ =	sdelay $0x1  }
0x24f: {  	v8 =	vadd.s32 v6, v8;
	_ =	sdelay $0x2  }
0x250: {  	[hbm4b:s3+s7] =	stream.indirect_vreg.scatter [tilespmem:s12], [sflag:$0x8], $0x80, v9, vm1, $0xb8;
	[tilespmem:$0x11E00] =	vst v63  }
0x251: {  	_ = 	snop  }
0x252: {  	[hbm4b:s3+s7] =	stream.indirect_vreg.scatter [tilespmem:s13], [sflag:$0x8], $0x80, v8, vm1, $0xb8;
	[tilespmem:$0x11E00] =	vst v63  }
0x253: {  	v8 =	vld [tilespmem:$0x1A40];
	_ =	sdelay $0x4  }
0x254: {  	v60 =	vshll.u32 v8, $0x1  }
0x255: {  	v8 =	vand.u32 $0x7, v8;
	v9 =	vand.u32 $0xFFFFFFF0, v60  }
0x256: {  	v8 =	vor.u32 v8, v9  }
0x257: {  	v9 =	vperm.xlane v8, v5;
	_ =	sdelay $0x1  }
0x258: {  	v8 =	vperm.xlane v8, v7;
	v9 =	vadd.s32 v6, v9;
	_ =	sdelay $0x1  }
0x259: {  	v8 =	vadd.s32 v6, v8;
	_ =	sdelay $0x2  }
0x25a: {  	[hbm4b:s3+s7] =	stream.indirect_vreg.scatter [tilespmem:s14], [sflag:$0x8], $0x80, v9, vm1, $0xb8;
	[tilespmem:$0x11E00] =	vst v63  }
0x25b: {  	_ = 	snop  }
0x25c: {  	[hbm4b:s3+s7] =	stream.indirect_vreg.scatter [tilespmem:s15], [sflag:$0x8], $0x80, v8, vm1, $0xb8;
	[tilespmem:$0x11E00] =	vst v63  }
0x25d: {  	v8 =	vld [tilespmem:$0x1A50];
	_ =	sdelay $0x4  }
0x25e: {  	v61 =	vshll.u32 v8, $0x1  }
0x25f: {  	v8 =	vand.u32 $0x7, v8;
	v9 =	vand.u32 $0xFFFFFFF0, v61  }
0x260: {  	v8 =	vor.u32 v8, v9  }
0x261: {  	v9 =	vperm.xlane v8, v5;
	_ =	sdelay $0x1  }
0x262: {  	v8 =	vperm.xlane v8, v7;
	v9 =	vadd.s32 v6, v9;
	_ =	sdelay $0x1  }
0x263: {  	v8 =	vadd.s32 v6, v8;
	_ =	sdelay $0x2  }
0x264: {  	[hbm4b:s3+s7] =	stream.indirect_vreg.scatter [tilespmem:s16], [sflag:$0x8], $0x80, v9, vm1, $0xb8;
	[tilespmem:$0x11E00] =	vst v63  }
0x265: {  	_ = 	snop  }
0x266: {  	[hbm4b:s3+s7] =	stream.indirect_vreg.scatter [tilespmem:s17], [sflag:$0x8], $0x80, v8, vm1, $0xb8;
	[tilespmem:$0x11E00] =	vst v63  }
0x267: {  	v8 =	vld [tilespmem:$0x1A60];
	_ =	sdelay $0x4  }
0x268: {  	v62 =	vshll.u32 v8, $0x1  }
0x269: {  	v8 =	vand.u32 $0x7, v8;
	v9 =	vand.u32 $0xFFFFFFF0, v62  }
0x26a: {  	v8 =	vor.u32 v8, v9  }
0x26b: {  	v9 =	vperm.xlane v8, v5;
	_ =	sdelay $0x1  }
0x26c: {  	v8 =	vperm.xlane v8, v7;
	v9 =	vadd.s32 v6, v9;
	_ =	sdelay $0x1  }
0x26d: {  	v8 =	vadd.s32 v6, v8;
	_ =	sdelay $0x2  }
0x26e: {  	[hbm4b:s3+s7] =	stream.indirect_vreg.scatter [tilespmem:s18], [sflag:$0x8], $0x80, v9, vm1, $0xb8;
	[tilespmem:$0x11E00] =	vst v63  }
0x26f: {  	_ = 	snop  }
0x270: {  	[hbm4b:s3+s7] =	stream.indirect_vreg.scatter [tilespmem:s26], [sflag:$0x8], $0x80, v8, vm1, $0xb8;
	[tilespmem:$0x11E00] =	vst v63  }
0x271: {  	v8 =	vld [tilespmem:$0x1A70];
	_ =	sdelay $0x4  }
0x272: {  	v63 =	vshll.u32 v8, $0x1  }
0x273: {  	v8 =	vand.u32 $0x7, v8;
	v9 =	vand.u32 $0xFFFFFFF0, v63  }
0x274: {  	v8 =	vor.u32 v8, v9  }
0x275: {  	v9 =	vperm.xlane v8, v5;
	_ =	sdelay $0x1  }
0x276: {  	v8 =	vperm.xlane v8, v7;
	v9 =	vadd.s32 v6, v9;
	_ =	sdelay $0x1  }
0x277: {  	p1 =	slt.u32 s31, $0x101;
	v8 =	vadd.s32 v6, v8  }
.Ltmp11:
0x278: {  	_ = 	snop;
	(pc) =	sbr.rel @p1 .LBB2_24-.Ltmp11, $4  }
0x279: {  	_ = 	snop  }
0x27a: {  	[hbm4b:s3+s7] =	stream.indirect_vreg.scatter [tilespmem:s28], [sflag:$0x8], $0x80, v9, vm1, $0xb8;
	[tilespmem:$0x11E00] =	vst v63  }
0x27b: {  	s20 =	smov.u32 s22  }
0x27c: {  	[hbm4b:s3+s7] =	stream.indirect_vreg.scatter [tilespmem:s29], [sflag:$0x8], $0x80, v8, vm1, $0xb8;
	[tilespmem:$0x11E00] =	vst v63  }
0x27d: {  	_ =	swait.ge [sflag:s21], $0x8000  }
0x27e: {  	[sflag:s21] =	ssyncset.done $0x0  }
0x27f: {  	[sflag:s21] =	ssyncadd.s32 $0xFFFF8000  }
0x280: {  	v8 =	vld [tilespmem:$0x1600];
	_ =	sdelay $0x4  }
0x281: {  	v9 =	vshll.u32 v8, $0x1  }
0x282: {  	v8 =	vand.u32 $0x7, v8;
	v9 =	vand.u32 $0xFFFFFFF0, v9  }
0x283: {  	v8 =	vor.u32 v8, v9  }
0x284: {  	v9 =	vperm.xlane v8, v5;
	_ =	sdelay $0x1  }
0x285: {  	v8 =	vperm.xlane v8, v7;
	v9 =	vadd.s32 v6, v9;
	_ =	sdelay $0x1  }
0x286: {  	v8 =	vadd.s32 v6, v8;
	_ =	sdelay $0x1  }
0x287: {  	s5 =	simm.s32 $0x1E00  }
0x288: {  	[tilespmem:s5], [sflag:$0x5] =	stream.indirect_vreg.gather [hbm4b:s1+s7], $0x80, v9, vm1, $0xb8;
	[tilespmem:$0x11E00] =	vst v63  }
0x289: {  	s8 =	simm.s32 $0x2600  }
0x28a: {  	[tilespmem:s8], [sflag:$0x5] =	stream.indirect_vreg.gather [hbm4b:s1+s7], $0x80, v8, vm1, $0xb8;
	[tilespmem:$0x11E00] =	vst v63  }
0x28b: {  	v8 =	vld [tilespmem:$0x1610];
	_ =	sdelay $0x4  }
0x28c: {  	v49 =	vshll.u32 v8, $0x1  }
0x28d: {  	v8 =	vand.u32 $0x7, v8;
	v9 =	vand.u32 $0xFFFFFFF0, v49  }
0x28e: {  	v8 =	vor.u32 v8, v9  }
0x28f: {  	v9 =	vperm.xlane v8, v5;
	_ =	sdelay $0x1  }
0x290: {  	v8 =	vperm.xlane v8, v7;
	v9 =	vadd.s32 v6, v9;
	_ =	sdelay $0x1  }
0x291: {  	v8 =	vadd.s32 v6, v8;
	_ =	sdelay $0x1  }
0x292: {  	s12 =	simm.s32 $0x2E00  }
0x293: {  	[tilespmem:s12], [sflag:$0x5] =	stream.indirect_vreg.gather [hbm4b:s1+s7], $0x80, v9, vm1, $0xb8;
	[tilespmem:$0x11E00] =	vst v63  }
0x294: {  	s13 =	simm.s32 $0x3600  }
0x295: {  	[tilespmem:s13], [sflag:$0x5] =	stream.indirect_vreg.gather [hbm4b:s1+s7], $0x80, v8, vm1, $0xb8;
	[tilespmem:$0x11E00] =	vst v63  }
0x296: {  	v8 =	vld [tilespmem:$0x1620];
	_ =	sdelay $0x4  }
0x297: {  	v50 =	vshll.u32 v8, $0x1  }
0x298: {  	v8 =	vand.u32 $0x7, v8;
	v9 =	vand.u32 $0xFFFFFFF0, v50  }
0x299: {  	v8 =	vor.u32 v8, v9  }
0x29a: {  	v9 =	vperm.xlane v8, v5;
	_ =	sdelay $0x1  }
0x29b: {  	v8 =	vperm.xlane v8, v7;
	v9 =	vadd.s32 v6, v9;
	_ =	sdelay $0x1  }
0x29c: {  	v8 =	vadd.s32 v6, v8;
	_ =	sdelay $0x1  }
0x29d: {  	s14 =	simm.s32 $0x3E00  }
0x29e: {  	[tilespmem:s14], [sflag:$0x5] =	stream.indirect_vreg.gather [hbm4b:s1+s7], $0x80, v9, vm1, $0xb8;
	[tilespmem:$0x11E00] =	vst v63  }
0x29f: {  	s15 =	simm.s32 $0x4600  }
0x2a0: {  	[tilespmem:s15], [sflag:$0x5] =	stream.indirect_vreg.gather [hbm4b:s1+s7], $0x80, v8, vm1, $0xb8;
	[tilespmem:$0x11E00] =	vst v63  }
0x2a1: {  	v8 =	vld [tilespmem:$0x1630];
	_ =	sdelay $0x4  }
0x2a2: {  	v51 =	vshll.u32 v8, $0x1  }
0x2a3: {  	v8 =	vand.u32 $0x7, v8;
	v9 =	vand.u32 $0xFFFFFFF0, v51  }
0x2a4: {  	v8 =	vor.u32 v8, v9  }
0x2a5: {  	v9 =	vperm.xlane v8, v5;
	_ =	sdelay $0x1  }
0x2a6: {  	v8 =	vperm.xlane v8, v7;
	v9 =	vadd.s32 v6, v9;
	_ =	sdelay $0x1  }
0x2a7: {  	v8 =	vadd.s32 v6, v8;
	_ =	sdelay $0x1  }
0x2a8: {  	s16 =	simm.s32 $0x4E00  }
0x2a9: {  	[tilespmem:s16], [sflag:$0x5] =	stream.indirect_vreg.gather [hbm4b:s1+s7], $0x80, v9, vm1, $0xb8;
	[tilespmem:$0x11E00] =	vst v63  }
0x2aa: {  	s17 =	simm.s32 $0x5600  }
0x2ab: {  	[tilespmem:s17], [sflag:$0x5] =	stream.indirect_vreg.gather [hbm4b:s1+s7], $0x80, v8, vm1, $0xb8;
	[tilespmem:$0x11E00] =	vst v63  }
0x2ac: {  	v8 =	vld [tilespmem:$0x1640];
	_ =	sdelay $0x4  }
0x2ad: {  	v52 =	vshll.u32 v8, $0x1  }
0x2ae: {  	v8 =	vand.u32 $0x7, v8;
	v9 =	vand.u32 $0xFFFFFFF0, v52  }
0x2af: {  	v8 =	vor.u32 v8, v9  }
0x2b0: {  	v9 =	vperm.xlane v8, v5;
	_ =	sdelay $0x1  }
0x2b1: {  	v8 =	vperm.xlane v8, v7;
	v9 =	vadd.s32 v6, v9;
	_ =	sdelay $0x1  }
0x2b2: {  	v8 =	vadd.s32 v6, v8;
	_ =	sdelay $0x1  }
0x2b3: {  	s26 =	simm.s32 $0x5E00  }
0x2b4: {  	[tilespmem:s26], [sflag:$0x5] =	stream.indirect_vreg.gather [hbm4b:s1+s7], $0x80, v9, vm1, $0xb8;
	[tilespmem:$0x11E00] =	vst v63  }
0x2b5: {  	s28 =	simm.s32 $0x6600  }
0x2b6: {  	[tilespmem:s28], [sflag:$0x5] =	stream.indirect_vreg.gather [hbm4b:s1+s7], $0x80, v8, vm1, $0xb8;
	[tilespmem:$0x11E00] =	vst v63  }
0x2b7: {  	v8 =	vld [tilespmem:$0x1650];
	_ =	sdelay $0x4  }
0x2b8: {  	v53 =	vshll.u32 v8, $0x1  }
0x2b9: {  	v8 =	vand.u32 $0x7, v8;
	v9 =	vand.u32 $0xFFFFFFF0, v53  }
0x2ba: {  	v8 =	vor.u32 v8, v9  }
0x2bb: {  	v9 =	vperm.xlane v8, v5;
	_ =	sdelay $0x1  }
0x2bc: {  	v8 =	vperm.xlane v8, v7;
	v9 =	vadd.s32 v6, v9;
	_ =	sdelay $0x1  }
0x2bd: {  	v8 =	vadd.s32 v6, v8;
	_ =	sdelay $0x1  }
0x2be: {  	s18 =	simm.s32 $0x6E00  }
0x2bf: {  	[tilespmem:s18], [sflag:$0x5] =	stream.indirect_vreg.gather [hbm4b:s1+s7], $0x80, v9, vm1, $0xb8;
	[tilespmem:$0x11E00] =	vst v63  }
0x2c0: {  	s2 =	simm.s32 $0x7600  }
0x2c1: {  	[tilespmem:s2], [sflag:$0x5] =	stream.indirect_vreg.gather [hbm4b:s1+s7], $0x80, v8, vm1, $0xb8;
	[tilespmem:$0x11E00] =	vst v63  }
0x2c2: {  	v8 =	vld [tilespmem:$0x1660];
	_ =	sdelay $0x4  }
0x2c3: {  	v54 =	vshll.u32 v8, $0x1  }
0x2c4: {  	v8 =	vand.u32 $0x7, v8;
	v9 =	vand.u32 $0xFFFFFFF0, v54  }
0x2c5: {  	v8 =	vor.u32 v8, v9  }
0x2c6: {  	v9 =	vperm.xlane v8, v5;
	_ =	sdelay $0x1  }
0x2c7: {  	v8 =	vperm.xlane v8, v7;
	v9 =	vadd.s32 v6, v9;
	_ =	sdelay $0x1  }
0x2c8: {  	v8 =	vadd.s32 v6, v8;
	_ =	sdelay $0x1  }
0x2c9: {  	s4 =	simm.s32 $0x7E00  }
0x2ca: {  	[tilespmem:s4], [sflag:$0x5] =	stream.indirect_vreg.gather [hbm4b:s1+s7], $0x80, v9, vm1, $0xb8;
	[tilespmem:$0x11E00] =	vst v63  }
0x2cb: {  	s29 =	simm.s32 $0x8600  }
0x2cc: {  	[tilespmem:s29], [sflag:$0x5] =	stream.indirect_vreg.gather [hbm4b:s1+s7], $0x80, v8, vm1, $0xb8;
	[tilespmem:$0x11E00] =	vst v63  }
0x2cd: {  	v8 =	vld [tilespmem:$0x1670];
	_ =	sdelay $0x4  }
0x2ce: {  	v55 =	vshll.u32 v8, $0x1  }
0x2cf: {  	v8 =	vand.u32 $0x7, v8;
	v9 =	vand.u32 $0xFFFFFFF0, v55  }
0x2d0: {  	v8 =	vor.u32 v8, v9  }
0x2d1: {  	v9 =	vperm.xlane v8, v5;
	_ =	sdelay $0x1  }
0x2d2: {  	v8 =	vperm.xlane v8, v7;
	v9 =	vadd.s32 v6, v9;
	_ =	sdelay $0x1  }
0x2d3: {  	v8 =	vadd.s32 v6, v8;
	_ =	sdelay $0x1  }
0x2d4: {  	s9 =	simm.s32 $0x8E00  }
0x2d5: {  	[tilespmem:s9], [sflag:$0x5] =	stream.indirect_vreg.gather [hbm4b:s1+s7], $0x80, v9, vm1, $0xb8;
	[tilespmem:$0x11E00] =	vst v63  }
0x2d6: {  	s11 =	simm.s32 $0x9600  }
0x2d7: {  	[tilespmem:s11], [sflag:$0x5] =	stream.indirect_vreg.gather [hbm4b:s1+s7], $0x80, v8, vm1, $0xb8;
	[tilespmem:$0x11E00] =	vst v63  }
0x2d8: {  	_ =	swait.ge [sflag:s19], $0x8000  }
0x2d9: {  	[sflag:s19] =	ssyncset.done $0x0  }
0x2da: {  	[sflag:s19] =	ssyncadd.s32 $0xFFFF8000  }
0x2db: {  	v8 =	vld [tilespmem:$0x1A80];
	_ =	sdelay $0x4  }
0x2dc: {  	v56 =	vshll.u32 v8, $0x1  }
0x2dd: {  	v8 =	vand.u32 $0x7, v8;
	v9 =	vand.u32 $0xFFFFFFF0, v56  }
0x2de: {  	v8 =	vor.u32 v8, v9  }
0x2df: {  	v9 =	vperm.xlane v8, v5;
	_ =	sdelay $0x1  }
0x2e0: {  	v8 =	vperm.xlane v8, v7;
	v9 =	vadd.s32 v6, v9;
	_ =	sdelay $0x1  }
0x2e1: {  	v8 =	vadd.s32 v6, v8;
	_ =	sdelay $0x2  }
0x2e2: {  	[hbm4b:s3+s7] =	stream.indirect_vreg.scatter [tilespmem:s5], [sflag:$0x7], $0x80, v9, vm1, $0xb8;
	[tilespmem:$0x11E00] =	vst v63  }
0x2e3: {  	_ = 	snop  }
0x2e4: {  	[hbm4b:s3+s7] =	stream.indirect_vreg.scatter [tilespmem:s8], [sflag:$0x7], $0x80, v8, vm1, $0xb8;
	[tilespmem:$0x11E00] =	vst v63  }
0x2e5: {  	v8 =	vld [tilespmem:$0x1A90];
	_ =	sdelay $0x4  }
0x2e6: {  	v57 =	vshll.u32 v8, $0x1  }
0x2e7: {  	v8 =	vand.u32 $0x7, v8;
	v9 =	vand.u32 $0xFFFFFFF0, v57  }
0x2e8: {  	v8 =	vor.u32 v8, v9  }
0x2e9: {  	v9 =	vperm.xlane v8, v5;
	_ =	sdelay $0x1  }
0x2ea: {  	v8 =	vperm.xlane v8, v7;
	v9 =	vadd.s32 v6, v9;
	_ =	sdelay $0x1  }
0x2eb: {  	v8 =	vadd.s32 v6, v8;
	_ =	sdelay $0x2  }
0x2ec: {  	[hbm4b:s3+s7] =	stream.indirect_vreg.scatter [tilespmem:s12], [sflag:$0x7], $0x80, v9, vm1, $0xb8;
	[tilespmem:$0x11E00] =	vst v63  }
0x2ed: {  	_ = 	snop  }
0x2ee: {  	[hbm4b:s3+s7] =	stream.indirect_vreg.scatter [tilespmem:s13], [sflag:$0x7], $0x80, v8, vm1, $0xb8;
	[tilespmem:$0x11E00] =	vst v63  }
0x2ef: {  	v8 =	vld [tilespmem:$0x1AA0];
	_ =	sdelay $0x4  }
0x2f0: {  	v58 =	vshll.u32 v8, $0x1  }
0x2f1: {  	v8 =	vand.u32 $0x7, v8;
	v9 =	vand.u32 $0xFFFFFFF0, v58  }
0x2f2: {  	v8 =	vor.u32 v8, v9  }
0x2f3: {  	v9 =	vperm.xlane v8, v5;
	_ =	sdelay $0x1  }
0x2f4: {  	v8 =	vperm.xlane v8, v7;
	v9 =	vadd.s32 v6, v9;
	_ =	sdelay $0x1  }
0x2f5: {  	v8 =	vadd.s32 v6, v8;
	_ =	sdelay $0x2  }
0x2f6: {  	[hbm4b:s3+s7] =	stream.indirect_vreg.scatter [tilespmem:s14], [sflag:$0x7], $0x80, v9, vm1, $0xb8;
	[tilespmem:$0x11E00] =	vst v63  }
0x2f7: {  	_ = 	snop  }
0x2f8: {  	[hbm4b:s3+s7] =	stream.indirect_vreg.scatter [tilespmem:s15], [sflag:$0x7], $0x80, v8, vm1, $0xb8;
	[tilespmem:$0x11E00] =	vst v63  }
0x2f9: {  	v8 =	vld [tilespmem:$0x1AB0];
	_ =	sdelay $0x4  }
0x2fa: {  	v59 =	vshll.u32 v8, $0x1  }
0x2fb: {  	v8 =	vand.u32 $0x7, v8;
	v9 =	vand.u32 $0xFFFFFFF0, v59  }
0x2fc: {  	v8 =	vor.u32 v8, v9  }
0x2fd: {  	v9 =	vperm.xlane v8, v5;
	_ =	sdelay $0x1  }
0x2fe: {  	v8 =	vperm.xlane v8, v7;
	v9 =	vadd.s32 v6, v9;
	_ =	sdelay $0x1  }
0x2ff: {  	v8 =	vadd.s32 v6, v8;
	_ =	sdelay $0x2  }
0x300: {  	[hbm4b:s3+s7] =	stream.indirect_vreg.scatter [tilespmem:s16], [sflag:$0x7], $0x80, v9, vm1, $0xb8;
	[tilespmem:$0x11E00] =	vst v63  }
0x301: {  	_ = 	snop  }
0x302: {  	[hbm4b:s3+s7] =	stream.indirect_vreg.scatter [tilespmem:s17], [sflag:$0x7], $0x80, v8, vm1, $0xb8;
	[tilespmem:$0x11E00] =	vst v63  }
0x303: {  	v8 =	vld [tilespmem:$0x1AC0];
	_ =	sdelay $0x4  }
0x304: {  	v60 =	vshll.u32 v8, $0x1  }
0x305: {  	v8 =	vand.u32 $0x7, v8;
	v9 =	vand.u32 $0xFFFFFFF0, v60  }
0x306: {  	v8 =	vor.u32 v8, v9  }
0x307: {  	v9 =	vperm.xlane v8, v5;
	_ =	sdelay $0x1  }
0x308: {  	v8 =	vperm.xlane v8, v7;
	v9 =	vadd.s32 v6, v9;
	_ =	sdelay $0x1  }
0x309: {  	v8 =	vadd.s32 v6, v8;
	_ =	sdelay $0x2  }
0x30a: {  	[hbm4b:s3+s7] =	stream.indirect_vreg.scatter [tilespmem:s26], [sflag:$0x7], $0x80, v9, vm1, $0xb8;
	[tilespmem:$0x11E00] =	vst v63  }
0x30b: {  	_ = 	snop  }
0x30c: {  	[hbm4b:s3+s7] =	stream.indirect_vreg.scatter [tilespmem:s28], [sflag:$0x7], $0x80, v8, vm1, $0xb8;
	[tilespmem:$0x11E00] =	vst v63  }
0x30d: {  	v8 =	vld [tilespmem:$0x1AD0];
	_ =	sdelay $0x4  }
0x30e: {  	v61 =	vshll.u32 v8, $0x1  }
0x30f: {  	v8 =	vand.u32 $0x7, v8;
	v9 =	vand.u32 $0xFFFFFFF0, v61  }
0x310: {  	v8 =	vor.u32 v8, v9  }
0x311: {  	v9 =	vperm.xlane v8, v5;
	_ =	sdelay $0x1  }
0x312: {  	v8 =	vperm.xlane v8, v7;
	v9 =	vadd.s32 v6, v9;
	_ =	sdelay $0x1  }
0x313: {  	v8 =	vadd.s32 v6, v8;
	_ =	sdelay $0x2  }
0x314: {  	[hbm4b:s3+s7] =	stream.indirect_vreg.scatter [tilespmem:s18], [sflag:$0x7], $0x80, v9, vm1, $0xb8;
	[tilespmem:$0x11E00] =	vst v63  }
0x315: {  	_ = 	snop  }
0x316: {  	[hbm4b:s3+s7] =	stream.indirect_vreg.scatter [tilespmem:s2], [sflag:$0x7], $0x80, v8, vm1, $0xb8;
	[tilespmem:$0x11E00] =	vst v63  }
0x317: {  	v8 =	vld [tilespmem:$0x1AE0];
	_ =	sdelay $0x4  }
0x318: {  	v62 =	vshll.u32 v8, $0x1  }
0x319: {  	v8 =	vand.u32 $0x7, v8;
	v9 =	vand.u32 $0xFFFFFFF0, v62  }
0x31a: {  	v8 =	vor.u32 v8, v9  }
0x31b: {  	v9 =	vperm.xlane v8, v5;
	_ =	sdelay $0x1  }
0x31c: {  	v8 =	vperm.xlane v8, v7;
	v9 =	vadd.s32 v6, v9;
	_ =	sdelay $0x1  }
0x31d: {  	v8 =	vadd.s32 v6, v8;
	_ =	sdelay $0x2  }
0x31e: {  	[hbm4b:s3+s7] =	stream.indirect_vreg.scatter [tilespmem:s4], [sflag:$0x7], $0x80, v9, vm1, $0xb8;
	[tilespmem:$0x11E00] =	vst v63  }
0x31f: {  	_ = 	snop  }
0x320: {  	[hbm4b:s3+s7] =	stream.indirect_vreg.scatter [tilespmem:s29], [sflag:$0x7], $0x80, v8, vm1, $0xb8;
	[tilespmem:$0x11E00] =	vst v63  }
0x321: {  	v8 =	vld [tilespmem:$0x1AF0];
	_ =	sdelay $0x4  }
0x322: {  	v63 =	vshll.u32 v8, $0x1  }
0x323: {  	v8 =	vand.u32 $0x7, v8;
	v9 =	vand.u32 $0xFFFFFFF0, v63  }
0x324: {  	v8 =	vor.u32 v8, v9  }
0x325: {  	v9 =	vperm.xlane v8, v5;
	_ =	sdelay $0x1  }
0x326: {  	v8 =	vperm.xlane v8, v7;
	v9 =	vadd.s32 v6, v9;
	_ =	sdelay $0x1  }
0x327: {  	p1 =	slt.u32 s31, $0x181;
	v8 =	vadd.s32 v6, v8  }
.Ltmp12:
0x328: {  	_ = 	snop;
	(pc) =	sbr.rel @p1 .LBB2_25-.Ltmp12, $4  }
0x329: {  	_ = 	snop  }
0x32a: {  	[hbm4b:s3+s7] =	stream.indirect_vreg.scatter [tilespmem:s9], [sflag:$0x7], $0x80, v9, vm1, $0xb8;
	[tilespmem:$0x11E00] =	vst v63  }
0x32b: {  	_ = 	snop  }
0x32c: {  	[hbm4b:s3+s7] =	stream.indirect_vreg.scatter [tilespmem:s11], [sflag:$0x7], $0x80, v8, vm1, $0xb8;
	[tilespmem:$0x11E00] =	vst v63  }
0x32d: {  	s2 =	simm.s32 $0x8  }
0x32e: {  	_ =	swait.ge [sflag:s2], $0x8000  }
0x32f: {  	[sflag:s2] =	ssyncset.done $0x0  }
0x330: {  	[sflag:s2] =	ssyncadd.s32 $0xFFFF8000  }
0x331: {  	v8 =	vld [tilespmem:$0x1680];
	_ =	sdelay $0x4  }
0x332: {  	v9 =	vshll.u32 v8, $0x1  }
0x333: {  	v8 =	vand.u32 $0x7, v8;
	v9 =	vand.u32 $0xFFFFFFF0, v9  }
0x334: {  	v8 =	vor.u32 v8, v9  }
0x335: {  	v9 =	vperm.xlane v8, v5;
	_ =	sdelay $0x1  }
0x336: {  	v8 =	vperm.xlane v8, v7;
	v9 =	vadd.s32 v6, v9;
	_ =	sdelay $0x1  }
0x337: {  	v8 =	vadd.s32 v6, v8;
	_ =	sdelay $0x1  }
0x338: {  	s2 =	simm.s32 $0x9E00  }
0x339: {  	[tilespmem:s2], [sflag:$0x6] =	stream.indirect_vreg.gather [hbm4b:s1+s7], $0x80, v9, vm1, $0xb8;
	[tilespmem:$0x11E00] =	vst v63  }
0x33a: {  	s4 =	simm.s32 $0xA600  }
0x33b: {  	[tilespmem:s4], [sflag:$0x6] =	stream.indirect_vreg.gather [hbm4b:s1+s7], $0x80, v8, vm1, $0xb8;
	[tilespmem:$0x11E00] =	vst v63  }
0x33c: {  	v8 =	vld [tilespmem:$0x1690];
	_ =	sdelay $0x4  }
0x33d: {  	v49 =	vshll.u32 v8, $0x1  }
0x33e: {  	v8 =	vand.u32 $0x7, v8;
	v9 =	vand.u32 $0xFFFFFFF0, v49  }
0x33f: {  	v8 =	vor.u32 v8, v9  }
0x340: {  	v9 =	vperm.xlane v8, v5;
	_ =	sdelay $0x1  }
0x341: {  	v8 =	vperm.xlane v8, v7;
	v9 =	vadd.s32 v6, v9;
	_ =	sdelay $0x1  }
0x342: {  	v8 =	vadd.s32 v6, v8;
	_ =	sdelay $0x1  }
0x343: {  	s5 =	simm.s32 $0xAE00  }
0x344: {  	[tilespmem:s5], [sflag:$0x6] =	stream.indirect_vreg.gather [hbm4b:s1+s7], $0x80, v9, vm1, $0xb8;
	[tilespmem:$0x11E00] =	vst v63  }
0x345: {  	s8 =	simm.s32 $0xB600  }
0x346: {  	[tilespmem:s8], [sflag:$0x6] =	stream.indirect_vreg.gather [hbm4b:s1+s7], $0x80, v8, vm1, $0xb8;
	[tilespmem:$0x11E00] =	vst v63  }
0x347: {  	v8 =	vld [tilespmem:$0x16A0];
	_ =	sdelay $0x4  }
0x348: {  	v50 =	vshll.u32 v8, $0x1  }
0x349: {  	v8 =	vand.u32 $0x7, v8;
	v9 =	vand.u32 $0xFFFFFFF0, v50  }
0x34a: {  	v8 =	vor.u32 v8, v9  }
0x34b: {  	v9 =	vperm.xlane v8, v5;
	_ =	sdelay $0x1  }
0x34c: {  	v8 =	vperm.xlane v8, v7;
	v9 =	vadd.s32 v6, v9;
	_ =	sdelay $0x1  }
0x34d: {  	v8 =	vadd.s32 v6, v8;
	_ =	sdelay $0x1  }
0x34e: {  	s9 =	simm.s32 $0xBE00  }
0x34f: {  	[tilespmem:s9], [sflag:$0x6] =	stream.indirect_vreg.gather [hbm4b:s1+s7], $0x80, v9, vm1, $0xb8;
	[tilespmem:$0x11E00] =	vst v63  }
0x350: {  	s11 =	simm.s32 $0xC600  }
0x351: {  	[tilespmem:s11], [sflag:$0x6] =	stream.indirect_vreg.gather [hbm4b:s1+s7], $0x80, v8, vm1, $0xb8;
	[tilespmem:$0x11E00] =	vst v63  }
0x352: {  	v8 =	vld [tilespmem:$0x16B0];
	_ =	sdelay $0x4  }
0x353: {  	v51 =	vshll.u32 v8, $0x1  }
0x354: {  	v8 =	vand.u32 $0x7, v8;
	v9 =	vand.u32 $0xFFFFFFF0, v51  }
0x355: {  	v8 =	vor.u32 v8, v9  }
0x356: {  	v9 =	vperm.xlane v8, v5;
	_ =	sdelay $0x1  }
0x357: {  	v8 =	vperm.xlane v8, v7;
	v9 =	vadd.s32 v6, v9;
	_ =	sdelay $0x1  }
0x358: {  	v8 =	vadd.s32 v6, v8;
	_ =	sdelay $0x1  }
0x359: {  	s12 =	simm.s32 $0xCE00  }
0x35a: {  	[tilespmem:s12], [sflag:$0x6] =	stream.indirect_vreg.gather [hbm4b:s1+s7], $0x80, v9, vm1, $0xb8;
	[tilespmem:$0x11E00] =	vst v63  }
0x35b: {  	s13 =	simm.s32 $0xD600  }
0x35c: {  	[tilespmem:s13], [sflag:$0x6] =	stream.indirect_vreg.gather [hbm4b:s1+s7], $0x80, v8, vm1, $0xb8;
	[tilespmem:$0x11E00] =	vst v63  }
0x35d: {  	v8 =	vld [tilespmem:$0x16C0];
	_ =	sdelay $0x4  }
0x35e: {  	v52 =	vshll.u32 v8, $0x1  }
0x35f: {  	v8 =	vand.u32 $0x7, v8;
	v9 =	vand.u32 $0xFFFFFFF0, v52  }
0x360: {  	v8 =	vor.u32 v8, v9  }
0x361: {  	v9 =	vperm.xlane v8, v5;
	_ =	sdelay $0x1  }
0x362: {  	v8 =	vperm.xlane v8, v7;
	v9 =	vadd.s32 v6, v9;
	_ =	sdelay $0x1  }
0x363: {  	v8 =	vadd.s32 v6, v8;
	_ =	sdelay $0x1  }
0x364: {  	s14 =	simm.s32 $0xDE00  }
0x365: {  	[tilespmem:s14], [sflag:$0x6] =	stream.indirect_vreg.gather [hbm4b:s1+s7], $0x80, v9, vm1, $0xb8;
	[tilespmem:$0x11E00] =	vst v63  }
0x366: {  	s15 =	simm.s32 $0xE600  }
0x367: {  	[tilespmem:s15], [sflag:$0x6] =	stream.indirect_vreg.gather [hbm4b:s1+s7], $0x80, v8, vm1, $0xb8;
	[tilespmem:$0x11E00] =	vst v63  }
0x368: {  	v8 =	vld [tilespmem:$0x16D0];
	_ =	sdelay $0x4  }
0x369: {  	v53 =	vshll.u32 v8, $0x1  }
0x36a: {  	v8 =	vand.u32 $0x7, v8;
	v9 =	vand.u32 $0xFFFFFFF0, v53  }
0x36b: {  	v8 =	vor.u32 v8, v9  }
0x36c: {  	v9 =	vperm.xlane v8, v5;
	_ =	sdelay $0x1  }
0x36d: {  	v8 =	vperm.xlane v8, v7;
	v9 =	vadd.s32 v6, v9;
	_ =	sdelay $0x1  }
0x36e: {  	v8 =	vadd.s32 v6, v8;
	_ =	sdelay $0x1  }
0x36f: {  	s16 =	simm.s32 $0xEE00  }
0x370: {  	[tilespmem:s16], [sflag:$0x6] =	stream.indirect_vreg.gather [hbm4b:s1+s7], $0x80, v9, vm1, $0xb8;
	[tilespmem:$0x11E00] =	vst v63  }
0x371: {  	s17 =	simm.s32 $0xF600  }
0x372: {  	[tilespmem:s17], [sflag:$0x6] =	stream.indirect_vreg.gather [hbm4b:s1+s7], $0x80, v8, vm1, $0xb8;
	[tilespmem:$0x11E00] =	vst v63  }
0x373: {  	v8 =	vld [tilespmem:$0x16E0];
	_ =	sdelay $0x4  }
0x374: {  	v54 =	vshll.u32 v8, $0x1  }
0x375: {  	v8 =	vand.u32 $0x7, v8;
	v9 =	vand.u32 $0xFFFFFFF0, v54  }
0x376: {  	v8 =	vor.u32 v8, v9  }
0x377: {  	v9 =	vperm.xlane v8, v5;
	_ =	sdelay $0x1  }
0x378: {  	v8 =	vperm.xlane v8, v7;
	v9 =	vadd.s32 v6, v9;
	_ =	sdelay $0x1  }
0x379: {  	v8 =	vadd.s32 v6, v8;
	_ =	sdelay $0x1  }
0x37a: {  	s18 =	simm.s32 $0xFE00  }
0x37b: {  	[tilespmem:s18], [sflag:$0x6] =	stream.indirect_vreg.gather [hbm4b:s1+s7], $0x80, v9, vm1, $0xb8;
	[tilespmem:$0x11E00] =	vst v63  }
0x37c: {  	s26 =	simm.s32 $0x10600  }
0x37d: {  	[tilespmem:s26], [sflag:$0x6] =	stream.indirect_vreg.gather [hbm4b:s1+s7], $0x80, v8, vm1, $0xb8;
	[tilespmem:$0x11E00] =	vst v63  }
0x37e: {  	v8 =	vld [tilespmem:$0x16F0];
	_ =	sdelay $0x4  }
0x37f: {  	v55 =	vshll.u32 v8, $0x1  }
0x380: {  	v8 =	vand.u32 $0x7, v8;
	v9 =	vand.u32 $0xFFFFFFF0, v55  }
0x381: {  	v8 =	vor.u32 v8, v9  }
0x382: {  	v9 =	vperm.xlane v8, v5;
	_ =	sdelay $0x1  }
0x383: {  	v8 =	vperm.xlane v8, v7;
	v9 =	vadd.s32 v6, v9;
	_ =	sdelay $0x1  }
0x384: {  	v8 =	vadd.s32 v6, v8;
	_ =	sdelay $0x1  }
0x385: {  	s28 =	simm.s32 $0x10E00  }
0x386: {  	[tilespmem:s28], [sflag:$0x6] =	stream.indirect_vreg.gather [hbm4b:s1+s7], $0x80, v9, vm1, $0xb8;
	[tilespmem:$0x11E00] =	vst v63  }
0x387: {  	s29 =	simm.s32 $0x11600;
	s20 =	simm.s32 $0x6  }
0x388: {  	[tilespmem:s29], [sflag:$0x6] =	stream.indirect_vreg.gather [hbm4b:s1+s7], $0x80, v8, vm1, $0xb8;
	[tilespmem:$0x11E00] =	vst v63  }
0x389: {  	_ =	swait.ge [sflag:s20], $0x8000  }
0x38a: {  	[sflag:s20] =	ssyncset.done $0x0  }
0x38b: {  	[sflag:s20] =	ssyncadd.s32 $0xFFFF8000  }
0x38c: {  	v8 =	vld [tilespmem:$0x1B00];
	_ =	sdelay $0x4  }
0x38d: {  	v56 =	vshll.u32 v8, $0x1  }
0x38e: {  	v8 =	vand.u32 $0x7, v8;
	v9 =	vand.u32 $0xFFFFFFF0, v56  }
0x38f: {  	v8 =	vor.u32 v8, v9  }
0x390: {  	v9 =	vperm.xlane v8, v5;
	_ =	sdelay $0x1  }
0x391: {  	v8 =	vperm.xlane v8, v7;
	v9 =	vadd.s32 v6, v9;
	_ =	sdelay $0x1  }
0x392: {  	v8 =	vadd.s32 v6, v8;
	_ =	sdelay $0x2  }
0x393: {  	[hbm4b:s3+s7] =	stream.indirect_vreg.scatter [tilespmem:s2], [sflag:$0x8], $0x80, v9, vm1, $0xb8;
	[tilespmem:$0x11E00] =	vst v63  }
0x394: {  	_ = 	snop  }
0x395: {  	[hbm4b:s3+s7] =	stream.indirect_vreg.scatter [tilespmem:s4], [sflag:$0x8], $0x80, v8, vm1, $0xb8;
	[tilespmem:$0x11E00] =	vst v63  }
0x396: {  	v8 =	vld [tilespmem:$0x1B10];
	_ =	sdelay $0x4  }
0x397: {  	v57 =	vshll.u32 v8, $0x1  }
0x398: {  	v8 =	vand.u32 $0x7, v8;
	v9 =	vand.u32 $0xFFFFFFF0, v57  }
0x399: {  	v8 =	vor.u32 v8, v9  }
0x39a: {  	v9 =	vperm.xlane v8, v5;
	_ =	sdelay $0x1  }
0x39b: {  	v8 =	vperm.xlane v8, v7;
	v9 =	vadd.s32 v6, v9;
	_ =	sdelay $0x1  }
0x39c: {  	v8 =	vadd.s32 v6, v8;
	_ =	sdelay $0x2  }
0x39d: {  	[hbm4b:s3+s7] =	stream.indirect_vreg.scatter [tilespmem:s5], [sflag:$0x8], $0x80, v9, vm1, $0xb8;
	[tilespmem:$0x11E00] =	vst v63  }
0x39e: {  	_ = 	snop  }
0x39f: {  	[hbm4b:s3+s7] =	stream.indirect_vreg.scatter [tilespmem:s8], [sflag:$0x8], $0x80, v8, vm1, $0xb8;
	[tilespmem:$0x11E00] =	vst v63  }
0x3a0: {  	v8 =	vld [tilespmem:$0x1B20];
	_ =	sdelay $0x4  }
0x3a1: {  	v58 =	vshll.u32 v8, $0x1  }
0x3a2: {  	v8 =	vand.u32 $0x7, v8;
	v9 =	vand.u32 $0xFFFFFFF0, v58  }
0x3a3: {  	v8 =	vor.u32 v8, v9  }
0x3a4: {  	v9 =	vperm.xlane v8, v5;
	_ =	sdelay $0x1  }
0x3a5: {  	v8 =	vperm.xlane v8, v7;
	v9 =	vadd.s32 v6, v9;
	_ =	sdelay $0x1  }
0x3a6: {  	v8 =	vadd.s32 v6, v8;
	_ =	sdelay $0x2  }
0x3a7: {  	[hbm4b:s3+s7] =	stream.indirect_vreg.scatter [tilespmem:s9], [sflag:$0x8], $0x80, v9, vm1, $0xb8;
	[tilespmem:$0x11E00] =	vst v63  }
0x3a8: {  	_ = 	snop  }
0x3a9: {  	[hbm4b:s3+s7] =	stream.indirect_vreg.scatter [tilespmem:s11], [sflag:$0x8], $0x80, v8, vm1, $0xb8;
	[tilespmem:$0x11E00] =	vst v63  }
0x3aa: {  	v8 =	vld [tilespmem:$0x1B30];
	_ =	sdelay $0x4  }
0x3ab: {  	v59 =	vshll.u32 v8, $0x1  }
0x3ac: {  	v8 =	vand.u32 $0x7, v8;
	v9 =	vand.u32 $0xFFFFFFF0, v59  }
0x3ad: {  	v8 =	vor.u32 v8, v9  }
0x3ae: {  	v9 =	vperm.xlane v8, v5;
	_ =	sdelay $0x1  }
0x3af: {  	v8 =	vperm.xlane v8, v7;
	v9 =	vadd.s32 v6, v9;
	_ =	sdelay $0x1  }
0x3b0: {  	v8 =	vadd.s32 v6, v8;
	_ =	sdelay $0x2  }
0x3b1: {  	[hbm4b:s3+s7] =	stream.indirect_vreg.scatter [tilespmem:s12], [sflag:$0x8], $0x80, v9, vm1, $0xb8;
	[tilespmem:$0x11E00] =	vst v63  }
0x3b2: {  	_ = 	snop  }
0x3b3: {  	[hbm4b:s3+s7] =	stream.indirect_vreg.scatter [tilespmem:s13], [sflag:$0x8], $0x80, v8, vm1, $0xb8;
	[tilespmem:$0x11E00] =	vst v63  }
0x3b4: {  	v8 =	vld [tilespmem:$0x1B40];
	_ =	sdelay $0x4  }
0x3b5: {  	v60 =	vshll.u32 v8, $0x1  }
0x3b6: {  	v8 =	vand.u32 $0x7, v8;
	v9 =	vand.u32 $0xFFFFFFF0, v60  }
0x3b7: {  	v8 =	vor.u32 v8, v9  }
0x3b8: {  	v9 =	vperm.xlane v8, v5;
	_ =	sdelay $0x1  }
0x3b9: {  	v8 =	vperm.xlane v8, v7;
	v9 =	vadd.s32 v6, v9;
	_ =	sdelay $0x1  }
0x3ba: {  	v8 =	vadd.s32 v6, v8;
	_ =	sdelay $0x2  }
0x3bb: {  	[hbm4b:s3+s7] =	stream.indirect_vreg.scatter [tilespmem:s14], [sflag:$0x8], $0x80, v9, vm1, $0xb8;
	[tilespmem:$0x11E00] =	vst v63  }
0x3bc: {  	_ = 	snop  }
0x3bd: {  	[hbm4b:s3+s7] =	stream.indirect_vreg.scatter [tilespmem:s15], [sflag:$0x8], $0x80, v8, vm1, $0xb8;
	[tilespmem:$0x11E00] =	vst v63  }
0x3be: {  	v8 =	vld [tilespmem:$0x1B50];
	_ =	sdelay $0x4  }
0x3bf: {  	v61 =	vshll.u32 v8, $0x1  }
0x3c0: {  	v8 =	vand.u32 $0x7, v8;
	v9 =	vand.u32 $0xFFFFFFF0, v61  }
0x3c1: {  	v8 =	vor.u32 v8, v9  }
0x3c2: {  	v9 =	vperm.xlane v8, v5;
	_ =	sdelay $0x1  }
0x3c3: {  	v8 =	vperm.xlane v8, v7;
	v9 =	vadd.s32 v6, v9;
	_ =	sdelay $0x1  }
0x3c4: {  	v8 =	vadd.s32 v6, v8;
	_ =	sdelay $0x2  }
0x3c5: {  	[hbm4b:s3+s7] =	stream.indirect_vreg.scatter [tilespmem:s16], [sflag:$0x8], $0x80, v9, vm1, $0xb8;
	[tilespmem:$0x11E00] =	vst v63  }
0x3c6: {  	_ = 	snop  }
0x3c7: {  	[hbm4b:s3+s7] =	stream.indirect_vreg.scatter [tilespmem:s17], [sflag:$0x8], $0x80, v8, vm1, $0xb8;
	[tilespmem:$0x11E00] =	vst v63  }
0x3c8: {  	v8 =	vld [tilespmem:$0x1B60];
	_ =	sdelay $0x4  }
0x3c9: {  	v62 =	vshll.u32 v8, $0x1  }
0x3ca: {  	v8 =	vand.u32 $0x7, v8;
	v9 =	vand.u32 $0xFFFFFFF0, v62  }
0x3cb: {  	v8 =	vor.u32 v8, v9  }
0x3cc: {  	v9 =	vperm.xlane v8, v5;
	_ =	sdelay $0x1  }
0x3cd: {  	v8 =	vperm.xlane v8, v7;
	v9 =	vadd.s32 v6, v9;
	_ =	sdelay $0x1  }
0x3ce: {  	v8 =	vadd.s32 v6, v8;
	_ =	sdelay $0x2  }
0x3cf: {  	[hbm4b:s3+s7] =	stream.indirect_vreg.scatter [tilespmem:s18], [sflag:$0x8], $0x80, v9, vm1, $0xb8;
	[tilespmem:$0x11E00] =	vst v63  }
0x3d0: {  	_ = 	snop  }
0x3d1: {  	[hbm4b:s3+s7] =	stream.indirect_vreg.scatter [tilespmem:s26], [sflag:$0x8], $0x80, v8, vm1, $0xb8;
	[tilespmem:$0x11E00] =	vst v63  }
0x3d2: {  	v8 =	vld [tilespmem:$0x1B70];
	_ =	sdelay $0x4  }
0x3d3: {  	v63 =	vshll.u32 v8, $0x1  }
0x3d4: {  	v8 =	vand.u32 $0x7, v8;
	v9 =	vand.u32 $0xFFFFFFF0, v63  }
0x3d5: {  	v8 =	vor.u32 v8, v9  }
0x3d6: {  	v9 =	vperm.xlane v8, v5;
	_ =	sdelay $0x1  }
0x3d7: {  	v8 =	vperm.xlane v8, v7;
	v9 =	vadd.s32 v6, v9;
	_ =	sdelay $0x1  }
0x3d8: {  	p1 =	slt.u32 s31, $0x201;
	v8 =	vadd.s32 v6, v8  }
.Ltmp13:
0x3d9: {  	_ = 	snop;
	(pc) =	sbr.rel @p1 .LBB2_26-.Ltmp13, $4  }
0x3da: {  	_ = 	snop  }
0x3db: {  	[hbm4b:s3+s7] =	stream.indirect_vreg.scatter [tilespmem:s28], [sflag:$0x8], $0x80, v9, vm1, $0xb8;
	[tilespmem:$0x11E00] =	vst v63  }
0x3dc: {  	s20 =	smov.u32 s22  }
0x3dd: {  	[hbm4b:s3+s7] =	stream.indirect_vreg.scatter [tilespmem:s29], [sflag:$0x8], $0x80, v8, vm1, $0xb8;
	[tilespmem:$0x11E00] =	vst v63  }
0x3de: {  	_ =	swait.ge [sflag:s21], $0x8000  }
0x3df: {  	[sflag:s21] =	ssyncset.done $0x0  }
0x3e0: {  	[sflag:s21] =	ssyncadd.s32 $0xFFFF8000  }
0x3e1: {  	v8 =	vld [tilespmem:$0x1700];
	_ =	sdelay $0x4  }
0x3e2: {  	v9 =	vshll.u32 v8, $0x1  }
0x3e3: {  	v8 =	vand.u32 $0x7, v8;
	v9 =	vand.u32 $0xFFFFFFF0, v9  }
0x3e4: {  	v8 =	vor.u32 v8, v9  }
0x3e5: {  	v9 =	vperm.xlane v8, v5;
	_ =	sdelay $0x1  }
0x3e6: {  	v8 =	vperm.xlane v8, v7;
	v9 =	vadd.s32 v6, v9;
	_ =	sdelay $0x1  }
0x3e7: {  	v8 =	vadd.s32 v6, v8;
	_ =	sdelay $0x1  }
0x3e8: {  	s5 =	simm.s32 $0x1E00  }
0x3e9: {  	[tilespmem:s5], [sflag:$0x5] =	stream.indirect_vreg.gather [hbm4b:s1+s7], $0x80, v9, vm1, $0xb8;
	[tilespmem:$0x11E00] =	vst v63  }
0x3ea: {  	s8 =	simm.s32 $0x2600  }
0x3eb: {  	[tilespmem:s8], [sflag:$0x5] =	stream.indirect_vreg.gather [hbm4b:s1+s7], $0x80, v8, vm1, $0xb8;
	[tilespmem:$0x11E00] =	vst v63  }
0x3ec: {  	v8 =	vld [tilespmem:$0x1710];
	_ =	sdelay $0x4  }
0x3ed: {  	v49 =	vshll.u32 v8, $0x1  }
0x3ee: {  	v8 =	vand.u32 $0x7, v8;
	v9 =	vand.u32 $0xFFFFFFF0, v49  }
0x3ef: {  	v8 =	vor.u32 v8, v9  }
0x3f0: {  	v9 =	vperm.xlane v8, v5;
	_ =	sdelay $0x1  }
0x3f1: {  	v8 =	vperm.xlane v8, v7;
	v9 =	vadd.s32 v6, v9;
	_ =	sdelay $0x1  }
0x3f2: {  	v8 =	vadd.s32 v6, v8;
	_ =	sdelay $0x1  }
0x3f3: {  	s12 =	simm.s32 $0x2E00  }
0x3f4: {  	[tilespmem:s12], [sflag:$0x5] =	stream.indirect_vreg.gather [hbm4b:s1+s7], $0x80, v9, vm1, $0xb8;
	[tilespmem:$0x11E00] =	vst v63  }
0x3f5: {  	s13 =	simm.s32 $0x3600  }
0x3f6: {  	[tilespmem:s13], [sflag:$0x5] =	stream.indirect_vreg.gather [hbm4b:s1+s7], $0x80, v8, vm1, $0xb8;
	[tilespmem:$0x11E00] =	vst v63  }
0x3f7: {  	v8 =	vld [tilespmem:$0x1720];
	_ =	sdelay $0x4  }
0x3f8: {  	v50 =	vshll.u32 v8, $0x1  }
0x3f9: {  	v8 =	vand.u32 $0x7, v8;
	v9 =	vand.u32 $0xFFFFFFF0, v50  }
0x3fa: {  	v8 =	vor.u32 v8, v9  }
0x3fb: {  	v9 =	vperm.xlane v8, v5;
	_ =	sdelay $0x1  }
0x3fc: {  	v8 =	vperm.xlane v8, v7;
	v9 =	vadd.s32 v6, v9;
	_ =	sdelay $0x1  }
0x3fd: {  	v8 =	vadd.s32 v6, v8;
	_ =	sdelay $0x1  }
0x3fe: {  	s14 =	simm.s32 $0x3E00  }
0x3ff: {  	[tilespmem:s14], [sflag:$0x5] =	stream.indirect_vreg.gather [hbm4b:s1+s7], $0x80, v9, vm1, $0xb8;
	[tilespmem:$0x11E00] =	vst v63  }
0x400: {  	s15 =	simm.s32 $0x4600  }
0x401: {  	[tilespmem:s15], [sflag:$0x5] =	stream.indirect_vreg.gather [hbm4b:s1+s7], $0x80, v8, vm1, $0xb8;
	[tilespmem:$0x11E00] =	vst v63  }
0x402: {  	v8 =	vld [tilespmem:$0x1730];
	_ =	sdelay $0x4  }
0x403: {  	v51 =	vshll.u32 v8, $0x1  }
0x404: {  	v8 =	vand.u32 $0x7, v8;
	v9 =	vand.u32 $0xFFFFFFF0, v51  }
0x405: {  	v8 =	vor.u32 v8, v9  }
0x406: {  	v9 =	vperm.xlane v8, v5;
	_ =	sdelay $0x1  }
0x407: {  	v8 =	vperm.xlane v8, v7;
	v9 =	vadd.s32 v6, v9;
	_ =	sdelay $0x1  }
0x408: {  	v8 =	vadd.s32 v6, v8;
	_ =	sdelay $0x1  }
0x409: {  	s16 =	simm.s32 $0x4E00  }
0x40a: {  	[tilespmem:s16], [sflag:$0x5] =	stream.indirect_vreg.gather [hbm4b:s1+s7], $0x80, v9, vm1, $0xb8;
	[tilespmem:$0x11E00] =	vst v63  }
0x40b: {  	s17 =	simm.s32 $0x5600  }
0x40c: {  	[tilespmem:s17], [sflag:$0x5] =	stream.indirect_vreg.gather [hbm4b:s1+s7], $0x80, v8, vm1, $0xb8;
	[tilespmem:$0x11E00] =	vst v63  }
0x40d: {  	v8 =	vld [tilespmem:$0x1740];
	_ =	sdelay $0x4  }
0x40e: {  	v52 =	vshll.u32 v8, $0x1  }
0x40f: {  	v8 =	vand.u32 $0x7, v8;
	v9 =	vand.u32 $0xFFFFFFF0, v52  }
0x410: {  	v8 =	vor.u32 v8, v9  }
0x411: {  	v9 =	vperm.xlane v8, v5;
	_ =	sdelay $0x1  }
0x412: {  	v8 =	vperm.xlane v8, v7;
	v9 =	vadd.s32 v6, v9;
	_ =	sdelay $0x1  }
0x413: {  	v8 =	vadd.s32 v6, v8;
	_ =	sdelay $0x1  }
0x414: {  	s26 =	simm.s32 $0x5E00  }
0x415: {  	[tilespmem:s26], [sflag:$0x5] =	stream.indirect_vreg.gather [hbm4b:s1+s7], $0x80, v9, vm1, $0xb8;
	[tilespmem:$0x11E00] =	vst v63  }
0x416: {  	s28 =	simm.s32 $0x6600  }
0x417: {  	[tilespmem:s28], [sflag:$0x5] =	stream.indirect_vreg.gather [hbm4b:s1+s7], $0x80, v8, vm1, $0xb8;
	[tilespmem:$0x11E00] =	vst v63  }
0x418: {  	v8 =	vld [tilespmem:$0x1750];
	_ =	sdelay $0x4  }
0x419: {  	v53 =	vshll.u32 v8, $0x1  }
0x41a: {  	v8 =	vand.u32 $0x7, v8;
	v9 =	vand.u32 $0xFFFFFFF0, v53  }
0x41b: {  	v8 =	vor.u32 v8, v9  }
0x41c: {  	v9 =	vperm.xlane v8, v5;
	_ =	sdelay $0x1  }
0x41d: {  	v8 =	vperm.xlane v8, v7;
	v9 =	vadd.s32 v6, v9;
	_ =	sdelay $0x1  }
0x41e: {  	v8 =	vadd.s32 v6, v8;
	_ =	sdelay $0x1  }
0x41f: {  	s18 =	simm.s32 $0x6E00  }
0x420: {  	[tilespmem:s18], [sflag:$0x5] =	stream.indirect_vreg.gather [hbm4b:s1+s7], $0x80, v9, vm1, $0xb8;
	[tilespmem:$0x11E00] =	vst v63  }
0x421: {  	s2 =	simm.s32 $0x7600  }
0x422: {  	[tilespmem:s2], [sflag:$0x5] =	stream.indirect_vreg.gather [hbm4b:s1+s7], $0x80, v8, vm1, $0xb8;
	[tilespmem:$0x11E00] =	vst v63  }
0x423: {  	v8 =	vld [tilespmem:$0x1760];
	_ =	sdelay $0x4  }
0x424: {  	v54 =	vshll.u32 v8, $0x1  }
0x425: {  	v8 =	vand.u32 $0x7, v8;
	v9 =	vand.u32 $0xFFFFFFF0, v54  }
0x426: {  	v8 =	vor.u32 v8, v9  }
0x427: {  	v9 =	vperm.xlane v8, v5;
	_ =	sdelay $0x1  }
0x428: {  	v8 =	vperm.xlane v8, v7;
	v9 =	vadd.s32 v6, v9;
	_ =	sdelay $0x1  }
0x429: {  	v8 =	vadd.s32 v6, v8;
	_ =	sdelay $0x1  }
0x42a: {  	s4 =	simm.s32 $0x7E00  }
0x42b: {  	[tilespmem:s4], [sflag:$0x5] =	stream.indirect_vreg.gather [hbm4b:s1+s7], $0x80, v9, vm1, $0xb8;
	[tilespmem:$0x11E00] =	vst v63  }
0x42c: {  	s29 =	simm.s32 $0x8600  }
0x42d: {  	[tilespmem:s29], [sflag:$0x5] =	stream.indirect_vreg.gather [hbm4b:s1+s7], $0x80, v8, vm1, $0xb8;
	[tilespmem:$0x11E00] =	vst v63  }
0x42e: {  	v8 =	vld [tilespmem:$0x1770];
	_ =	sdelay $0x4  }
0x42f: {  	v55 =	vshll.u32 v8, $0x1  }
0x430: {  	v8 =	vand.u32 $0x7, v8;
	v9 =	vand.u32 $0xFFFFFFF0, v55  }
0x431: {  	v8 =	vor.u32 v8, v9  }
0x432: {  	v9 =	vperm.xlane v8, v5;
	_ =	sdelay $0x1  }
0x433: {  	v8 =	vperm.xlane v8, v7;
	v9 =	vadd.s32 v6, v9;
	_ =	sdelay $0x1  }
0x434: {  	v8 =	vadd.s32 v6, v8;
	_ =	sdelay $0x1  }
0x435: {  	s9 =	simm.s32 $0x8E00  }
0x436: {  	[tilespmem:s9], [sflag:$0x5] =	stream.indirect_vreg.gather [hbm4b:s1+s7], $0x80, v9, vm1, $0xb8;
	[tilespmem:$0x11E00] =	vst v63  }
0x437: {  	s11 =	simm.s32 $0x9600  }
0x438: {  	[tilespmem:s11], [sflag:$0x5] =	stream.indirect_vreg.gather [hbm4b:s1+s7], $0x80, v8, vm1, $0xb8;
	[tilespmem:$0x11E00] =	vst v63  }
0x439: {  	_ =	swait.ge [sflag:s19], $0x8000  }
0x43a: {  	[sflag:s19] =	ssyncset.done $0x0  }
0x43b: {  	[sflag:s19] =	ssyncadd.s32 $0xFFFF8000  }
0x43c: {  	v8 =	vld [tilespmem:$0x1B80];
	_ =	sdelay $0x4  }
0x43d: {  	v56 =	vshll.u32 v8, $0x1  }
0x43e: {  	v8 =	vand.u32 $0x7, v8;
	v9 =	vand.u32 $0xFFFFFFF0, v56  }
0x43f: {  	v8 =	vor.u32 v8, v9  }
0x440: {  	v9 =	vperm.xlane v8, v5;
	_ =	sdelay $0x1  }
0x441: {  	v8 =	vperm.xlane v8, v7;
	v9 =	vadd.s32 v6, v9;
	_ =	sdelay $0x1  }
0x442: {  	v8 =	vadd.s32 v6, v8;
	_ =	sdelay $0x2  }
0x443: {  	[hbm4b:s3+s7] =	stream.indirect_vreg.scatter [tilespmem:s5], [sflag:$0x7], $0x80, v9, vm1, $0xb8;
	[tilespmem:$0x11E00] =	vst v63  }
0x444: {  	_ = 	snop  }
0x445: {  	[hbm4b:s3+s7] =	stream.indirect_vreg.scatter [tilespmem:s8], [sflag:$0x7], $0x80, v8, vm1, $0xb8;
	[tilespmem:$0x11E00] =	vst v63  }
0x446: {  	v8 =	vld [tilespmem:$0x1B90];
	_ =	sdelay $0x4  }
0x447: {  	v57 =	vshll.u32 v8, $0x1  }
0x448: {  	v8 =	vand.u32 $0x7, v8;
	v9 =	vand.u32 $0xFFFFFFF0, v57  }
0x449: {  	v8 =	vor.u32 v8, v9  }
0x44a: {  	v9 =	vperm.xlane v8, v5;
	_ =	sdelay $0x1  }
0x44b: {  	v8 =	vperm.xlane v8, v7;
	v9 =	vadd.s32 v6, v9;
	_ =	sdelay $0x1  }
0x44c: {  	v8 =	vadd.s32 v6, v8;
	_ =	sdelay $0x2  }
0x44d: {  	[hbm4b:s3+s7] =	stream.indirect_vreg.scatter [tilespmem:s12], [sflag:$0x7], $0x80, v9, vm1, $0xb8;
	[tilespmem:$0x11E00] =	vst v63  }
0x44e: {  	_ = 	snop  }
0x44f: {  	[hbm4b:s3+s7] =	stream.indirect_vreg.scatter [tilespmem:s13], [sflag:$0x7], $0x80, v8, vm1, $0xb8;
	[tilespmem:$0x11E00] =	vst v63  }
0x450: {  	v8 =	vld [tilespmem:$0x1BA0];
	_ =	sdelay $0x4  }
0x451: {  	v58 =	vshll.u32 v8, $0x1  }
0x452: {  	v8 =	vand.u32 $0x7, v8;
	v9 =	vand.u32 $0xFFFFFFF0, v58  }
0x453: {  	v8 =	vor.u32 v8, v9  }
0x454: {  	v9 =	vperm.xlane v8, v5;
	_ =	sdelay $0x1  }
0x455: {  	v8 =	vperm.xlane v8, v7;
	v9 =	vadd.s32 v6, v9;
	_ =	sdelay $0x1  }
0x456: {  	v8 =	vadd.s32 v6, v8;
	_ =	sdelay $0x2  }
0x457: {  	[hbm4b:s3+s7] =	stream.indirect_vreg.scatter [tilespmem:s14], [sflag:$0x7], $0x80, v9, vm1, $0xb8;
	[tilespmem:$0x11E00] =	vst v63  }
0x458: {  	_ = 	snop  }
0x459: {  	[hbm4b:s3+s7] =	stream.indirect_vreg.scatter [tilespmem:s15], [sflag:$0x7], $0x80, v8, vm1, $0xb8;
	[tilespmem:$0x11E00] =	vst v63  }
0x45a: {  	v8 =	vld [tilespmem:$0x1BB0];
	_ =	sdelay $0x4  }
0x45b: {  	v59 =	vshll.u32 v8, $0x1  }
0x45c: {  	v8 =	vand.u32 $0x7, v8;
	v9 =	vand.u32 $0xFFFFFFF0, v59  }
0x45d: {  	v8 =	vor.u32 v8, v9  }
0x45e: {  	v9 =	vperm.xlane v8, v5;
	_ =	sdelay $0x1  }
0x45f: {  	v8 =	vperm.xlane v8, v7;
	v9 =	vadd.s32 v6, v9;
	_ =	sdelay $0x1  }
0x460: {  	v8 =	vadd.s32 v6, v8;
	_ =	sdelay $0x2  }
0x461: {  	[hbm4b:s3+s7] =	stream.indirect_vreg.scatter [tilespmem:s16], [sflag:$0x7], $0x80, v9, vm1, $0xb8;
	[tilespmem:$0x11E00] =	vst v63  }
0x462: {  	_ = 	snop  }
0x463: {  	[hbm4b:s3+s7] =	stream.indirect_vreg.scatter [tilespmem:s17], [sflag:$0x7], $0x80, v8, vm1, $0xb8;
	[tilespmem:$0x11E00] =	vst v63  }
0x464: {  	v8 =	vld [tilespmem:$0x1BC0];
	_ =	sdelay $0x4  }
0x465: {  	v60 =	vshll.u32 v8, $0x1  }
0x466: {  	v8 =	vand.u32 $0x7, v8;
	v9 =	vand.u32 $0xFFFFFFF0, v60  }
0x467: {  	v8 =	vor.u32 v8, v9  }
0x468: {  	v9 =	vperm.xlane v8, v5;
	_ =	sdelay $0x1  }
0x469: {  	v8 =	vperm.xlane v8, v7;
	v9 =	vadd.s32 v6, v9;
	_ =	sdelay $0x1  }
0x46a: {  	v8 =	vadd.s32 v6, v8;
	_ =	sdelay $0x2  }
0x46b: {  	[hbm4b:s3+s7] =	stream.indirect_vreg.scatter [tilespmem:s26], [sflag:$0x7], $0x80, v9, vm1, $0xb8;
	[tilespmem:$0x11E00] =	vst v63  }
0x46c: {  	_ = 	snop  }
0x46d: {  	[hbm4b:s3+s7] =	stream.indirect_vreg.scatter [tilespmem:s28], [sflag:$0x7], $0x80, v8, vm1, $0xb8;
	[tilespmem:$0x11E00] =	vst v63  }
0x46e: {  	v8 =	vld [tilespmem:$0x1BD0];
	_ =	sdelay $0x4  }
0x46f: {  	v61 =	vshll.u32 v8, $0x1  }
0x470: {  	v8 =	vand.u32 $0x7, v8;
	v9 =	vand.u32 $0xFFFFFFF0, v61  }
0x471: {  	v8 =	vor.u32 v8, v9  }
0x472: {  	v9 =	vperm.xlane v8, v5;
	_ =	sdelay $0x1  }
0x473: {  	v8 =	vperm.xlane v8, v7;
	v9 =	vadd.s32 v6, v9;
	_ =	sdelay $0x1  }
0x474: {  	v8 =	vadd.s32 v6, v8;
	_ =	sdelay $0x2  }
0x475: {  	[hbm4b:s3+s7] =	stream.indirect_vreg.scatter [tilespmem:s18], [sflag:$0x7], $0x80, v9, vm1, $0xb8;
	[tilespmem:$0x11E00] =	vst v63  }
0x476: {  	_ = 	snop  }
0x477: {  	[hbm4b:s3+s7] =	stream.indirect_vreg.scatter [tilespmem:s2], [sflag:$0x7], $0x80, v8, vm1, $0xb8;
	[tilespmem:$0x11E00] =	vst v63  }
0x478: {  	v8 =	vld [tilespmem:$0x1BE0];
	_ =	sdelay $0x4  }
0x479: {  	v62 =	vshll.u32 v8, $0x1  }
0x47a: {  	v8 =	vand.u32 $0x7, v8;
	v9 =	vand.u32 $0xFFFFFFF0, v62  }
0x47b: {  	v8 =	vor.u32 v8, v9  }
0x47c: {  	v9 =	vperm.xlane v8, v5;
	_ =	sdelay $0x1  }
0x47d: {  	v8 =	vperm.xlane v8, v7;
	v9 =	vadd.s32 v6, v9;
	_ =	sdelay $0x1  }
0x47e: {  	v8 =	vadd.s32 v6, v8;
	_ =	sdelay $0x2  }
0x47f: {  	[hbm4b:s3+s7] =	stream.indirect_vreg.scatter [tilespmem:s4], [sflag:$0x7], $0x80, v9, vm1, $0xb8;
	[tilespmem:$0x11E00] =	vst v63  }
0x480: {  	_ = 	snop  }
0x481: {  	[hbm4b:s3+s7] =	stream.indirect_vreg.scatter [tilespmem:s29], [sflag:$0x7], $0x80, v8, vm1, $0xb8;
	[tilespmem:$0x11E00] =	vst v63  }
0x482: {  	v8 =	vld [tilespmem:$0x1BF0];
	_ =	sdelay $0x4  }
0x483: {  	v63 =	vshll.u32 v8, $0x1  }
0x484: {  	v8 =	vand.u32 $0x7, v8;
	v9 =	vand.u32 $0xFFFFFFF0, v63  }
0x485: {  	v8 =	vor.u32 v8, v9  }
0x486: {  	v9 =	vperm.xlane v8, v5;
	_ =	sdelay $0x1  }
0x487: {  	v8 =	vperm.xlane v8, v7;
	v9 =	vadd.s32 v6, v9;
	_ =	sdelay $0x1  }
0x488: {  	p1 =	slt.u32 s31, $0x281;
	v8 =	vadd.s32 v6, v8  }
.Ltmp14:
0x489: {  	_ = 	snop;
	(pc) =	sbr.rel @p1 .LBB2_27-.Ltmp14, $4  }
0x48a: {  	_ = 	snop  }
0x48b: {  	[hbm4b:s3+s7] =	stream.indirect_vreg.scatter [tilespmem:s9], [sflag:$0x7], $0x80, v9, vm1, $0xb8;
	[tilespmem:$0x11E00] =	vst v63  }
0x48c: {  	_ = 	snop  }
0x48d: {  	[hbm4b:s3+s7] =	stream.indirect_vreg.scatter [tilespmem:s11], [sflag:$0x7], $0x80, v8, vm1, $0xb8;
	[tilespmem:$0x11E00] =	vst v63  }
0x48e: {  	s2 =	simm.s32 $0x8  }
0x48f: {  	_ =	swait.ge [sflag:s2], $0x8000  }
0x490: {  	[sflag:s2] =	ssyncset.done $0x0  }
0x491: {  	[sflag:s2] =	ssyncadd.s32 $0xFFFF8000  }
0x492: {  	v8 =	vld [tilespmem:$0x1780];
	_ =	sdelay $0x4  }
0x493: {  	v9 =	vshll.u32 v8, $0x1  }
0x494: {  	v8 =	vand.u32 $0x7, v8;
	v9 =	vand.u32 $0xFFFFFFF0, v9  }
0x495: {  	v8 =	vor.u32 v8, v9  }
0x496: {  	v9 =	vperm.xlane v8, v5;
	_ =	sdelay $0x1  }
0x497: {  	v8 =	vperm.xlane v8, v7;
	v9 =	vadd.s32 v6, v9;
	_ =	sdelay $0x1  }
0x498: {  	v8 =	vadd.s32 v6, v8;
	_ =	sdelay $0x1  }
0x499: {  	s2 =	simm.s32 $0x9E00  }
0x49a: {  	[tilespmem:s2], [sflag:$0x6] =	stream.indirect_vreg.gather [hbm4b:s1+s7], $0x80, v9, vm1, $0xb8;
	[tilespmem:$0x11E00] =	vst v63  }
0x49b: {  	s4 =	simm.s32 $0xA600  }
0x49c: {  	[tilespmem:s4], [sflag:$0x6] =	stream.indirect_vreg.gather [hbm4b:s1+s7], $0x80, v8, vm1, $0xb8;
	[tilespmem:$0x11E00] =	vst v63  }
0x49d: {  	v8 =	vld [tilespmem:$0x1790];
	_ =	sdelay $0x4  }
0x49e: {  	v49 =	vshll.u32 v8, $0x1  }
0x49f: {  	v8 =	vand.u32 $0x7, v8;
	v9 =	vand.u32 $0xFFFFFFF0, v49  }
0x4a0: {  	v8 =	vor.u32 v8, v9  }
0x4a1: {  	v9 =	vperm.xlane v8, v5;
	_ =	sdelay $0x1  }
0x4a2: {  	v8 =	vperm.xlane v8, v7;
	v9 =	vadd.s32 v6, v9;
	_ =	sdelay $0x1  }
0x4a3: {  	v8 =	vadd.s32 v6, v8;
	_ =	sdelay $0x1  }
0x4a4: {  	s5 =	simm.s32 $0xAE00  }
0x4a5: {  	[tilespmem:s5], [sflag:$0x6] =	stream.indirect_vreg.gather [hbm4b:s1+s7], $0x80, v9, vm1, $0xb8;
	[tilespmem:$0x11E00] =	vst v63  }
0x4a6: {  	s8 =	simm.s32 $0xB600  }
0x4a7: {  	[tilespmem:s8], [sflag:$0x6] =	stream.indirect_vreg.gather [hbm4b:s1+s7], $0x80, v8, vm1, $0xb8;
	[tilespmem:$0x11E00] =	vst v63  }
0x4a8: {  	v8 =	vld [tilespmem:$0x17A0];
	_ =	sdelay $0x4  }
0x4a9: {  	v50 =	vshll.u32 v8, $0x1  }
0x4aa: {  	v8 =	vand.u32 $0x7, v8;
	v9 =	vand.u32 $0xFFFFFFF0, v50  }
0x4ab: {  	v8 =	vor.u32 v8, v9  }
0x4ac: {  	v9 =	vperm.xlane v8, v5;
	_ =	sdelay $0x1  }
0x4ad: {  	v8 =	vperm.xlane v8, v7;
	v9 =	vadd.s32 v6, v9;
	_ =	sdelay $0x1  }
0x4ae: {  	v8 =	vadd.s32 v6, v8;
	_ =	sdelay $0x1  }
0x4af: {  	s9 =	simm.s32 $0xBE00  }
0x4b0: {  	[tilespmem:s9], [sflag:$0x6] =	stream.indirect_vreg.gather [hbm4b:s1+s7], $0x80, v9, vm1, $0xb8;
	[tilespmem:$0x11E00] =	vst v63  }
0x4b1: {  	s11 =	simm.s32 $0xC600  }
0x4b2: {  	[tilespmem:s11], [sflag:$0x6] =	stream.indirect_vreg.gather [hbm4b:s1+s7], $0x80, v8, vm1, $0xb8;
	[tilespmem:$0x11E00] =	vst v63  }
0x4b3: {  	v8 =	vld [tilespmem:$0x17B0];
	_ =	sdelay $0x4  }
0x4b4: {  	v51 =	vshll.u32 v8, $0x1  }
0x4b5: {  	v8 =	vand.u32 $0x7, v8;
	v9 =	vand.u32 $0xFFFFFFF0, v51  }
0x4b6: {  	v8 =	vor.u32 v8, v9  }
0x4b7: {  	v9 =	vperm.xlane v8, v5;
	_ =	sdelay $0x1  }
0x4b8: {  	v8 =	vperm.xlane v8, v7;
	v9 =	vadd.s32 v6, v9;
	_ =	sdelay $0x1  }
0x4b9: {  	v8 =	vadd.s32 v6, v8;
	_ =	sdelay $0x1  }
0x4ba: {  	s12 =	simm.s32 $0xCE00  }
0x4bb: {  	[tilespmem:s12], [sflag:$0x6] =	stream.indirect_vreg.gather [hbm4b:s1+s7], $0x80, v9, vm1, $0xb8;
	[tilespmem:$0x11E00] =	vst v63  }
0x4bc: {  	s13 =	simm.s32 $0xD600  }
0x4bd: {  	[tilespmem:s13], [sflag:$0x6] =	stream.indirect_vreg.gather [hbm4b:s1+s7], $0x80, v8, vm1, $0xb8;
	[tilespmem:$0x11E00] =	vst v63  }
0x4be: {  	v8 =	vld [tilespmem:$0x17C0];
	_ =	sdelay $0x4  }
0x4bf: {  	v52 =	vshll.u32 v8, $0x1  }
0x4c0: {  	v8 =	vand.u32 $0x7, v8;
	v9 =	vand.u32 $0xFFFFFFF0, v52  }
0x4c1: {  	v8 =	vor.u32 v8, v9  }
0x4c2: {  	v9 =	vperm.xlane v8, v5;
	_ =	sdelay $0x1  }
0x4c3: {  	v8 =	vperm.xlane v8, v7;
	v9 =	vadd.s32 v6, v9;
	_ =	sdelay $0x1  }
0x4c4: {  	v8 =	vadd.s32 v6, v8;
	_ =	sdelay $0x1  }
0x4c5: {  	s14 =	simm.s32 $0xDE00  }
0x4c6: {  	[tilespmem:s14], [sflag:$0x6] =	stream.indirect_vreg.gather [hbm4b:s1+s7], $0x80, v9, vm1, $0xb8;
	[tilespmem:$0x11E00] =	vst v63  }
0x4c7: {  	s15 =	simm.s32 $0xE600  }
0x4c8: {  	[tilespmem:s15], [sflag:$0x6] =	stream.indirect_vreg.gather [hbm4b:s1+s7], $0x80, v8, vm1, $0xb8;
	[tilespmem:$0x11E00] =	vst v63  }
0x4c9: {  	v8 =	vld [tilespmem:$0x17D0];
	_ =	sdelay $0x4  }
0x4ca: {  	v53 =	vshll.u32 v8, $0x1  }
0x4cb: {  	v8 =	vand.u32 $0x7, v8;
	v9 =	vand.u32 $0xFFFFFFF0, v53  }
0x4cc: {  	v8 =	vor.u32 v8, v9  }
0x4cd: {  	v9 =	vperm.xlane v8, v5;
	_ =	sdelay $0x1  }
0x4ce: {  	v8 =	vperm.xlane v8, v7;
	v9 =	vadd.s32 v6, v9;
	_ =	sdelay $0x1  }
0x4cf: {  	v8 =	vadd.s32 v6, v8;
	_ =	sdelay $0x1  }
0x4d0: {  	s16 =	simm.s32 $0xEE00  }
0x4d1: {  	[tilespmem:s16], [sflag:$0x6] =	stream.indirect_vreg.gather [hbm4b:s1+s7], $0x80, v9, vm1, $0xb8;
	[tilespmem:$0x11E00] =	vst v63  }
0x4d2: {  	s17 =	simm.s32 $0xF600  }
0x4d3: {  	[tilespmem:s17], [sflag:$0x6] =	stream.indirect_vreg.gather [hbm4b:s1+s7], $0x80, v8, vm1, $0xb8;
	[tilespmem:$0x11E00] =	vst v63  }
0x4d4: {  	v8 =	vld [tilespmem:$0x17E0];
	_ =	sdelay $0x4  }
0x4d5: {  	v54 =	vshll.u32 v8, $0x1  }
0x4d6: {  	v8 =	vand.u32 $0x7, v8;
	v9 =	vand.u32 $0xFFFFFFF0, v54  }
0x4d7: {  	v8 =	vor.u32 v8, v9  }
0x4d8: {  	v9 =	vperm.xlane v8, v5;
	_ =	sdelay $0x1  }
0x4d9: {  	v8 =	vperm.xlane v8, v7;
	v9 =	vadd.s32 v6, v9;
	_ =	sdelay $0x1  }
0x4da: {  	v8 =	vadd.s32 v6, v8;
	_ =	sdelay $0x1  }
0x4db: {  	s18 =	simm.s32 $0xFE00  }
0x4dc: {  	[tilespmem:s18], [sflag:$0x6] =	stream.indirect_vreg.gather [hbm4b:s1+s7], $0x80, v9, vm1, $0xb8;
	[tilespmem:$0x11E00] =	vst v63  }
0x4dd: {  	s26 =	simm.s32 $0x10600  }
0x4de: {  	[tilespmem:s26], [sflag:$0x6] =	stream.indirect_vreg.gather [hbm4b:s1+s7], $0x80, v8, vm1, $0xb8;
	[tilespmem:$0x11E00] =	vst v63  }
0x4df: {  	v8 =	vld [tilespmem:$0x17F0];
	_ =	sdelay $0x4  }
0x4e0: {  	v55 =	vshll.u32 v8, $0x1  }
0x4e1: {  	v8 =	vand.u32 $0x7, v8;
	v9 =	vand.u32 $0xFFFFFFF0, v55  }
0x4e2: {  	v8 =	vor.u32 v8, v9  }
0x4e3: {  	v9 =	vperm.xlane v8, v5;
	_ =	sdelay $0x1  }
0x4e4: {  	v8 =	vperm.xlane v8, v7;
	v9 =	vadd.s32 v6, v9;
	_ =	sdelay $0x1  }
0x4e5: {  	v8 =	vadd.s32 v6, v8;
	_ =	sdelay $0x1  }
0x4e6: {  	s28 =	simm.s32 $0x10E00  }
0x4e7: {  	[tilespmem:s28], [sflag:$0x6] =	stream.indirect_vreg.gather [hbm4b:s1+s7], $0x80, v9, vm1, $0xb8;
	[tilespmem:$0x11E00] =	vst v63  }
0x4e8: {  	s29 =	simm.s32 $0x11600;
	s20 =	simm.s32 $0x6  }
0x4e9: {  	[tilespmem:s29], [sflag:$0x6] =	stream.indirect_vreg.gather [hbm4b:s1+s7], $0x80, v8, vm1, $0xb8;
	[tilespmem:$0x11E00] =	vst v63  }
0x4ea: {  	_ =	swait.ge [sflag:s20], $0x8000  }
0x4eb: {  	[sflag:s20] =	ssyncset.done $0x0  }
0x4ec: {  	[sflag:s20] =	ssyncadd.s32 $0xFFFF8000  }
0x4ed: {  	v8 =	vld [tilespmem:$0x1C00];
	_ =	sdelay $0x4  }
0x4ee: {  	v56 =	vshll.u32 v8, $0x1  }
0x4ef: {  	v8 =	vand.u32 $0x7, v8;
	v9 =	vand.u32 $0xFFFFFFF0, v56  }
0x4f0: {  	v8 =	vor.u32 v8, v9  }
0x4f1: {  	v9 =	vperm.xlane v8, v5;
	_ =	sdelay $0x1  }
0x4f2: {  	v8 =	vperm.xlane v8, v7;
	v9 =	vadd.s32 v6, v9;
	_ =	sdelay $0x1  }
0x4f3: {  	v8 =	vadd.s32 v6, v8;
	_ =	sdelay $0x2  }
0x4f4: {  	[hbm4b:s3+s7] =	stream.indirect_vreg.scatter [tilespmem:s2], [sflag:$0x8], $0x80, v9, vm1, $0xb8;
	[tilespmem:$0x11E00] =	vst v63  }
0x4f5: {  	_ = 	snop  }
0x4f6: {  	[hbm4b:s3+s7] =	stream.indirect_vreg.scatter [tilespmem:s4], [sflag:$0x8], $0x80, v8, vm1, $0xb8;
	[tilespmem:$0x11E00] =	vst v63  }
0x4f7: {  	v8 =	vld [tilespmem:$0x1C10];
	_ =	sdelay $0x4  }
0x4f8: {  	v57 =	vshll.u32 v8, $0x1  }
0x4f9: {  	v8 =	vand.u32 $0x7, v8;
	v9 =	vand.u32 $0xFFFFFFF0, v57  }
0x4fa: {  	v8 =	vor.u32 v8, v9  }
0x4fb: {  	v9 =	vperm.xlane v8, v5;
	_ =	sdelay $0x1  }
0x4fc: {  	v8 =	vperm.xlane v8, v7;
	v9 =	vadd.s32 v6, v9;
	_ =	sdelay $0x1  }
0x4fd: {  	v8 =	vadd.s32 v6, v8;
	_ =	sdelay $0x2  }
0x4fe: {  	[hbm4b:s3+s7] =	stream.indirect_vreg.scatter [tilespmem:s5], [sflag:$0x8], $0x80, v9, vm1, $0xb8;
	[tilespmem:$0x11E00] =	vst v63  }
0x4ff: {  	_ = 	snop  }
0x500: {  	[hbm4b:s3+s7] =	stream.indirect_vreg.scatter [tilespmem:s8], [sflag:$0x8], $0x80, v8, vm1, $0xb8;
	[tilespmem:$0x11E00] =	vst v63  }
0x501: {  	v8 =	vld [tilespmem:$0x1C20];
	_ =	sdelay $0x4  }
0x502: {  	v58 =	vshll.u32 v8, $0x1  }
0x503: {  	v8 =	vand.u32 $0x7, v8;
	v9 =	vand.u32 $0xFFFFFFF0, v58  }
0x504: {  	v8 =	vor.u32 v8, v9  }
0x505: {  	v9 =	vperm.xlane v8, v5;
	_ =	sdelay $0x1  }
0x506: {  	v8 =	vperm.xlane v8, v7;
	v9 =	vadd.s32 v6, v9;
	_ =	sdelay $0x1  }
0x507: {  	v8 =	vadd.s32 v6, v8;
	_ =	sdelay $0x2  }
0x508: {  	[hbm4b:s3+s7] =	stream.indirect_vreg.scatter [tilespmem:s9], [sflag:$0x8], $0x80, v9, vm1, $0xb8;
	[tilespmem:$0x11E00] =	vst v63  }
0x509: {  	_ = 	snop  }
0x50a: {  	[hbm4b:s3+s7] =	stream.indirect_vreg.scatter [tilespmem:s11], [sflag:$0x8], $0x80, v8, vm1, $0xb8;
	[tilespmem:$0x11E00] =	vst v63  }
0x50b: {  	v8 =	vld [tilespmem:$0x1C30];
	_ =	sdelay $0x4  }
0x50c: {  	v59 =	vshll.u32 v8, $0x1  }
0x50d: {  	v8 =	vand.u32 $0x7, v8;
	v9 =	vand.u32 $0xFFFFFFF0, v59  }
0x50e: {  	v8 =	vor.u32 v8, v9  }
0x50f: {  	v9 =	vperm.xlane v8, v5;
	_ =	sdelay $0x1  }
0x510: {  	v8 =	vperm.xlane v8, v7;
	v9 =	vadd.s32 v6, v9;
	_ =	sdelay $0x1  }
0x511: {  	v8 =	vadd.s32 v6, v8;
	_ =	sdelay $0x2  }
0x512: {  	[hbm4b:s3+s7] =	stream.indirect_vreg.scatter [tilespmem:s12], [sflag:$0x8], $0x80, v9, vm1, $0xb8;
	[tilespmem:$0x11E00] =	vst v63  }
0x513: {  	_ = 	snop  }
0x514: {  	[hbm4b:s3+s7] =	stream.indirect_vreg.scatter [tilespmem:s13], [sflag:$0x8], $0x80, v8, vm1, $0xb8;
	[tilespmem:$0x11E00] =	vst v63  }
0x515: {  	v8 =	vld [tilespmem:$0x1C40];
	_ =	sdelay $0x4  }
0x516: {  	v60 =	vshll.u32 v8, $0x1  }
0x517: {  	v8 =	vand.u32 $0x7, v8;
	v9 =	vand.u32 $0xFFFFFFF0, v60  }
0x518: {  	v8 =	vor.u32 v8, v9  }
0x519: {  	v9 =	vperm.xlane v8, v5;
	_ =	sdelay $0x1  }
0x51a: {  	v8 =	vperm.xlane v8, v7;
	v9 =	vadd.s32 v6, v9;
	_ =	sdelay $0x1  }
0x51b: {  	v8 =	vadd.s32 v6, v8;
	_ =	sdelay $0x2  }
0x51c: {  	[hbm4b:s3+s7] =	stream.indirect_vreg.scatter [tilespmem:s14], [sflag:$0x8], $0x80, v9, vm1, $0xb8;
	[tilespmem:$0x11E00] =	vst v63  }
0x51d: {  	_ = 	snop  }
0x51e: {  	[hbm4b:s3+s7] =	stream.indirect_vreg.scatter [tilespmem:s15], [sflag:$0x8], $0x80, v8, vm1, $0xb8;
	[tilespmem:$0x11E00] =	vst v63  }
0x51f: {  	v8 =	vld [tilespmem:$0x1C50];
	_ =	sdelay $0x4  }
0x520: {  	v61 =	vshll.u32 v8, $0x1  }
0x521: {  	v8 =	vand.u32 $0x7, v8;
	v9 =	vand.u32 $0xFFFFFFF0, v61  }
0x522: {  	v8 =	vor.u32 v8, v9  }
0x523: {  	v9 =	vperm.xlane v8, v5;
	_ =	sdelay $0x1  }
0x524: {  	v8 =	vperm.xlane v8, v7;
	v9 =	vadd.s32 v6, v9;
	_ =	sdelay $0x1  }
0x525: {  	v8 =	vadd.s32 v6, v8;
	_ =	sdelay $0x2  }
0x526: {  	[hbm4b:s3+s7] =	stream.indirect_vreg.scatter [tilespmem:s16], [sflag:$0x8], $0x80, v9, vm1, $0xb8;
	[tilespmem:$0x11E00] =	vst v63  }
0x527: {  	_ = 	snop  }
0x528: {  	[hbm4b:s3+s7] =	stream.indirect_vreg.scatter [tilespmem:s17], [sflag:$0x8], $0x80, v8, vm1, $0xb8;
	[tilespmem:$0x11E00] =	vst v63  }
0x529: {  	v8 =	vld [tilespmem:$0x1C60];
	_ =	sdelay $0x4  }
0x52a: {  	v62 =	vshll.u32 v8, $0x1  }
0x52b: {  	v8 =	vand.u32 $0x7, v8;
	v9 =	vand.u32 $0xFFFFFFF0, v62  }
0x52c: {  	v8 =	vor.u32 v8, v9  }
0x52d: {  	v9 =	vperm.xlane v8, v5;
	_ =	sdelay $0x1  }
0x52e: {  	v8 =	vperm.xlane v8, v7;
	v9 =	vadd.s32 v6, v9;
	_ =	sdelay $0x1  }
0x52f: {  	v8 =	vadd.s32 v6, v8;
	_ =	sdelay $0x2  }
0x530: {  	[hbm4b:s3+s7] =	stream.indirect_vreg.scatter [tilespmem:s18], [sflag:$0x8], $0x80, v9, vm1, $0xb8;
	[tilespmem:$0x11E00] =	vst v63  }
0x531: {  	_ = 	snop  }
0x532: {  	[hbm4b:s3+s7] =	stream.indirect_vreg.scatter [tilespmem:s26], [sflag:$0x8], $0x80, v8, vm1, $0xb8;
	[tilespmem:$0x11E00] =	vst v63  }
0x533: {  	v8 =	vld [tilespmem:$0x1C70];
	_ =	sdelay $0x4  }
0x534: {  	v63 =	vshll.u32 v8, $0x1  }
0x535: {  	v8 =	vand.u32 $0x7, v8;
	v9 =	vand.u32 $0xFFFFFFF0, v63  }
0x536: {  	v8 =	vor.u32 v8, v9  }
0x537: {  	v9 =	vperm.xlane v8, v5;
	_ =	sdelay $0x1  }
0x538: {  	v8 =	vperm.xlane v8, v7;
	v9 =	vadd.s32 v6, v9;
	_ =	sdelay $0x1  }
0x539: {  	p1 =	slt.u32 s31, $0x301;
	v8 =	vadd.s32 v6, v8  }
.Ltmp15:
0x53a: {  	_ = 	snop;
	(pc) =	sbr.rel @p1 .LBB2_28-.Ltmp15, $4  }
0x53b: {  	_ = 	snop  }
0x53c: {  	[hbm4b:s3+s7] =	stream.indirect_vreg.scatter [tilespmem:s28], [sflag:$0x8], $0x80, v9, vm1, $0xb8;
	[tilespmem:$0x11E00] =	vst v63  }
0x53d: {  	s20 =	smov.u32 s22  }
0x53e: {  	[hbm4b:s3+s7] =	stream.indirect_vreg.scatter [tilespmem:s29], [sflag:$0x8], $0x80, v8, vm1, $0xb8;
	[tilespmem:$0x11E00] =	vst v63  }
0x53f: {  	_ =	swait.ge [sflag:s21], $0x8000  }
0x540: {  	[sflag:s21] =	ssyncset.done $0x0  }
0x541: {  	[sflag:s21] =	ssyncadd.s32 $0xFFFF8000  }
0x542: {  	v8 =	vld [tilespmem:$0x1800];
	_ =	sdelay $0x4  }
0x543: {  	v9 =	vshll.u32 v8, $0x1  }
0x544: {  	v8 =	vand.u32 $0x7, v8;
	v9 =	vand.u32 $0xFFFFFFF0, v9  }
0x545: {  	v8 =	vor.u32 v8, v9  }
0x546: {  	v9 =	vperm.xlane v8, v5;
	_ =	sdelay $0x1  }
0x547: {  	v8 =	vperm.xlane v8, v7;
	v9 =	vadd.s32 v6, v9;
	_ =	sdelay $0x1  }
0x548: {  	v8 =	vadd.s32 v6, v8;
	_ =	sdelay $0x1  }
0x549: {  	s5 =	simm.s32 $0x1E00  }
0x54a: {  	[tilespmem:s5], [sflag:$0x5] =	stream.indirect_vreg.gather [hbm4b:s1+s7], $0x80, v9, vm1, $0xb8;
	[tilespmem:$0x11E00] =	vst v63  }
0x54b: {  	s8 =	simm.s32 $0x2600  }
0x54c: {  	[tilespmem:s8], [sflag:$0x5] =	stream.indirect_vreg.gather [hbm4b:s1+s7], $0x80, v8, vm1, $0xb8;
	[tilespmem:$0x11E00] =	vst v63  }
0x54d: {  	v8 =	vld [tilespmem:$0x1810];
	_ =	sdelay $0x4  }
0x54e: {  	v49 =	vshll.u32 v8, $0x1  }
0x54f: {  	v8 =	vand.u32 $0x7, v8;
	v9 =	vand.u32 $0xFFFFFFF0, v49  }
0x550: {  	v8 =	vor.u32 v8, v9  }
0x551: {  	v9 =	vperm.xlane v8, v5;
	_ =	sdelay $0x1  }
0x552: {  	v8 =	vperm.xlane v8, v7;
	v9 =	vadd.s32 v6, v9;
	_ =	sdelay $0x1  }
0x553: {  	v8 =	vadd.s32 v6, v8;
	_ =	sdelay $0x1  }
0x554: {  	s12 =	simm.s32 $0x2E00  }
0x555: {  	[tilespmem:s12], [sflag:$0x5] =	stream.indirect_vreg.gather [hbm4b:s1+s7], $0x80, v9, vm1, $0xb8;
	[tilespmem:$0x11E00] =	vst v63  }
0x556: {  	s13 =	simm.s32 $0x3600  }
0x557: {  	[tilespmem:s13], [sflag:$0x5] =	stream.indirect_vreg.gather [hbm4b:s1+s7], $0x80, v8, vm1, $0xb8;
	[tilespmem:$0x11E00] =	vst v63  }
0x558: {  	v8 =	vld [tilespmem:$0x1820];
	_ =	sdelay $0x4  }
0x559: {  	v50 =	vshll.u32 v8, $0x1  }
0x55a: {  	v8 =	vand.u32 $0x7, v8;
	v9 =	vand.u32 $0xFFFFFFF0, v50  }
0x55b: {  	v8 =	vor.u32 v8, v9  }
0x55c: {  	v9 =	vperm.xlane v8, v5;
	_ =	sdelay $0x1  }
0x55d: {  	v8 =	vperm.xlane v8, v7;
	v9 =	vadd.s32 v6, v9;
	_ =	sdelay $0x1  }
0x55e: {  	v8 =	vadd.s32 v6, v8;
	_ =	sdelay $0x1  }
0x55f: {  	s14 =	simm.s32 $0x3E00  }
0x560: {  	[tilespmem:s14], [sflag:$0x5] =	stream.indirect_vreg.gather [hbm4b:s1+s7], $0x80, v9, vm1, $0xb8;
	[tilespmem:$0x11E00] =	vst v63  }
0x561: {  	s15 =	simm.s32 $0x4600  }
0x562: {  	[tilespmem:s15], [sflag:$0x5] =	stream.indirect_vreg.gather [hbm4b:s1+s7], $0x80, v8, vm1, $0xb8;
	[tilespmem:$0x11E00] =	vst v63  }
0x563: {  	v8 =	vld [tilespmem:$0x1830];
	_ =	sdelay $0x4  }
0x564: {  	v51 =	vshll.u32 v8, $0x1  }
0x565: {  	v8 =	vand.u32 $0x7, v8;
	v9 =	vand.u32 $0xFFFFFFF0, v51  }
0x566: {  	v8 =	vor.u32 v8, v9  }
0x567: {  	v9 =	vperm.xlane v8, v5;
	_ =	sdelay $0x1  }
0x568: {  	v8 =	vperm.xlane v8, v7;
	v9 =	vadd.s32 v6, v9;
	_ =	sdelay $0x1  }
0x569: {  	v8 =	vadd.s32 v6, v8;
	_ =	sdelay $0x1  }
0x56a: {  	s16 =	simm.s32 $0x4E00  }
0x56b: {  	[tilespmem:s16], [sflag:$0x5] =	stream.indirect_vreg.gather [hbm4b:s1+s7], $0x80, v9, vm1, $0xb8;
	[tilespmem:$0x11E00] =	vst v63  }
0x56c: {  	s17 =	simm.s32 $0x5600  }
0x56d: {  	[tilespmem:s17], [sflag:$0x5] =	stream.indirect_vreg.gather [hbm4b:s1+s7], $0x80, v8, vm1, $0xb8;
	[tilespmem:$0x11E00] =	vst v63  }
0x56e: {  	v8 =	vld [tilespmem:$0x1840];
	_ =	sdelay $0x4  }
0x56f: {  	v52 =	vshll.u32 v8, $0x1  }
0x570: {  	v8 =	vand.u32 $0x7, v8;
	v9 =	vand.u32 $0xFFFFFFF0, v52  }
0x571: {  	v8 =	vor.u32 v8, v9  }
0x572: {  	v9 =	vperm.xlane v8, v5;
	_ =	sdelay $0x1  }
0x573: {  	v8 =	vperm.xlane v8, v7;
	v9 =	vadd.s32 v6, v9;
	_ =	sdelay $0x1  }
0x574: {  	v8 =	vadd.s32 v6, v8;
	_ =	sdelay $0x1  }
0x575: {  	s26 =	simm.s32 $0x5E00  }
0x576: {  	[tilespmem:s26], [sflag:$0x5] =	stream.indirect_vreg.gather [hbm4b:s1+s7], $0x80, v9, vm1, $0xb8;
	[tilespmem:$0x11E00] =	vst v63  }
0x577: {  	s28 =	simm.s32 $0x6600  }
0x578: {  	[tilespmem:s28], [sflag:$0x5] =	stream.indirect_vreg.gather [hbm4b:s1+s7], $0x80, v8, vm1, $0xb8;
	[tilespmem:$0x11E00] =	vst v63  }
0x579: {  	v8 =	vld [tilespmem:$0x1850];
	_ =	sdelay $0x4  }
0x57a: {  	v53 =	vshll.u32 v8, $0x1  }
0x57b: {  	v8 =	vand.u32 $0x7, v8;
	v9 =	vand.u32 $0xFFFFFFF0, v53  }
0x57c: {  	v8 =	vor.u32 v8, v9  }
0x57d: {  	v9 =	vperm.xlane v8, v5;
	_ =	sdelay $0x1  }
0x57e: {  	v8 =	vperm.xlane v8, v7;
	v9 =	vadd.s32 v6, v9;
	_ =	sdelay $0x1  }
0x57f: {  	v8 =	vadd.s32 v6, v8;
	_ =	sdelay $0x1  }
0x580: {  	s18 =	simm.s32 $0x6E00  }
0x581: {  	[tilespmem:s18], [sflag:$0x5] =	stream.indirect_vreg.gather [hbm4b:s1+s7], $0x80, v9, vm1, $0xb8;
	[tilespmem:$0x11E00] =	vst v63  }
0x582: {  	s2 =	simm.s32 $0x7600  }
0x583: {  	[tilespmem:s2], [sflag:$0x5] =	stream.indirect_vreg.gather [hbm4b:s1+s7], $0x80, v8, vm1, $0xb8;
	[tilespmem:$0x11E00] =	vst v63  }
0x584: {  	v8 =	vld [tilespmem:$0x1860];
	_ =	sdelay $0x4  }
0x585: {  	v54 =	vshll.u32 v8, $0x1  }
0x586: {  	v8 =	vand.u32 $0x7, v8;
	v9 =	vand.u32 $0xFFFFFFF0, v54  }
0x587: {  	v8 =	vor.u32 v8, v9  }
0x588: {  	v9 =	vperm.xlane v8, v5;
	_ =	sdelay $0x1  }
0x589: {  	v8 =	vperm.xlane v8, v7;
	v9 =	vadd.s32 v6, v9;
	_ =	sdelay $0x1  }
0x58a: {  	v8 =	vadd.s32 v6, v8;
	_ =	sdelay $0x1  }
0x58b: {  	s4 =	simm.s32 $0x7E00  }
0x58c: {  	[tilespmem:s4], [sflag:$0x5] =	stream.indirect_vreg.gather [hbm4b:s1+s7], $0x80, v9, vm1, $0xb8;
	[tilespmem:$0x11E00] =	vst v63  }
0x58d: {  	s29 =	simm.s32 $0x8600  }
0x58e: {  	[tilespmem:s29], [sflag:$0x5] =	stream.indirect_vreg.gather [hbm4b:s1+s7], $0x80, v8, vm1, $0xb8;
	[tilespmem:$0x11E00] =	vst v63  }
0x58f: {  	v8 =	vld [tilespmem:$0x1870];
	_ =	sdelay $0x4  }
0x590: {  	v55 =	vshll.u32 v8, $0x1  }
0x591: {  	v8 =	vand.u32 $0x7, v8;
	v9 =	vand.u32 $0xFFFFFFF0, v55  }
0x592: {  	v8 =	vor.u32 v8, v9  }
0x593: {  	v9 =	vperm.xlane v8, v5;
	_ =	sdelay $0x1  }
0x594: {  	v8 =	vperm.xlane v8, v7;
	v9 =	vadd.s32 v6, v9;
	_ =	sdelay $0x1  }
0x595: {  	v8 =	vadd.s32 v6, v8;
	_ =	sdelay $0x1  }
0x596: {  	s9 =	simm.s32 $0x8E00  }
0x597: {  	[tilespmem:s9], [sflag:$0x5] =	stream.indirect_vreg.gather [hbm4b:s1+s7], $0x80, v9, vm1, $0xb8;
	[tilespmem:$0x11E00] =	vst v63  }
0x598: {  	s11 =	simm.s32 $0x9600  }
0x599: {  	[tilespmem:s11], [sflag:$0x5] =	stream.indirect_vreg.gather [hbm4b:s1+s7], $0x80, v8, vm1, $0xb8;
	[tilespmem:$0x11E00] =	vst v63  }
0x59a: {  	_ =	swait.ge [sflag:s19], $0x8000  }
0x59b: {  	[sflag:s19] =	ssyncset.done $0x0  }
0x59c: {  	[sflag:s19] =	ssyncadd.s32 $0xFFFF8000  }
0x59d: {  	v8 =	vld [tilespmem:$0x1C80];
	_ =	sdelay $0x4  }
0x59e: {  	v56 =	vshll.u32 v8, $0x1  }
0x59f: {  	v8 =	vand.u32 $0x7, v8;
	v9 =	vand.u32 $0xFFFFFFF0, v56  }
0x5a0: {  	v8 =	vor.u32 v8, v9  }
0x5a1: {  	v9 =	vperm.xlane v8, v5;
	_ =	sdelay $0x1  }
0x5a2: {  	v8 =	vperm.xlane v8, v7;
	v9 =	vadd.s32 v6, v9;
	_ =	sdelay $0x1  }
0x5a3: {  	v8 =	vadd.s32 v6, v8;
	_ =	sdelay $0x2  }
0x5a4: {  	[hbm4b:s3+s7] =	stream.indirect_vreg.scatter [tilespmem:s5], [sflag:$0x7], $0x80, v9, vm1, $0xb8;
	[tilespmem:$0x11E00] =	vst v63  }
0x5a5: {  	_ = 	snop  }
0x5a6: {  	[hbm4b:s3+s7] =	stream.indirect_vreg.scatter [tilespmem:s8], [sflag:$0x7], $0x80, v8, vm1, $0xb8;
	[tilespmem:$0x11E00] =	vst v63  }
0x5a7: {  	v8 =	vld [tilespmem:$0x1C90];
	_ =	sdelay $0x4  }
0x5a8: {  	v57 =	vshll.u32 v8, $0x1  }
0x5a9: {  	v8 =	vand.u32 $0x7, v8;
	v9 =	vand.u32 $0xFFFFFFF0, v57  }
0x5aa: {  	v8 =	vor.u32 v8, v9  }
0x5ab: {  	v9 =	vperm.xlane v8, v5;
	_ =	sdelay $0x1  }
0x5ac: {  	v8 =	vperm.xlane v8, v7;
	v9 =	vadd.s32 v6, v9;
	_ =	sdelay $0x1  }
0x5ad: {  	v8 =	vadd.s32 v6, v8;
	_ =	sdelay $0x2  }
0x5ae: {  	[hbm4b:s3+s7] =	stream.indirect_vreg.scatter [tilespmem:s12], [sflag:$0x7], $0x80, v9, vm1, $0xb8;
	[tilespmem:$0x11E00] =	vst v63  }
0x5af: {  	_ = 	snop  }
0x5b0: {  	[hbm4b:s3+s7] =	stream.indirect_vreg.scatter [tilespmem:s13], [sflag:$0x7], $0x80, v8, vm1, $0xb8;
	[tilespmem:$0x11E00] =	vst v63  }
0x5b1: {  	v8 =	vld [tilespmem:$0x1CA0];
	_ =	sdelay $0x4  }
0x5b2: {  	v58 =	vshll.u32 v8, $0x1  }
0x5b3: {  	v8 =	vand.u32 $0x7, v8;
	v9 =	vand.u32 $0xFFFFFFF0, v58  }
0x5b4: {  	v8 =	vor.u32 v8, v9  }
0x5b5: {  	v9 =	vperm.xlane v8, v5;
	_ =	sdelay $0x1  }
0x5b6: {  	v8 =	vperm.xlane v8, v7;
	v9 =	vadd.s32 v6, v9;
	_ =	sdelay $0x1  }
0x5b7: {  	v8 =	vadd.s32 v6, v8;
	_ =	sdelay $0x2  }
0x5b8: {  	[hbm4b:s3+s7] =	stream.indirect_vreg.scatter [tilespmem:s14], [sflag:$0x7], $0x80, v9, vm1, $0xb8;
	[tilespmem:$0x11E00] =	vst v63  }
0x5b9: {  	_ = 	snop  }
0x5ba: {  	[hbm4b:s3+s7] =	stream.indirect_vreg.scatter [tilespmem:s15], [sflag:$0x7], $0x80, v8, vm1, $0xb8;
	[tilespmem:$0x11E00] =	vst v63  }
0x5bb: {  	v8 =	vld [tilespmem:$0x1CB0];
	_ =	sdelay $0x4  }
0x5bc: {  	v59 =	vshll.u32 v8, $0x1  }
0x5bd: {  	v8 =	vand.u32 $0x7, v8;
	v9 =	vand.u32 $0xFFFFFFF0, v59  }
0x5be: {  	v8 =	vor.u32 v8, v9  }
0x5bf: {  	v9 =	vperm.xlane v8, v5;
	_ =	sdelay $0x1  }
0x5c0: {  	v8 =	vperm.xlane v8, v7;
	v9 =	vadd.s32 v6, v9;
	_ =	sdelay $0x1  }
0x5c1: {  	v8 =	vadd.s32 v6, v8;
	_ =	sdelay $0x2  }
0x5c2: {  	[hbm4b:s3+s7] =	stream.indirect_vreg.scatter [tilespmem:s16], [sflag:$0x7], $0x80, v9, vm1, $0xb8;
	[tilespmem:$0x11E00] =	vst v63  }
0x5c3: {  	_ = 	snop  }
0x5c4: {  	[hbm4b:s3+s7] =	stream.indirect_vreg.scatter [tilespmem:s17], [sflag:$0x7], $0x80, v8, vm1, $0xb8;
	[tilespmem:$0x11E00] =	vst v63  }
0x5c5: {  	v8 =	vld [tilespmem:$0x1CC0];
	_ =	sdelay $0x4  }
0x5c6: {  	v60 =	vshll.u32 v8, $0x1  }
0x5c7: {  	v8 =	vand.u32 $0x7, v8;
	v9 =	vand.u32 $0xFFFFFFF0, v60  }
0x5c8: {  	v8 =	vor.u32 v8, v9  }
0x5c9: {  	v9 =	vperm.xlane v8, v5;
	_ =	sdelay $0x1  }
0x5ca: {  	v8 =	vperm.xlane v8, v7;
	v9 =	vadd.s32 v6, v9;
	_ =	sdelay $0x1  }
0x5cb: {  	v8 =	vadd.s32 v6, v8;
	_ =	sdelay $0x2  }
0x5cc: {  	[hbm4b:s3+s7] =	stream.indirect_vreg.scatter [tilespmem:s26], [sflag:$0x7], $0x80, v9, vm1, $0xb8;
	[tilespmem:$0x11E00] =	vst v63  }
0x5cd: {  	_ = 	snop  }
0x5ce: {  	[hbm4b:s3+s7] =	stream.indirect_vreg.scatter [tilespmem:s28], [sflag:$0x7], $0x80, v8, vm1, $0xb8;
	[tilespmem:$0x11E00] =	vst v63  }
0x5cf: {  	v8 =	vld [tilespmem:$0x1CD0];
	_ =	sdelay $0x4  }
0x5d0: {  	v61 =	vshll.u32 v8, $0x1  }
0x5d1: {  	v8 =	vand.u32 $0x7, v8;
	v9 =	vand.u32 $0xFFFFFFF0, v61  }
0x5d2: {  	v8 =	vor.u32 v8, v9  }
0x5d3: {  	v9 =	vperm.xlane v8, v5;
	_ =	sdelay $0x1  }
0x5d4: {  	v8 =	vperm.xlane v8, v7;
	v9 =	vadd.s32 v6, v9;
	_ =	sdelay $0x1  }
0x5d5: {  	v8 =	vadd.s32 v6, v8;
	_ =	sdelay $0x2  }
0x5d6: {  	[hbm4b:s3+s7] =	stream.indirect_vreg.scatter [tilespmem:s18], [sflag:$0x7], $0x80, v9, vm1, $0xb8;
	[tilespmem:$0x11E00] =	vst v63  }
0x5d7: {  	_ = 	snop  }
0x5d8: {  	[hbm4b:s3+s7] =	stream.indirect_vreg.scatter [tilespmem:s2], [sflag:$0x7], $0x80, v8, vm1, $0xb8;
	[tilespmem:$0x11E00] =	vst v63  }
0x5d9: {  	v8 =	vld [tilespmem:$0x1CE0];
	_ =	sdelay $0x4  }
0x5da: {  	v62 =	vshll.u32 v8, $0x1  }
0x5db: {  	v8 =	vand.u32 $0x7, v8;
	v9 =	vand.u32 $0xFFFFFFF0, v62  }
0x5dc: {  	v8 =	vor.u32 v8, v9  }
0x5dd: {  	v9 =	vperm.xlane v8, v5;
	_ =	sdelay $0x1  }
0x5de: {  	v8 =	vperm.xlane v8, v7;
	v9 =	vadd.s32 v6, v9;
	_ =	sdelay $0x1  }
0x5df: {  	v8 =	vadd.s32 v6, v8;
	_ =	sdelay $0x2  }
0x5e0: {  	[hbm4b:s3+s7] =	stream.indirect_vreg.scatter [tilespmem:s4], [sflag:$0x7], $0x80, v9, vm1, $0xb8;
	[tilespmem:$0x11E00] =	vst v63  }
0x5e1: {  	_ = 	snop  }
0x5e2: {  	[hbm4b:s3+s7] =	stream.indirect_vreg.scatter [tilespmem:s29], [sflag:$0x7], $0x80, v8, vm1, $0xb8;
	[tilespmem:$0x11E00] =	vst v63  }
0x5e3: {  	v8 =	vld [tilespmem:$0x1CF0];
	_ =	sdelay $0x4  }
0x5e4: {  	v63 =	vshll.u32 v8, $0x1  }
0x5e5: {  	v8 =	vand.u32 $0x7, v8;
	v9 =	vand.u32 $0xFFFFFFF0, v63  }
0x5e6: {  	v8 =	vor.u32 v8, v9  }
0x5e7: {  	v9 =	vperm.xlane v8, v5;
	_ =	sdelay $0x1  }
0x5e8: {  	v8 =	vperm.xlane v8, v7;
	v9 =	vadd.s32 v6, v9;
	_ =	sdelay $0x1  }
0x5e9: {  	p1 =	slt.u32 s31, $0x381;
	v8 =	vadd.s32 v6, v8  }
.Ltmp16:
0x5ea: {  	_ = 	snop;
	(pc) =	sbr.rel @p1 .LBB2_29-.Ltmp16, $4  }
0x5eb: {  	_ = 	snop  }
0x5ec: {  	[hbm4b:s3+s7] =	stream.indirect_vreg.scatter [tilespmem:s9], [sflag:$0x7], $0x80, v9, vm1, $0xb8;
	[tilespmem:$0x11E00] =	vst v63  }
0x5ed: {  	_ = 	snop  }
0x5ee: {  	[hbm4b:s3+s7] =	stream.indirect_vreg.scatter [tilespmem:s11], [sflag:$0x7], $0x80, v8, vm1, $0xb8;
	[tilespmem:$0x11E00] =	vst v63  }
0x5ef: {  	s2 =	simm.s32 $0x8  }
0x5f0: {  	_ =	swait.ge [sflag:s2], $0x8000  }
0x5f1: {  	[sflag:s2] =	ssyncset.done $0x0  }
0x5f2: {  	[sflag:s2] =	ssyncadd.s32 $0xFFFF8000  }
0x5f3: {  	v8 =	vld [tilespmem:$0x1880];
	_ =	sdelay $0x4  }
0x5f4: {  	v9 =	vshll.u32 v8, $0x1  }
0x5f5: {  	v8 =	vand.u32 $0x7, v8;
	v9 =	vand.u32 $0xFFFFFFF0, v9  }
0x5f6: {  	v8 =	vor.u32 v8, v9  }
0x5f7: {  	v9 =	vperm.xlane v8, v5;
	_ =	sdelay $0x1  }
0x5f8: {  	v8 =	vperm.xlane v8, v7;
	v9 =	vadd.s32 v6, v9;
	_ =	sdelay $0x1  }
0x5f9: {  	v8 =	vadd.s32 v6, v8;
	_ =	sdelay $0x1  }
0x5fa: {  	s2 =	simm.s32 $0x9E00  }
0x5fb: {  	[tilespmem:s2], [sflag:$0x6] =	stream.indirect_vreg.gather [hbm4b:s1+s7], $0x80, v9, vm1, $0xb8;
	[tilespmem:$0x11E00] =	vst v63  }
0x5fc: {  	s4 =	simm.s32 $0xA600  }
0x5fd: {  	[tilespmem:s4], [sflag:$0x6] =	stream.indirect_vreg.gather [hbm4b:s1+s7], $0x80, v8, vm1, $0xb8;
	[tilespmem:$0x11E00] =	vst v63  }
0x5fe: {  	v8 =	vld [tilespmem:$0x1890];
	_ =	sdelay $0x4  }
0x5ff: {  	v49 =	vshll.u32 v8, $0x1  }
0x600: {  	v8 =	vand.u32 $0x7, v8;
	v9 =	vand.u32 $0xFFFFFFF0, v49  }
0x601: {  	v8 =	vor.u32 v8, v9  }
0x602: {  	v9 =	vperm.xlane v8, v5;
	_ =	sdelay $0x1  }
0x603: {  	v8 =	vperm.xlane v8, v7;
	v9 =	vadd.s32 v6, v9;
	_ =	sdelay $0x1  }
0x604: {  	v8 =	vadd.s32 v6, v8;
	_ =	sdelay $0x1  }
0x605: {  	s5 =	simm.s32 $0xAE00  }
0x606: {  	[tilespmem:s5], [sflag:$0x6] =	stream.indirect_vreg.gather [hbm4b:s1+s7], $0x80, v9, vm1, $0xb8;
	[tilespmem:$0x11E00] =	vst v63  }
0x607: {  	s8 =	simm.s32 $0xB600  }
0x608: {  	[tilespmem:s8], [sflag:$0x6] =	stream.indirect_vreg.gather [hbm4b:s1+s7], $0x80, v8, vm1, $0xb8;
	[tilespmem:$0x11E00] =	vst v63  }
0x609: {  	v8 =	vld [tilespmem:$0x18A0];
	_ =	sdelay $0x4  }
0x60a: {  	v50 =	vshll.u32 v8, $0x1  }
0x60b: {  	v8 =	vand.u32 $0x7, v8;
	v9 =	vand.u32 $0xFFFFFFF0, v50  }
0x60c: {  	v8 =	vor.u32 v8, v9  }
0x60d: {  	v9 =	vperm.xlane v8, v5;
	_ =	sdelay $0x1  }
0x60e: {  	v8 =	vperm.xlane v8, v7;
	v9 =	vadd.s32 v6, v9;
	_ =	sdelay $0x1  }
0x60f: {  	v8 =	vadd.s32 v6, v8;
	_ =	sdelay $0x1  }
0x610: {  	s9 =	simm.s32 $0xBE00  }
0x611: {  	[tilespmem:s9], [sflag:$0x6] =	stream.indirect_vreg.gather [hbm4b:s1+s7], $0x80, v9, vm1, $0xb8;
	[tilespmem:$0x11E00] =	vst v63  }
0x612: {  	s11 =	simm.s32 $0xC600  }
0x613: {  	[tilespmem:s11], [sflag:$0x6] =	stream.indirect_vreg.gather [hbm4b:s1+s7], $0x80, v8, vm1, $0xb8;
	[tilespmem:$0x11E00] =	vst v63  }
0x614: {  	v8 =	vld [tilespmem:$0x18B0];
	_ =	sdelay $0x4  }
0x615: {  	v51 =	vshll.u32 v8, $0x1  }
0x616: {  	v8 =	vand.u32 $0x7, v8;
	v9 =	vand.u32 $0xFFFFFFF0, v51  }
0x617: {  	v8 =	vor.u32 v8, v9  }
0x618: {  	v9 =	vperm.xlane v8, v5;
	_ =	sdelay $0x1  }
0x619: {  	v8 =	vperm.xlane v8, v7;
	v9 =	vadd.s32 v6, v9;
	_ =	sdelay $0x1  }
0x61a: {  	v8 =	vadd.s32 v6, v8;
	_ =	sdelay $0x1  }
0x61b: {  	s12 =	simm.s32 $0xCE00  }
0x61c: {  	[tilespmem:s12], [sflag:$0x6] =	stream.indirect_vreg.gather [hbm4b:s1+s7], $0x80, v9, vm1, $0xb8;
	[tilespmem:$0x11E00] =	vst v63  }
0x61d: {  	s13 =	simm.s32 $0xD600  }
0x61e: {  	[tilespmem:s13], [sflag:$0x6] =	stream.indirect_vreg.gather [hbm4b:s1+s7], $0x80, v8, vm1, $0xb8;
	[tilespmem:$0x11E00] =	vst v63  }
0x61f: {  	v8 =	vld [tilespmem:$0x18C0];
	_ =	sdelay $0x4  }
0x620: {  	v52 =	vshll.u32 v8, $0x1  }
0x621: {  	v8 =	vand.u32 $0x7, v8;
	v9 =	vand.u32 $0xFFFFFFF0, v52  }
0x622: {  	v8 =	vor.u32 v8, v9  }
0x623: {  	v9 =	vperm.xlane v8, v5;
	_ =	sdelay $0x1  }
0x624: {  	v8 =	vperm.xlane v8, v7;
	v9 =	vadd.s32 v6, v9;
	_ =	sdelay $0x1  }
0x625: {  	v8 =	vadd.s32 v6, v8;
	_ =	sdelay $0x1  }
0x626: {  	s14 =	simm.s32 $0xDE00  }
0x627: {  	[tilespmem:s14], [sflag:$0x6] =	stream.indirect_vreg.gather [hbm4b:s1+s7], $0x80, v9, vm1, $0xb8;
	[tilespmem:$0x11E00] =	vst v63  }
0x628: {  	s15 =	simm.s32 $0xE600  }
0x629: {  	[tilespmem:s15], [sflag:$0x6] =	stream.indirect_vreg.gather [hbm4b:s1+s7], $0x80, v8, vm1, $0xb8;
	[tilespmem:$0x11E00] =	vst v63  }
0x62a: {  	v8 =	vld [tilespmem:$0x18D0];
	_ =	sdelay $0x4  }
0x62b: {  	v53 =	vshll.u32 v8, $0x1  }
0x62c: {  	v8 =	vand.u32 $0x7, v8;
	v9 =	vand.u32 $0xFFFFFFF0, v53  }
0x62d: {  	v8 =	vor.u32 v8, v9  }
0x62e: {  	v9 =	vperm.xlane v8, v5;
	_ =	sdelay $0x1  }
0x62f: {  	v8 =	vperm.xlane v8, v7;
	v9 =	vadd.s32 v6, v9;
	_ =	sdelay $0x1  }
0x630: {  	v8 =	vadd.s32 v6, v8;
	_ =	sdelay $0x1  }
0x631: {  	s16 =	simm.s32 $0xEE00  }
0x632: {  	[tilespmem:s16], [sflag:$0x6] =	stream.indirect_vreg.gather [hbm4b:s1+s7], $0x80, v9, vm1, $0xb8;
	[tilespmem:$0x11E00] =	vst v63  }
0x633: {  	s17 =	simm.s32 $0xF600  }
0x634: {  	[tilespmem:s17], [sflag:$0x6] =	stream.indirect_vreg.gather [hbm4b:s1+s7], $0x80, v8, vm1, $0xb8;
	[tilespmem:$0x11E00] =	vst v63  }
0x635: {  	v8 =	vld [tilespmem:$0x18E0];
	_ =	sdelay $0x4  }
0x636: {  	v54 =	vshll.u32 v8, $0x1  }
0x637: {  	v8 =	vand.u32 $0x7, v8;
	v9 =	vand.u32 $0xFFFFFFF0, v54  }
0x638: {  	v8 =	vor.u32 v8, v9  }
0x639: {  	v9 =	vperm.xlane v8, v5;
	_ =	sdelay $0x1  }
0x63a: {  	v8 =	vperm.xlane v8, v7;
	v9 =	vadd.s32 v6, v9;
	_ =	sdelay $0x1  }
0x63b: {  	v8 =	vadd.s32 v6, v8;
	_ =	sdelay $0x1  }
0x63c: {  	s18 =	simm.s32 $0xFE00  }
0x63d: {  	[tilespmem:s18], [sflag:$0x6] =	stream.indirect_vreg.gather [hbm4b:s1+s7], $0x80, v9, vm1, $0xb8;
	[tilespmem:$0x11E00] =	vst v63  }
0x63e: {  	s26 =	simm.s32 $0x10600  }
0x63f: {  	[tilespmem:s26], [sflag:$0x6] =	stream.indirect_vreg.gather [hbm4b:s1+s7], $0x80, v8, vm1, $0xb8;
	[tilespmem:$0x11E00] =	vst v63  }
0x640: {  	v8 =	vld [tilespmem:$0x18F0];
	_ =	sdelay $0x4  }
0x641: {  	v55 =	vshll.u32 v8, $0x1  }
0x642: {  	v8 =	vand.u32 $0x7, v8;
	v9 =	vand.u32 $0xFFFFFFF0, v55  }
0x643: {  	v8 =	vor.u32 v8, v9  }
0x644: {  	v9 =	vperm.xlane v8, v5;
	_ =	sdelay $0x1  }
0x645: {  	v8 =	vperm.xlane v8, v7;
	v9 =	vadd.s32 v6, v9;
	_ =	sdelay $0x1  }
0x646: {  	v8 =	vadd.s32 v6, v8;
	_ =	sdelay $0x1  }
0x647: {  	s28 =	simm.s32 $0x10E00  }
0x648: {  	[tilespmem:s28], [sflag:$0x6] =	stream.indirect_vreg.gather [hbm4b:s1+s7], $0x80, v9, vm1, $0xb8;
	[tilespmem:$0x11E00] =	vst v63  }
0x649: {  	s29 =	simm.s32 $0x11600;
	s20 =	simm.s32 $0x6  }
0x64a: {  	[tilespmem:s29], [sflag:$0x6] =	stream.indirect_vreg.gather [hbm4b:s1+s7], $0x80, v8, vm1, $0xb8;
	[tilespmem:$0x11E00] =	vst v63  }
0x64b: {  	_ =	swait.ge [sflag:s20], $0x8000  }
0x64c: {  	[sflag:s20] =	ssyncset.done $0x0  }
0x64d: {  	[sflag:s20] =	ssyncadd.s32 $0xFFFF8000  }
0x64e: {  	v8 =	vld [tilespmem:$0x1D00];
	_ =	sdelay $0x4  }
0x64f: {  	v56 =	vshll.u32 v8, $0x1  }
0x650: {  	v8 =	vand.u32 $0x7, v8;
	v9 =	vand.u32 $0xFFFFFFF0, v56  }
0x651: {  	v8 =	vor.u32 v8, v9  }
0x652: {  	v9 =	vperm.xlane v8, v5;
	_ =	sdelay $0x1  }
0x653: {  	v8 =	vperm.xlane v8, v7;
	v9 =	vadd.s32 v6, v9;
	_ =	sdelay $0x1  }
0x654: {  	v8 =	vadd.s32 v6, v8;
	_ =	sdelay $0x2  }
0x655: {  	[hbm4b:s3+s7] =	stream.indirect_vreg.scatter [tilespmem:s2], [sflag:$0x8], $0x80, v9, vm1, $0xb8;
	[tilespmem:$0x11E00] =	vst v63  }
0x656: {  	_ = 	snop  }
0x657: {  	[hbm4b:s3+s7] =	stream.indirect_vreg.scatter [tilespmem:s4], [sflag:$0x8], $0x80, v8, vm1, $0xb8;
	[tilespmem:$0x11E00] =	vst v63  }
0x658: {  	v8 =	vld [tilespmem:$0x1D10];
	_ =	sdelay $0x4  }
0x659: {  	v57 =	vshll.u32 v8, $0x1  }
0x65a: {  	v8 =	vand.u32 $0x7, v8;
	v9 =	vand.u32 $0xFFFFFFF0, v57  }
0x65b: {  	v8 =	vor.u32 v8, v9  }
0x65c: {  	v9 =	vperm.xlane v8, v5;
	_ =	sdelay $0x1  }
0x65d: {  	v8 =	vperm.xlane v8, v7;
	v9 =	vadd.s32 v6, v9;
	_ =	sdelay $0x1  }
0x65e: {  	v8 =	vadd.s32 v6, v8;
	_ =	sdelay $0x2  }
0x65f: {  	[hbm4b:s3+s7] =	stream.indirect_vreg.scatter [tilespmem:s5], [sflag:$0x8], $0x80, v9, vm1, $0xb8;
	[tilespmem:$0x11E00] =	vst v63  }
0x660: {  	_ = 	snop  }
0x661: {  	[hbm4b:s3+s7] =	stream.indirect_vreg.scatter [tilespmem:s8], [sflag:$0x8], $0x80, v8, vm1, $0xb8;
	[tilespmem:$0x11E00] =	vst v63  }
0x662: {  	v8 =	vld [tilespmem:$0x1D20];
	_ =	sdelay $0x4  }
0x663: {  	v58 =	vshll.u32 v8, $0x1  }
0x664: {  	v8 =	vand.u32 $0x7, v8;
	v9 =	vand.u32 $0xFFFFFFF0, v58  }
0x665: {  	v8 =	vor.u32 v8, v9  }
0x666: {  	v9 =	vperm.xlane v8, v5;
	_ =	sdelay $0x1  }
0x667: {  	v8 =	vperm.xlane v8, v7;
	v9 =	vadd.s32 v6, v9;
	_ =	sdelay $0x1  }
0x668: {  	v8 =	vadd.s32 v6, v8;
	_ =	sdelay $0x2  }
0x669: {  	[hbm4b:s3+s7] =	stream.indirect_vreg.scatter [tilespmem:s9], [sflag:$0x8], $0x80, v9, vm1, $0xb8;
	[tilespmem:$0x11E00] =	vst v63  }
0x66a: {  	_ = 	snop  }
0x66b: {  	[hbm4b:s3+s7] =	stream.indirect_vreg.scatter [tilespmem:s11], [sflag:$0x8], $0x80, v8, vm1, $0xb8;
	[tilespmem:$0x11E00] =	vst v63  }
0x66c: {  	v8 =	vld [tilespmem:$0x1D30];
	_ =	sdelay $0x4  }
0x66d: {  	v59 =	vshll.u32 v8, $0x1  }
0x66e: {  	v8 =	vand.u32 $0x7, v8;
	v9 =	vand.u32 $0xFFFFFFF0, v59  }
0x66f: {  	v8 =	vor.u32 v8, v9  }
0x670: {  	v9 =	vperm.xlane v8, v5;
	_ =	sdelay $0x1  }
0x671: {  	v8 =	vperm.xlane v8, v7;
	v9 =	vadd.s32 v6, v9;
	_ =	sdelay $0x1  }
0x672: {  	v8 =	vadd.s32 v6, v8;
	_ =	sdelay $0x2  }
0x673: {  	[hbm4b:s3+s7] =	stream.indirect_vreg.scatter [tilespmem:s12], [sflag:$0x8], $0x80, v9, vm1, $0xb8;
	[tilespmem:$0x11E00] =	vst v63  }
0x674: {  	_ = 	snop  }
0x675: {  	[hbm4b:s3+s7] =	stream.indirect_vreg.scatter [tilespmem:s13], [sflag:$0x8], $0x80, v8, vm1, $0xb8;
	[tilespmem:$0x11E00] =	vst v63  }
0x676: {  	v8 =	vld [tilespmem:$0x1D40];
	_ =	sdelay $0x4  }
0x677: {  	v60 =	vshll.u32 v8, $0x1  }
0x678: {  	v8 =	vand.u32 $0x7, v8;
	v9 =	vand.u32 $0xFFFFFFF0, v60  }
0x679: {  	v8 =	vor.u32 v8, v9  }
0x67a: {  	v9 =	vperm.xlane v8, v5;
	_ =	sdelay $0x1  }
0x67b: {  	v8 =	vperm.xlane v8, v7;
	v9 =	vadd.s32 v6, v9;
	_ =	sdelay $0x1  }
0x67c: {  	v8 =	vadd.s32 v6, v8;
	_ =	sdelay $0x2  }
0x67d: {  	[hbm4b:s3+s7] =	stream.indirect_vreg.scatter [tilespmem:s14], [sflag:$0x8], $0x80, v9, vm1, $0xb8;
	[tilespmem:$0x11E00] =	vst v63  }
0x67e: {  	_ = 	snop  }
0x67f: {  	[hbm4b:s3+s7] =	stream.indirect_vreg.scatter [tilespmem:s15], [sflag:$0x8], $0x80, v8, vm1, $0xb8;
	[tilespmem:$0x11E00] =	vst v63  }
0x680: {  	v8 =	vld [tilespmem:$0x1D50];
	_ =	sdelay $0x4  }
0x681: {  	v61 =	vshll.u32 v8, $0x1  }
0x682: {  	v8 =	vand.u32 $0x7, v8;
	v9 =	vand.u32 $0xFFFFFFF0, v61  }
0x683: {  	v8 =	vor.u32 v8, v9  }
0x684: {  	v9 =	vperm.xlane v8, v5;
	_ =	sdelay $0x1  }
0x685: {  	v8 =	vperm.xlane v8, v7;
	v9 =	vadd.s32 v6, v9;
	_ =	sdelay $0x1  }
0x686: {  	v8 =	vadd.s32 v6, v8;
	_ =	sdelay $0x2  }
0x687: {  	[hbm4b:s3+s7] =	stream.indirect_vreg.scatter [tilespmem:s16], [sflag:$0x8], $0x80, v9, vm1, $0xb8;
	[tilespmem:$0x11E00] =	vst v63  }
0x688: {  	_ = 	snop  }
0x689: {  	[hbm4b:s3+s7] =	stream.indirect_vreg.scatter [tilespmem:s17], [sflag:$0x8], $0x80, v8, vm1, $0xb8;
	[tilespmem:$0x11E00] =	vst v63  }
0x68a: {  	v8 =	vld [tilespmem:$0x1D60];
	_ =	sdelay $0x4  }
0x68b: {  	v62 =	vshll.u32 v8, $0x1  }
0x68c: {  	v8 =	vand.u32 $0x7, v8;
	v9 =	vand.u32 $0xFFFFFFF0, v62  }
0x68d: {  	v8 =	vor.u32 v8, v9  }
0x68e: {  	v9 =	vperm.xlane v8, v5;
	_ =	sdelay $0x1  }
0x68f: {  	v8 =	vperm.xlane v8, v7;
	v9 =	vadd.s32 v6, v9;
	_ =	sdelay $0x1  }
0x690: {  	v8 =	vadd.s32 v6, v8;
	_ =	sdelay $0x2  }
0x691: {  	[hbm4b:s3+s7] =	stream.indirect_vreg.scatter [tilespmem:s18], [sflag:$0x8], $0x80, v9, vm1, $0xb8;
	[tilespmem:$0x11E00] =	vst v63  }
0x692: {  	_ = 	snop  }
0x693: {  	[hbm4b:s3+s7] =	stream.indirect_vreg.scatter [tilespmem:s26], [sflag:$0x8], $0x80, v8, vm1, $0xb8;
	[tilespmem:$0x11E00] =	vst v63  }
0x694: {  	v8 =	vld [tilespmem:$0x1D70];
	_ =	sdelay $0x4  }
0x695: {  	v63 =	vshll.u32 v8, $0x1  }
0x696: {  	v8 =	vand.u32 $0x7, v8;
	v9 =	vand.u32 $0xFFFFFFF0, v63  }
0x697: {  	v8 =	vor.u32 v8, v9  }
0x698: {  	v9 =	vperm.xlane v8, v5;
	_ =	sdelay $0x1  }
0x699: {  	v8 =	vperm.xlane v8, v7;
	v9 =	vadd.s32 v6, v9;
	_ =	sdelay $0x1  }
0x69a: {  	p1 =	slt.u32 s31, $0x401;
	v8 =	vadd.s32 v6, v8  }
.Ltmp17:
0x69b: {  	_ = 	snop;
	(pc) =	sbr.rel @p1 .LBB2_30-.Ltmp17, $4  }
0x69c: {  	_ = 	snop  }
0x69d: {  	[hbm4b:s3+s7] =	stream.indirect_vreg.scatter [tilespmem:s28], [sflag:$0x8], $0x80, v9, vm1, $0xb8;
	[tilespmem:$0x11E00] =	vst v63  }
0x69e: {  	s20 =	smov.u32 s22  }
0x69f: {  	[hbm4b:s3+s7] =	stream.indirect_vreg.scatter [tilespmem:s29], [sflag:$0x8], $0x80, v8, vm1, $0xb8;
	[tilespmem:$0x11E00] =	vst v63  }
0x6a0: {  	_ =	swait.ge [sflag:s21], $0x8000  }
0x6a1: {  	[sflag:s21] =	ssyncset.done $0x0  }
0x6a2: {  	[sflag:s21] =	ssyncadd.s32 $0xFFFF8000  }
0x6a3: {  	v8 =	vld [tilespmem:$0x1900];
	_ =	sdelay $0x4  }
0x6a4: {  	v9 =	vshll.u32 v8, $0x1  }
0x6a5: {  	v8 =	vand.u32 $0x7, v8;
	v9 =	vand.u32 $0xFFFFFFF0, v9  }
0x6a6: {  	v8 =	vor.u32 v8, v9  }
0x6a7: {  	v9 =	vperm.xlane v8, v5;
	_ =	sdelay $0x1  }
0x6a8: {  	v8 =	vperm.xlane v8, v7;
	v9 =	vadd.s32 v6, v9;
	_ =	sdelay $0x1  }
0x6a9: {  	v8 =	vadd.s32 v6, v8;
	_ =	sdelay $0x1  }
0x6aa: {  	s5 =	simm.s32 $0x1E00  }
0x6ab: {  	[tilespmem:s5], [sflag:$0x5] =	stream.indirect_vreg.gather [hbm4b:s1+s7], $0x80, v9, vm1, $0xb8;
	[tilespmem:$0x11E00] =	vst v63  }
0x6ac: {  	s8 =	simm.s32 $0x2600  }
0x6ad: {  	[tilespmem:s8], [sflag:$0x5] =	stream.indirect_vreg.gather [hbm4b:s1+s7], $0x80, v8, vm1, $0xb8;
	[tilespmem:$0x11E00] =	vst v63  }
0x6ae: {  	v8 =	vld [tilespmem:$0x1910];
	_ =	sdelay $0x4  }
0x6af: {  	v49 =	vshll.u32 v8, $0x1  }
0x6b0: {  	v8 =	vand.u32 $0x7, v8;
	v9 =	vand.u32 $0xFFFFFFF0, v49  }
0x6b1: {  	v8 =	vor.u32 v8, v9  }
0x6b2: {  	v9 =	vperm.xlane v8, v5;
	_ =	sdelay $0x1  }
0x6b3: {  	v8 =	vperm.xlane v8, v7;
	v9 =	vadd.s32 v6, v9;
	_ =	sdelay $0x1  }
0x6b4: {  	v8 =	vadd.s32 v6, v8;
	_ =	sdelay $0x1  }
0x6b5: {  	s12 =	simm.s32 $0x2E00  }
0x6b6: {  	[tilespmem:s12], [sflag:$0x5] =	stream.indirect_vreg.gather [hbm4b:s1+s7], $0x80, v9, vm1, $0xb8;
	[tilespmem:$0x11E00] =	vst v63  }
0x6b7: {  	s13 =	simm.s32 $0x3600  }
0x6b8: {  	[tilespmem:s13], [sflag:$0x5] =	stream.indirect_vreg.gather [hbm4b:s1+s7], $0x80, v8, vm1, $0xb8;
	[tilespmem:$0x11E00] =	vst v63  }
0x6b9: {  	v8 =	vld [tilespmem:$0x1920];
	_ =	sdelay $0x4  }
0x6ba: {  	v50 =	vshll.u32 v8, $0x1  }
0x6bb: {  	v8 =	vand.u32 $0x7, v8;
	v9 =	vand.u32 $0xFFFFFFF0, v50  }
0x6bc: {  	v8 =	vor.u32 v8, v9  }
0x6bd: {  	v9 =	vperm.xlane v8, v5;
	_ =	sdelay $0x1  }
0x6be: {  	v8 =	vperm.xlane v8, v7;
	v9 =	vadd.s32 v6, v9;
	_ =	sdelay $0x1  }
0x6bf: {  	v8 =	vadd.s32 v6, v8;
	_ =	sdelay $0x1  }
0x6c0: {  	s14 =	simm.s32 $0x3E00  }
0x6c1: {  	[tilespmem:s14], [sflag:$0x5] =	stream.indirect_vreg.gather [hbm4b:s1+s7], $0x80, v9, vm1, $0xb8;
	[tilespmem:$0x11E00] =	vst v63  }
0x6c2: {  	s15 =	simm.s32 $0x4600  }
0x6c3: {  	[tilespmem:s15], [sflag:$0x5] =	stream.indirect_vreg.gather [hbm4b:s1+s7], $0x80, v8, vm1, $0xb8;
	[tilespmem:$0x11E00] =	vst v63  }
0x6c4: {  	v8 =	vld [tilespmem:$0x1930];
	_ =	sdelay $0x4  }
0x6c5: {  	v51 =	vshll.u32 v8, $0x1  }
0x6c6: {  	v8 =	vand.u32 $0x7, v8;
	v9 =	vand.u32 $0xFFFFFFF0, v51  }
0x6c7: {  	v8 =	vor.u32 v8, v9  }
0x6c8: {  	v9 =	vperm.xlane v8, v5;
	_ =	sdelay $0x1  }
0x6c9: {  	v8 =	vperm.xlane v8, v7;
	v9 =	vadd.s32 v6, v9;
	_ =	sdelay $0x1  }
0x6ca: {  	v8 =	vadd.s32 v6, v8;
	_ =	sdelay $0x1  }
0x6cb: {  	s16 =	simm.s32 $0x4E00  }
0x6cc: {  	[tilespmem:s16], [sflag:$0x5] =	stream.indirect_vreg.gather [hbm4b:s1+s7], $0x80, v9, vm1, $0xb8;
	[tilespmem:$0x11E00] =	vst v63  }
0x6cd: {  	s17 =	simm.s32 $0x5600  }
0x6ce: {  	[tilespmem:s17], [sflag:$0x5] =	stream.indirect_vreg.gather [hbm4b:s1+s7], $0x80, v8, vm1, $0xb8;
	[tilespmem:$0x11E00] =	vst v63  }
0x6cf: {  	v8 =	vld [tilespmem:$0x1940];
	_ =	sdelay $0x4  }
0x6d0: {  	v52 =	vshll.u32 v8, $0x1  }
0x6d1: {  	v8 =	vand.u32 $0x7, v8;
	v9 =	vand.u32 $0xFFFFFFF0, v52  }
0x6d2: {  	v8 =	vor.u32 v8, v9  }
0x6d3: {  	v9 =	vperm.xlane v8, v5;
	_ =	sdelay $0x1  }
0x6d4: {  	v8 =	vperm.xlane v8, v7;
	v9 =	vadd.s32 v6, v9;
	_ =	sdelay $0x1  }
0x6d5: {  	v8 =	vadd.s32 v6, v8;
	_ =	sdelay $0x1  }
0x6d6: {  	s26 =	simm.s32 $0x5E00  }
0x6d7: {  	[tilespmem:s26], [sflag:$0x5] =	stream.indirect_vreg.gather [hbm4b:s1+s7], $0x80, v9, vm1, $0xb8;
	[tilespmem:$0x11E00] =	vst v63  }
0x6d8: {  	s28 =	simm.s32 $0x6600  }
0x6d9: {  	[tilespmem:s28], [sflag:$0x5] =	stream.indirect_vreg.gather [hbm4b:s1+s7], $0x80, v8, vm1, $0xb8;
	[tilespmem:$0x11E00] =	vst v63  }
0x6da: {  	v8 =	vld [tilespmem:$0x1950];
	_ =	sdelay $0x4  }
0x6db: {  	v53 =	vshll.u32 v8, $0x1  }
0x6dc: {  	v8 =	vand.u32 $0x7, v8;
	v9 =	vand.u32 $0xFFFFFFF0, v53  }
0x6dd: {  	v8 =	vor.u32 v8, v9  }
0x6de: {  	v9 =	vperm.xlane v8, v5;
	_ =	sdelay $0x1  }
0x6df: {  	v8 =	vperm.xlane v8, v7;
	v9 =	vadd.s32 v6, v9;
	_ =	sdelay $0x1  }
0x6e0: {  	v8 =	vadd.s32 v6, v8;
	_ =	sdelay $0x1  }
0x6e1: {  	s18 =	simm.s32 $0x6E00  }
0x6e2: {  	[tilespmem:s18], [sflag:$0x5] =	stream.indirect_vreg.gather [hbm4b:s1+s7], $0x80, v9, vm1, $0xb8;
	[tilespmem:$0x11E00] =	vst v63  }
0x6e3: {  	s2 =	simm.s32 $0x7600  }
0x6e4: {  	[tilespmem:s2], [sflag:$0x5] =	stream.indirect_vreg.gather [hbm4b:s1+s7], $0x80, v8, vm1, $0xb8;
	[tilespmem:$0x11E00] =	vst v63  }
0x6e5: {  	v8 =	vld [tilespmem:$0x1960];
	_ =	sdelay $0x4  }
0x6e6: {  	v54 =	vshll.u32 v8, $0x1  }
0x6e7: {  	v8 =	vand.u32 $0x7, v8;
	v9 =	vand.u32 $0xFFFFFFF0, v54  }
0x6e8: {  	v8 =	vor.u32 v8, v9  }
0x6e9: {  	v9 =	vperm.xlane v8, v5;
	_ =	sdelay $0x1  }
0x6ea: {  	v8 =	vperm.xlane v8, v7;
	v9 =	vadd.s32 v6, v9;
	_ =	sdelay $0x1  }
0x6eb: {  	v8 =	vadd.s32 v6, v8;
	_ =	sdelay $0x1  }
0x6ec: {  	s4 =	simm.s32 $0x7E00  }
0x6ed: {  	[tilespmem:s4], [sflag:$0x5] =	stream.indirect_vreg.gather [hbm4b:s1+s7], $0x80, v9, vm1, $0xb8;
	[tilespmem:$0x11E00] =	vst v63  }
0x6ee: {  	s29 =	simm.s32 $0x8600  }
0x6ef: {  	[tilespmem:s29], [sflag:$0x5] =	stream.indirect_vreg.gather [hbm4b:s1+s7], $0x80, v8, vm1, $0xb8;
	[tilespmem:$0x11E00] =	vst v63  }
0x6f0: {  	v8 =	vld [tilespmem:$0x1970];
	_ =	sdelay $0x4  }
0x6f1: {  	v55 =	vshll.u32 v8, $0x1  }
0x6f2: {  	v8 =	vand.u32 $0x7, v8;
	v9 =	vand.u32 $0xFFFFFFF0, v55  }
0x6f3: {  	v8 =	vor.u32 v8, v9  }
0x6f4: {  	v9 =	vperm.xlane v8, v5;
	_ =	sdelay $0x1  }
0x6f5: {  	v8 =	vperm.xlane v8, v7;
	v9 =	vadd.s32 v6, v9;
	_ =	sdelay $0x1  }
0x6f6: {  	v8 =	vadd.s32 v6, v8;
	_ =	sdelay $0x1  }
0x6f7: {  	s9 =	simm.s32 $0x8E00  }
0x6f8: {  	[tilespmem:s9], [sflag:$0x5] =	stream.indirect_vreg.gather [hbm4b:s1+s7], $0x80, v9, vm1, $0xb8;
	[tilespmem:$0x11E00] =	vst v63  }
0x6f9: {  	s11 =	simm.s32 $0x9600  }
0x6fa: {  	[tilespmem:s11], [sflag:$0x5] =	stream.indirect_vreg.gather [hbm4b:s1+s7], $0x80, v8, vm1, $0xb8;
	[tilespmem:$0x11E00] =	vst v63  }
0x6fb: {  	_ =	swait.ge [sflag:s19], $0x8000  }
0x6fc: {  	[sflag:s19] =	ssyncset.done $0x0  }
0x6fd: {  	[sflag:s19] =	ssyncadd.s32 $0xFFFF8000  }
0x6fe: {  	v8 =	vld [tilespmem:$0x1D80];
	_ =	sdelay $0x4  }
0x6ff: {  	v56 =	vshll.u32 v8, $0x1  }
0x700: {  	v8 =	vand.u32 $0x7, v8;
	v9 =	vand.u32 $0xFFFFFFF0, v56  }
0x701: {  	v8 =	vor.u32 v8, v9  }
0x702: {  	v9 =	vperm.xlane v8, v5;
	_ =	sdelay $0x1  }
0x703: {  	v8 =	vperm.xlane v8, v7;
	v9 =	vadd.s32 v6, v9;
	_ =	sdelay $0x1  }
0x704: {  	v8 =	vadd.s32 v6, v8;
	_ =	sdelay $0x2  }
0x705: {  	[hbm4b:s3+s7] =	stream.indirect_vreg.scatter [tilespmem:s5], [sflag:$0x7], $0x80, v9, vm1, $0xb8;
	[tilespmem:$0x11E00] =	vst v63  }
0x706: {  	_ = 	snop  }
0x707: {  	[hbm4b:s3+s7] =	stream.indirect_vreg.scatter [tilespmem:s8], [sflag:$0x7], $0x80, v8, vm1, $0xb8;
	[tilespmem:$0x11E00] =	vst v63  }
0x708: {  	v8 =	vld [tilespmem:$0x1D90];
	_ =	sdelay $0x4  }
0x709: {  	v57 =	vshll.u32 v8, $0x1  }
0x70a: {  	v8 =	vand.u32 $0x7, v8;
	v9 =	vand.u32 $0xFFFFFFF0, v57  }
0x70b: {  	v8 =	vor.u32 v8, v9  }
0x70c: {  	v9 =	vperm.xlane v8, v5;
	_ =	sdelay $0x1  }
0x70d: {  	v8 =	vperm.xlane v8, v7;
	v9 =	vadd.s32 v6, v9;
	_ =	sdelay $0x1  }
0x70e: {  	v8 =	vadd.s32 v6, v8;
	_ =	sdelay $0x2  }
0x70f: {  	[hbm4b:s3+s7] =	stream.indirect_vreg.scatter [tilespmem:s12], [sflag:$0x7], $0x80, v9, vm1, $0xb8;
	[tilespmem:$0x11E00] =	vst v63  }
0x710: {  	_ = 	snop  }
0x711: {  	[hbm4b:s3+s7] =	stream.indirect_vreg.scatter [tilespmem:s13], [sflag:$0x7], $0x80, v8, vm1, $0xb8;
	[tilespmem:$0x11E00] =	vst v63  }
0x712: {  	v8 =	vld [tilespmem:$0x1DA0];
	_ =	sdelay $0x4  }
0x713: {  	v58 =	vshll.u32 v8, $0x1  }
0x714: {  	v8 =	vand.u32 $0x7, v8;
	v9 =	vand.u32 $0xFFFFFFF0, v58  }
0x715: {  	v8 =	vor.u32 v8, v9  }
0x716: {  	v9 =	vperm.xlane v8, v5;
	_ =	sdelay $0x1  }
0x717: {  	v8 =	vperm.xlane v8, v7;
	v9 =	vadd.s32 v6, v9;
	_ =	sdelay $0x1  }
0x718: {  	v8 =	vadd.s32 v6, v8;
	_ =	sdelay $0x2  }
0x719: {  	[hbm4b:s3+s7] =	stream.indirect_vreg.scatter [tilespmem:s14], [sflag:$0x7], $0x80, v9, vm1, $0xb8;
	[tilespmem:$0x11E00] =	vst v63  }
0x71a: {  	_ = 	snop  }
0x71b: {  	[hbm4b:s3+s7] =	stream.indirect_vreg.scatter [tilespmem:s15], [sflag:$0x7], $0x80, v8, vm1, $0xb8;
	[tilespmem:$0x11E00] =	vst v63  }
0x71c: {  	v8 =	vld [tilespmem:$0x1DB0];
	_ =	sdelay $0x4  }
0x71d: {  	v59 =	vshll.u32 v8, $0x1  }
0x71e: {  	v8 =	vand.u32 $0x7, v8;
	v9 =	vand.u32 $0xFFFFFFF0, v59  }
0x71f: {  	v8 =	vor.u32 v8, v9  }
0x720: {  	v9 =	vperm.xlane v8, v5;
	_ =	sdelay $0x1  }
0x721: {  	v8 =	vperm.xlane v8, v7;
	v9 =	vadd.s32 v6, v9;
	_ =	sdelay $0x1  }
0x722: {  	v8 =	vadd.s32 v6, v8;
	_ =	sdelay $0x2  }
0x723: {  	[hbm4b:s3+s7] =	stream.indirect_vreg.scatter [tilespmem:s16], [sflag:$0x7], $0x80, v9, vm1, $0xb8;
	[tilespmem:$0x11E00] =	vst v63  }
0x724: {  	_ = 	snop  }
0x725: {  	[hbm4b:s3+s7] =	stream.indirect_vreg.scatter [tilespmem:s17], [sflag:$0x7], $0x80, v8, vm1, $0xb8;
	[tilespmem:$0x11E00] =	vst v63  }
0x726: {  	v8 =	vld [tilespmem:$0x1DC0];
	_ =	sdelay $0x4  }
0x727: {  	v60 =	vshll.u32 v8, $0x1  }
0x728: {  	v8 =	vand.u32 $0x7, v8;
	v9 =	vand.u32 $0xFFFFFFF0, v60  }
0x729: {  	v8 =	vor.u32 v8, v9  }
0x72a: {  	v9 =	vperm.xlane v8, v5;
	_ =	sdelay $0x1  }
0x72b: {  	v8 =	vperm.xlane v8, v7;
	v9 =	vadd.s32 v6, v9;
	_ =	sdelay $0x1  }
0x72c: {  	v8 =	vadd.s32 v6, v8;
	_ =	sdelay $0x2  }
0x72d: {  	[hbm4b:s3+s7] =	stream.indirect_vreg.scatter [tilespmem:s26], [sflag:$0x7], $0x80, v9, vm1, $0xb8;
	[tilespmem:$0x11E00] =	vst v63  }
0x72e: {  	_ = 	snop  }
0x72f: {  	[hbm4b:s3+s7] =	stream.indirect_vreg.scatter [tilespmem:s28], [sflag:$0x7], $0x80, v8, vm1, $0xb8;
	[tilespmem:$0x11E00] =	vst v63  }
0x730: {  	v8 =	vld [tilespmem:$0x1DD0];
	_ =	sdelay $0x4  }
0x731: {  	v61 =	vshll.u32 v8, $0x1  }
0x732: {  	v8 =	vand.u32 $0x7, v8;
	v9 =	vand.u32 $0xFFFFFFF0, v61  }
0x733: {  	v8 =	vor.u32 v8, v9  }
0x734: {  	v9 =	vperm.xlane v8, v5;
	_ =	sdelay $0x1  }
0x735: {  	v8 =	vperm.xlane v8, v7;
	v9 =	vadd.s32 v6, v9;
	_ =	sdelay $0x1  }
0x736: {  	v8 =	vadd.s32 v6, v8;
	_ =	sdelay $0x2  }
0x737: {  	[hbm4b:s3+s7] =	stream.indirect_vreg.scatter [tilespmem:s18], [sflag:$0x7], $0x80, v9, vm1, $0xb8;
	[tilespmem:$0x11E00] =	vst v63  }
0x738: {  	_ = 	snop  }
0x739: {  	[hbm4b:s3+s7] =	stream.indirect_vreg.scatter [tilespmem:s2], [sflag:$0x7], $0x80, v8, vm1, $0xb8;
	[tilespmem:$0x11E00] =	vst v63  }
0x73a: {  	v8 =	vld [tilespmem:$0x1DE0];
	_ =	sdelay $0x4  }
0x73b: {  	v62 =	vshll.u32 v8, $0x1  }
0x73c: {  	v8 =	vand.u32 $0x7, v8;
	v9 =	vand.u32 $0xFFFFFFF0, v62  }
0x73d: {  	v8 =	vor.u32 v8, v9  }
0x73e: {  	v9 =	vperm.xlane v8, v5;
	_ =	sdelay $0x1  }
0x73f: {  	v8 =	vperm.xlane v8, v7;
	v9 =	vadd.s32 v6, v9;
	_ =	sdelay $0x1  }
0x740: {  	v8 =	vadd.s32 v6, v8;
	_ =	sdelay $0x2  }
0x741: {  	[hbm4b:s3+s7] =	stream.indirect_vreg.scatter [tilespmem:s4], [sflag:$0x7], $0x80, v9, vm1, $0xb8;
	[tilespmem:$0x11E00] =	vst v63  }
0x742: {  	_ = 	snop  }
0x743: {  	[hbm4b:s3+s7] =	stream.indirect_vreg.scatter [tilespmem:s29], [sflag:$0x7], $0x80, v8, vm1, $0xb8;
	[tilespmem:$0x11E00] =	vst v63  }
0x744: {  	v8 =	vld [tilespmem:$0x1DF0];
	_ =	sdelay $0x4  }
0x745: {  	v63 =	vshll.u32 v8, $0x1  }
0x746: {  	v8 =	vand.u32 $0x7, v8;
	v9 =	vand.u32 $0xFFFFFFF0, v63  }
0x747: {  	v8 =	vor.u32 v8, v9  }
0x748: {  	v9 =	vperm.xlane v8, v5;
	_ =	sdelay $0x1  }
0x749: {  	v8 =	vperm.xlane v8, v7;
	v9 =	vadd.s32 v6, v9;
	_ =	sdelay $0x1  }
0x74a: {  	v8 =	vadd.s32 v6, v8  }
.Ltmp18:
0x74b: {  	_ = 	snop;
	(pc) =	sbr.rel .LBB2_31-.Ltmp18, $4  }
0x74c: {  	_ = 	snop  }
0x74d: {  	[hbm4b:s3+s7] =	stream.indirect_vreg.scatter [tilespmem:s9], [sflag:$0x7], $0x80, v9, vm1, $0xb8;
	[tilespmem:$0x11E00] =	vst v63  }
0x74e: {  	_ = 	snop  }
0x74f: {  	[hbm4b:s3+s7] =	stream.indirect_vreg.scatter [tilespmem:s11], [sflag:$0x7], $0x80, v8, vm1, $0xb8;
	[tilespmem:$0x11E00] =	vst v63  }
.LBB2_24:
0x750: {  	s5 =	sadd.s32 $0xFFFFFF7F, s31  }
0x751: {  	p1 =	sgt.u32 s5, $0xFF  }
.Ltmp19:
0x752: {  	_ = 	snop;
	(pc) =	sbr.rel @p1 .LBB2_32-.Ltmp19, $4  }
0x753: {  	_ = 	snop  }
0x754: {  	_ =	swait.ge [sflag:s21], $0x8000  }
0x755: {  	[sflag:s21] =	ssyncset.done $0x0  }
0x756: {  	[sflag:s21] =	ssyncadd.s32 $0xFFFF8000  }
.LBB2_25:
0x757: {  	s5 =	sadd.s32 $0xFFFFFEFF, s31  }
0x758: {  	p1 =	sgt.u32 s5, $0xFF  }
.Ltmp20:
0x759: {  	_ = 	snop;
	(pc) =	sbr.rel @p1 .LBB2_32-.Ltmp20, $4  }
0x75a: {  	s2 =	simm.s32 $0x8  }
0x75b: {  	_ =	swait.ge [sflag:s2], $0x8000  }
0x75c: {  	[sflag:s2] =	ssyncset.done $0x0  }
0x75d: {  	[sflag:s2] =	ssyncadd.s32 $0xFFFF8000  }
.LBB2_26:
0x75e: {  	s5 =	sadd.s32 $0xFFFFFE7F, s31  }
0x75f: {  	p1 =	sgt.u32 s5, $0xFF  }
.Ltmp21:
0x760: {  	_ = 	snop;
	(pc) =	sbr.rel @p1 .LBB2_32-.Ltmp21, $4  }
0x761: {  	_ = 	snop  }
0x762: {  	_ =	swait.ge [sflag:s21], $0x8000  }
0x763: {  	[sflag:s21] =	ssyncset.done $0x0  }
0x764: {  	[sflag:s21] =	ssyncadd.s32 $0xFFFF8000  }
.LBB2_27:
0x765: {  	s5 =	sadd.s32 $0xFFFFFDFF, s31  }
0x766: {  	p1 =	sgt.u32 s5, $0xFF  }
.Ltmp22:
0x767: {  	_ = 	snop;
	(pc) =	sbr.rel @p1 .LBB2_32-.Ltmp22, $4  }
0x768: {  	s2 =	simm.s32 $0x8  }
0x769: {  	_ =	swait.ge [sflag:s2], $0x8000  }
0x76a: {  	[sflag:s2] =	ssyncset.done $0x0  }
0x76b: {  	[sflag:s2] =	ssyncadd.s32 $0xFFFF8000  }
.LBB2_28:
0x76c: {  	s5 =	sadd.s32 $0xFFFFFD7F, s31  }
0x76d: {  	p1 =	sgt.u32 s5, $0xFF  }
.Ltmp23:
0x76e: {  	_ = 	snop;
	(pc) =	sbr.rel @p1 .LBB2_32-.Ltmp23, $4  }
0x76f: {  	_ = 	snop  }
0x770: {  	_ =	swait.ge [sflag:s21], $0x8000  }
0x771: {  	[sflag:s21] =	ssyncset.done $0x0  }
0x772: {  	[sflag:s21] =	ssyncadd.s32 $0xFFFF8000  }
.LBB2_29:
0x773: {  	s5 =	sadd.s32 $0xFFFFFCFF, s31  }
0x774: {  	p1 =	sgt.u32 s5, $0xFF  }
.Ltmp24:
0x775: {  	_ = 	snop;
	(pc) =	sbr.rel @p1 .LBB2_32-.Ltmp24, $4  }
.Ltmp25:
0x776: {  	s2 =	simm.s32 $0x8;
	(pc) =	sbr.rel @!p1 .LBB2_30-.Ltmp25, $4  }
0x777: {  	_ =	swait.ge [sflag:s2], $0x8000  }
0x778: {  	[sflag:s2] =	ssyncset.done $0x0  }
0x779: {  	[sflag:s2] =	ssyncadd.s32 $0xFFFF8000  }
0x77a: {  	_ = 	snop  }
.LBB2_33:
0x77b: {  	_ =	sfence.sel $0x180000  }
0x77c: {  	[bflag:$0x0] =	sbarrier.arrive $0xFFFF  }
0x77d: {  	_ =	strace $0x9000004A  }
0x77e: {  	[bflag:$0x2] =	sbarrier.arrive $0xFFFF  }
0x77f: {  	s0 =	rddreg [dreg:$0x6]  }
0x780: {  	s0 =	sadd.s32 @!p0 $0x100000, s0  }
0x781: {  	[sflag:s0] =	ssyncadd.tile.s32 @!p0 $0x1;
	_ =	shalt  }
.Lfunc_end2:
_tile_overlayer_lowered:
.L_overlay_start_2:
0x782: {  	(tag) =	ssettag $0x2  }
0x783: {  	s0 =	rddreg [dreg:$0x0];
	s2 =	stileid.u32  }
0x784: {  	s1 =	rddreg [dreg:$0x1];
	p0 =	sne.s32 s2, $0x0  }
0x785: {  	s3 =	rddreg [dreg:$0x2];
	[bflag:$0x3] =	sbarrier.arrive $0xFFFF;
	s2 =	simm.s32 @!p0 $0x1C09  }
0x786: {  	[timem:s3], [sflag:s2] =	dma.local @!p0 [hbm:s0], s1  }
0x787: {  	s0 =	simm.s32 @!p0 $0x9  }
0x788: {  	_ =	swait.ge @!p0 [sflag:s0], s1  }
0x789: {  	s1 =	ssub.s32 @!p0 $0x0, s1;
	[sflag:s0] =	ssyncset.done @!p0 $0x0  }
0x78a: {  	[sflag:s0] =	ssyncadd.s32 @!p0 s1  }
0x78b: {  	[bflag:$0x3] =	sbarrier.arrive $0xFFFF  }
0x78c: {  	_ =	shalt  }

</sc_bundles>
